<compile_context>
chip_gen: v7x
topology: tpu7x:2x2x1
jax: 0.10.2.dev20260603
libtpu: 0.0.44.dev20260713+nightly
codegen_flags: <defaults>
</compile_context>

<pallas_src>
import functools

import jax
import jax.numpy as jnp
from jax import lax
from jax.experimental import pallas as pl
from jax.experimental.pallas import tpu as pltpu
from jax.experimental.pallas import tpu_sc as plsc

N_ASPECTS = 20
EMBED_DIM = 64
BATCH = 16384
A_MIN, A_MAX = 1.0, 5.0
R_MIN, R_MAX = 1.0, 5.0

N_USERS_P1 = 1000001
TAIL_BASE = 999936
STRIP = 512
SHIFT = 9
N_STRIPS = TAIL_BASE // STRIP
DUMP_ROW = BATCH


def _sc_gather(table_3d, idx, tail):
    info = plsc.get_sparse_core_info()
    NC, NS = info.num_cores, info.num_subcores
    NW = NC * NS
    B = idx.shape[0]
    s_per_w = (N_STRIPS + NW - 1) // NW
    n_my16 = (B + 15) // 16
    out_rows = B + 8

    mesh = plsc.VectorSubcoreMesh(core_axis_name="c", subcore_axis_name="s")

    @functools.partial(
        pl.kernel,
        mesh=mesh,
        compiler_params=pltpu.CompilerParams(needs_layout_passes=False),
        out_type=jax.ShapeDtypeStruct((out_rows, 128), jnp.float32),
        scratch_types=[
            pltpu.VMEM((B,), jnp.int32),
            pltpu.VMEM((B + 32,), jnp.int32),
            pltpu.VMEM((64, STRIP), jnp.float32),
            pltpu.VMEM((64, STRIP), jnp.float32),
            pltpu.VMEM((128, 128), jnp.float32),
            pltpu.VMEM((128,), jnp.int32),
            pltpu.VMEM((16,), jnp.int32),
            pltpu.VMEM((tail.shape[0], 64), jnp.float32),
            pltpu.SemaphoreType.DMA,
            pltpu.SemaphoreType.DMA,
            pltpu.SemaphoreType.DMA,
        ],
    )
    def k(table_hbm, idx_hbm, tail_hbm, out_hbm,
          idx_v, my_i, stage_a, stage_b, rows_buf, sidx_v,
          ci, tail_v, sem_a, sem_b, sem_s):
        wid = lax.axis_index("s") * NC + lax.axis_index("c")
        s0 = wid * s_per_w
        s_hi = s0 + s_per_w
        lane = lax.broadcasted_iota(jnp.int32, (16,), 0)

        pltpu.sync_copy(idx_hbm, idx_v)
        pltpu.sync_copy(tail_hbm, tail_v)

        def reset_sidx():
            for t in range(8):
                sidx_v[pl.ds(t * 16, 16)] = jnp.full((16,), DUMP_ROW, jnp.int32)

        reset_sidx()

        def fire(j, stage, sem):
            gs = s0 + j

            @pl.when((j < s_per_w) & (gs < N_STRIPS))
            def _():
                for a in range(8):
                    pltpu.async_copy(
                        table_hbm.at[a, :, pl.ds(gs * STRIP, STRIP)],
                        stage.at[pl.ds(a * 8, 8), :],
                        sem,
                    )

        def wait_strip(j, stage, sem):
            gs = s0 + j

            @pl.when((j < s_per_w) & (gs < N_STRIPS))
            def _():
                for a in range(8):
                    pltpu.make_async_copy(
                        table_hbm.at[0, :, pl.ds(0, STRIP)],
                        stage.at[pl.ds(a * 8, 8), :],
                        sem,
                    ).wait()

        fire(0, stage_a, sem_a)
        fire(1, stage_b, sem_b)

        def scan_body(v, cnt):
            u16 = idx_v[pl.ds(v * 16, 16)]
            st = u16 >> SHIFT
            m = (st >= s0) & (st < s_hi)
            plsc.store_compressed(my_i.at[pl.ds(cnt, 16)], v * 16 + lane, mask=m)
            return cnt + plsc.all_reduce_population_count(m)[0]

        cnt = lax.fori_loop(0, n_my16, scan_body, 0)
        cnt16 = (cnt + 15) // 16

        def flush():
            pltpu.async_copy(rows_buf, out_hbm.at[sidx_v], sem_s).wait()
            reset_sidx()

        def append(u, pos_v, slot, src_vals):
            slotv = jnp.full((16,), slot, jnp.int32)
            for t in range(4):
                plsc.store_scatter(rows_buf.at[:, :], [slotv, t * 16 + lane],
                                   src_vals[t])
            plsc.store_scatter(sidx_v.at[:], [slotv], pos_v, mask=lane < 1)
            slot = slot + 1

            @pl.when(slot == 128)
            def _():
                flush()

            return jnp.where(slot == 128, 0, slot)

        def process(j, stage, slot):
            gs = s0 + j

            def strip_scan(v, slot):
                pos16 = my_i[pl.ds(v * 16, 16)] & (B - 1)
                u16 = plsc.load_gather(idx_v.at[:], [pos16])
                m = ((u16 - gs * STRIP).astype(jnp.uint32) < STRIP) \
                    & (u16 < TAIL_BASE) & ((v * 16 + lane) < cnt)
                nb = plsc.all_reduce_population_count(m)[0]

                @pl.when(nb > 0)
                def _():
                    plsc.store_compressed(ci.at[:], pos16, mask=m)

                def per_match(kk, slot):
                    kv = jnp.full((16,), kk, jnp.int32)
                    pos_v = plsc.load_gather(ci.at[:], [kv])
                    uv = plsc.load_gather(idx_v.at[:], [pos_v])
                    col = uv & (STRIP - 1)
                    vals = [
                        plsc.load_gather(stage.at[:, :], [t * 16 + lane, col])
                        for t in range(4)
                    ]
                    return append(uv, pos_v, slot, vals)

                return lax.fori_loop(0, nb, per_match, slot)

            return lax.fori_loop(0, cnt16, strip_scan, slot)

        n_pairs = (s_per_w + 1) // 2

        def body(p, slot):
            j0 = 2 * p
            wait_strip(j0, stage_a, sem_a)
            slot = process(j0, stage_a, slot)
            fire(j0 + 2, stage_a, sem_a)
            wait_strip(j0 + 1, stage_b, sem_b)
            slot = process(j0 + 1, stage_b, slot)
            fire(j0 + 3, stage_b, sem_b)
            return slot

        slot = lax.fori_loop(0, n_pairs, body, 0)

        def tail_scan(v, slot):
            pos16 = my_i[pl.ds(v * 16, 16)] & (B - 1)
            u16 = plsc.load_gather(idx_v.at[:], [pos16])
            m = (u16 >= TAIL_BASE) & ((v * 16 + lane) < cnt)
            nb = plsc.all_reduce_population_count(m)[0]

            @pl.when(nb > 0)
            def _():
                plsc.store_compressed(ci.at[:], pos16, mask=m)

            def per_match(kk, slot):
                kv = jnp.full((16,), kk, jnp.int32)
                pos_v = plsc.load_gather(ci.at[:], [kv])
                uv = plsc.load_gather(idx_v.at[:], [pos_v])
                trow = uv - TAIL_BASE
                vals = [
                    plsc.load_gather(tail_v.at[:, :], [trow, t * 16 + lane])
                    for t in range(4)
                ]
                return append(uv, pos_v, slot, vals)

            return lax.fori_loop(0, nb, per_match, slot)

        slot = lax.fori_loop(0, cnt16, tail_scan, slot)
        flush()

    return k(table_3d, idx, tail)


def _tc_math(u_emb, a_ratings_t, asp):
    B = a_ratings_t.shape[1]
    D = asp.shape[1]
    NA = asp.shape[0]
    BB = 2048
    grid = (B // BB,)

    def body(u_ref, a_ref, asp_ref, o_ref):
        w = lax.dot_general(
            asp_ref[...], u_ref[:, :D],
            (((1,), (1,)), ((), ())),
            preferred_element_type=jnp.float32,
        )
        s = jnp.sum(w * a_ref[...], axis=0)
        o_ref[...] = R_MIN + (R_MIN - R_MAX) * ((s - A_MIN) / (A_MAX - A_MIN))

    return pl.pallas_call(
        body,
        grid=grid,
        in_specs=[
            pl.BlockSpec((BB, 128), lambda i: (i, 0)),
            pl.BlockSpec((NA, BB), lambda i: (0, i)),
            pl.BlockSpec((NA, D), lambda i: (0, 0)),
        ],
        out_specs=pl.BlockSpec((BB,), lambda i: (i,)),
        out_shape=jax.ShapeDtypeStruct((B,), jnp.float32),
    )(u_emb, a_ratings_t, asp)


def kernel(U_ids, A_ratings, users_table, aspects_table):
    idx = U_ids.astype(jnp.int32)
    table_3d = lax.optimization_barrier(users_table.T.reshape(8, 8, N_USERS_P1))
    tail = users_table[TAIL_BASE:]
    a_ratings_t = A_ratings.T
    asp = aspects_table[1:N_ASPECTS]
    u_emb = _sc_gather(table_3d, idx, tail)
    return _tc_math(u_emb, a_ratings_t, asp)

# --- scband reference (transcript-rebuilt; emitter-appended) ---
"""Pipeline reference for scband-deep-absarecommender-38792144617883 (READ-ONLY COPY).

The authoritative reference and input builder live on the scoring server;
editing this copy changes nothing except your own understanding.
"""

import jax, jax.numpy as jnp
import numpy as np

N_USERS = 1000000
N_ASPECTS = 20
EMBED_DIM = 64
BATCH = 16384
A_MIN, A_MAX = 1.0, 5.0  # aspect_min_rating, aspect_max_rating
R_MIN, R_MAX = 1.0, 5.0  # min_rating, max_rating


def setup_inputs(seed: int = 0) -> dict:
    key = jax.random.key(seed)
    k1, k2, k3, k4 = jax.random.split(key, 4)
    U_ids = jax.random.randint(k1, (BATCH,), 0, N_USERS)
    A_ratings = jax.random.uniform(k2, (BATCH, N_ASPECTS - 1), dtype=jnp.float32)
    users_table = jax.random.normal(k3, (N_USERS + 1, EMBED_DIM), dtype=jnp.float32)
    # padding_idx = 0 -> zero row, matching nn.Embedding(padding_idx=0)
    users_table = users_table.at[0].set(0.0)
    aspects_table = jax.random.normal(k4, (N_ASPECTS + 1, EMBED_DIM), dtype=jnp.float32)
    aspects_table = aspects_table.at[0].set(0.0)
    return {"U_ids": U_ids, "A_ratings": A_ratings, "users_table": users_table, "aspects_table": aspects_table}


def _rescale(x, a, b, c, d):
    # faithful to the original (note: c + (c - d) * ...)
    return c + (c - d) * ((x - a) / (b - a))


def reference(U_ids, A_ratings, users_table, aspects_table):
    users_embeddings = jnp.take(users_table, U_ids, axis=0)          # [B, d]
    A_ids = jnp.arange(1, N_ASPECTS)                                  # [n_aspects-1]
    aspects_embeddings = jnp.take(aspects_table, A_ids, axis=0)      # [n_aspects-1, d]
    weights = users_embeddings @ aspects_embeddings.T                 # [B, n_aspects-1]
    predictions = jnp.sum(weights * A_ratings, axis=1)                # [B]
    predictions = _rescale(predictions, A_MIN, A_MAX, R_MIN, R_MAX)
    return predictions

if __name__ == "__main__":
    import jax
    _d = setup_inputs()
    print(jax.jit(kernel)(*tuple(_d.values())))

</pallas_src>

<mosaic_0001>
#map = affine_map<(d0, d1) -> (0, 0, 0)>
#map1 = affine_map<(d0, d1) -> (0)>
#map2 = affine_map<(d0, d1) -> (0, 0)>
module attributes {stable_mosaic.version = 14 : i64} {
  func.func @k(%arg0: i32, %arg1: i32, %arg2: memref<8x8x1000001xf32, #tpu.memory_space<hbm>>, %arg3: memref<16384xi32, #tpu.memory_space<hbm>>, %arg4: memref<65x64xf32, #tpu.memory_space<hbm>>, %arg5: memref<16392x128xf32, #tpu.memory_space<hbm>>, %arg6: memref<16384xi32, #tpu.memory_space<vmem>>, %arg7: memref<16416xi32, #tpu.memory_space<vmem>>, %arg8: memref<64x512xf32, #tpu.memory_space<vmem>>, %arg9: memref<64x512xf32, #tpu.memory_space<vmem>>, %arg10: memref<128x128xf32, #tpu.memory_space<vmem>>, %arg11: memref<128xi32, #tpu.memory_space<vmem>>, %arg12: memref<16xi32, #tpu.memory_space<vmem>>, %arg13: memref<65x64xf32, #tpu.memory_space<vmem>>, %arg14: memref<!tpu.dma_semaphore, #tpu.memory_space<semaphore_mem>>, %arg15: memref<!tpu.dma_semaphore, #tpu.memory_space<semaphore_mem>>, %arg16: memref<!tpu.dma_semaphore, #tpu.memory_space<semaphore_mem>>) attributes {dimension_semantics = [#tpu.dimension_semantics<core_parallel>, #tpu.dimension_semantics<subcore_parallel>], iteration_bounds = array<i64: 2, 16>, scalar_prefetch = 0 : i64, scratch_operands = 11 : i64, tpu.core_type = #tpu.core_type<sc_vector_subcore>, window_params = [{transform_indices = #map}, {transform_indices = #map1}, {transform_indices = #map2}, {transform_indices = #map2}]} {
    %mul3A = arith.constant 2 : i32
    %mul3A_0 = arith.muli %arg1, %mul3A : i32
    %add3A = arith.addi %mul3A_0, %arg0 : i32
    %mul3A_1 = arith.constant 62 : i32
    %mul3A_2 = arith.muli %add3A, %mul3A_1 : i32
    %add3A_3 = arith.constant 62 : i32
    %add3A_4 = arith.addi %mul3A_2, %add3A_3 : i32
    %iota3A = tpu.iota {dimensions = array<i32: 0>} : vector<16xi32>
    "tpu.region"() ({
      %run_scoped3A = tpu.sem_alloc : memref<!tpu.dma_semaphore, #tpu.memory_space<semaphore_mem>>
      tpu.enqueue_dma source(%arg3 : memref<16384xi32, #tpu.memory_space<hbm>>) target(%arg6 : memref<16384xi32, #tpu.memory_space<vmem>>) target_semaphore(%run_scoped3A : memref<!tpu.dma_semaphore, #tpu.memory_space<semaphore_mem>>)
      tpu.wait_dma2 semaphore(%run_scoped3A : memref<!tpu.dma_semaphore, #tpu.memory_space<semaphore_mem>>) src(%arg3 : memref<16384xi32, #tpu.memory_space<hbm>>) dst(%arg6 : memref<16384xi32, #tpu.memory_space<vmem>>)
      tpu.yield
    }) : () -> ()
    "tpu.region"() ({
      %run_scoped3A = tpu.sem_alloc : memref<!tpu.dma_semaphore, #tpu.memory_space<semaphore_mem>>
      tpu.enqueue_dma source(%arg4 : memref<65x64xf32, #tpu.memory_space<hbm>>) target(%arg13 : memref<65x64xf32, #tpu.memory_space<vmem>>) target_semaphore(%run_scoped3A : memref<!tpu.dma_semaphore, #tpu.memory_space<semaphore_mem>>)
      tpu.wait_dma2 semaphore(%run_scoped3A : memref<!tpu.dma_semaphore, #tpu.memory_space<semaphore_mem>>) src(%arg4 : memref<65x64xf32, #tpu.memory_space<hbm>>) dst(%arg13 : memref<65x64xf32, #tpu.memory_space<vmem>>)
      tpu.yield
    }) : () -> ()
    %broadcast_in_dim3A = arith.constant 16384 : i32
    %broadcast_in_dim3A_5 = vector.broadcast %broadcast_in_dim3A : i32 to vector<16xi32>
    %swap3A = arith.constant 0 : index
    %swap3A_6 = tpu.vector_load %arg11[%swap3A] {strides = array<i32>} : memref<128xi32, #tpu.memory_space<vmem>>, vector<16xi32>,
    tpu.vector_store %arg11[%swap3A], %broadcast_in_dim3A_5 {strides = array<i32>} : memref<128xi32, #tpu.memory_space<vmem>>, vector<16xi32>,
    %broadcast_in_dim3A_7 = arith.constant 16384 : i32
    %broadcast_in_dim3A_8 = vector.broadcast %broadcast_in_dim3A_7 : i32 to vector<16xi32>
    %swap3A_9 = arith.constant 16 : index
    %swap3A_10 = tpu.vector_load %arg11[%swap3A_9] {strides = array<i32>} : memref<128xi32, #tpu.memory_space<vmem>>, vector<16xi32>,
    tpu.vector_store %arg11[%swap3A_9], %broadcast_in_dim3A_8 {strides = array<i32>} : memref<128xi32, #tpu.memory_space<vmem>>, vector<16xi32>,
    %broadcast_in_dim3A_11 = arith.constant 16384 : i32
    %broadcast_in_dim3A_12 = vector.broadcast %broadcast_in_dim3A_11 : i32 to vector<16xi32>
    %swap3A_13 = arith.constant 32 : index
    %swap3A_14 = tpu.vector_load %arg11[%swap3A_13] {strides = array<i32>} : memref<128xi32, #tpu.memory_space<vmem>>, vector<16xi32>,
    tpu.vector_store %arg11[%swap3A_13], %broadcast_in_dim3A_12 {strides = array<i32>} : memref<128xi32, #tpu.memory_space<vmem>>, vector<16xi32>,
    %broadcast_in_dim3A_15 = arith.constant 16384 : i32
    %broadcast_in_dim3A_16 = vector.broadcast %broadcast_in_dim3A_15 : i32 to vector<16xi32>
    %swap3A_17 = arith.constant 48 : index
    %swap3A_18 = tpu.vector_load %arg11[%swap3A_17] {strides = array<i32>} : memref<128xi32, #tpu.memory_space<vmem>>, vector<16xi32>,
    tpu.vector_store %arg11[%swap3A_17], %broadcast_in_dim3A_16 {strides = array<i32>} : memref<128xi32, #tpu.memory_space<vmem>>, vector<16xi32>,
    %broadcast_in_dim3A_19 = arith.constant 16384 : i32
    %broadcast_in_dim3A_20 = vector.broadcast %broadcast_in_dim3A_19 : i32 to vector<16xi32>
    %swap3A_21 = arith.constant 64 : index
    %swap3A_22 = tpu.vector_load %arg11[%swap3A_21] {strides = array<i32>} : memref<128xi32, #tpu.memory_space<vmem>>, vector<16xi32>,
    tpu.vector_store %arg11[%swap3A_21], %broadcast_in_dim3A_20 {strides = array<i32>} : memref<128xi32, #tpu.memory_space<vmem>>, vector<16xi32>,
    %broadcast_in_dim3A_23 = arith.constant 16384 : i32
    %broadcast_in_dim3A_24 = vector.broadcast %broadcast_in_dim3A_23 : i32 to vector<16xi32>
    %swap3A_25 = arith.constant 80 : index
    %swap3A_26 = tpu.vector_load %arg11[%swap3A_25] {strides = array<i32>} : memref<128xi32, #tpu.memory_space<vmem>>, vector<16xi32>,
    tpu.vector_store %arg11[%swap3A_25], %broadcast_in_dim3A_24 {strides = array<i32>} : memref<128xi32, #tpu.memory_space<vmem>>, vector<16xi32>,
    %broadcast_in_dim3A_27 = arith.constant 16384 : i32
    %broadcast_in_dim3A_28 = vector.broadcast %broadcast_in_dim3A_27 : i32 to vector<16xi32>
    %swap3A_29 = arith.constant 96 : index
    %swap3A_30 = tpu.vector_load %arg11[%swap3A_29] {strides = array<i32>} : memref<128xi32, #tpu.memory_space<vmem>>, vector<16xi32>,
    tpu.vector_store %arg11[%swap3A_29], %broadcast_in_dim3A_28 {strides = array<i32>} : memref<128xi32, #tpu.memory_space<vmem>>, vector<16xi32>,
    %broadcast_in_dim3A_31 = arith.constant 16384 : i32
    %broadcast_in_dim3A_32 = vector.broadcast %broadcast_in_dim3A_31 : i32 to vector<16xi32>
    %swap3A_33 = arith.constant 112 : index
    %swap3A_34 = tpu.vector_load %arg11[%swap3A_33] {strides = array<i32>} : memref<128xi32, #tpu.memory_space<vmem>>, vector<16xi32>,
    tpu.vector_store %arg11[%swap3A_33], %broadcast_in_dim3A_32 {strides = array<i32>} : memref<128xi32, #tpu.memory_space<vmem>>, vector<16xi32>,
    %add3A_35 = arith.constant 0 : i32
    %add3A_36 = arith.addi %mul3A_2, %add3A_35 : i32
    %lt3A = arith.constant 1953 : i32
    %lt3A_37 = arith.cmpi slt, %add3A_36, %lt3A : i32
    %and3A = arith.constant true
    %and3A_38 = arith.andi %and3A, %lt3A_37 : i1
    %convert_element_type3A = arith.extui %and3A_38 : i1 to i32
    %cond3A = arith.constant 0 : i32
    %cond3A_39 = arith.cmpi ne, %convert_element_type3A, %cond3A : i32
    scf.if %cond3A_39 {
      %mul3A_127 = arith.constant 512 : i32
      %mul3A_128 = arith.muli %add3A_36, %mul3A_127 : i32
      %dma_start3A_129 = arith.constant 0 : i32
      %dma_start3A_130 = arith.constant 0 : i32
      %dma_start3A_131 = arith.constant 0 : i32
      %dma_start3A_132 = tpu.memref_slice %arg8[%dma_start3A_130, %dma_start3A_131] : memref<64x512xf32, #tpu.memory_space<vmem>> -> memref<8x512xf32, #tpu.memory_space<vmem>>
      %dma_start3A_133 = arith.constant 0 : i32
      %dma_start3A_134 = tpu.memref_slice %arg2[%dma_start3A_129, %dma_start3A_133, %mul3A_128] : memref<8x8x1000001xf32, #tpu.memory_space<hbm>> -> memref<1x8x512xf32, #tpu.memory_space<hbm>>
      %dma_start3A_135 = tpu.memref_squeeze %dma_start3A_134 : memref<1x8x512xf32, #tpu.memory_space<hbm>> -> memref<8x512xf32, #tpu.memory_space<hbm>>
      %dma_start3A_136 = arith.constant 0 : i32
      %dma_start3A_137 = arith.constant 0 : i32
      %dma_start3A_138 = tpu.memref_slice %arg8[%dma_start3A_136, %dma_start3A_137] : memref<64x512xf32, #tpu.memory_space<vmem>> -> memref<8x512xf32, #tpu.memory_space<vmem>>
      %dma_start3A_139 = arith.constant 0 : i32
      %dma_start3A_140 = tpu.memref_slice %arg2[%dma_start3A_129, %dma_start3A_139, %mul3A_128] : memref<8x8x1000001xf32, #tpu.memory_space<hbm>> -> memref<1x8x512xf32, #tpu.memory_space<hbm>>
      %dma_start3A_141 = tpu.memref_squeeze %dma_start3A_140 : memref<1x8x512xf32, #tpu.memory_space<hbm>> -> memref<8x512xf32, #tpu.memory_space<hbm>>
      tpu.enqueue_dma source(%dma_start3A_141 : memref<8x512xf32, #tpu.memory_space<hbm>>) target(%dma_start3A_138 : memref<8x512xf32, #tpu.memory_space<vmem>>) target_semaphore(%arg14 : memref<!tpu.dma_semaphore, #tpu.memory_space<semaphore_mem>>)
      %mul3A_142 = arith.constant 512 : i32
      %mul3A_143 = arith.muli %add3A_36, %mul3A_142 : i32
      %dma_start3A_144 = arith.constant 1 : i32
      %dma_start3A_145 = arith.constant 8 : i32
      %dma_start3A_146 = arith.constant 0 : i32
      %dma_start3A_147 = tpu.memref_slice %arg8[%dma_start3A_145, %dma_start3A_146] : memref<64x512xf32, #tpu.memory_space<vmem>> -> memref<8x512xf32, #tpu.memory_space<vmem>>
      %dma_start3A_148 = arith.constant 0 : i32
      %dma_start3A_149 = tpu.memref_slice %arg2[%dma_start3A_144, %dma_start3A_148, %mul3A_143] : memref<8x8x1000001xf32, #tpu.memory_space<hbm>> -> memref<1x8x512xf32, #tpu.memory_space<hbm>>
      %dma_start3A_150 = tpu.memref_squeeze %dma_start3A_149 : memref<1x8x512xf32, #tpu.memory_space<hbm>> -> memref<8x512xf32, #tpu.memory_space<hbm>>
      %dma_start3A_151 = arith.constant 8 : i32
      %dma_start3A_152 = arith.constant 0 : i32
      %dma_start3A_153 = tpu.memref_slice %arg8[%dma_start3A_151, %dma_start3A_152] : memref<64x512xf32, #tpu.memory_space<vmem>> -> memref<8x512xf32, #tpu.memory_space<vmem>>
      %dma_start3A_154 = arith.constant 0 : i32
      %dma_start3A_155 = tpu.memref_slice %arg2[%dma_start3A_144, %dma_start3A_154, %mul3A_143] : memref<8x8x1000001xf32, #tpu.memory_space<hbm>> -> memref<1x8x512xf32, #tpu.memory_space<hbm>>
      %dma_start3A_156 = tpu.memref_squeeze %dma_start3A_155 : memref<1x8x512xf32, #tpu.memory_space<hbm>> -> memref<8x512xf32, #tpu.memory_space<hbm>>
      tpu.enqueue_dma source(%dma_start3A_156 : memref<8x512xf32, #tpu.memory_space<hbm>>) target(%dma_start3A_153 : memref<8x512xf32, #tpu.memory_space<vmem>>) target_semaphore(%arg14 : memref<!tpu.dma_semaphore, #tpu.memory_space<semaphore_mem>>)
      %mul3A_157 = arith.constant 512 : i32
      %mul3A_158 = arith.muli %add3A_36, %mul3A_157 : i32
      %dma_start3A_159 = arith.constant 2 : i32
      %dma_start3A_160 = arith.constant 16 : i32
      %dma_start3A_161 = arith.constant 0 : i32
      %dma_start3A_162 = tpu.memref_slice %arg8[%dma_start3A_160, %dma_start3A_161] : memref<64x512xf32, #tpu.memory_space<vmem>> -> memref<8x512xf32, #tpu.memory_space<vmem>>
      %dma_start3A_163 = arith.constant 0 : i32
      %dma_start3A_164 = tpu.memref_slice %arg2[%dma_start3A_159, %dma_start3A_163, %mul3A_158] : memref<8x8x1000001xf32, #tpu.memory_space<hbm>> -> memref<1x8x512xf32, #tpu.memory_space<hbm>>
      %dma_start3A_165 = tpu.memref_squeeze %dma_start3A_164 : memref<1x8x512xf32, #tpu.memory_space<hbm>> -> memref<8x512xf32, #tpu.memory_space<hbm>>
      %dma_start3A_166 = arith.constant 16 : i32
      %dma_start3A_167 = arith.constant 0 : i32
      %dma_start3A_168 = tpu.memref_slice %arg8[%dma_start3A_166, %dma_start3A_167] : memref<64x512xf32, #tpu.memory_space<vmem>> -> memref<8x512xf32, #tpu.memory_space<vmem>>
      %dma_start3A_169 = arith.constant 0 : i32
      %dma_start3A_170 = tpu.memref_slice %arg2[%dma_start3A_159, %dma_start3A_169, %mul3A_158] : memref<8x8x1000001xf32, #tpu.memory_space<hbm>> -> memref<1x8x512xf32, #tpu.memory_space<hbm>>
      %dma_start3A_171 = tpu.memref_squeeze %dma_start3A_170 : memref<1x8x512xf32, #tpu.memory_space<hbm>> -> memref<8x512xf32, #tpu.memory_space<hbm>>
      tpu.enqueue_dma source(%dma_start3A_171 : memref<8x512xf32, #tpu.memory_space<hbm>>) target(%dma_start3A_168 : memref<8x512xf32, #tpu.memory_space<vmem>>) target_semaphore(%arg14 : memref<!tpu.dma_semaphore, #tpu.memory_space<semaphore_mem>>)
      %mul3A_172 = arith.constant 512 : i32
      %mul3A_173 = arith.muli %add3A_36, %mul3A_172 : i32
      %dma_start3A_174 = arith.constant 3 : i32
      %dma_start3A_175 = arith.constant 24 : i32
      %dma_start3A_176 = arith.constant 0 : i32
      %dma_start3A_177 = tpu.memref_slice %arg8[%dma_start3A_175, %dma_start3A_176] : memref<64x512xf32, #tpu.memory_space<vmem>> -> memref<8x512xf32, #tpu.memory_space<vmem>>
      %dma_start3A_178 = arith.constant 0 : i32
      %dma_start3A_179 = tpu.memref_slice %arg2[%dma_start3A_174, %dma_start3A_178, %mul3A_173] : memref<8x8x1000001xf32, #tpu.memory_space<hbm>> -> memref<1x8x512xf32, #tpu.memory_space<hbm>>
      %dma_start3A_180 = tpu.memref_squeeze %dma_start3A_179 : memref<1x8x512xf32, #tpu.memory_space<hbm>> -> memref<8x512xf32, #tpu.memory_space<hbm>>
      %dma_start3A_181 = arith.constant 24 : i32
      %dma_start3A_182 = arith.constant 0 : i32
      %dma_start3A_183 = tpu.memref_slice %arg8[%dma_start3A_181, %dma_start3A_182] : memref<64x512xf32, #tpu.memory_space<vmem>> -> memref<8x512xf32, #tpu.memory_space<vmem>>
      %dma_start3A_184 = arith.constant 0 : i32
      %dma_start3A_185 = tpu.memref_slice %arg2[%dma_start3A_174, %dma_start3A_184, %mul3A_173] : memref<8x8x1000001xf32, #tpu.memory_space<hbm>> -> memref<1x8x512xf32, #tpu.memory_space<hbm>>
      %dma_start3A_186 = tpu.memref_squeeze %dma_start3A_185 : memref<1x8x512xf32, #tpu.memory_space<hbm>> -> memref<8x512xf32, #tpu.memory_space<hbm>>
      tpu.enqueue_dma source(%dma_start3A_186 : memref<8x512xf32, #tpu.memory_space<hbm>>) target(%dma_start3A_183 : memref<8x512xf32, #tpu.memory_space<vmem>>) target_semaphore(%arg14 : memref<!tpu.dma_semaphore, #tpu.memory_space<semaphore_mem>>)
      %mul3A_187 = arith.constant 512 : i32
      %mul3A_188 = arith.muli %add3A_36, %mul3A_187 : i32
      %dma_start3A_189 = arith.constant 4 : i32
      %dma_start3A_190 = arith.constant 32 : i32
      %dma_start3A_191 = arith.constant 0 : i32
      %dma_start3A_192 = tpu.memref_slice %arg8[%dma_start3A_190, %dma_start3A_191] : memref<64x512xf32, #tpu.memory_space<vmem>> -> memref<8x512xf32, #tpu.memory_space<vmem>>
      %dma_start3A_193 = arith.constant 0 : i32
      %dma_start3A_194 = tpu.memref_slice %arg2[%dma_start3A_189, %dma_start3A_193, %mul3A_188] : memref<8x8x1000001xf32, #tpu.memory_space<hbm>> -> memref<1x8x512xf32, #tpu.memory_space<hbm>>
      %dma_start3A_195 = tpu.memref_squeeze %dma_start3A_194 : memref<1x8x512xf32, #tpu.memory_space<hbm>> -> memref<8x512xf32, #tpu.memory_space<hbm>>
      %dma_start3A_196 = arith.constant 32 : i32
      %dma_start3A_197 = arith.constant 0 : i32
      %dma_start3A_198 = tpu.memref_slice %arg8[%dma_start3A_196, %dma_start3A_197] : memref<64x512xf32, #tpu.memory_space<vmem>> -> memref<8x512xf32, #tpu.memory_space<vmem>>
      %dma_start3A_199 = arith.constant 0 : i32
      %dma_start3A_200 = tpu.memref_slice %arg2[%dma_start3A_189, %dma_start3A_199, %mul3A_188] : memref<8x8x1000001xf32, #tpu.memory_space<hbm>> -> memref<1x8x512xf32, #tpu.memory_space<hbm>>
      %dma_start3A_201 = tpu.memref_squeeze %dma_start3A_200 : memref<1x8x512xf32, #tpu.memory_space<hbm>> -> memref<8x512xf32, #tpu.memory_space<hbm>>
      tpu.enqueue_dma source(%dma_start3A_201 : memref<8x512xf32, #tpu.memory_space<hbm>>) target(%dma_start3A_198 : memref<8x512xf32, #tpu.memory_space<vmem>>) target_semaphore(%arg14 : memref<!tpu.dma_semaphore, #tpu.memory_space<semaphore_mem>>)
      %mul3A_202 = arith.constant 512 : i32
      %mul3A_203 = arith.muli %add3A_36, %mul3A_202 : i32
      %dma_start3A_204 = arith.constant 5 : i32
      %dma_start3A_205 = arith.constant 40 : i32
      %dma_start3A_206 = arith.constant 0 : i32
      %dma_start3A_207 = tpu.memref_slice %arg8[%dma_start3A_205, %dma_start3A_206] : memref<64x512xf32, #tpu.memory_space<vmem>> -> memref<8x512xf32, #tpu.memory_space<vmem>>
      %dma_start3A_208 = arith.constant 0 : i32
      %dma_start3A_209 = tpu.memref_slice %arg2[%dma_start3A_204, %dma_start3A_208, %mul3A_203] : memref<8x8x1000001xf32, #tpu.memory_space<hbm>> -> memref<1x8x512xf32, #tpu.memory_space<hbm>>
      %dma_start3A_210 = tpu.memref_squeeze %dma_start3A_209 : memref<1x8x512xf32, #tpu.memory_space<hbm>> -> memref<8x512xf32, #tpu.memory_space<hbm>>
      %dma_start3A_211 = arith.constant 40 : i32
      %dma_start3A_212 = arith.constant 0 : i32
      %dma_start3A_213 = tpu.memref_slice %arg8[%dma_start3A_211, %dma_start3A_212] : memref<64x512xf32, #tpu.memory_space<vmem>> -> memref<8x512xf32, #tpu.memory_space<vmem>>
      %dma_start3A_214 = arith.constant 0 : i32
      %dma_start3A_215 = tpu.memref_slice %arg2[%dma_start3A_204, %dma_start3A_214, %mul3A_203] : memref<8x8x1000001xf32, #tpu.memory_space<hbm>> -> memref<1x8x512xf32, #tpu.memory_space<hbm>>
      %dma_start3A_216 = tpu.memref_squeeze %dma_start3A_215 : memref<1x8x512xf32, #tpu.memory_space<hbm>> -> memref<8x512xf32, #tpu.memory_space<hbm>>
      tpu.enqueue_dma source(%dma_start3A_216 : memref<8x512xf32, #tpu.memory_space<hbm>>) target(%dma_start3A_213 : memref<8x512xf32, #tpu.memory_space<vmem>>) target_semaphore(%arg14 : memref<!tpu.dma_semaphore, #tpu.memory_space<semaphore_mem>>)
      %mul3A_217 = arith.constant 512 : i32
      %mul3A_218 = arith.muli %add3A_36, %mul3A_217 : i32
      %dma_start3A_219 = arith.constant 6 : i32
      %dma_start3A_220 = arith.constant 48 : i32
      %dma_start3A_221 = arith.constant 0 : i32
      %dma_start3A_222 = tpu.memref_slice %arg8[%dma_start3A_220, %dma_start3A_221] : memref<64x512xf32, #tpu.memory_space<vmem>> -> memref<8x512xf32, #tpu.memory_space<vmem>>
      %dma_start3A_223 = arith.constant 0 : i32
      %dma_start3A_224 = tpu.memref_slice %arg2[%dma_start3A_219, %dma_start3A_223, %mul3A_218] : memref<8x8x1000001xf32, #tpu.memory_space<hbm>> -> memref<1x8x512xf32, #tpu.memory_space<hbm>>
      %dma_start3A_225 = tpu.memref_squeeze %dma_start3A_224 : memref<1x8x512xf32, #tpu.memory_space<hbm>> -> memref<8x512xf32, #tpu.memory_space<hbm>>
      %dma_start3A_226 = arith.constant 48 : i32
      %dma_start3A_227 = arith.constant 0 : i32
      %dma_start3A_228 = tpu.memref_slice %arg8[%dma_start3A_226, %dma_start3A_227] : memref<64x512xf32, #tpu.memory_space<vmem>> -> memref<8x512xf32, #tpu.memory_space<vmem>>
      %dma_start3A_229 = arith.constant 0 : i32
      %dma_start3A_230 = tpu.memref_slice %arg2[%dma_start3A_219, %dma_start3A_229, %mul3A_218] : memref<8x8x1000001xf32, #tpu.memory_space<hbm>> -> memref<1x8x512xf32, #tpu.memory_space<hbm>>
      %dma_start3A_231 = tpu.memref_squeeze %dma_start3A_230 : memref<1x8x512xf32, #tpu.memory_space<hbm>> -> memref<8x512xf32, #tpu.memory_space<hbm>>
      tpu.enqueue_dma source(%dma_start3A_231 : memref<8x512xf32, #tpu.memory_space<hbm>>) target(%dma_start3A_228 : memref<8x512xf32, #tpu.memory_space<vmem>>) target_semaphore(%arg14 : memref<!tpu.dma_semaphore, #tpu.memory_space<semaphore_mem>>)
      %mul3A_232 = arith.constant 512 : i32
      %mul3A_233 = arith.muli %add3A_36, %mul3A_232 : i32
      %dma_start3A_234 = arith.constant 7 : i32
      %dma_start3A_235 = arith.constant 56 : i32
      %dma_start3A_236 = arith.constant 0 : i32
      %dma_start3A_237 = tpu.memref_slice %arg8[%dma_start3A_235, %dma_start3A_236] : memref<64x512xf32, #tpu.memory_space<vmem>> -> memref<8x512xf32, #tpu.memory_space<vmem>>
      %dma_start3A_238 = arith.constant 0 : i32
      %dma_start3A_239 = tpu.memref_slice %arg2[%dma_start3A_234, %dma_start3A_238, %mul3A_233] : memref<8x8x1000001xf32, #tpu.memory_space<hbm>> -> memref<1x8x512xf32, #tpu.memory_space<hbm>>
      %dma_start3A_240 = tpu.memref_squeeze %dma_start3A_239 : memref<1x8x512xf32, #tpu.memory_space<hbm>> -> memref<8x512xf32, #tpu.memory_space<hbm>>
      %dma_start3A_241 = arith.constant 56 : i32
      %dma_start3A_242 = arith.constant 0 : i32
      %dma_start3A_243 = tpu.memref_slice %arg8[%dma_start3A_241, %dma_start3A_242] : memref<64x512xf32, #tpu.memory_space<vmem>> -> memref<8x512xf32, #tpu.memory_space<vmem>>
      %dma_start3A_244 = arith.constant 0 : i32
      %dma_start3A_245 = tpu.memref_slice %arg2[%dma_start3A_234, %dma_start3A_244, %mul3A_233] : memref<8x8x1000001xf32, #tpu.memory_space<hbm>> -> memref<1x8x512xf32, #tpu.memory_space<hbm>>
      %dma_start3A_246 = tpu.memref_squeeze %dma_start3A_245 : memref<1x8x512xf32, #tpu.memory_space<hbm>> -> memref<8x512xf32, #tpu.memory_space<hbm>>
      tpu.enqueue_dma source(%dma_start3A_246 : memref<8x512xf32, #tpu.memory_space<hbm>>) target(%dma_start3A_243 : memref<8x512xf32, #tpu.memory_space<vmem>>) target_semaphore(%arg14 : memref<!tpu.dma_semaphore, #tpu.memory_space<semaphore_mem>>)
    } else {
    }
    %add3A_40 = arith.constant 1 : i32
    %add3A_41 = arith.addi %mul3A_2, %add3A_40 : i32
    %lt3A_42 = arith.constant 1953 : i32
    %lt3A_43 = arith.cmpi slt, %add3A_41, %lt3A_42 : i32
    %and3A_44 = arith.constant true
    %and3A_45 = arith.andi %and3A_44, %lt3A_43 : i1
    %convert_element_type3A_46 = arith.extui %and3A_45 : i1 to i32
    %cond3A_47 = arith.constant 0 : i32
    %cond3A_48 = arith.cmpi ne, %convert_element_type3A_46, %cond3A_47 : i32
    scf.if %cond3A_48 {
      %mul3A_127 = arith.constant 512 : i32
      %mul3A_128 = arith.muli %add3A_41, %mul3A_127 : i32
      %dma_start3A_129 = arith.constant 0 : i32
      %dma_start3A_130 = arith.constant 0 : i32
      %dma_start3A_131 = arith.constant 0 : i32
      %dma_start3A_132 = tpu.memref_slice %arg9[%dma_start3A_130, %dma_start3A_131] : memref<64x512xf32, #tpu.memory_space<vmem>> -> memref<8x512xf32, #tpu.memory_space<vmem>>
      %dma_start3A_133 = arith.constant 0 : i32
      %dma_start3A_134 = tpu.memref_slice %arg2[%dma_start3A_129, %dma_start3A_133, %mul3A_128] : memref<8x8x1000001xf32, #tpu.memory_space<hbm>> -> memref<1x8x512xf32, #tpu.memory_space<hbm>>
      %dma_start3A_135 = tpu.memref_squeeze %dma_start3A_134 : memref<1x8x512xf32, #tpu.memory_space<hbm>> -> memref<8x512xf32, #tpu.memory_space<hbm>>
      %dma_start3A_136 = arith.constant 0 : i32
      %dma_start3A_137 = arith.constant 0 : i32
      %dma_start3A_138 = tpu.memref_slice %arg9[%dma_start3A_136, %dma_start3A_137] : memref<64x512xf32, #tpu.memory_space<vmem>> -> memref<8x512xf32, #tpu.memory_space<vmem>>
      %dma_start3A_139 = arith.constant 0 : i32
      %dma_start3A_140 = tpu.memref_slice %arg2[%dma_start3A_129, %dma_start3A_139, %mul3A_128] : memref<8x8x1000001xf32, #tpu.memory_space<hbm>> -> memref<1x8x512xf32, #tpu.memory_space<hbm>>
      %dma_start3A_141 = tpu.memref_squeeze %dma_start3A_140 : memref<1x8x512xf32, #tpu.memory_space<hbm>> -> memref<8x512xf32, #tpu.memory_space<hbm>>
      tpu.enqueue_dma source(%dma_start3A_141 : memref<8x512xf32, #tpu.memory_space<hbm>>) target(%dma_start3A_138 : memref<8x512xf32, #tpu.memory_space<vmem>>) target_semaphore(%arg15 : memref<!tpu.dma_semaphore, #tpu.memory_space<semaphore_mem>>)
      %mul3A_142 = arith.constant 512 : i32
      %mul3A_143 = arith.muli %add3A_41, %mul3A_142 : i32
      %dma_start3A_144 = arith.constant 1 : i32
      %dma_start3A_145 = arith.constant 8 : i32
      %dma_start3A_146 = arith.constant 0 : i32
      %dma_start3A_147 = tpu.memref_slice %arg9[%dma_start3A_145, %dma_start3A_146] : memref<64x512xf32, #tpu.memory_space<vmem>> -> memref<8x512xf32, #tpu.memory_space<vmem>>
      %dma_start3A_148 = arith.constant 0 : i32
      %dma_start3A_149 = tpu.memref_slice %arg2[%dma_start3A_144, %dma_start3A_148, %mul3A_143] : memref<8x8x1000001xf32, #tpu.memory_space<hbm>> -> memref<1x8x512xf32, #tpu.memory_space<hbm>>
      %dma_start3A_150 = tpu.memref_squeeze %dma_start3A_149 : memref<1x8x512xf32, #tpu.memory_space<hbm>> -> memref<8x512xf32, #tpu.memory_space<hbm>>
      %dma_start3A_151 = arith.constant 8 : i32
      %dma_start3A_152 = arith.constant 0 : i32
      %dma_start3A_153 = tpu.memref_slice %arg9[%dma_start3A_151, %dma_start3A_152] : memref<64x512xf32, #tpu.memory_space<vmem>> -> memref<8x512xf32, #tpu.memory_space<vmem>>
      %dma_start3A_154 = arith.constant 0 : i32
      %dma_start3A_155 = tpu.memref_slice %arg2[%dma_start3A_144, %dma_start3A_154, %mul3A_143] : memref<8x8x1000001xf32, #tpu.memory_space<hbm>> -> memref<1x8x512xf32, #tpu.memory_space<hbm>>
      %dma_start3A_156 = tpu.memref_squeeze %dma_start3A_155 : memref<1x8x512xf32, #tpu.memory_space<hbm>> -> memref<8x512xf32, #tpu.memory_space<hbm>>
      tpu.enqueue_dma source(%dma_start3A_156 : memref<8x512xf32, #tpu.memory_space<hbm>>) target(%dma_start3A_153 : memref<8x512xf32, #tpu.memory_space<vmem>>) target_semaphore(%arg15 : memref<!tpu.dma_semaphore, #tpu.memory_space<semaphore_mem>>)
      %mul3A_157 = arith.constant 512 : i32
      %mul3A_158 = arith.muli %add3A_41, %mul3A_157 : i32
      %dma_start3A_159 = arith.constant 2 : i32
      %dma_start3A_160 = arith.constant 16 : i32
      %dma_start3A_161 = arith.constant 0 : i32
      %dma_start3A_162 = tpu.memref_slice %arg9[%dma_start3A_160, %dma_start3A_161] : memref<64x512xf32, #tpu.memory_space<vmem>> -> memref<8x512xf32, #tpu.memory_space<vmem>>
      %dma_start3A_163 = arith.constant 0 : i32
      %dma_start3A_164 = tpu.memref_slice %arg2[%dma_start3A_159, %dma_start3A_163, %mul3A_158] : memref<8x8x1000001xf32, #tpu.memory_space<hbm>> -> memref<1x8x512xf32, #tpu.memory_space<hbm>>
      %dma_start3A_165 = tpu.memref_squeeze %dma_start3A_164 : memref<1x8x512xf32, #tpu.memory_space<hbm>> -> memref<8x512xf32, #tpu.memory_space<hbm>>
      %dma_start3A_166 = arith.constant 16 : i32
      %dma_start3A_167 = arith.constant 0 : i32
      %dma_start3A_168 = tpu.memref_slice %arg9[%dma_start3A_166, %dma_start3A_167] : memref<64x512xf32, #tpu.memory_space<vmem>> -> memref<8x512xf32, #tpu.memory_space<vmem>>
      %dma_start3A_169 = arith.constant 0 : i32
      %dma_start3A_170 = tpu.memref_slice %arg2[%dma_start3A_159, %dma_start3A_169, %mul3A_158] : memref<8x8x1000001xf32, #tpu.memory_space<hbm>> -> memref<1x8x512xf32, #tpu.memory_space<hbm>>
      %dma_start3A_171 = tpu.memref_squeeze %dma_start3A_170 : memref<1x8x512xf32, #tpu.memory_space<hbm>> -> memref<8x512xf32, #tpu.memory_space<hbm>>
      tpu.enqueue_dma source(%dma_start3A_171 : memref<8x512xf32, #tpu.memory_space<hbm>>) target(%dma_start3A_168 : memref<8x512xf32, #tpu.memory_space<vmem>>) target_semaphore(%arg15 : memref<!tpu.dma_semaphore, #tpu.memory_space<semaphore_mem>>)
      %mul3A_172 = arith.constant 512 : i32
      %mul3A_173 = arith.muli %add3A_41, %mul3A_172 : i32
      %dma_start3A_174 = arith.constant 3 : i32
      %dma_start3A_175 = arith.constant 24 : i32
      %dma_start3A_176 = arith.constant 0 : i32
      %dma_start3A_177 = tpu.memref_slice %arg9[%dma_start3A_175, %dma_start3A_176] : memref<64x512xf32, #tpu.memory_space<vmem>> -> memref<8x512xf32, #tpu.memory_space<vmem>>
      %dma_start3A_178 = arith.constant 0 : i32
      %dma_start3A_179 = tpu.memref_slice %arg2[%dma_start3A_174, %dma_start3A_178, %mul3A_173] : memref<8x8x1000001xf32, #tpu.memory_space<hbm>> -> memref<1x8x512xf32, #tpu.memory_space<hbm>>
      %dma_start3A_180 = tpu.memref_squeeze %dma_start3A_179 : memref<1x8x512xf32, #tpu.memory_space<hbm>> -> memref<8x512xf32, #tpu.memory_space<hbm>>
      %dma_start3A_181 = arith.constant 24 : i32
      %dma_start3A_182 = arith.constant 0 : i32
      %dma_start3A_183 = tpu.memref_slice %arg9[%dma_start3A_181, %dma_start3A_182] : memref<64x512xf32, #tpu.memory_space<vmem>> -> memref<8x512xf32, #tpu.memory_space<vmem>>
      %dma_start3A_184 = arith.constant 0 : i32
      %dma_start3A_185 = tpu.memref_slice %arg2[%dma_start3A_174, %dma_start3A_184, %mul3A_173] : memref<8x8x1000001xf32, #tpu.memory_space<hbm>> -> memref<1x8x512xf32, #tpu.memory_space<hbm>>
      %dma_start3A_186 = tpu.memref_squeeze %dma_start3A_185 : memref<1x8x512xf32, #tpu.memory_space<hbm>> -> memref<8x512xf32, #tpu.memory_space<hbm>>
      tpu.enqueue_dma source(%dma_start3A_186 : memref<8x512xf32, #tpu.memory_space<hbm>>) target(%dma_start3A_183 : memref<8x512xf32, #tpu.memory_space<vmem>>) target_semaphore(%arg15 : memref<!tpu.dma_semaphore, #tpu.memory_space<semaphore_mem>>)
      %mul3A_187 = arith.constant 512 : i32
      %mul3A_188 = arith.muli %add3A_41, %mul3A_187 : i32
      %dma_start3A_189 = arith.constant 4 : i32
      %dma_start3A_190 = arith.constant 32 : i32
      %dma_start3A_191 = arith.constant 0 : i32
      %dma_start3A_192 = tpu.memref_slice %arg9[%dma_start3A_190, %dma_start3A_191] : memref<64x512xf32, #tpu.memory_space<vmem>> -> memref<8x512xf32, #tpu.memory_space<vmem>>
      %dma_start3A_193 = arith.constant 0 : i32
      %dma_start3A_194 = tpu.memref_slice %arg2[%dma_start3A_189, %dma_start3A_193, %mul3A_188] : memref<8x8x1000001xf32, #tpu.memory_space<hbm>> -> memref<1x8x512xf32, #tpu.memory_space<hbm>>
      %dma_start3A_195 = tpu.memref_squeeze %dma_start3A_194 : memref<1x8x512xf32, #tpu.memory_space<hbm>> -> memref<8x512xf32, #tpu.memory_space<hbm>>
      %dma_start3A_196 = arith.constant 32 : i32
      %dma_start3A_197 = arith.constant 0 : i32
      %dma_start3A_198 = tpu.memref_slice %arg9[%dma_start3A_196, %dma_start3A_197] : memref<64x512xf32, #tpu.memory_space<vmem>> -> memref<8x512xf32, #tpu.memory_space<vmem>>
      %dma_start3A_199 = arith.constant 0 : i32
      %dma_start3A_200 = tpu.memref_slice %arg2[%dma_start3A_189, %dma_start3A_199, %mul3A_188] : memref<8x8x1000001xf32, #tpu.memory_space<hbm>> -> memref<1x8x512xf32, #tpu.memory_space<hbm>>
      %dma_start3A_201 = tpu.memref_squeeze %dma_start3A_200 : memref<1x8x512xf32, #tpu.memory_space<hbm>> -> memref<8x512xf32, #tpu.memory_space<hbm>>
      tpu.enqueue_dma source(%dma_start3A_201 : memref<8x512xf32, #tpu.memory_space<hbm>>) target(%dma_start3A_198 : memref<8x512xf32, #tpu.memory_space<vmem>>) target_semaphore(%arg15 : memref<!tpu.dma_semaphore, #tpu.memory_space<semaphore_mem>>)
      %mul3A_202 = arith.constant 512 : i32
      %mul3A_203 = arith.muli %add3A_41, %mul3A_202 : i32
      %dma_start3A_204 = arith.constant 5 : i32
      %dma_start3A_205 = arith.constant 40 : i32
      %dma_start3A_206 = arith.constant 0 : i32
      %dma_start3A_207 = tpu.memref_slice %arg9[%dma_start3A_205, %dma_start3A_206] : memref<64x512xf32, #tpu.memory_space<vmem>> -> memref<8x512xf32, #tpu.memory_space<vmem>>
      %dma_start3A_208 = arith.constant 0 : i32
      %dma_start3A_209 = tpu.memref_slice %arg2[%dma_start3A_204, %dma_start3A_208, %mul3A_203] : memref<8x8x1000001xf32, #tpu.memory_space<hbm>> -> memref<1x8x512xf32, #tpu.memory_space<hbm>>
      %dma_start3A_210 = tpu.memref_squeeze %dma_start3A_209 : memref<1x8x512xf32, #tpu.memory_space<hbm>> -> memref<8x512xf32, #tpu.memory_space<hbm>>
      %dma_start3A_211 = arith.constant 40 : i32
      %dma_start3A_212 = arith.constant 0 : i32
      %dma_start3A_213 = tpu.memref_slice %arg9[%dma_start3A_211, %dma_start3A_212] : memref<64x512xf32, #tpu.memory_space<vmem>> -> memref<8x512xf32, #tpu.memory_space<vmem>>
      %dma_start3A_214 = arith.constant 0 : i32
      %dma_start3A_215 = tpu.memref_slice %arg2[%dma_start3A_204, %dma_start3A_214, %mul3A_203] : memref<8x8x1000001xf32, #tpu.memory_space<hbm>> -> memref<1x8x512xf32, #tpu.memory_space<hbm>>
      %dma_start3A_216 = tpu.memref_squeeze %dma_start3A_215 : memref<1x8x512xf32, #tpu.memory_space<hbm>> -> memref<8x512xf32, #tpu.memory_space<hbm>>
      tpu.enqueue_dma source(%dma_start3A_216 : memref<8x512xf32, #tpu.memory_space<hbm>>) target(%dma_start3A_213 : memref<8x512xf32, #tpu.memory_space<vmem>>) target_semaphore(%arg15 : memref<!tpu.dma_semaphore, #tpu.memory_space<semaphore_mem>>)
      %mul3A_217 = arith.constant 512 : i32
      %mul3A_218 = arith.muli %add3A_41, %mul3A_217 : i32
      %dma_start3A_219 = arith.constant 6 : i32
      %dma_start3A_220 = arith.constant 48 : i32
      %dma_start3A_221 = arith.constant 0 : i32
      %dma_start3A_222 = tpu.memref_slice %arg9[%dma_start3A_220, %dma_start3A_221] : memref<64x512xf32, #tpu.memory_space<vmem>> -> memref<8x512xf32, #tpu.memory_space<vmem>>
      %dma_start3A_223 = arith.constant 0 : i32
      %dma_start3A_224 = tpu.memref_slice %arg2[%dma_start3A_219, %dma_start3A_223, %mul3A_218] : memref<8x8x1000001xf32, #tpu.memory_space<hbm>> -> memref<1x8x512xf32, #tpu.memory_space<hbm>>
      %dma_start3A_225 = tpu.memref_squeeze %dma_start3A_224 : memref<1x8x512xf32, #tpu.memory_space<hbm>> -> memref<8x512xf32, #tpu.memory_space<hbm>>
      %dma_start3A_226 = arith.constant 48 : i32
      %dma_start3A_227 = arith.constant 0 : i32
      %dma_start3A_228 = tpu.memref_slice %arg9[%dma_start3A_226, %dma_start3A_227] : memref<64x512xf32, #tpu.memory_space<vmem>> -> memref<8x512xf32, #tpu.memory_space<vmem>>
      %dma_start3A_229 = arith.constant 0 : i32
      %dma_start3A_230 = tpu.memref_slice %arg2[%dma_start3A_219, %dma_start3A_229, %mul3A_218] : memref<8x8x1000001xf32, #tpu.memory_space<hbm>> -> memref<1x8x512xf32, #tpu.memory_space<hbm>>
      %dma_start3A_231 = tpu.memref_squeeze %dma_start3A_230 : memref<1x8x512xf32, #tpu.memory_space<hbm>> -> memref<8x512xf32, #tpu.memory_space<hbm>>
      tpu.enqueue_dma source(%dma_start3A_231 : memref<8x512xf32, #tpu.memory_space<hbm>>) target(%dma_start3A_228 : memref<8x512xf32, #tpu.memory_space<vmem>>) target_semaphore(%arg15 : memref<!tpu.dma_semaphore, #tpu.memory_space<semaphore_mem>>)
      %mul3A_232 = arith.constant 512 : i32
      %mul3A_233 = arith.muli %add3A_41, %mul3A_232 : i32
      %dma_start3A_234 = arith.constant 7 : i32
      %dma_start3A_235 = arith.constant 56 : i32
      %dma_start3A_236 = arith.constant 0 : i32
      %dma_start3A_237 = tpu.memref_slice %arg9[%dma_start3A_235, %dma_start3A_236] : memref<64x512xf32, #tpu.memory_space<vmem>> -> memref<8x512xf32, #tpu.memory_space<vmem>>
      %dma_start3A_238 = arith.constant 0 : i32
      %dma_start3A_239 = tpu.memref_slice %arg2[%dma_start3A_234, %dma_start3A_238, %mul3A_233] : memref<8x8x1000001xf32, #tpu.memory_space<hbm>> -> memref<1x8x512xf32, #tpu.memory_space<hbm>>
      %dma_start3A_240 = tpu.memref_squeeze %dma_start3A_239 : memref<1x8x512xf32, #tpu.memory_space<hbm>> -> memref<8x512xf32, #tpu.memory_space<hbm>>
      %dma_start3A_241 = arith.constant 56 : i32
      %dma_start3A_242 = arith.constant 0 : i32
      %dma_start3A_243 = tpu.memref_slice %arg9[%dma_start3A_241, %dma_start3A_242] : memref<64x512xf32, #tpu.memory_space<vmem>> -> memref<8x512xf32, #tpu.memory_space<vmem>>
      %dma_start3A_244 = arith.constant 0 : i32
      %dma_start3A_245 = tpu.memref_slice %arg2[%dma_start3A_234, %dma_start3A_244, %mul3A_233] : memref<8x8x1000001xf32, #tpu.memory_space<hbm>> -> memref<1x8x512xf32, #tpu.memory_space<hbm>>
      %dma_start3A_246 = tpu.memref_squeeze %dma_start3A_245 : memref<1x8x512xf32, #tpu.memory_space<hbm>> -> memref<8x512xf32, #tpu.memory_space<hbm>>
      tpu.enqueue_dma source(%dma_start3A_246 : memref<8x512xf32, #tpu.memory_space<hbm>>) target(%dma_start3A_243 : memref<8x512xf32, #tpu.memory_space<vmem>>) target_semaphore(%arg15 : memref<!tpu.dma_semaphore, #tpu.memory_space<semaphore_mem>>)
    } else {
    }
    %scan3A = arith.constant 0 : i32
    %scan3A_49 = arith.constant 0 : i32
    %scan3A_50 = arith.constant 1024 : i32
    %scan3A_51 = arith.addi %scan3A_49, %scan3A_50 : i32
    %scan3A_52 = arith.constant 1 : i32
    %scan3A_53 = scf.for %scan3A_127 = %scan3A_49 to %scan3A_51 step %scan3A_52 iter_args(%scan3A_128 = %scan3A) -> (i32)  : i32 {
      %mul3A_129 = arith.constant 16 : i32
      %mul3A_130 = arith.muli %scan3A_127, %mul3A_129 : i32
      %get3A = arith.index_cast %mul3A_130 : i32 to index
      %get3A_131 = tpu.vector_load %arg6[%get3A] {strides = array<i32>} : memref<16384xi32, #tpu.memory_space<vmem>>, vector<16xi32>,
      %shift_right_arithmetic3A = arith.constant 9 : i32
      %shift_right_arithmetic3A_132 = vector.broadcast %shift_right_arithmetic3A : i32 to vector<16xi32>
      %shift_right_arithmetic3A_133 = arith.shrsi %get3A_131, %shift_right_arithmetic3A_132 : vector<16xi32>
      %ge3A = vector.broadcast %mul3A_2 : i32 to vector<16xi32>
      %ge3A_134 = arith.cmpi sge, %shift_right_arithmetic3A_133, %ge3A : vector<16xi32>
      %lt3A_135 = vector.broadcast %add3A_4 : i32 to vector<16xi32>
      %lt3A_136 = arith.cmpi slt, %shift_right_arithmetic3A_133, %lt3A_135 : vector<16xi32>
      %and3A_137 = arith.andi %ge3A_134, %lt3A_136 : vector<16xi1>
      %mul3A_138 = arith.constant 16 : i32
      %mul3A_139 = arith.muli %scan3A_127, %mul3A_138 : i32
      %add3A_140 = vector.broadcast %mul3A_139 : i32 to vector<16xi32>
      %add3A_141 = arith.addi %add3A_140, %iota3A : vector<16xi32>
      %swap3A_142 = arith.index_cast %scan3A_128 : i32 to index
      %swap3A_143 = tpu.vector_load %arg7[%swap3A_142] masked %and3A_137 {strides = array<i32>} : memref<16416xi32, #tpu.memory_space<vmem>>, vector<16xi32>, vector<16xi1>
      tpu.vector_store %arg7[%swap3A_142], %add3A_141 masked %and3A_137 {strides = array<i32>} : memref<16416xi32, #tpu.memory_space<vmem>>, vector<16xi32>, vector<16xi1>
      %all_reduce_population_count3A = tpu.all_reduce %and3A_137 {dim = 0 : i64, kind = #tpu.reduction_kind<sum>} : vector<16xi1> -> vector<16xi32>
      %slice3A = vector.extract_strided_slice %all_reduce_population_count3A {offsets = [0], sizes = [1], strides = [1]} : vector<16xi32> to vector<1xi32>
      %squeeze3A = vector.extract %slice3A[0] : i32 from vector<1xi32>
      %add3A_144 = arith.addi %scan3A_128, %squeeze3A : i32
      scf.yield %add3A_144 : i32
    }
    %scan3A_54 = arith.constant 1024 : i32
    %add3A_55 = arith.constant 15 : i32
    %add3A_56 = arith.addi %scan3A_53, %add3A_55 : i32
    %jit3A = arith.constant 16 : i32
    %div3A = arith.divsi %add3A_56, %jit3A : i32
    %sign3A = arith.constant 0 : i32
    %sign3A_57 = arith.cmpi sgt, %add3A_56, %sign3A : i32
    %sign3A_58 = arith.extui %sign3A_57 : i1 to i32
    %sign3A_59 = arith.constant 0 : i32
    %sign3A_60 = arith.cmpi slt, %add3A_56, %sign3A_59 : i32
    %sign3A_61 = arith.extui %sign3A_60 : i1 to i32
    %sign3A_62 = arith.subi %sign3A_58, %sign3A_61 : i32
    %sign3A_63 = arith.constant 0 : i32
    %sign3A_64 = arith.cmpi sgt, %jit3A, %sign3A_63 : i32
    %sign3A_65 = arith.extui %sign3A_64 : i1 to i32
    %sign3A_66 = arith.constant 0 : i32
    %sign3A_67 = arith.cmpi slt, %jit3A, %sign3A_66 : i32
    %sign3A_68 = arith.extui %sign3A_67 : i1 to i32
    %sign3A_69 = arith.subi %sign3A_65, %sign3A_68 : i32
    %ne3A = arith.cmpi ne, %sign3A_62, %sign3A_69 : i32
    %rem3A = arith.remsi %add3A_56, %jit3A : i32
    %ne3A_70 = arith.constant 0 : i32
    %ne3A_71 = arith.cmpi ne, %rem3A, %ne3A_70 : i32
    %and3A_72 = arith.andi %ne3A, %ne3A_71 : i1
    %sub3A = arith.constant 1 : i32
    %sub3A_73 = arith.subi %div3A, %sub3A : i32
    %select_n3A = arith.select %and3A_72, %sub3A_73, %div3A : i32
    %scan3A_74 = arith.constant 0 : i32
    %scan3A_75 = arith.constant 0 : i32
    %scan3A_76 = arith.constant 31 : i32
    %scan3A_77 = arith.addi %scan3A_75, %scan3A_76 : i32
    %scan3A_78 = arith.constant 1 : i32
    %scan3A_79 = scf.for %scan3A_127 = %scan3A_75 to %scan3A_77 step %scan3A_78 iter_args(%scan3A_128 = %scan3A_74) -> (i32)  : i32 {
      %mul3A_129 = arith.constant 2 : i32
      %mul3A_130 = arith.muli %mul3A_129, %scan3A_127 : i32
      %add3A_131 = arith.addi %mul3A_2, %mul3A_130 : i32
      %lt3A_132 = arith.constant 62 : i32
      %lt3A_133 = arith.cmpi slt, %mul3A_130, %lt3A_132 : i32
      %lt3A_134 = arith.constant 1953 : i32
      %lt3A_135 = arith.cmpi slt, %add3A_131, %lt3A_134 : i32
      %and3A_136 = arith.andi %lt3A_133, %lt3A_135 : i1
      %convert_element_type3A_137 = arith.extui %and3A_136 : i1 to i32
      %cond3A_138 = arith.constant 0 : i32
      %cond3A_139 = arith.cmpi ne, %convert_element_type3A_137, %cond3A_138 : i32
      scf.if %cond3A_139 {
        %dma_wait3A_199 = arith.constant 0 : i32
        %dma_wait3A_200 = arith.constant 0 : i32
        %dma_wait3A_201 = arith.constant 0 : i32
        %dma_wait3A_202 = tpu.memref_slice %arg8[%dma_wait3A_200, %dma_wait3A_201] : memref<64x512xf32, #tpu.memory_space<vmem>> -> memref<8x512xf32, #tpu.memory_space<vmem>>
        %dma_wait3A_203 = arith.constant 0 : i32
        %dma_wait3A_204 = arith.constant 0 : i32
        %dma_wait3A_205 = tpu.memref_slice %arg2[%dma_wait3A_199, %dma_wait3A_203, %dma_wait3A_204] : memref<8x8x1000001xf32, #tpu.memory_space<hbm>> -> memref<1x8x512xf32, #tpu.memory_space<hbm>>
        %dma_wait3A_206 = tpu.memref_squeeze %dma_wait3A_205 : memref<1x8x512xf32, #tpu.memory_space<hbm>> -> memref<8x512xf32, #tpu.memory_space<hbm>>
        %dma_wait3A_207 = arith.constant 0 : i32
        %dma_wait3A_208 = arith.constant 0 : i32
        %dma_wait3A_209 = tpu.memref_slice %arg8[%dma_wait3A_207, %dma_wait3A_208] : memref<64x512xf32, #tpu.memory_space<vmem>> -> memref<8x512xf32, #tpu.memory_space<vmem>>
        %dma_wait3A_210 = arith.constant 0 : i32
        %dma_wait3A_211 = arith.constant 0 : i32
        %dma_wait3A_212 = tpu.memref_slice %arg2[%dma_wait3A_199, %dma_wait3A_210, %dma_wait3A_211] : memref<8x8x1000001xf32, #tpu.memory_space<hbm>> -> memref<1x8x512xf32, #tpu.memory_space<hbm>>
        %dma_wait3A_213 = tpu.memref_squeeze %dma_wait3A_212 : memref<1x8x512xf32, #tpu.memory_space<hbm>> -> memref<8x512xf32, #tpu.memory_space<hbm>>
        tpu.wait_dma2 semaphore(%arg14 : memref<!tpu.dma_semaphore, #tpu.memory_space<semaphore_mem>>) src(%dma_wait3A_213 : memref<8x512xf32, #tpu.memory_space<hbm>>) dst(%dma_wait3A_209 : memref<8x512xf32, #tpu.memory_space<vmem>>)
        %dma_wait3A_214 = arith.constant 0 : i32
        %dma_wait3A_215 = arith.constant 8 : i32
        %dma_wait3A_216 = arith.constant 0 : i32
        %dma_wait3A_217 = tpu.memref_slice %arg8[%dma_wait3A_215, %dma_wait3A_216] : memref<64x512xf32, #tpu.memory_space<vmem>> -> memref<8x512xf32, #tpu.memory_space<vmem>>
        %dma_wait3A_218 = arith.constant 0 : i32
        %dma_wait3A_219 = arith.constant 0 : i32
        %dma_wait3A_220 = tpu.memref_slice %arg2[%dma_wait3A_214, %dma_wait3A_218, %dma_wait3A_219] : memref<8x8x1000001xf32, #tpu.memory_space<hbm>> -> memref<1x8x512xf32, #tpu.memory_space<hbm>>
        %dma_wait3A_221 = tpu.memref_squeeze %dma_wait3A_220 : memref<1x8x512xf32, #tpu.memory_space<hbm>> -> memref<8x512xf32, #tpu.memory_space<hbm>>
        %dma_wait3A_222 = arith.constant 8 : i32
        %dma_wait3A_223 = arith.constant 0 : i32
        %dma_wait3A_224 = tpu.memref_slice %arg8[%dma_wait3A_222, %dma_wait3A_223] : memref<64x512xf32, #tpu.memory_space<vmem>> -> memref<8x512xf32, #tpu.memory_space<vmem>>
        %dma_wait3A_225 = arith.constant 0 : i32
        %dma_wait3A_226 = arith.constant 0 : i32
        %dma_wait3A_227 = tpu.memref_slice %arg2[%dma_wait3A_214, %dma_wait3A_225, %dma_wait3A_226] : memref<8x8x1000001xf32, #tpu.memory_space<hbm>> -> memref<1x8x512xf32, #tpu.memory_space<hbm>>
        %dma_wait3A_228 = tpu.memref_squeeze %dma_wait3A_227 : memref<1x8x512xf32, #tpu.memory_space<hbm>> -> memref<8x512xf32, #tpu.memory_space<hbm>>
        tpu.wait_dma2 semaphore(%arg14 : memref<!tpu.dma_semaphore, #tpu.memory_space<semaphore_mem>>) src(%dma_wait3A_228 : memref<8x512xf32, #tpu.memory_space<hbm>>) dst(%dma_wait3A_224 : memref<8x512xf32, #tpu.memory_space<vmem>>)
        %dma_wait3A_229 = arith.constant 0 : i32
        %dma_wait3A_230 = arith.constant 16 : i32
        %dma_wait3A_231 = arith.constant 0 : i32
        %dma_wait3A_232 = tpu.memref_slice %arg8[%dma_wait3A_230, %dma_wait3A_231] : memref<64x512xf32, #tpu.memory_space<vmem>> -> memref<8x512xf32, #tpu.memory_space<vmem>>
        %dma_wait3A_233 = arith.constant 0 : i32
        %dma_wait3A_234 = arith.constant 0 : i32
        %dma_wait3A_235 = tpu.memref_slice %arg2[%dma_wait3A_229, %dma_wait3A_233, %dma_wait3A_234] : memref<8x8x1000001xf32, #tpu.memory_space<hbm>> -> memref<1x8x512xf32, #tpu.memory_space<hbm>>
        %dma_wait3A_236 = tpu.memref_squeeze %dma_wait3A_235 : memref<1x8x512xf32, #tpu.memory_space<hbm>> -> memref<8x512xf32, #tpu.memory_space<hbm>>
        %dma_wait3A_237 = arith.constant 16 : i32
        %dma_wait3A_238 = arith.constant 0 : i32
        %dma_wait3A_239 = tpu.memref_slice %arg8[%dma_wait3A_237, %dma_wait3A_238] : memref<64x512xf32, #tpu.memory_space<vmem>> -> memref<8x512xf32, #tpu.memory_space<vmem>>
        %dma_wait3A_240 = arith.constant 0 : i32
        %dma_wait3A_241 = arith.constant 0 : i32
        %dma_wait3A_242 = tpu.memref_slice %arg2[%dma_wait3A_229, %dma_wait3A_240, %dma_wait3A_241] : memref<8x8x1000001xf32, #tpu.memory_space<hbm>> -> memref<1x8x512xf32, #tpu.memory_space<hbm>>
        %dma_wait3A_243 = tpu.memref_squeeze %dma_wait3A_242 : memref<1x8x512xf32, #tpu.memory_space<hbm>> -> memref<8x512xf32, #tpu.memory_space<hbm>>
        tpu.wait_dma2 semaphore(%arg14 : memref<!tpu.dma_semaphore, #tpu.memory_space<semaphore_mem>>) src(%dma_wait3A_243 : memref<8x512xf32, #tpu.memory_space<hbm>>) dst(%dma_wait3A_239 : memref<8x512xf32, #tpu.memory_space<vmem>>)
        %dma_wait3A_244 = arith.constant 0 : i32
        %dma_wait3A_245 = arith.constant 24 : i32
        %dma_wait3A_246 = arith.constant 0 : i32
        %dma_wait3A_247 = tpu.memref_slice %arg8[%dma_wait3A_245, %dma_wait3A_246] : memref<64x512xf32, #tpu.memory_space<vmem>> -> memref<8x512xf32, #tpu.memory_space<vmem>>
        %dma_wait3A_248 = arith.constant 0 : i32
        %dma_wait3A_249 = arith.constant 0 : i32
        %dma_wait3A_250 = tpu.memref_slice %arg2[%dma_wait3A_244, %dma_wait3A_248, %dma_wait3A_249] : memref<8x8x1000001xf32, #tpu.memory_space<hbm>> -> memref<1x8x512xf32, #tpu.memory_space<hbm>>
        %dma_wait3A_251 = tpu.memref_squeeze %dma_wait3A_250 : memref<1x8x512xf32, #tpu.memory_space<hbm>> -> memref<8x512xf32, #tpu.memory_space<hbm>>
        %dma_wait3A_252 = arith.constant 24 : i32
        %dma_wait3A_253 = arith.constant 0 : i32
        %dma_wait3A_254 = tpu.memref_slice %arg8[%dma_wait3A_252, %dma_wait3A_253] : memref<64x512xf32, #tpu.memory_space<vmem>> -> memref<8x512xf32, #tpu.memory_space<vmem>>
        %dma_wait3A_255 = arith.constant 0 : i32
        %dma_wait3A_256 = arith.constant 0 : i32
        %dma_wait3A_257 = tpu.memref_slice %arg2[%dma_wait3A_244, %dma_wait3A_255, %dma_wait3A_256] : memref<8x8x1000001xf32, #tpu.memory_space<hbm>> -> memref<1x8x512xf32, #tpu.memory_space<hbm>>
        %dma_wait3A_258 = tpu.memref_squeeze %dma_wait3A_257 : memref<1x8x512xf32, #tpu.memory_space<hbm>> -> memref<8x512xf32, #tpu.memory_space<hbm>>
        tpu.wait_dma2 semaphore(%arg14 : memref<!tpu.dma_semaphore, #tpu.memory_space<semaphore_mem>>) src(%dma_wait3A_258 : memref<8x512xf32, #tpu.memory_space<hbm>>) dst(%dma_wait3A_254 : memref<8x512xf32, #tpu.memory_space<vmem>>)
        %dma_wait3A_259 = arith.constant 0 : i32
        %dma_wait3A_260 = arith.constant 32 : i32
        %dma_wait3A_261 = arith.constant 0 : i32
        %dma_wait3A_262 = tpu.memref_slice %arg8[%dma_wait3A_260, %dma_wait3A_261] : memref<64x512xf32, #tpu.memory_space<vmem>> -> memref<8x512xf32, #tpu.memory_space<vmem>>
        %dma_wait3A_263 = arith.constant 0 : i32
        %dma_wait3A_264 = arith.constant 0 : i32
        %dma_wait3A_265 = tpu.memref_slice %arg2[%dma_wait3A_259, %dma_wait3A_263, %dma_wait3A_264] : memref<8x8x1000001xf32, #tpu.memory_space<hbm>> -> memref<1x8x512xf32, #tpu.memory_space<hbm>>
        %dma_wait3A_266 = tpu.memref_squeeze %dma_wait3A_265 : memref<1x8x512xf32, #tpu.memory_space<hbm>> -> memref<8x512xf32, #tpu.memory_space<hbm>>
        %dma_wait3A_267 = arith.constant 32 : i32
        %dma_wait3A_268 = arith.constant 0 : i32
        %dma_wait3A_269 = tpu.memref_slice %arg8[%dma_wait3A_267, %dma_wait3A_268] : memref<64x512xf32, #tpu.memory_space<vmem>> -> memref<8x512xf32, #tpu.memory_space<vmem>>
        %dma_wait3A_270 = arith.constant 0 : i32
        %dma_wait3A_271 = arith.constant 0 : i32
        %dma_wait3A_272 = tpu.memref_slice %arg2[%dma_wait3A_259, %dma_wait3A_270, %dma_wait3A_271] : memref<8x8x1000001xf32, #tpu.memory_space<hbm>> -> memref<1x8x512xf32, #tpu.memory_space<hbm>>
        %dma_wait3A_273 = tpu.memref_squeeze %dma_wait3A_272 : memref<1x8x512xf32, #tpu.memory_space<hbm>> -> memref<8x512xf32, #tpu.memory_space<hbm>>
        tpu.wait_dma2 semaphore(%arg14 : memref<!tpu.dma_semaphore, #tpu.memory_space<semaphore_mem>>) src(%dma_wait3A_273 : memref<8x512xf32, #tpu.memory_space<hbm>>) dst(%dma_wait3A_269 : memref<8x512xf32, #tpu.memory_space<vmem>>)
        %dma_wait3A_274 = arith.constant 0 : i32
        %dma_wait3A_275 = arith.constant 40 : i32
        %dma_wait3A_276 = arith.constant 0 : i32
        %dma_wait3A_277 = tpu.memref_slice %arg8[%dma_wait3A_275, %dma_wait3A_276] : memref<64x512xf32, #tpu.memory_space<vmem>> -> memref<8x512xf32, #tpu.memory_space<vmem>>
        %dma_wait3A_278 = arith.constant 0 : i32
        %dma_wait3A_279 = arith.constant 0 : i32
        %dma_wait3A_280 = tpu.memref_slice %arg2[%dma_wait3A_274, %dma_wait3A_278, %dma_wait3A_279] : memref<8x8x1000001xf32, #tpu.memory_space<hbm>> -> memref<1x8x512xf32, #tpu.memory_space<hbm>>
        %dma_wait3A_281 = tpu.memref_squeeze %dma_wait3A_280 : memref<1x8x512xf32, #tpu.memory_space<hbm>> -> memref<8x512xf32, #tpu.memory_space<hbm>>
        %dma_wait3A_282 = arith.constant 40 : i32
        %dma_wait3A_283 = arith.constant 0 : i32
        %dma_wait3A_284 = tpu.memref_slice %arg8[%dma_wait3A_282, %dma_wait3A_283] : memref<64x512xf32, #tpu.memory_space<vmem>> -> memref<8x512xf32, #tpu.memory_space<vmem>>
        %dma_wait3A_285 = arith.constant 0 : i32
        %dma_wait3A_286 = arith.constant 0 : i32
        %dma_wait3A_287 = tpu.memref_slice %arg2[%dma_wait3A_274, %dma_wait3A_285, %dma_wait3A_286] : memref<8x8x1000001xf32, #tpu.memory_space<hbm>> -> memref<1x8x512xf32, #tpu.memory_space<hbm>>
        %dma_wait3A_288 = tpu.memref_squeeze %dma_wait3A_287 : memref<1x8x512xf32, #tpu.memory_space<hbm>> -> memref<8x512xf32, #tpu.memory_space<hbm>>
        tpu.wait_dma2 semaphore(%arg14 : memref<!tpu.dma_semaphore, #tpu.memory_space<semaphore_mem>>) src(%dma_wait3A_288 : memref<8x512xf32, #tpu.memory_space<hbm>>) dst(%dma_wait3A_284 : memref<8x512xf32, #tpu.memory_space<vmem>>)
        %dma_wait3A_289 = arith.constant 0 : i32
        %dma_wait3A_290 = arith.constant 48 : i32
        %dma_wait3A_291 = arith.constant 0 : i32
        %dma_wait3A_292 = tpu.memref_slice %arg8[%dma_wait3A_290, %dma_wait3A_291] : memref<64x512xf32, #tpu.memory_space<vmem>> -> memref<8x512xf32, #tpu.memory_space<vmem>>
        %dma_wait3A_293 = arith.constant 0 : i32
        %dma_wait3A_294 = arith.constant 0 : i32
        %dma_wait3A_295 = tpu.memref_slice %arg2[%dma_wait3A_289, %dma_wait3A_293, %dma_wait3A_294] : memref<8x8x1000001xf32, #tpu.memory_space<hbm>> -> memref<1x8x512xf32, #tpu.memory_space<hbm>>
        %dma_wait3A_296 = tpu.memref_squeeze %dma_wait3A_295 : memref<1x8x512xf32, #tpu.memory_space<hbm>> -> memref<8x512xf32, #tpu.memory_space<hbm>>
        %dma_wait3A_297 = arith.constant 48 : i32
        %dma_wait3A_298 = arith.constant 0 : i32
        %dma_wait3A_299 = tpu.memref_slice %arg8[%dma_wait3A_297, %dma_wait3A_298] : memref<64x512xf32, #tpu.memory_space<vmem>> -> memref<8x512xf32, #tpu.memory_space<vmem>>
        %dma_wait3A_300 = arith.constant 0 : i32
        %dma_wait3A_301 = arith.constant 0 : i32
        %dma_wait3A_302 = tpu.memref_slice %arg2[%dma_wait3A_289, %dma_wait3A_300, %dma_wait3A_301] : memref<8x8x1000001xf32, #tpu.memory_space<hbm>> -> memref<1x8x512xf32, #tpu.memory_space<hbm>>
        %dma_wait3A_303 = tpu.memref_squeeze %dma_wait3A_302 : memref<1x8x512xf32, #tpu.memory_space<hbm>> -> memref<8x512xf32, #tpu.memory_space<hbm>>
        tpu.wait_dma2 semaphore(%arg14 : memref<!tpu.dma_semaphore, #tpu.memory_space<semaphore_mem>>) src(%dma_wait3A_303 : memref<8x512xf32, #tpu.memory_space<hbm>>) dst(%dma_wait3A_299 : memref<8x512xf32, #tpu.memory_space<vmem>>)
        %dma_wait3A_304 = arith.constant 0 : i32
        %dma_wait3A_305 = arith.constant 56 : i32
        %dma_wait3A_306 = arith.constant 0 : i32
        %dma_wait3A_307 = tpu.memref_slice %arg8[%dma_wait3A_305, %dma_wait3A_306] : memref<64x512xf32, #tpu.memory_space<vmem>> -> memref<8x512xf32, #tpu.memory_space<vmem>>
        %dma_wait3A_308 = arith.constant 0 : i32
        %dma_wait3A_309 = arith.constant 0 : i32
        %dma_wait3A_310 = tpu.memref_slice %arg2[%dma_wait3A_304, %dma_wait3A_308, %dma_wait3A_309] : memref<8x8x1000001xf32, #tpu.memory_space<hbm>> -> memref<1x8x512xf32, #tpu.memory_space<hbm>>
        %dma_wait3A_311 = tpu.memref_squeeze %dma_wait3A_310 : memref<1x8x512xf32, #tpu.memory_space<hbm>> -> memref<8x512xf32, #tpu.memory_space<hbm>>
        %dma_wait3A_312 = arith.constant 56 : i32
        %dma_wait3A_313 = arith.constant 0 : i32
        %dma_wait3A_314 = tpu.memref_slice %arg8[%dma_wait3A_312, %dma_wait3A_313] : memref<64x512xf32, #tpu.memory_space<vmem>> -> memref<8x512xf32, #tpu.memory_space<vmem>>
        %dma_wait3A_315 = arith.constant 0 : i32
        %dma_wait3A_316 = arith.constant 0 : i32
        %dma_wait3A_317 = tpu.memref_slice %arg2[%dma_wait3A_304, %dma_wait3A_315, %dma_wait3A_316] : memref<8x8x1000001xf32, #tpu.memory_space<hbm>> -> memref<1x8x512xf32, #tpu.memory_space<hbm>>
        %dma_wait3A_318 = tpu.memref_squeeze %dma_wait3A_317 : memref<1x8x512xf32, #tpu.memory_space<hbm>> -> memref<8x512xf32, #tpu.memory_space<hbm>>
        tpu.wait_dma2 semaphore(%arg14 : memref<!tpu.dma_semaphore, #tpu.memory_space<semaphore_mem>>) src(%dma_wait3A_318 : memref<8x512xf32, #tpu.memory_space<hbm>>) dst(%dma_wait3A_314 : memref<8x512xf32, #tpu.memory_space<vmem>>)
      } else {
      }
      %add3A_140 = arith.addi %mul3A_2, %mul3A_130 : i32
      %while3A_141 = arith.constant 0 : i32
      %while3A_142 = arith.subi %select_n3A, %while3A_141 : i32
      %while3A_143 = arith.addi %while3A_141, %while3A_142 : i32
      %while3A_144 = arith.constant 1 : i32
      %while3A_145 = arith.divsi %while3A_142, %while3A_144 : i32
      %while3A_146 = arith.muli %while3A_145, %while3A_144 : i32
      %while3A_147 = arith.addi %while3A_141, %while3A_146 : i32
      %while3A_148 = arith.constant 1 : i32
      %while3A_149 = scf.for %while3A_199 = %while3A_141 to %while3A_147 step %while3A_148 iter_args(%while3A_200 = %scan3A_128) -> (i32)  : i32 {
        %mul3A_201 = arith.constant 16 : i32
        %mul3A_202 = arith.muli %while3A_199, %mul3A_201 : i32
        %get3A = arith.index_cast %mul3A_202 : i32 to index
        %get3A_203 = tpu.vector_load %arg7[%get3A] {strides = array<i32>} : memref<16416xi32, #tpu.memory_space<vmem>>, vector<16xi32>,
        %and3A_204 = arith.constant 16383 : i32
        %and3A_205 = vector.broadcast %and3A_204 : i32 to vector<16xi32>
        %and3A_206 = arith.andi %get3A_203, %and3A_205 : vector<16xi32>
        %gather3A = arith.constant 0 : i32
        %gather3A_207 = tpu.memref_slice %arg6[%gather3A] : memref<16384xi32, #tpu.memory_space<vmem>> -> memref<16384xi32, #tpu.memory_space<vmem>>
        %gather3A_208 = tpu.vector_load_idx %gather3A_207[%and3A_206] : memref<16384xi32, #tpu.memory_space<vmem>>[vector<16xi32>], vector<16xi32>,
        %mul3A_209 = arith.constant 512 : i32
        %mul3A_210 = arith.muli %add3A_140, %mul3A_209 : i32
        %sub3A_211 = vector.broadcast %mul3A_210 : i32 to vector<16xi32>
        %sub3A_212 = arith.subi %gather3A_208, %sub3A_211 : vector<16xi32>
        %lt3A_213 = arith.constant 512 : i32
        %lt3A_214 = vector.broadcast %lt3A_213 : i32 to vector<16xi32>
        %lt3A_215 = arith.cmpi ult, %sub3A_212, %lt3A_214 : vector<16xi32>
        %lt3A_216 = arith.constant 999936 : i32
        %lt3A_217 = vector.broadcast %lt3A_216 : i32 to vector<16xi32>
        %lt3A_218 = arith.cmpi slt, %gather3A_208, %lt3A_217 : vector<16xi32>
        %and3A_219 = arith.andi %lt3A_215, %lt3A_218 : vector<16xi1>
        %mul3A_220 = arith.constant 16 : i32
        %mul3A_221 = arith.muli %while3A_199, %mul3A_220 : i32
        %add3A_222 = vector.broadcast %mul3A_221 : i32 to vector<16xi32>
        %add3A_223 = arith.addi %add3A_222, %iota3A : vector<16xi32>
        %lt3A_224 = vector.broadcast %scan3A_53 : i32 to vector<16xi32>
        %lt3A_225 = arith.cmpi slt, %add3A_223, %lt3A_224 : vector<16xi32>
        %and3A_226 = arith.andi %and3A_219, %lt3A_225 : vector<16xi1>
        %all_reduce_population_count3A = tpu.all_reduce %and3A_226 {dim = 0 : i64, kind = #tpu.reduction_kind<sum>} : vector<16xi1> -> vector<16xi32>
        %slice3A = vector.extract_strided_slice %all_reduce_population_count3A {offsets = [0], sizes = [1], strides = [1]} : vector<16xi32> to vector<1xi32>
        %squeeze3A = vector.extract %slice3A[0] : i32 from vector<1xi32>
        %gt3A = arith.constant 0 : i32
        %gt3A_227 = arith.cmpi sgt, %squeeze3A, %gt3A : i32
        %convert_element_type3A_228 = arith.extui %gt3A_227 : i1 to i32
        %cond3A_229 = arith.constant 0 : i32
        %cond3A_230 = arith.cmpi ne, %convert_element_type3A_228, %cond3A_229 : i32
        scf.if %cond3A_230 {
          %swap3A_242 = arith.constant 0 : index
          %swap3A_243 = tpu.vector_load %arg12[%swap3A_242] masked %and3A_226 {strides = array<i32>} : memref<16xi32, #tpu.memory_space<vmem>>, vector<16xi32>, vector<16xi1>
          tpu.vector_store %arg12[%swap3A_242], %and3A_206 masked %and3A_226 {strides = array<i32>} : memref<16xi32, #tpu.memory_space<vmem>>, vector<16xi32>, vector<16xi1>
        } else {
        }
        %while3A_231 = arith.constant 0 : i32
        %while3A_232 = arith.subi %squeeze3A, %while3A_231 : i32
        %while3A_233 = arith.addi %while3A_231, %while3A_232 : i32
        %while3A_234 = arith.constant 1 : i32
        %while3A_235 = arith.divsi %while3A_232, %while3A_234 : i32
        %while3A_236 = arith.muli %while3A_235, %while3A_234 : i32
        %while3A_237 = arith.addi %while3A_231, %while3A_236 : i32
        %while3A_238 = arith.constant 1 : i32
        %while3A_239 = scf.for %while3A_242 = %while3A_231 to %while3A_237 step %while3A_238 iter_args(%while3A_243 = %while3A_200) -> (i32)  : i32 {
          %broadcast_in_dim3A_244 = vector.broadcast %while3A_242 : i32 to vector<16xi32>
          %gather3A_245 = arith.constant 0 : i32
          %gather3A_246 = tpu.memref_slice %arg12[%gather3A_245] : memref<16xi32, #tpu.memory_space<vmem>> -> memref<16xi32, #tpu.memory_space<vmem>>
          %gather3A_247 = tpu.vector_load_idx %gather3A_246[%broadcast_in_dim3A_244] : memref<16xi32, #tpu.memory_space<vmem>>[vector<16xi32>], vector<16xi32>,
          %gather3A_248 = arith.constant 0 : i32
          %gather3A_249 = tpu.memref_slice %arg6[%gather3A_248] : memref<16384xi32, #tpu.memory_space<vmem>> -> memref<16384xi32, #tpu.memory_space<vmem>>
          %gather3A_250 = tpu.vector_load_idx %gather3A_249[%gather3A_247] : memref<16384xi32, #tpu.memory_space<vmem>>[vector<16xi32>], vector<16xi32>,
          %and3A_251 = arith.constant 511 : i32
          %and3A_252 = vector.broadcast %and3A_251 : i32 to vector<16xi32>
          %and3A_253 = arith.andi %gather3A_250, %and3A_252 : vector<16xi32>
          %add3A_254 = arith.constant 0 : i32
          %add3A_255 = vector.broadcast %add3A_254 : i32 to vector<16xi32>
          %add3A_256 = arith.addi %add3A_255, %iota3A : vector<16xi32>
          %gather3A_257 = arith.constant 0 : i32
          %gather3A_258 = arith.constant 0 : i32
          %gather3A_259 = tpu.memref_slice %arg8[%gather3A_257, %gather3A_258] : memref<64x512xf32, #tpu.memory_space<vmem>> -> memref<64x512xf32, #tpu.memory_space<vmem>>
          %gather3A_260 = tpu.vector_load_idx %gather3A_259[%add3A_256, %and3A_253] : memref<64x512xf32, #tpu.memory_space<vmem>>[vector<16xi32>, vector<16xi32>], vector<16xf32>,
          %add3A_261 = arith.constant 16 : i32
          %add3A_262 = vector.broadcast %add3A_261 : i32 to vector<16xi32>
          %add3A_263 = arith.addi %add3A_262, %iota3A : vector<16xi32>
          %gather3A_264 = arith.constant 0 : i32
          %gather3A_265 = arith.constant 0 : i32
          %gather3A_266 = tpu.memref_slice %arg8[%gather3A_264, %gather3A_265] : memref<64x512xf32, #tpu.memory_space<vmem>> -> memref<64x512xf32, #tpu.memory_space<vmem>>
          %gather3A_267 = tpu.vector_load_idx %gather3A_266[%add3A_263, %and3A_253] : memref<64x512xf32, #tpu.memory_space<vmem>>[vector<16xi32>, vector<16xi32>], vector<16xf32>,
          %add3A_268 = arith.constant 32 : i32
          %add3A_269 = vector.broadcast %add3A_268 : i32 to vector<16xi32>
          %add3A_270 = arith.addi %add3A_269, %iota3A : vector<16xi32>
          %gather3A_271 = arith.constant 0 : i32
          %gather3A_272 = arith.constant 0 : i32
          %gather3A_273 = tpu.memref_slice %arg8[%gather3A_271, %gather3A_272] : memref<64x512xf32, #tpu.memory_space<vmem>> -> memref<64x512xf32, #tpu.memory_space<vmem>>
          %gather3A_274 = tpu.vector_load_idx %gather3A_273[%add3A_270, %and3A_253] : memref<64x512xf32, #tpu.memory_space<vmem>>[vector<16xi32>, vector<16xi32>], vector<16xf32>,
          %add3A_275 = arith.constant 48 : i32
          %add3A_276 = vector.broadcast %add3A_275 : i32 to vector<16xi32>
          %add3A_277 = arith.addi %add3A_276, %iota3A : vector<16xi32>
          %gather3A_278 = arith.constant 0 : i32
          %gather3A_279 = arith.constant 0 : i32
          %gather3A_280 = tpu.memref_slice %arg8[%gather3A_278, %gather3A_279] : memref<64x512xf32, #tpu.memory_space<vmem>> -> memref<64x512xf32, #tpu.memory_space<vmem>>
          %gather3A_281 = tpu.vector_load_idx %gather3A_280[%add3A_277, %and3A_253] : memref<64x512xf32, #tpu.memory_space<vmem>>[vector<16xi32>, vector<16xi32>], vector<16xf32>,
          %broadcast_in_dim3A_282 = vector.broadcast %while3A_243 : i32 to vector<16xi32>
          %add3A_283 = arith.constant 0 : i32
          %add3A_284 = vector.broadcast %add3A_283 : i32 to vector<16xi32>
          %add3A_285 = arith.addi %add3A_284, %iota3A : vector<16xi32>
          %scatter3A = arith.constant 0 : i32
          %scatter3A_286 = arith.constant 0 : i32
          %scatter3A_287 = tpu.memref_slice %arg10[%scatter3A, %scatter3A_286] : memref<128x128xf32, #tpu.memory_space<vmem>> -> memref<128x128xf32, #tpu.memory_space<vmem>>
          tpu.vector_store_idx %scatter3A_287[%broadcast_in_dim3A_282, %add3A_285], %gather3A_260 : memref<128x128xf32, #tpu.memory_space<vmem>>[vector<16xi32>, vector<16xi32>], vector<16xf32>,
          %add3A_288 = arith.constant 16 : i32
          %add3A_289 = vector.broadcast %add3A_288 : i32 to vector<16xi32>
          %add3A_290 = arith.addi %add3A_289, %iota3A : vector<16xi32>
          %scatter3A_291 = arith.constant 0 : i32
          %scatter3A_292 = arith.constant 0 : i32
          %scatter3A_293 = tpu.memref_slice %arg10[%scatter3A_291, %scatter3A_292] : memref<128x128xf32, #tpu.memory_space<vmem>> -> memref<128x128xf32, #tpu.memory_space<vmem>>
          tpu.vector_store_idx %scatter3A_293[%broadcast_in_dim3A_282, %add3A_290], %gather3A_267 : memref<128x128xf32, #tpu.memory_space<vmem>>[vector<16xi32>, vector<16xi32>], vector<16xf32>,
          %add3A_294 = arith.constant 32 : i32
          %add3A_295 = vector.broadcast %add3A_294 : i32 to vector<16xi32>
          %add3A_296 = arith.addi %add3A_295, %iota3A : vector<16xi32>
          %scatter3A_297 = arith.constant 0 : i32
          %scatter3A_298 = arith.constant 0 : i32
          %scatter3A_299 = tpu.memref_slice %arg10[%scatter3A_297, %scatter3A_298] : memref<128x128xf32, #tpu.memory_space<vmem>> -> memref<128x128xf32, #tpu.memory_space<vmem>>
          tpu.vector_store_idx %scatter3A_299[%broadcast_in_dim3A_282, %add3A_296], %gather3A_274 : memref<128x128xf32, #tpu.memory_space<vmem>>[vector<16xi32>, vector<16xi32>], vector<16xf32>,
          %add3A_300 = arith.constant 48 : i32
          %add3A_301 = vector.broadcast %add3A_300 : i32 to vector<16xi32>
          %add3A_302 = arith.addi %add3A_301, %iota3A : vector<16xi32>
          %scatter3A_303 = arith.constant 0 : i32
          %scatter3A_304 = arith.constant 0 : i32
          %scatter3A_305 = tpu.memref_slice %arg10[%scatter3A_303, %scatter3A_304] : memref<128x128xf32, #tpu.memory_space<vmem>> -> memref<128x128xf32, #tpu.memory_space<vmem>>
          tpu.vector_store_idx %scatter3A_305[%broadcast_in_dim3A_282, %add3A_302], %gather3A_281 : memref<128x128xf32, #tpu.memory_space<vmem>>[vector<16xi32>, vector<16xi32>], vector<16xf32>,
          %lt3A_306 = arith.constant 1 : i32
          %lt3A_307 = vector.broadcast %lt3A_306 : i32 to vector<16xi32>
          %lt3A_308 = arith.cmpi slt, %iota3A, %lt3A_307 : vector<16xi32>
          %scatter3A_309 = arith.constant 0 : i32
          %scatter3A_310 = tpu.memref_slice %arg11[%scatter3A_309] : memref<128xi32, #tpu.memory_space<vmem>> -> memref<128xi32, #tpu.memory_space<vmem>>
          tpu.vector_store_idx %scatter3A_310[%broadcast_in_dim3A_282], %gather3A_247 masked %lt3A_308 : memref<128xi32, #tpu.memory_space<vmem>>[vector<16xi32>], vector<16xi32>, vector<16xi1>
          %add3A_311 = arith.constant 1 : i32
          %add3A_312 = arith.addi %while3A_243, %add3A_311 : i32
          %eq3A = arith.constant 128 : i32
          %eq3A_313 = arith.cmpi eq, %add3A_312, %eq3A : i32
          %convert_element_type3A_314 = arith.extui %eq3A_313 : i1 to i32
          %cond3A_315 = arith.constant 0 : i32
          %cond3A_316 = arith.cmpi ne, %convert_element_type3A_314, %cond3A_315 : i32
          scf.if %cond3A_316 {
            %dma_start3A_321 = arith.constant 0 : i32
            %dma_start3A_322 = arith.constant 0 : i32
            %dma_start3A_323 = tpu.memref_slice %arg5[%dma_start3A_321, %dma_start3A_322] : memref<16392x128xf32, #tpu.memory_space<hbm>> -> memref<16392x128xf32, #tpu.memory_space<hbm>>
            tpu.enqueue_indirect_dma source(%arg10 : memref<128x128xf32, #tpu.memory_space<vmem>>) target(%dma_start3A_323 : memref<16392x128xf32, #tpu.memory_space<hbm>>) offsets(%arg11 : memref<128xi32, #tpu.memory_space<vmem>>) semaphore(%arg16 : memref<!tpu.dma_semaphore, #tpu.memory_space<semaphore_mem>>)
            %dma_wait3A_324 = arith.constant 0 : i32
            %dma_wait3A_325 = arith.constant 0 : i32
            %dma_wait3A_326 = tpu.memref_slice %arg5[%dma_wait3A_324, %dma_wait3A_325] : memref<16392x128xf32, #tpu.memory_space<hbm>> -> memref<16392x128xf32, #tpu.memory_space<hbm>>
            tpu.wait_indirect_dma semaphore(%arg16 : memref<!tpu.dma_semaphore, #tpu.memory_space<semaphore_mem>>) src(%arg10 : memref<128x128xf32, #tpu.memory_space<vmem>>) dst(%dma_wait3A_326 : memref<16392x128xf32, #tpu.memory_space<hbm>>)
            %broadcast_in_dim3A_327 = arith.constant 16384 : i32
            %broadcast_in_dim3A_328 = vector.broadcast %broadcast_in_dim3A_327 : i32 to vector<16xi32>
            %swap3A_329 = arith.constant 0 : index
            %swap3A_330 = tpu.vector_load %arg11[%swap3A_329] {strides = array<i32>} : memref<128xi32, #tpu.memory_space<vmem>>, vector<16xi32>,
            tpu.vector_store %arg11[%swap3A_329], %broadcast_in_dim3A_328 {strides = array<i32>} : memref<128xi32, #tpu.memory_space<vmem>>, vector<16xi32>,
            %broadcast_in_dim3A_331 = arith.constant 16384 : i32
            %broadcast_in_dim3A_332 = vector.broadcast %broadcast_in_dim3A_331 : i32 to vector<16xi32>
            %swap3A_333 = arith.constant 16 : index
            %swap3A_334 = tpu.vector_load %arg11[%swap3A_333] {strides = array<i32>} : memref<128xi32, #tpu.memory_space<vmem>>, vector<16xi32>,
            tpu.vector_store %arg11[%swap3A_333], %broadcast_in_dim3A_332 {strides = array<i32>} : memref<128xi32, #tpu.memory_space<vmem>>, vector<16xi32>,
            %broadcast_in_dim3A_335 = arith.constant 16384 : i32
            %broadcast_in_dim3A_336 = vector.broadcast %broadcast_in_dim3A_335 : i32 to vector<16xi32>
            %swap3A_337 = arith.constant 32 : index
            %swap3A_338 = tpu.vector_load %arg11[%swap3A_337] {strides = array<i32>} : memref<128xi32, #tpu.memory_space<vmem>>, vector<16xi32>,
            tpu.vector_store %arg11[%swap3A_337], %broadcast_in_dim3A_336 {strides = array<i32>} : memref<128xi32, #tpu.memory_space<vmem>>, vector<16xi32>,
            %broadcast_in_dim3A_339 = arith.constant 16384 : i32
            %broadcast_in_dim3A_340 = vector.broadcast %broadcast_in_dim3A_339 : i32 to vector<16xi32>
            %swap3A_341 = arith.constant 48 : index
            %swap3A_342 = tpu.vector_load %arg11[%swap3A_341] {strides = array<i32>} : memref<128xi32, #tpu.memory_space<vmem>>, vector<16xi32>,
            tpu.vector_store %arg11[%swap3A_341], %broadcast_in_dim3A_340 {strides = array<i32>} : memref<128xi32, #tpu.memory_space<vmem>>, vector<16xi32>,
            %broadcast_in_dim3A_343 = arith.constant 16384 : i32
            %broadcast_in_dim3A_344 = vector.broadcast %broadcast_in_dim3A_343 : i32 to vector<16xi32>
            %swap3A_345 = arith.constant 64 : index
            %swap3A_346 = tpu.vector_load %arg11[%swap3A_345] {strides = array<i32>} : memref<128xi32, #tpu.memory_space<vmem>>, vector<16xi32>,
            tpu.vector_store %arg11[%swap3A_345], %broadcast_in_dim3A_344 {strides = array<i32>} : memref<128xi32, #tpu.memory_space<vmem>>, vector<16xi32>,
            %broadcast_in_dim3A_347 = arith.constant 16384 : i32
            %broadcast_in_dim3A_348 = vector.broadcast %broadcast_in_dim3A_347 : i32 to vector<16xi32>
            %swap3A_349 = arith.constant 80 : index
            %swap3A_350 = tpu.vector_load %arg11[%swap3A_349] {strides = array<i32>} : memref<128xi32, #tpu.memory_space<vmem>>, vector<16xi32>,
            tpu.vector_store %arg11[%swap3A_349], %broadcast_in_dim3A_348 {strides = array<i32>} : memref<128xi32, #tpu.memory_space<vmem>>, vector<16xi32>,
            %broadcast_in_dim3A_351 = arith.constant 16384 : i32
            %broadcast_in_dim3A_352 = vector.broadcast %broadcast_in_dim3A_351 : i32 to vector<16xi32>
            %swap3A_353 = arith.constant 96 : index
            %swap3A_354 = tpu.vector_load %arg11[%swap3A_353] {strides = array<i32>} : memref<128xi32, #tpu.memory_space<vmem>>, vector<16xi32>,
            tpu.vector_store %arg11[%swap3A_353], %broadcast_in_dim3A_352 {strides = array<i32>} : memref<128xi32, #tpu.memory_space<vmem>>, vector<16xi32>,
            %broadcast_in_dim3A_355 = arith.constant 16384 : i32
            %broadcast_in_dim3A_356 = vector.broadcast %broadcast_in_dim3A_355 : i32 to vector<16xi32>
            %swap3A_357 = arith.constant 112 : index
            %swap3A_358 = tpu.vector_load %arg11[%swap3A_357] {strides = array<i32>} : memref<128xi32, #tpu.memory_space<vmem>>, vector<16xi32>,
            tpu.vector_store %arg11[%swap3A_357], %broadcast_in_dim3A_356 {strides = array<i32>} : memref<128xi32, #tpu.memory_space<vmem>>, vector<16xi32>,
          } else {
          }
          %eq3A_317 = arith.constant 128 : i32
          %eq3A_318 = arith.cmpi eq, %add3A_312, %eq3A_317 : i32
          %jit3A_319 = arith.constant 0 : i32
          %select_n3A_320 = arith.select %eq3A_318, %jit3A_319, %add3A_312 : i32
          scf.yield %select_n3A_320 : i32
        }
        %while3A_240 = arith.constant 1 : i32
        %while3A_241 = scf.for %while3A_242 = %while3A_237 to %while3A_233 step %while3A_240 iter_args(%while3A_243 = %while3A_239) -> (i32)  : i32 {
          %broadcast_in_dim3A_244 = vector.broadcast %while3A_242 : i32 to vector<16xi32>
          %gather3A_245 = arith.constant 0 : i32
          %gather3A_246 = tpu.memref_slice %arg12[%gather3A_245] : memref<16xi32, #tpu.memory_space<vmem>> -> memref<16xi32, #tpu.memory_space<vmem>>
          %gather3A_247 = tpu.vector_load_idx %gather3A_246[%broadcast_in_dim3A_244] : memref<16xi32, #tpu.memory_space<vmem>>[vector<16xi32>], vector<16xi32>,
          %gather3A_248 = arith.constant 0 : i32
          %gather3A_249 = tpu.memref_slice %arg6[%gather3A_248] : memref<16384xi32, #tpu.memory_space<vmem>> -> memref<16384xi32, #tpu.memory_space<vmem>>
          %gather3A_250 = tpu.vector_load_idx %gather3A_249[%gather3A_247] : memref<16384xi32, #tpu.memory_space<vmem>>[vector<16xi32>], vector<16xi32>,
          %and3A_251 = arith.constant 511 : i32
          %and3A_252 = vector.broadcast %and3A_251 : i32 to vector<16xi32>
          %and3A_253 = arith.andi %gather3A_250, %and3A_252 : vector<16xi32>
          %add3A_254 = arith.constant 0 : i32
          %add3A_255 = vector.broadcast %add3A_254 : i32 to vector<16xi32>
          %add3A_256 = arith.addi %add3A_255, %iota3A : vector<16xi32>
          %gather3A_257 = arith.constant 0 : i32
          %gather3A_258 = arith.constant 0 : i32
          %gather3A_259 = tpu.memref_slice %arg8[%gather3A_257, %gather3A_258] : memref<64x512xf32, #tpu.memory_space<vmem>> -> memref<64x512xf32, #tpu.memory_space<vmem>>
          %gather3A_260 = tpu.vector_load_idx %gather3A_259[%add3A_256, %and3A_253] : memref<64x512xf32, #tpu.memory_space<vmem>>[vector<16xi32>, vector<16xi32>], vector<16xf32>,
          %add3A_261 = arith.constant 16 : i32
          %add3A_262 = vector.broadcast %add3A_261 : i32 to vector<16xi32>
          %add3A_263 = arith.addi %add3A_262, %iota3A : vector<16xi32>
          %gather3A_264 = arith.constant 0 : i32
          %gather3A_265 = arith.constant 0 : i32
          %gather3A_266 = tpu.memref_slice %arg8[%gather3A_264, %gather3A_265] : memref<64x512xf32, #tpu.memory_space<vmem>> -> memref<64x512xf32, #tpu.memory_space<vmem>>
          %gather3A_267 = tpu.vector_load_idx %gather3A_266[%add3A_263, %and3A_253] : memref<64x512xf32, #tpu.memory_space<vmem>>[vector<16xi32>, vector<16xi32>], vector<16xf32>,
          %add3A_268 = arith.constant 32 : i32
          %add3A_269 = vector.broadcast %add3A_268 : i32 to vector<16xi32>
          %add3A_270 = arith.addi %add3A_269, %iota3A : vector<16xi32>
          %gather3A_271 = arith.constant 0 : i32
          %gather3A_272 = arith.constant 0 : i32
          %gather3A_273 = tpu.memref_slice %arg8[%gather3A_271, %gather3A_272] : memref<64x512xf32, #tpu.memory_space<vmem>> -> memref<64x512xf32, #tpu.memory_space<vmem>>
          %gather3A_274 = tpu.vector_load_idx %gather3A_273[%add3A_270, %and3A_253] : memref<64x512xf32, #tpu.memory_space<vmem>>[vector<16xi32>, vector<16xi32>], vector<16xf32>,
          %add3A_275 = arith.constant 48 : i32
          %add3A_276 = vector.broadcast %add3A_275 : i32 to vector<16xi32>
          %add3A_277 = arith.addi %add3A_276, %iota3A : vector<16xi32>
          %gather3A_278 = arith.constant 0 : i32
          %gather3A_279 = arith.constant 0 : i32
          %gather3A_280 = tpu.memref_slice %arg8[%gather3A_278, %gather3A_279] : memref<64x512xf32, #tpu.memory_space<vmem>> -> memref<64x512xf32, #tpu.memory_space<vmem>>
          %gather3A_281 = tpu.vector_load_idx %gather3A_280[%add3A_277, %and3A_253] : memref<64x512xf32, #tpu.memory_space<vmem>>[vector<16xi32>, vector<16xi32>], vector<16xf32>,
          %broadcast_in_dim3A_282 = vector.broadcast %while3A_243 : i32 to vector<16xi32>
          %add3A_283 = arith.constant 0 : i32
          %add3A_284 = vector.broadcast %add3A_283 : i32 to vector<16xi32>
          %add3A_285 = arith.addi %add3A_284, %iota3A : vector<16xi32>
          %scatter3A = arith.constant 0 : i32
          %scatter3A_286 = arith.constant 0 : i32
          %scatter3A_287 = tpu.memref_slice %arg10[%scatter3A, %scatter3A_286] : memref<128x128xf32, #tpu.memory_space<vmem>> -> memref<128x128xf32, #tpu.memory_space<vmem>>
          tpu.vector_store_idx %scatter3A_287[%broadcast_in_dim3A_282, %add3A_285], %gather3A_260 : memref<128x128xf32, #tpu.memory_space<vmem>>[vector<16xi32>, vector<16xi32>], vector<16xf32>,
          %add3A_288 = arith.constant 16 : i32
          %add3A_289 = vector.broadcast %add3A_288 : i32 to vector<16xi32>
          %add3A_290 = arith.addi %add3A_289, %iota3A : vector<16xi32>
          %scatter3A_291 = arith.constant 0 : i32
          %scatter3A_292 = arith.constant 0 : i32
          %scatter3A_293 = tpu.memref_slice %arg10[%scatter3A_291, %scatter3A_292] : memref<128x128xf32, #tpu.memory_space<vmem>> -> memref<128x128xf32, #tpu.memory_space<vmem>>
          tpu.vector_store_idx %scatter3A_293[%broadcast_in_dim3A_282, %add3A_290], %gather3A_267 : memref<128x128xf32, #tpu.memory_space<vmem>>[vector<16xi32>, vector<16xi32>], vector<16xf32>,
          %add3A_294 = arith.constant 32 : i32
          %add3A_295 = vector.broadcast %add3A_294 : i32 to vector<16xi32>
          %add3A_296 = arith.addi %add3A_295, %iota3A : vector<16xi32>
          %scatter3A_297 = arith.constant 0 : i32
          %scatter3A_298 = arith.constant 0 : i32
          %scatter3A_299 = tpu.memref_slice %arg10[%scatter3A_297, %scatter3A_298] : memref<128x128xf32, #tpu.memory_space<vmem>> -> memref<128x128xf32, #tpu.memory_space<vmem>>
          tpu.vector_store_idx %scatter3A_299[%broadcast_in_dim3A_282, %add3A_296], %gather3A_274 : memref<128x128xf32, #tpu.memory_space<vmem>>[vector<16xi32>, vector<16xi32>], vector<16xf32>,
          %add3A_300 = arith.constant 48 : i32
          %add3A_301 = vector.broadcast %add3A_300 : i32 to vector<16xi32>
          %add3A_302 = arith.addi %add3A_301, %iota3A : vector<16xi32>
          %scatter3A_303 = arith.constant 0 : i32
          %scatter3A_304 = arith.constant 0 : i32
          %scatter3A_305 = tpu.memref_slice %arg10[%scatter3A_303, %scatter3A_304] : memref<128x128xf32, #tpu.memory_space<vmem>> -> memref<128x128xf32, #tpu.memory_space<vmem>>
          tpu.vector_store_idx %scatter3A_305[%broadcast_in_dim3A_282, %add3A_302], %gather3A_281 : memref<128x128xf32, #tpu.memory_space<vmem>>[vector<16xi32>, vector<16xi32>], vector<16xf32>,
          %lt3A_306 = arith.constant 1 : i32
          %lt3A_307 = vector.broadcast %lt3A_306 : i32 to vector<16xi32>
          %lt3A_308 = arith.cmpi slt, %iota3A, %lt3A_307 : vector<16xi32>
          %scatter3A_309 = arith.constant 0 : i32
          %scatter3A_310 = tpu.memref_slice %arg11[%scatter3A_309] : memref<128xi32, #tpu.memory_space<vmem>> -> memref<128xi32, #tpu.memory_space<vmem>>
          tpu.vector_store_idx %scatter3A_310[%broadcast_in_dim3A_282], %gather3A_247 masked %lt3A_308 : memref<128xi32, #tpu.memory_space<vmem>>[vector<16xi32>], vector<16xi32>, vector<16xi1>
          %add3A_311 = arith.constant 1 : i32
          %add3A_312 = arith.addi %while3A_243, %add3A_311 : i32
          %eq3A = arith.constant 128 : i32
          %eq3A_313 = arith.cmpi eq, %add3A_312, %eq3A : i32
          %convert_element_type3A_314 = arith.extui %eq3A_313 : i1 to i32
          %cond3A_315 = arith.constant 0 : i32
          %cond3A_316 = arith.cmpi ne, %convert_element_type3A_314, %cond3A_315 : i32
          scf.if %cond3A_316 {
            %dma_start3A_321 = arith.constant 0 : i32
            %dma_start3A_322 = arith.constant 0 : i32
            %dma_start3A_323 = tpu.memref_slice %arg5[%dma_start3A_321, %dma_start3A_322] : memref<16392x128xf32, #tpu.memory_space<hbm>> -> memref<16392x128xf32, #tpu.memory_space<hbm>>
            tpu.enqueue_indirect_dma source(%arg10 : memref<128x128xf32, #tpu.memory_space<vmem>>) target(%dma_start3A_323 : memref<16392x128xf32, #tpu.memory_space<hbm>>) offsets(%arg11 : memref<128xi32, #tpu.memory_space<vmem>>) semaphore(%arg16 : memref<!tpu.dma_semaphore, #tpu.memory_space<semaphore_mem>>)
            %dma_wait3A_324 = arith.constant 0 : i32
            %dma_wait3A_325 = arith.constant 0 : i32
            %dma_wait3A_326 = tpu.memref_slice %arg5[%dma_wait3A_324, %dma_wait3A_325] : memref<16392x128xf32, #tpu.memory_space<hbm>> -> memref<16392x128xf32, #tpu.memory_space<hbm>>
            tpu.wait_indirect_dma semaphore(%arg16 : memref<!tpu.dma_semaphore, #tpu.memory_space<semaphore_mem>>) src(%arg10 : memref<128x128xf32, #tpu.memory_space<vmem>>) dst(%dma_wait3A_326 : memref<16392x128xf32, #tpu.memory_space<hbm>>)
            %broadcast_in_dim3A_327 = arith.constant 16384 : i32
            %broadcast_in_dim3A_328 = vector.broadcast %broadcast_in_dim3A_327 : i32 to vector<16xi32>
            %swap3A_329 = arith.constant 0 : index
            %swap3A_330 = tpu.vector_load %arg11[%swap3A_329] {strides = array<i32>} : memref<128xi32, #tpu.memory_space<vmem>>, vector<16xi32>,
            tpu.vector_store %arg11[%swap3A_329], %broadcast_in_dim3A_328 {strides = array<i32>} : memref<128xi32, #tpu.memory_space<vmem>>, vector<16xi32>,
            %broadcast_in_dim3A_331 = arith.constant 16384 : i32
            %broadcast_in_dim3A_332 = vector.broadcast %broadcast_in_dim3A_331 : i32 to vector<16xi32>
            %swap3A_333 = arith.constant 16 : index
            %swap3A_334 = tpu.vector_load %arg11[%swap3A_333] {strides = array<i32>} : memref<128xi32, #tpu.memory_space<vmem>>, vector<16xi32>,
            tpu.vector_store %arg11[%swap3A_333], %broadcast_in_dim3A_332 {strides = array<i32>} : memref<128xi32, #tpu.memory_space<vmem>>, vector<16xi32>,
            %broadcast_in_dim3A_335 = arith.constant 16384 : i32
            %broadcast_in_dim3A_336 = vector.broadcast %broadcast_in_dim3A_335 : i32 to vector<16xi32>
            %swap3A_337 = arith.constant 32 : index
            %swap3A_338 = tpu.vector_load %arg11[%swap3A_337] {strides = array<i32>} : memref<128xi32, #tpu.memory_space<vmem>>, vector<16xi32>,
            tpu.vector_store %arg11[%swap3A_337], %broadcast_in_dim3A_336 {strides = array<i32>} : memref<128xi32, #tpu.memory_space<vmem>>, vector<16xi32>,
            %broadcast_in_dim3A_339 = arith.constant 16384 : i32
            %broadcast_in_dim3A_340 = vector.broadcast %broadcast_in_dim3A_339 : i32 to vector<16xi32>
            %swap3A_341 = arith.constant 48 : index
            %swap3A_342 = tpu.vector_load %arg11[%swap3A_341] {strides = array<i32>} : memref<128xi32, #tpu.memory_space<vmem>>, vector<16xi32>,
            tpu.vector_store %arg11[%swap3A_341], %broadcast_in_dim3A_340 {strides = array<i32>} : memref<128xi32, #tpu.memory_space<vmem>>, vector<16xi32>,
            %broadcast_in_dim3A_343 = arith.constant 16384 : i32
            %broadcast_in_dim3A_344 = vector.broadcast %broadcast_in_dim3A_343 : i32 to vector<16xi32>
            %swap3A_345 = arith.constant 64 : index
            %swap3A_346 = tpu.vector_load %arg11[%swap3A_345] {strides = array<i32>} : memref<128xi32, #tpu.memory_space<vmem>>, vector<16xi32>,
            tpu.vector_store %arg11[%swap3A_345], %broadcast_in_dim3A_344 {strides = array<i32>} : memref<128xi32, #tpu.memory_space<vmem>>, vector<16xi32>,
            %broadcast_in_dim3A_347 = arith.constant 16384 : i32
            %broadcast_in_dim3A_348 = vector.broadcast %broadcast_in_dim3A_347 : i32 to vector<16xi32>
            %swap3A_349 = arith.constant 80 : index
            %swap3A_350 = tpu.vector_load %arg11[%swap3A_349] {strides = array<i32>} : memref<128xi32, #tpu.memory_space<vmem>>, vector<16xi32>,
            tpu.vector_store %arg11[%swap3A_349], %broadcast_in_dim3A_348 {strides = array<i32>} : memref<128xi32, #tpu.memory_space<vmem>>, vector<16xi32>,
            %broadcast_in_dim3A_351 = arith.constant 16384 : i32
            %broadcast_in_dim3A_352 = vector.broadcast %broadcast_in_dim3A_351 : i32 to vector<16xi32>
            %swap3A_353 = arith.constant 96 : index
            %swap3A_354 = tpu.vector_load %arg11[%swap3A_353] {strides = array<i32>} : memref<128xi32, #tpu.memory_space<vmem>>, vector<16xi32>,
            tpu.vector_store %arg11[%swap3A_353], %broadcast_in_dim3A_352 {strides = array<i32>} : memref<128xi32, #tpu.memory_space<vmem>>, vector<16xi32>,
            %broadcast_in_dim3A_355 = arith.constant 16384 : i32
            %broadcast_in_dim3A_356 = vector.broadcast %broadcast_in_dim3A_355 : i32 to vector<16xi32>
            %swap3A_357 = arith.constant 112 : index
            %swap3A_358 = tpu.vector_load %arg11[%swap3A_357] {strides = array<i32>} : memref<128xi32, #tpu.memory_space<vmem>>, vector<16xi32>,
            tpu.vector_store %arg11[%swap3A_357], %broadcast_in_dim3A_356 {strides = array<i32>} : memref<128xi32, #tpu.memory_space<vmem>>, vector<16xi32>,
          } else {
          }
          %eq3A_317 = arith.constant 128 : i32
          %eq3A_318 = arith.cmpi eq, %add3A_312, %eq3A_317 : i32
          %jit3A_319 = arith.constant 0 : i32
          %select_n3A_320 = arith.select %eq3A_318, %jit3A_319, %add3A_312 : i32
          scf.yield %select_n3A_320 : i32
        }
        scf.yield %while3A_241 : i32
      }
      %while3A_150 = arith.constant 1 : i32
      %while3A_151 = scf.for %while3A_199 = %while3A_147 to %while3A_143 step %while3A_150 iter_args(%while3A_200 = %while3A_149) -> (i32)  : i32 {
        %mul3A_201 = arith.constant 16 : i32
        %mul3A_202 = arith.muli %while3A_199, %mul3A_201 : i32
        %get3A = arith.index_cast %mul3A_202 : i32 to index
        %get3A_203 = tpu.vector_load %arg7[%get3A] {strides = array<i32>} : memref<16416xi32, #tpu.memory_space<vmem>>, vector<16xi32>,
        %and3A_204 = arith.constant 16383 : i32
        %and3A_205 = vector.broadcast %and3A_204 : i32 to vector<16xi32>
        %and3A_206 = arith.andi %get3A_203, %and3A_205 : vector<16xi32>
        %gather3A = arith.constant 0 : i32
        %gather3A_207 = tpu.memref_slice %arg6[%gather3A] : memref<16384xi32, #tpu.memory_space<vmem>> -> memref<16384xi32, #tpu.memory_space<vmem>>
        %gather3A_208 = tpu.vector_load_idx %gather3A_207[%and3A_206] : memref<16384xi32, #tpu.memory_space<vmem>>[vector<16xi32>], vector<16xi32>,
        %mul3A_209 = arith.constant 512 : i32
        %mul3A_210 = arith.muli %add3A_140, %mul3A_209 : i32
        %sub3A_211 = vector.broadcast %mul3A_210 : i32 to vector<16xi32>
        %sub3A_212 = arith.subi %gather3A_208, %sub3A_211 : vector<16xi32>
        %lt3A_213 = arith.constant 512 : i32
        %lt3A_214 = vector.broadcast %lt3A_213 : i32 to vector<16xi32>
        %lt3A_215 = arith.cmpi ult, %sub3A_212, %lt3A_214 : vector<16xi32>
        %lt3A_216 = arith.constant 999936 : i32
        %lt3A_217 = vector.broadcast %lt3A_216 : i32 to vector<16xi32>
        %lt3A_218 = arith.cmpi slt, %gather3A_208, %lt3A_217 : vector<16xi32>
        %and3A_219 = arith.andi %lt3A_215, %lt3A_218 : vector<16xi1>
        %mul3A_220 = arith.constant 16 : i32
        %mul3A_221 = arith.muli %while3A_199, %mul3A_220 : i32
        %add3A_222 = vector.broadcast %mul3A_221 : i32 to vector<16xi32>
        %add3A_223 = arith.addi %add3A_222, %iota3A : vector<16xi32>
        %lt3A_224 = vector.broadcast %scan3A_53 : i32 to vector<16xi32>
        %lt3A_225 = arith.cmpi slt, %add3A_223, %lt3A_224 : vector<16xi32>
        %and3A_226 = arith.andi %and3A_219, %lt3A_225 : vector<16xi1>
        %all_reduce_population_count3A = tpu.all_reduce %and3A_226 {dim = 0 : i64, kind = #tpu.reduction_kind<sum>} : vector<16xi1> -> vector<16xi32>
        %slice3A = vector.extract_strided_slice %all_reduce_population_count3A {offsets = [0], sizes = [1], strides = [1]} : vector<16xi32> to vector<1xi32>
        %squeeze3A = vector.extract %slice3A[0] : i32 from vector<1xi32>
        %gt3A = arith.constant 0 : i32
        %gt3A_227 = arith.cmpi sgt, %squeeze3A, %gt3A : i32
        %convert_element_type3A_228 = arith.extui %gt3A_227 : i1 to i32
        %cond3A_229 = arith.constant 0 : i32
        %cond3A_230 = arith.cmpi ne, %convert_element_type3A_228, %cond3A_229 : i32
        scf.if %cond3A_230 {
          %swap3A_242 = arith.constant 0 : index
          %swap3A_243 = tpu.vector_load %arg12[%swap3A_242] masked %and3A_226 {strides = array<i32>} : memref<16xi32, #tpu.memory_space<vmem>>, vector<16xi32>, vector<16xi1>
          tpu.vector_store %arg12[%swap3A_242], %and3A_206 masked %and3A_226 {strides = array<i32>} : memref<16xi32, #tpu.memory_space<vmem>>, vector<16xi32>, vector<16xi1>
        } else {
        }
        %while3A_231 = arith.constant 0 : i32
        %while3A_232 = arith.subi %squeeze3A, %while3A_231 : i32
        %while3A_233 = arith.addi %while3A_231, %while3A_232 : i32
        %while3A_234 = arith.constant 1 : i32
        %while3A_235 = arith.divsi %while3A_232, %while3A_234 : i32
        %while3A_236 = arith.muli %while3A_235, %while3A_234 : i32
        %while3A_237 = arith.addi %while3A_231, %while3A_236 : i32
        %while3A_238 = arith.constant 1 : i32
        %while3A_239 = scf.for %while3A_242 = %while3A_231 to %while3A_237 step %while3A_238 iter_args(%while3A_243 = %while3A_200) -> (i32)  : i32 {
          %broadcast_in_dim3A_244 = vector.broadcast %while3A_242 : i32 to vector<16xi32>
          %gather3A_245 = arith.constant 0 : i32
          %gather3A_246 = tpu.memref_slice %arg12[%gather3A_245] : memref<16xi32, #tpu.memory_space<vmem>> -> memref<16xi32, #tpu.memory_space<vmem>>
          %gather3A_247 = tpu.vector_load_idx %gather3A_246[%broadcast_in_dim3A_244] : memref<16xi32, #tpu.memory_space<vmem>>[vector<16xi32>], vector<16xi32>,
          %gather3A_248 = arith.constant 0 : i32
          %gather3A_249 = tpu.memref_slice %arg6[%gather3A_248] : memref<16384xi32, #tpu.memory_space<vmem>> -> memref<16384xi32, #tpu.memory_space<vmem>>
          %gather3A_250 = tpu.vector_load_idx %gather3A_249[%gather3A_247] : memref<16384xi32, #tpu.memory_space<vmem>>[vector<16xi32>], vector<16xi32>,
          %and3A_251 = arith.constant 511 : i32
          %and3A_252 = vector.broadcast %and3A_251 : i32 to vector<16xi32>
          %and3A_253 = arith.andi %gather3A_250, %and3A_252 : vector<16xi32>
          %add3A_254 = arith.constant 0 : i32
          %add3A_255 = vector.broadcast %add3A_254 : i32 to vector<16xi32>
          %add3A_256 = arith.addi %add3A_255, %iota3A : vector<16xi32>
          %gather3A_257 = arith.constant 0 : i32
          %gather3A_258 = arith.constant 0 : i32
          %gather3A_259 = tpu.memref_slice %arg8[%gather3A_257, %gather3A_258] : memref<64x512xf32, #tpu.memory_space<vmem>> -> memref<64x512xf32, #tpu.memory_space<vmem>>
          %gather3A_260 = tpu.vector_load_idx %gather3A_259[%add3A_256, %and3A_253] : memref<64x512xf32, #tpu.memory_space<vmem>>[vector<16xi32>, vector<16xi32>], vector<16xf32>,
          %add3A_261 = arith.constant 16 : i32
          %add3A_262 = vector.broadcast %add3A_261 : i32 to vector<16xi32>
          %add3A_263 = arith.addi %add3A_262, %iota3A : vector<16xi32>
          %gather3A_264 = arith.constant 0 : i32
          %gather3A_265 = arith.constant 0 : i32
          %gather3A_266 = tpu.memref_slice %arg8[%gather3A_264, %gather3A_265] : memref<64x512xf32, #tpu.memory_space<vmem>> -> memref<64x512xf32, #tpu.memory_space<vmem>>
          %gather3A_267 = tpu.vector_load_idx %gather3A_266[%add3A_263, %and3A_253] : memref<64x512xf32, #tpu.memory_space<vmem>>[vector<16xi32>, vector<16xi32>], vector<16xf32>,
          %add3A_268 = arith.constant 32 : i32
          %add3A_269 = vector.broadcast %add3A_268 : i32 to vector<16xi32>
          %add3A_270 = arith.addi %add3A_269, %iota3A : vector<16xi32>
          %gather3A_271 = arith.constant 0 : i32
          %gather3A_272 = arith.constant 0 : i32
          %gather3A_273 = tpu.memref_slice %arg8[%gather3A_271, %gather3A_272] : memref<64x512xf32, #tpu.memory_space<vmem>> -> memref<64x512xf32, #tpu.memory_space<vmem>>
          %gather3A_274 = tpu.vector_load_idx %gather3A_273[%add3A_270, %and3A_253] : memref<64x512xf32, #tpu.memory_space<vmem>>[vector<16xi32>, vector<16xi32>], vector<16xf32>,
          %add3A_275 = arith.constant 48 : i32
          %add3A_276 = vector.broadcast %add3A_275 : i32 to vector<16xi32>
          %add3A_277 = arith.addi %add3A_276, %iota3A : vector<16xi32>
          %gather3A_278 = arith.constant 0 : i32
          %gather3A_279 = arith.constant 0 : i32
          %gather3A_280 = tpu.memref_slice %arg8[%gather3A_278, %gather3A_279] : memref<64x512xf32, #tpu.memory_space<vmem>> -> memref<64x512xf32, #tpu.memory_space<vmem>>
          %gather3A_281 = tpu.vector_load_idx %gather3A_280[%add3A_277, %and3A_253] : memref<64x512xf32, #tpu.memory_space<vmem>>[vector<16xi32>, vector<16xi32>], vector<16xf32>,
          %broadcast_in_dim3A_282 = vector.broadcast %while3A_243 : i32 to vector<16xi32>
          %add3A_283 = arith.constant 0 : i32
          %add3A_284 = vector.broadcast %add3A_283 : i32 to vector<16xi32>
          %add3A_285 = arith.addi %add3A_284, %iota3A : vector<16xi32>
          %scatter3A = arith.constant 0 : i32
          %scatter3A_286 = arith.constant 0 : i32
          %scatter3A_287 = tpu.memref_slice %arg10[%scatter3A, %scatter3A_286] : memref<128x128xf32, #tpu.memory_space<vmem>> -> memref<128x128xf32, #tpu.memory_space<vmem>>
          tpu.vector_store_idx %scatter3A_287[%broadcast_in_dim3A_282, %add3A_285], %gather3A_260 : memref<128x128xf32, #tpu.memory_space<vmem>>[vector<16xi32>, vector<16xi32>], vector<16xf32>,
          %add3A_288 = arith.constant 16 : i32
          %add3A_289 = vector.broadcast %add3A_288 : i32 to vector<16xi32>
          %add3A_290 = arith.addi %add3A_289, %iota3A : vector<16xi32>
          %scatter3A_291 = arith.constant 0 : i32
          %scatter3A_292 = arith.constant 0 : i32
          %scatter3A_293 = tpu.memref_slice %arg10[%scatter3A_291, %scatter3A_292] : memref<128x128xf32, #tpu.memory_space<vmem>> -> memref<128x128xf32, #tpu.memory_space<vmem>>
          tpu.vector_store_idx %scatter3A_293[%broadcast_in_dim3A_282, %add3A_290], %gather3A_267 : memref<128x128xf32, #tpu.memory_space<vmem>>[vector<16xi32>, vector<16xi32>], vector<16xf32>,
          %add3A_294 = arith.constant 32 : i32
          %add3A_295 = vector.broadcast %add3A_294 : i32 to vector<16xi32>
          %add3A_296 = arith.addi %add3A_295, %iota3A : vector<16xi32>
          %scatter3A_297 = arith.constant 0 : i32
          %scatter3A_298 = arith.constant 0 : i32
          %scatter3A_299 = tpu.memref_slice %arg10[%scatter3A_297, %scatter3A_298] : memref<128x128xf32, #tpu.memory_space<vmem>> -> memref<128x128xf32, #tpu.memory_space<vmem>>
          tpu.vector_store_idx %scatter3A_299[%broadcast_in_dim3A_282, %add3A_296], %gather3A_274 : memref<128x128xf32, #tpu.memory_space<vmem>>[vector<16xi32>, vector<16xi32>], vector<16xf32>,
          %add3A_300 = arith.constant 48 : i32
          %add3A_301 = vector.broadcast %add3A_300 : i32 to vector<16xi32>
          %add3A_302 = arith.addi %add3A_301, %iota3A : vector<16xi32>
          %scatter3A_303 = arith.constant 0 : i32
          %scatter3A_304 = arith.constant 0 : i32
          %scatter3A_305 = tpu.memref_slice %arg10[%scatter3A_303, %scatter3A_304] : memref<128x128xf32, #tpu.memory_space<vmem>> -> memref<128x128xf32, #tpu.memory_space<vmem>>
          tpu.vector_store_idx %scatter3A_305[%broadcast_in_dim3A_282, %add3A_302], %gather3A_281 : memref<128x128xf32, #tpu.memory_space<vmem>>[vector<16xi32>, vector<16xi32>], vector<16xf32>,
          %lt3A_306 = arith.constant 1 : i32
          %lt3A_307 = vector.broadcast %lt3A_306 : i32 to vector<16xi32>
          %lt3A_308 = arith.cmpi slt, %iota3A, %lt3A_307 : vector<16xi32>
          %scatter3A_309 = arith.constant 0 : i32
          %scatter3A_310 = tpu.memref_slice %arg11[%scatter3A_309] : memref<128xi32, #tpu.memory_space<vmem>> -> memref<128xi32, #tpu.memory_space<vmem>>
          tpu.vector_store_idx %scatter3A_310[%broadcast_in_dim3A_282], %gather3A_247 masked %lt3A_308 : memref<128xi32, #tpu.memory_space<vmem>>[vector<16xi32>], vector<16xi32>, vector<16xi1>
          %add3A_311 = arith.constant 1 : i32
          %add3A_312 = arith.addi %while3A_243, %add3A_311 : i32
          %eq3A = arith.constant 128 : i32
          %eq3A_313 = arith.cmpi eq, %add3A_312, %eq3A : i32
          %convert_element_type3A_314 = arith.extui %eq3A_313 : i1 to i32
          %cond3A_315 = arith.constant 0 : i32
          %cond3A_316 = arith.cmpi ne, %convert_element_type3A_314, %cond3A_315 : i32
          scf.if %cond3A_316 {
            %dma_start3A_321 = arith.constant 0 : i32
            %dma_start3A_322 = arith.constant 0 : i32
            %dma_start3A_323 = tpu.memref_slice %arg5[%dma_start3A_321, %dma_start3A_322] : memref<16392x128xf32, #tpu.memory_space<hbm>> -> memref<16392x128xf32, #tpu.memory_space<hbm>>
            tpu.enqueue_indirect_dma source(%arg10 : memref<128x128xf32, #tpu.memory_space<vmem>>) target(%dma_start3A_323 : memref<16392x128xf32, #tpu.memory_space<hbm>>) offsets(%arg11 : memref<128xi32, #tpu.memory_space<vmem>>) semaphore(%arg16 : memref<!tpu.dma_semaphore, #tpu.memory_space<semaphore_mem>>)
            %dma_wait3A_324 = arith.constant 0 : i32
            %dma_wait3A_325 = arith.constant 0 : i32
            %dma_wait3A_326 = tpu.memref_slice %arg5[%dma_wait3A_324, %dma_wait3A_325] : memref<16392x128xf32, #tpu.memory_space<hbm>> -> memref<16392x128xf32, #tpu.memory_space<hbm>>
            tpu.wait_indirect_dma semaphore(%arg16 : memref<!tpu.dma_semaphore, #tpu.memory_space<semaphore_mem>>) src(%arg10 : memref<128x128xf32, #tpu.memory_space<vmem>>) dst(%dma_wait3A_326 : memref<16392x128xf32, #tpu.memory_space<hbm>>)
            %broadcast_in_dim3A_327 = arith.constant 16384 : i32
            %broadcast_in_dim3A_328 = vector.broadcast %broadcast_in_dim3A_327 : i32 to vector<16xi32>
            %swap3A_329 = arith.constant 0 : index
            %swap3A_330 = tpu.vector_load %arg11[%swap3A_329] {strides = array<i32>} : memref<128xi32, #tpu.memory_space<vmem>>, vector<16xi32>,
            tpu.vector_store %arg11[%swap3A_329], %broadcast_in_dim3A_328 {strides = array<i32>} : memref<128xi32, #tpu.memory_space<vmem>>, vector<16xi32>,
            %broadcast_in_dim3A_331 = arith.constant 16384 : i32
            %broadcast_in_dim3A_332 = vector.broadcast %broadcast_in_dim3A_331 : i32 to vector<16xi32>
            %swap3A_333 = arith.constant 16 : index
            %swap3A_334 = tpu.vector_load %arg11[%swap3A_333] {strides = array<i32>} : memref<128xi32, #tpu.memory_space<vmem>>, vector<16xi32>,
            tpu.vector_store %arg11[%swap3A_333], %broadcast_in_dim3A_332 {strides = array<i32>} : memref<128xi32, #tpu.memory_space<vmem>>, vector<16xi32>,
            %broadcast_in_dim3A_335 = arith.constant 16384 : i32
            %broadcast_in_dim3A_336 = vector.broadcast %broadcast_in_dim3A_335 : i32 to vector<16xi32>
            %swap3A_337 = arith.constant 32 : index
            %swap3A_338 = tpu.vector_load %arg11[%swap3A_337] {strides = array<i32>} : memref<128xi32, #tpu.memory_space<vmem>>, vector<16xi32>,
            tpu.vector_store %arg11[%swap3A_337], %broadcast_in_dim3A_336 {strides = array<i32>} : memref<128xi32, #tpu.memory_space<vmem>>, vector<16xi32>,
            %broadcast_in_dim3A_339 = arith.constant 16384 : i32
            %broadcast_in_dim3A_340 = vector.broadcast %broadcast_in_dim3A_339 : i32 to vector<16xi32>
            %swap3A_341 = arith.constant 48 : index
            %swap3A_342 = tpu.vector_load %arg11[%swap3A_341] {strides = array<i32>} : memref<128xi32, #tpu.memory_space<vmem>>, vector<16xi32>,
            tpu.vector_store %arg11[%swap3A_341], %broadcast_in_dim3A_340 {strides = array<i32>} : memref<128xi32, #tpu.memory_space<vmem>>, vector<16xi32>,
            %broadcast_in_dim3A_343 = arith.constant 16384 : i32
            %broadcast_in_dim3A_344 = vector.broadcast %broadcast_in_dim3A_343 : i32 to vector<16xi32>
            %swap3A_345 = arith.constant 64 : index
            %swap3A_346 = tpu.vector_load %arg11[%swap3A_345] {strides = array<i32>} : memref<128xi32, #tpu.memory_space<vmem>>, vector<16xi32>,
            tpu.vector_store %arg11[%swap3A_345], %broadcast_in_dim3A_344 {strides = array<i32>} : memref<128xi32, #tpu.memory_space<vmem>>, vector<16xi32>,
            %broadcast_in_dim3A_347 = arith.constant 16384 : i32
            %broadcast_in_dim3A_348 = vector.broadcast %broadcast_in_dim3A_347 : i32 to vector<16xi32>
            %swap3A_349 = arith.constant 80 : index
            %swap3A_350 = tpu.vector_load %arg11[%swap3A_349] {strides = array<i32>} : memref<128xi32, #tpu.memory_space<vmem>>, vector<16xi32>,
            tpu.vector_store %arg11[%swap3A_349], %broadcast_in_dim3A_348 {strides = array<i32>} : memref<128xi32, #tpu.memory_space<vmem>>, vector<16xi32>,
            %broadcast_in_dim3A_351 = arith.constant 16384 : i32
            %broadcast_in_dim3A_352 = vector.broadcast %broadcast_in_dim3A_351 : i32 to vector<16xi32>
            %swap3A_353 = arith.constant 96 : index
            %swap3A_354 = tpu.vector_load %arg11[%swap3A_353] {strides = array<i32>} : memref<128xi32, #tpu.memory_space<vmem>>, vector<16xi32>,
            tpu.vector_store %arg11[%swap3A_353], %broadcast_in_dim3A_352 {strides = array<i32>} : memref<128xi32, #tpu.memory_space<vmem>>, vector<16xi32>,
            %broadcast_in_dim3A_355 = arith.constant 16384 : i32
            %broadcast_in_dim3A_356 = vector.broadcast %broadcast_in_dim3A_355 : i32 to vector<16xi32>
            %swap3A_357 = arith.constant 112 : index
            %swap3A_358 = tpu.vector_load %arg11[%swap3A_357] {strides = array<i32>} : memref<128xi32, #tpu.memory_space<vmem>>, vector<16xi32>,
            tpu.vector_store %arg11[%swap3A_357], %broadcast_in_dim3A_356 {strides = array<i32>} : memref<128xi32, #tpu.memory_space<vmem>>, vector<16xi32>,
          } else {
          }
          %eq3A_317 = arith.constant 128 : i32
          %eq3A_318 = arith.cmpi eq, %add3A_312, %eq3A_317 : i32
          %jit3A_319 = arith.constant 0 : i32
          %select_n3A_320 = arith.select %eq3A_318, %jit3A_319, %add3A_312 : i32
          scf.yield %select_n3A_320 : i32
        }
        %while3A_240 = arith.constant 1 : i32
        %while3A_241 = scf.for %while3A_242 = %while3A_237 to %while3A_233 step %while3A_240 iter_args(%while3A_243 = %while3A_239) -> (i32)  : i32 {
          %broadcast_in_dim3A_244 = vector.broadcast %while3A_242 : i32 to vector<16xi32>
          %gather3A_245 = arith.constant 0 : i32
          %gather3A_246 = tpu.memref_slice %arg12[%gather3A_245] : memref<16xi32, #tpu.memory_space<vmem>> -> memref<16xi32, #tpu.memory_space<vmem>>
          %gather3A_247 = tpu.vector_load_idx %gather3A_246[%broadcast_in_dim3A_244] : memref<16xi32, #tpu.memory_space<vmem>>[vector<16xi32>], vector<16xi32>,
          %gather3A_248 = arith.constant 0 : i32
          %gather3A_249 = tpu.memref_slice %arg6[%gather3A_248] : memref<16384xi32, #tpu.memory_space<vmem>> -> memref<16384xi32, #tpu.memory_space<vmem>>
          %gather3A_250 = tpu.vector_load_idx %gather3A_249[%gather3A_247] : memref<16384xi32, #tpu.memory_space<vmem>>[vector<16xi32>], vector<16xi32>,
          %and3A_251 = arith.constant 511 : i32
          %and3A_252 = vector.broadcast %and3A_251 : i32 to vector<16xi32>
          %and3A_253 = arith.andi %gather3A_250, %and3A_252 : vector<16xi32>
          %add3A_254 = arith.constant 0 : i32
          %add3A_255 = vector.broadcast %add3A_254 : i32 to vector<16xi32>
          %add3A_256 = arith.addi %add3A_255, %iota3A : vector<16xi32>
          %gather3A_257 = arith.constant 0 : i32
          %gather3A_258 = arith.constant 0 : i32
          %gather3A_259 = tpu.memref_slice %arg8[%gather3A_257, %gather3A_258] : memref<64x512xf32, #tpu.memory_space<vmem>> -> memref<64x512xf32, #tpu.memory_space<vmem>>
          %gather3A_260 = tpu.vector_load_idx %gather3A_259[%add3A_256, %and3A_253] : memref<64x512xf32, #tpu.memory_space<vmem>>[vector<16xi32>, vector<16xi32>], vector<16xf32>,
          %add3A_261 = arith.constant 16 : i32
          %add3A_262 = vector.broadcast %add3A_261 : i32 to vector<16xi32>
          %add3A_263 = arith.addi %add3A_262, %iota3A : vector<16xi32>
          %gather3A_264 = arith.constant 0 : i32
          %gather3A_265 = arith.constant 0 : i32
          %gather3A_266 = tpu.memref_slice %arg8[%gather3A_264, %gather3A_265] : memref<64x512xf32, #tpu.memory_space<vmem>> -> memref<64x512xf32, #tpu.memory_space<vmem>>
          %gather3A_267 = tpu.vector_load_idx %gather3A_266[%add3A_263, %and3A_253] : memref<64x512xf32, #tpu.memory_space<vmem>>[vector<16xi32>, vector<16xi32>], vector<16xf32>,
          %add3A_268 = arith.constant 32 : i32
          %add3A_269 = vector.broadcast %add3A_268 : i32 to vector<16xi32>
          %add3A_270 = arith.addi %add3A_269, %iota3A : vector<16xi32>
          %gather3A_271 = arith.constant 0 : i32
          %gather3A_272 = arith.constant 0 : i32
          %gather3A_273 = tpu.memref_slice %arg8[%gather3A_271, %gather3A_272] : memref<64x512xf32, #tpu.memory_space<vmem>> -> memref<64x512xf32, #tpu.memory_space<vmem>>
          %gather3A_274 = tpu.vector_load_idx %gather3A_273[%add3A_270, %and3A_253] : memref<64x512xf32, #tpu.memory_space<vmem>>[vector<16xi32>, vector<16xi32>], vector<16xf32>,
          %add3A_275 = arith.constant 48 : i32
          %add3A_276 = vector.broadcast %add3A_275 : i32 to vector<16xi32>
          %add3A_277 = arith.addi %add3A_276, %iota3A : vector<16xi32>
          %gather3A_278 = arith.constant 0 : i32
          %gather3A_279 = arith.constant 0 : i32
          %gather3A_280 = tpu.memref_slice %arg8[%gather3A_278, %gather3A_279] : memref<64x512xf32, #tpu.memory_space<vmem>> -> memref<64x512xf32, #tpu.memory_space<vmem>>
          %gather3A_281 = tpu.vector_load_idx %gather3A_280[%add3A_277, %and3A_253] : memref<64x512xf32, #tpu.memory_space<vmem>>[vector<16xi32>, vector<16xi32>], vector<16xf32>,
          %broadcast_in_dim3A_282 = vector.broadcast %while3A_243 : i32 to vector<16xi32>
          %add3A_283 = arith.constant 0 : i32
          %add3A_284 = vector.broadcast %add3A_283 : i32 to vector<16xi32>
          %add3A_285 = arith.addi %add3A_284, %iota3A : vector<16xi32>
          %scatter3A = arith.constant 0 : i32
          %scatter3A_286 = arith.constant 0 : i32
          %scatter3A_287 = tpu.memref_slice %arg10[%scatter3A, %scatter3A_286] : memref<128x128xf32, #tpu.memory_space<vmem>> -> memref<128x128xf32, #tpu.memory_space<vmem>>
          tpu.vector_store_idx %scatter3A_287[%broadcast_in_dim3A_282, %add3A_285], %gather3A_260 : memref<128x128xf32, #tpu.memory_space<vmem>>[vector<16xi32>, vector<16xi32>], vector<16xf32>,
          %add3A_288 = arith.constant 16 : i32
          %add3A_289 = vector.broadcast %add3A_288 : i32 to vector<16xi32>
          %add3A_290 = arith.addi %add3A_289, %iota3A : vector<16xi32>
          %scatter3A_291 = arith.constant 0 : i32
          %scatter3A_292 = arith.constant 0 : i32
          %scatter3A_293 = tpu.memref_slice %arg10[%scatter3A_291, %scatter3A_292] : memref<128x128xf32, #tpu.memory_space<vmem>> -> memref<128x128xf32, #tpu.memory_space<vmem>>
          tpu.vector_store_idx %scatter3A_293[%broadcast_in_dim3A_282, %add3A_290], %gather3A_267 : memref<128x128xf32, #tpu.memory_space<vmem>>[vector<16xi32>, vector<16xi32>], vector<16xf32>,
          %add3A_294 = arith.constant 32 : i32
          %add3A_295 = vector.broadcast %add3A_294 : i32 to vector<16xi32>
          %add3A_296 = arith.addi %add3A_295, %iota3A : vector<16xi32>
          %scatter3A_297 = arith.constant 0 : i32
          %scatter3A_298 = arith.constant 0 : i32
          %scatter3A_299 = tpu.memref_slice %arg10[%scatter3A_297, %scatter3A_298] : memref<128x128xf32, #tpu.memory_space<vmem>> -> memref<128x128xf32, #tpu.memory_space<vmem>>
          tpu.vector_store_idx %scatter3A_299[%broadcast_in_dim3A_282, %add3A_296], %gather3A_274 : memref<128x128xf32, #tpu.memory_space<vmem>>[vector<16xi32>, vector<16xi32>], vector<16xf32>,
          %add3A_300 = arith.constant 48 : i32
          %add3A_301 = vector.broadcast %add3A_300 : i32 to vector<16xi32>
          %add3A_302 = arith.addi %add3A_301, %iota3A : vector<16xi32>
          %scatter3A_303 = arith.constant 0 : i32
          %scatter3A_304 = arith.constant 0 : i32
          %scatter3A_305 = tpu.memref_slice %arg10[%scatter3A_303, %scatter3A_304] : memref<128x128xf32, #tpu.memory_space<vmem>> -> memref<128x128xf32, #tpu.memory_space<vmem>>
          tpu.vector_store_idx %scatter3A_305[%broadcast_in_dim3A_282, %add3A_302], %gather3A_281 : memref<128x128xf32, #tpu.memory_space<vmem>>[vector<16xi32>, vector<16xi32>], vector<16xf32>,
          %lt3A_306 = arith.constant 1 : i32
          %lt3A_307 = vector.broadcast %lt3A_306 : i32 to vector<16xi32>
          %lt3A_308 = arith.cmpi slt, %iota3A, %lt3A_307 : vector<16xi32>
          %scatter3A_309 = arith.constant 0 : i32
          %scatter3A_310 = tpu.memref_slice %arg11[%scatter3A_309] : memref<128xi32, #tpu.memory_space<vmem>> -> memref<128xi32, #tpu.memory_space<vmem>>
          tpu.vector_store_idx %scatter3A_310[%broadcast_in_dim3A_282], %gather3A_247 masked %lt3A_308 : memref<128xi32, #tpu.memory_space<vmem>>[vector<16xi32>], vector<16xi32>, vector<16xi1>
          %add3A_311 = arith.constant 1 : i32
          %add3A_312 = arith.addi %while3A_243, %add3A_311 : i32
          %eq3A = arith.constant 128 : i32
          %eq3A_313 = arith.cmpi eq, %add3A_312, %eq3A : i32
          %convert_element_type3A_314 = arith.extui %eq3A_313 : i1 to i32
          %cond3A_315 = arith.constant 0 : i32
          %cond3A_316 = arith.cmpi ne, %convert_element_type3A_314, %cond3A_315 : i32
          scf.if %cond3A_316 {
            %dma_start3A_321 = arith.constant 0 : i32
            %dma_start3A_322 = arith.constant 0 : i32
            %dma_start3A_323 = tpu.memref_slice %arg5[%dma_start3A_321, %dma_start3A_322] : memref<16392x128xf32, #tpu.memory_space<hbm>> -> memref<16392x128xf32, #tpu.memory_space<hbm>>
            tpu.enqueue_indirect_dma source(%arg10 : memref<128x128xf32, #tpu.memory_space<vmem>>) target(%dma_start3A_323 : memref<16392x128xf32, #tpu.memory_space<hbm>>) offsets(%arg11 : memref<128xi32, #tpu.memory_space<vmem>>) semaphore(%arg16 : memref<!tpu.dma_semaphore, #tpu.memory_space<semaphore_mem>>)
            %dma_wait3A_324 = arith.constant 0 : i32
            %dma_wait3A_325 = arith.constant 0 : i32
            %dma_wait3A_326 = tpu.memref_slice %arg5[%dma_wait3A_324, %dma_wait3A_325] : memref<16392x128xf32, #tpu.memory_space<hbm>> -> memref<16392x128xf32, #tpu.memory_space<hbm>>
            tpu.wait_indirect_dma semaphore(%arg16 : memref<!tpu.dma_semaphore, #tpu.memory_space<semaphore_mem>>) src(%arg10 : memref<128x128xf32, #tpu.memory_space<vmem>>) dst(%dma_wait3A_326 : memref<16392x128xf32, #tpu.memory_space<hbm>>)
            %broadcast_in_dim3A_327 = arith.constant 16384 : i32
            %broadcast_in_dim3A_328 = vector.broadcast %broadcast_in_dim3A_327 : i32 to vector<16xi32>
            %swap3A_329 = arith.constant 0 : index
            %swap3A_330 = tpu.vector_load %arg11[%swap3A_329] {strides = array<i32>} : memref<128xi32, #tpu.memory_space<vmem>>, vector<16xi32>,
            tpu.vector_store %arg11[%swap3A_329], %broadcast_in_dim3A_328 {strides = array<i32>} : memref<128xi32, #tpu.memory_space<vmem>>, vector<16xi32>,
            %broadcast_in_dim3A_331 = arith.constant 16384 : i32
            %broadcast_in_dim3A_332 = vector.broadcast %broadcast_in_dim3A_331 : i32 to vector<16xi32>
            %swap3A_333 = arith.constant 16 : index
            %swap3A_334 = tpu.vector_load %arg11[%swap3A_333] {strides = array<i32>} : memref<128xi32, #tpu.memory_space<vmem>>, vector<16xi32>,
            tpu.vector_store %arg11[%swap3A_333], %broadcast_in_dim3A_332 {strides = array<i32>} : memref<128xi32, #tpu.memory_space<vmem>>, vector<16xi32>,
            %broadcast_in_dim3A_335 = arith.constant 16384 : i32
            %broadcast_in_dim3A_336 = vector.broadcast %broadcast_in_dim3A_335 : i32 to vector<16xi32>
            %swap3A_337 = arith.constant 32 : index
            %swap3A_338 = tpu.vector_load %arg11[%swap3A_337] {strides = array<i32>} : memref<128xi32, #tpu.memory_space<vmem>>, vector<16xi32>,
            tpu.vector_store %arg11[%swap3A_337], %broadcast_in_dim3A_336 {strides = array<i32>} : memref<128xi32, #tpu.memory_space<vmem>>, vector<16xi32>,
            %broadcast_in_dim3A_339 = arith.constant 16384 : i32
            %broadcast_in_dim3A_340 = vector.broadcast %broadcast_in_dim3A_339 : i32 to vector<16xi32>
            %swap3A_341 = arith.constant 48 : index
            %swap3A_342 = tpu.vector_load %arg11[%swap3A_341] {strides = array<i32>} : memref<128xi32, #tpu.memory_space<vmem>>, vector<16xi32>,
            tpu.vector_store %arg11[%swap3A_341], %broadcast_in_dim3A_340 {strides = array<i32>} : memref<128xi32, #tpu.memory_space<vmem>>, vector<16xi32>,
            %broadcast_in_dim3A_343 = arith.constant 16384 : i32
            %broadcast_in_dim3A_344 = vector.broadcast %broadcast_in_dim3A_343 : i32 to vector<16xi32>
            %swap3A_345 = arith.constant 64 : index
            %swap3A_346 = tpu.vector_load %arg11[%swap3A_345] {strides = array<i32>} : memref<128xi32, #tpu.memory_space<vmem>>, vector<16xi32>,
            tpu.vector_store %arg11[%swap3A_345], %broadcast_in_dim3A_344 {strides = array<i32>} : memref<128xi32, #tpu.memory_space<vmem>>, vector<16xi32>,
            %broadcast_in_dim3A_347 = arith.constant 16384 : i32
            %broadcast_in_dim3A_348 = vector.broadcast %broadcast_in_dim3A_347 : i32 to vector<16xi32>
            %swap3A_349 = arith.constant 80 : index
            %swap3A_350 = tpu.vector_load %arg11[%swap3A_349] {strides = array<i32>} : memref<128xi32, #tpu.memory_space<vmem>>, vector<16xi32>,
            tpu.vector_store %arg11[%swap3A_349], %broadcast_in_dim3A_348 {strides = array<i32>} : memref<128xi32, #tpu.memory_space<vmem>>, vector<16xi32>,
            %broadcast_in_dim3A_351 = arith.constant 16384 : i32
            %broadcast_in_dim3A_352 = vector.broadcast %broadcast_in_dim3A_351 : i32 to vector<16xi32>
            %swap3A_353 = arith.constant 96 : index
            %swap3A_354 = tpu.vector_load %arg11[%swap3A_353] {strides = array<i32>} : memref<128xi32, #tpu.memory_space<vmem>>, vector<16xi32>,
            tpu.vector_store %arg11[%swap3A_353], %broadcast_in_dim3A_352 {strides = array<i32>} : memref<128xi32, #tpu.memory_space<vmem>>, vector<16xi32>,
            %broadcast_in_dim3A_355 = arith.constant 16384 : i32
            %broadcast_in_dim3A_356 = vector.broadcast %broadcast_in_dim3A_355 : i32 to vector<16xi32>
            %swap3A_357 = arith.constant 112 : index
            %swap3A_358 = tpu.vector_load %arg11[%swap3A_357] {strides = array<i32>} : memref<128xi32, #tpu.memory_space<vmem>>, vector<16xi32>,
            tpu.vector_store %arg11[%swap3A_357], %broadcast_in_dim3A_356 {strides = array<i32>} : memref<128xi32, #tpu.memory_space<vmem>>, vector<16xi32>,
          } else {
          }
          %eq3A_317 = arith.constant 128 : i32
          %eq3A_318 = arith.cmpi eq, %add3A_312, %eq3A_317 : i32
          %jit3A_319 = arith.constant 0 : i32
          %select_n3A_320 = arith.select %eq3A_318, %jit3A_319, %add3A_312 : i32
          scf.yield %select_n3A_320 : i32
        }
        scf.yield %while3A_241 : i32
      }
      %add3A_152 = arith.constant 2 : i32
      %add3A_153 = arith.addi %mul3A_130, %add3A_152 : i32
      %add3A_154 = arith.addi %mul3A_2, %add3A_153 : i32
      %lt3A_155 = arith.constant 62 : i32
      %lt3A_156 = arith.cmpi slt, %add3A_153, %lt3A_155 : i32
      %lt3A_157 = arith.constant 1953 : i32
      %lt3A_158 = arith.cmpi slt, %add3A_154, %lt3A_157 : i32
      %and3A_159 = arith.andi %lt3A_156, %lt3A_158 : i1
      %convert_element_type3A_160 = arith.extui %and3A_159 : i1 to i32
      %cond3A_161 = arith.constant 0 : i32
      %cond3A_162 = arith.cmpi ne, %convert_element_type3A_160, %cond3A_161 : i32
      scf.if %cond3A_162 {
        %mul3A_199 = arith.constant 512 : i32
        %mul3A_200 = arith.muli %add3A_154, %mul3A_199 : i32
        %dma_start3A_201 = arith.constant 0 : i32
        %dma_start3A_202 = arith.constant 0 : i32
        %dma_start3A_203 = arith.constant 0 : i32
        %dma_start3A_204 = tpu.memref_slice %arg8[%dma_start3A_202, %dma_start3A_203] : memref<64x512xf32, #tpu.memory_space<vmem>> -> memref<8x512xf32, #tpu.memory_space<vmem>>
        %dma_start3A_205 = arith.constant 0 : i32
        %dma_start3A_206 = tpu.memref_slice %arg2[%dma_start3A_201, %dma_start3A_205, %mul3A_200] : memref<8x8x1000001xf32, #tpu.memory_space<hbm>> -> memref<1x8x512xf32, #tpu.memory_space<hbm>>
        %dma_start3A_207 = tpu.memref_squeeze %dma_start3A_206 : memref<1x8x512xf32, #tpu.memory_space<hbm>> -> memref<8x512xf32, #tpu.memory_space<hbm>>
        %dma_start3A_208 = arith.constant 0 : i32
        %dma_start3A_209 = arith.constant 0 : i32
        %dma_start3A_210 = tpu.memref_slice %arg8[%dma_start3A_208, %dma_start3A_209] : memref<64x512xf32, #tpu.memory_space<vmem>> -> memref<8x512xf32, #tpu.memory_space<vmem>>
        %dma_start3A_211 = arith.constant 0 : i32
        %dma_start3A_212 = tpu.memref_slice %arg2[%dma_start3A_201, %dma_start3A_211, %mul3A_200] : memref<8x8x1000001xf32, #tpu.memory_space<hbm>> -> memref<1x8x512xf32, #tpu.memory_space<hbm>>
        %dma_start3A_213 = tpu.memref_squeeze %dma_start3A_212 : memref<1x8x512xf32, #tpu.memory_space<hbm>> -> memref<8x512xf32, #tpu.memory_space<hbm>>
        tpu.enqueue_dma source(%dma_start3A_213 : memref<8x512xf32, #tpu.memory_space<hbm>>) target(%dma_start3A_210 : memref<8x512xf32, #tpu.memory_space<vmem>>) target_semaphore(%arg14 : memref<!tpu.dma_semaphore, #tpu.memory_space<semaphore_mem>>)
        %mul3A_214 = arith.constant 512 : i32
        %mul3A_215 = arith.muli %add3A_154, %mul3A_214 : i32
        %dma_start3A_216 = arith.constant 1 : i32
        %dma_start3A_217 = arith.constant 8 : i32
        %dma_start3A_218 = arith.constant 0 : i32
        %dma_start3A_219 = tpu.memref_slice %arg8[%dma_start3A_217, %dma_start3A_218] : memref<64x512xf32, #tpu.memory_space<vmem>> -> memref<8x512xf32, #tpu.memory_space<vmem>>
        %dma_start3A_220 = arith.constant 0 : i32
        %dma_start3A_221 = tpu.memref_slice %arg2[%dma_start3A_216, %dma_start3A_220, %mul3A_215] : memref<8x8x1000001xf32, #tpu.memory_space<hbm>> -> memref<1x8x512xf32, #tpu.memory_space<hbm>>
        %dma_start3A_222 = tpu.memref_squeeze %dma_start3A_221 : memref<1x8x512xf32, #tpu.memory_space<hbm>> -> memref<8x512xf32, #tpu.memory_space<hbm>>
        %dma_start3A_223 = arith.constant 8 : i32
        %dma_start3A_224 = arith.constant 0 : i32
        %dma_start3A_225 = tpu.memref_slice %arg8[%dma_start3A_223, %dma_start3A_224] : memref<64x512xf32, #tpu.memory_space<vmem>> -> memref<8x512xf32, #tpu.memory_space<vmem>>
        %dma_start3A_226 = arith.constant 0 : i32
        %dma_start3A_227 = tpu.memref_slice %arg2[%dma_start3A_216, %dma_start3A_226, %mul3A_215] : memref<8x8x1000001xf32, #tpu.memory_space<hbm>> -> memref<1x8x512xf32, #tpu.memory_space<hbm>>
        %dma_start3A_228 = tpu.memref_squeeze %dma_start3A_227 : memref<1x8x512xf32, #tpu.memory_space<hbm>> -> memref<8x512xf32, #tpu.memory_space<hbm>>
        tpu.enqueue_dma source(%dma_start3A_228 : memref<8x512xf32, #tpu.memory_space<hbm>>) target(%dma_start3A_225 : memref<8x512xf32, #tpu.memory_space<vmem>>) target_semaphore(%arg14 : memref<!tpu.dma_semaphore, #tpu.memory_space<semaphore_mem>>)
        %mul3A_229 = arith.constant 512 : i32
        %mul3A_230 = arith.muli %add3A_154, %mul3A_229 : i32
        %dma_start3A_231 = arith.constant 2 : i32
        %dma_start3A_232 = arith.constant 16 : i32
        %dma_start3A_233 = arith.constant 0 : i32
        %dma_start3A_234 = tpu.memref_slice %arg8[%dma_start3A_232, %dma_start3A_233] : memref<64x512xf32, #tpu.memory_space<vmem>> -> memref<8x512xf32, #tpu.memory_space<vmem>>
        %dma_start3A_235 = arith.constant 0 : i32
        %dma_start3A_236 = tpu.memref_slice %arg2[%dma_start3A_231, %dma_start3A_235, %mul3A_230] : memref<8x8x1000001xf32, #tpu.memory_space<hbm>> -> memref<1x8x512xf32, #tpu.memory_space<hbm>>
        %dma_start3A_237 = tpu.memref_squeeze %dma_start3A_236 : memref<1x8x512xf32, #tpu.memory_space<hbm>> -> memref<8x512xf32, #tpu.memory_space<hbm>>
        %dma_start3A_238 = arith.constant 16 : i32
        %dma_start3A_239 = arith.constant 0 : i32
        %dma_start3A_240 = tpu.memref_slice %arg8[%dma_start3A_238, %dma_start3A_239] : memref<64x512xf32, #tpu.memory_space<vmem>> -> memref<8x512xf32, #tpu.memory_space<vmem>>
        %dma_start3A_241 = arith.constant 0 : i32
        %dma_start3A_242 = tpu.memref_slice %arg2[%dma_start3A_231, %dma_start3A_241, %mul3A_230] : memref<8x8x1000001xf32, #tpu.memory_space<hbm>> -> memref<1x8x512xf32, #tpu.memory_space<hbm>>
        %dma_start3A_243 = tpu.memref_squeeze %dma_start3A_242 : memref<1x8x512xf32, #tpu.memory_space<hbm>> -> memref<8x512xf32, #tpu.memory_space<hbm>>
        tpu.enqueue_dma source(%dma_start3A_243 : memref<8x512xf32, #tpu.memory_space<hbm>>) target(%dma_start3A_240 : memref<8x512xf32, #tpu.memory_space<vmem>>) target_semaphore(%arg14 : memref<!tpu.dma_semaphore, #tpu.memory_space<semaphore_mem>>)
        %mul3A_244 = arith.constant 512 : i32
        %mul3A_245 = arith.muli %add3A_154, %mul3A_244 : i32
        %dma_start3A_246 = arith.constant 3 : i32
        %dma_start3A_247 = arith.constant 24 : i32
        %dma_start3A_248 = arith.constant 0 : i32
        %dma_start3A_249 = tpu.memref_slice %arg8[%dma_start3A_247, %dma_start3A_248] : memref<64x512xf32, #tpu.memory_space<vmem>> -> memref<8x512xf32, #tpu.memory_space<vmem>>
        %dma_start3A_250 = arith.constant 0 : i32
        %dma_start3A_251 = tpu.memref_slice %arg2[%dma_start3A_246, %dma_start3A_250, %mul3A_245] : memref<8x8x1000001xf32, #tpu.memory_space<hbm>> -> memref<1x8x512xf32, #tpu.memory_space<hbm>>
        %dma_start3A_252 = tpu.memref_squeeze %dma_start3A_251 : memref<1x8x512xf32, #tpu.memory_space<hbm>> -> memref<8x512xf32, #tpu.memory_space<hbm>>
        %dma_start3A_253 = arith.constant 24 : i32
        %dma_start3A_254 = arith.constant 0 : i32
        %dma_start3A_255 = tpu.memref_slice %arg8[%dma_start3A_253, %dma_start3A_254] : memref<64x512xf32, #tpu.memory_space<vmem>> -> memref<8x512xf32, #tpu.memory_space<vmem>>
        %dma_start3A_256 = arith.constant 0 : i32
        %dma_start3A_257 = tpu.memref_slice %arg2[%dma_start3A_246, %dma_start3A_256, %mul3A_245] : memref<8x8x1000001xf32, #tpu.memory_space<hbm>> -> memref<1x8x512xf32, #tpu.memory_space<hbm>>
        %dma_start3A_258 = tpu.memref_squeeze %dma_start3A_257 : memref<1x8x512xf32, #tpu.memory_space<hbm>> -> memref<8x512xf32, #tpu.memory_space<hbm>>
        tpu.enqueue_dma source(%dma_start3A_258 : memref<8x512xf32, #tpu.memory_space<hbm>>) target(%dma_start3A_255 : memref<8x512xf32, #tpu.memory_space<vmem>>) target_semaphore(%arg14 : memref<!tpu.dma_semaphore, #tpu.memory_space<semaphore_mem>>)
        %mul3A_259 = arith.constant 512 : i32
        %mul3A_260 = arith.muli %add3A_154, %mul3A_259 : i32
        %dma_start3A_261 = arith.constant 4 : i32
        %dma_start3A_262 = arith.constant 32 : i32
        %dma_start3A_263 = arith.constant 0 : i32
        %dma_start3A_264 = tpu.memref_slice %arg8[%dma_start3A_262, %dma_start3A_263] : memref<64x512xf32, #tpu.memory_space<vmem>> -> memref<8x512xf32, #tpu.memory_space<vmem>>
        %dma_start3A_265 = arith.constant 0 : i32
        %dma_start3A_266 = tpu.memref_slice %arg2[%dma_start3A_261, %dma_start3A_265, %mul3A_260] : memref<8x8x1000001xf32, #tpu.memory_space<hbm>> -> memref<1x8x512xf32, #tpu.memory_space<hbm>>
        %dma_start3A_267 = tpu.memref_squeeze %dma_start3A_266 : memref<1x8x512xf32, #tpu.memory_space<hbm>> -> memref<8x512xf32, #tpu.memory_space<hbm>>
        %dma_start3A_268 = arith.constant 32 : i32
        %dma_start3A_269 = arith.constant 0 : i32
        %dma_start3A_270 = tpu.memref_slice %arg8[%dma_start3A_268, %dma_start3A_269] : memref<64x512xf32, #tpu.memory_space<vmem>> -> memref<8x512xf32, #tpu.memory_space<vmem>>
        %dma_start3A_271 = arith.constant 0 : i32
        %dma_start3A_272 = tpu.memref_slice %arg2[%dma_start3A_261, %dma_start3A_271, %mul3A_260] : memref<8x8x1000001xf32, #tpu.memory_space<hbm>> -> memref<1x8x512xf32, #tpu.memory_space<hbm>>
        %dma_start3A_273 = tpu.memref_squeeze %dma_start3A_272 : memref<1x8x512xf32, #tpu.memory_space<hbm>> -> memref<8x512xf32, #tpu.memory_space<hbm>>
        tpu.enqueue_dma source(%dma_start3A_273 : memref<8x512xf32, #tpu.memory_space<hbm>>) target(%dma_start3A_270 : memref<8x512xf32, #tpu.memory_space<vmem>>) target_semaphore(%arg14 : memref<!tpu.dma_semaphore, #tpu.memory_space<semaphore_mem>>)
        %mul3A_274 = arith.constant 512 : i32
        %mul3A_275 = arith.muli %add3A_154, %mul3A_274 : i32
        %dma_start3A_276 = arith.constant 5 : i32
        %dma_start3A_277 = arith.constant 40 : i32
        %dma_start3A_278 = arith.constant 0 : i32
        %dma_start3A_279 = tpu.memref_slice %arg8[%dma_start3A_277, %dma_start3A_278] : memref<64x512xf32, #tpu.memory_space<vmem>> -> memref<8x512xf32, #tpu.memory_space<vmem>>
        %dma_start3A_280 = arith.constant 0 : i32
        %dma_start3A_281 = tpu.memref_slice %arg2[%dma_start3A_276, %dma_start3A_280, %mul3A_275] : memref<8x8x1000001xf32, #tpu.memory_space<hbm>> -> memref<1x8x512xf32, #tpu.memory_space<hbm>>
        %dma_start3A_282 = tpu.memref_squeeze %dma_start3A_281 : memref<1x8x512xf32, #tpu.memory_space<hbm>> -> memref<8x512xf32, #tpu.memory_space<hbm>>
        %dma_start3A_283 = arith.constant 40 : i32
        %dma_start3A_284 = arith.constant 0 : i32
        %dma_start3A_285 = tpu.memref_slice %arg8[%dma_start3A_283, %dma_start3A_284] : memref<64x512xf32, #tpu.memory_space<vmem>> -> memref<8x512xf32, #tpu.memory_space<vmem>>
        %dma_start3A_286 = arith.constant 0 : i32
        %dma_start3A_287 = tpu.memref_slice %arg2[%dma_start3A_276, %dma_start3A_286, %mul3A_275] : memref<8x8x1000001xf32, #tpu.memory_space<hbm>> -> memref<1x8x512xf32, #tpu.memory_space<hbm>>
        %dma_start3A_288 = tpu.memref_squeeze %dma_start3A_287 : memref<1x8x512xf32, #tpu.memory_space<hbm>> -> memref<8x512xf32, #tpu.memory_space<hbm>>
        tpu.enqueue_dma source(%dma_start3A_288 : memref<8x512xf32, #tpu.memory_space<hbm>>) target(%dma_start3A_285 : memref<8x512xf32, #tpu.memory_space<vmem>>) target_semaphore(%arg14 : memref<!tpu.dma_semaphore, #tpu.memory_space<semaphore_mem>>)
        %mul3A_289 = arith.constant 512 : i32
        %mul3A_290 = arith.muli %add3A_154, %mul3A_289 : i32
        %dma_start3A_291 = arith.constant 6 : i32
        %dma_start3A_292 = arith.constant 48 : i32
        %dma_start3A_293 = arith.constant 0 : i32
        %dma_start3A_294 = tpu.memref_slice %arg8[%dma_start3A_292, %dma_start3A_293] : memref<64x512xf32, #tpu.memory_space<vmem>> -> memref<8x512xf32, #tpu.memory_space<vmem>>
        %dma_start3A_295 = arith.constant 0 : i32
        %dma_start3A_296 = tpu.memref_slice %arg2[%dma_start3A_291, %dma_start3A_295, %mul3A_290] : memref<8x8x1000001xf32, #tpu.memory_space<hbm>> -> memref<1x8x512xf32, #tpu.memory_space<hbm>>
        %dma_start3A_297 = tpu.memref_squeeze %dma_start3A_296 : memref<1x8x512xf32, #tpu.memory_space<hbm>> -> memref<8x512xf32, #tpu.memory_space<hbm>>
        %dma_start3A_298 = arith.constant 48 : i32
        %dma_start3A_299 = arith.constant 0 : i32
        %dma_start3A_300 = tpu.memref_slice %arg8[%dma_start3A_298, %dma_start3A_299] : memref<64x512xf32, #tpu.memory_space<vmem>> -> memref<8x512xf32, #tpu.memory_space<vmem>>
        %dma_start3A_301 = arith.constant 0 : i32
        %dma_start3A_302 = tpu.memref_slice %arg2[%dma_start3A_291, %dma_start3A_301, %mul3A_290] : memref<8x8x1000001xf32, #tpu.memory_space<hbm>> -> memref<1x8x512xf32, #tpu.memory_space<hbm>>
        %dma_start3A_303 = tpu.memref_squeeze %dma_start3A_302 : memref<1x8x512xf32, #tpu.memory_space<hbm>> -> memref<8x512xf32, #tpu.memory_space<hbm>>
        tpu.enqueue_dma source(%dma_start3A_303 : memref<8x512xf32, #tpu.memory_space<hbm>>) target(%dma_start3A_300 : memref<8x512xf32, #tpu.memory_space<vmem>>) target_semaphore(%arg14 : memref<!tpu.dma_semaphore, #tpu.memory_space<semaphore_mem>>)
        %mul3A_304 = arith.constant 512 : i32
        %mul3A_305 = arith.muli %add3A_154, %mul3A_304 : i32
        %dma_start3A_306 = arith.constant 7 : i32
        %dma_start3A_307 = arith.constant 56 : i32
        %dma_start3A_308 = arith.constant 0 : i32
        %dma_start3A_309 = tpu.memref_slice %arg8[%dma_start3A_307, %dma_start3A_308] : memref<64x512xf32, #tpu.memory_space<vmem>> -> memref<8x512xf32, #tpu.memory_space<vmem>>
        %dma_start3A_310 = arith.constant 0 : i32
        %dma_start3A_311 = tpu.memref_slice %arg2[%dma_start3A_306, %dma_start3A_310, %mul3A_305] : memref<8x8x1000001xf32, #tpu.memory_space<hbm>> -> memref<1x8x512xf32, #tpu.memory_space<hbm>>
        %dma_start3A_312 = tpu.memref_squeeze %dma_start3A_311 : memref<1x8x512xf32, #tpu.memory_space<hbm>> -> memref<8x512xf32, #tpu.memory_space<hbm>>
        %dma_start3A_313 = arith.constant 56 : i32
        %dma_start3A_314 = arith.constant 0 : i32
        %dma_start3A_315 = tpu.memref_slice %arg8[%dma_start3A_313, %dma_start3A_314] : memref<64x512xf32, #tpu.memory_space<vmem>> -> memref<8x512xf32, #tpu.memory_space<vmem>>
        %dma_start3A_316 = arith.constant 0 : i32
        %dma_start3A_317 = tpu.memref_slice %arg2[%dma_start3A_306, %dma_start3A_316, %mul3A_305] : memref<8x8x1000001xf32, #tpu.memory_space<hbm>> -> memref<1x8x512xf32, #tpu.memory_space<hbm>>
        %dma_start3A_318 = tpu.memref_squeeze %dma_start3A_317 : memref<1x8x512xf32, #tpu.memory_space<hbm>> -> memref<8x512xf32, #tpu.memory_space<hbm>>
        tpu.enqueue_dma source(%dma_start3A_318 : memref<8x512xf32, #tpu.memory_space<hbm>>) target(%dma_start3A_315 : memref<8x512xf32, #tpu.memory_space<vmem>>) target_semaphore(%arg14 : memref<!tpu.dma_semaphore, #tpu.memory_space<semaphore_mem>>)
      } else {
      }
      %add3A_163 = arith.constant 1 : i32
      %add3A_164 = arith.addi %mul3A_130, %add3A_163 : i32
      %add3A_165 = arith.addi %mul3A_2, %add3A_164 : i32
      %lt3A_166 = arith.constant 62 : i32
      %lt3A_167 = arith.cmpi slt, %add3A_164, %lt3A_166 : i32
      %lt3A_168 = arith.constant 1953 : i32
      %lt3A_169 = arith.cmpi slt, %add3A_165, %lt3A_168 : i32
      %and3A_170 = arith.andi %lt3A_167, %lt3A_169 : i1
      %convert_element_type3A_171 = arith.extui %and3A_170 : i1 to i32
      %cond3A_172 = arith.constant 0 : i32
      %cond3A_173 = arith.cmpi ne, %convert_element_type3A_171, %cond3A_172 : i32
      scf.if %cond3A_173 {
        %dma_wait3A_199 = arith.constant 0 : i32
        %dma_wait3A_200 = arith.constant 0 : i32
        %dma_wait3A_201 = arith.constant 0 : i32
        %dma_wait3A_202 = tpu.memref_slice %arg9[%dma_wait3A_200, %dma_wait3A_201] : memref<64x512xf32, #tpu.memory_space<vmem>> -> memref<8x512xf32, #tpu.memory_space<vmem>>
        %dma_wait3A_203 = arith.constant 0 : i32
        %dma_wait3A_204 = arith.constant 0 : i32
        %dma_wait3A_205 = tpu.memref_slice %arg2[%dma_wait3A_199, %dma_wait3A_203, %dma_wait3A_204] : memref<8x8x1000001xf32, #tpu.memory_space<hbm>> -> memref<1x8x512xf32, #tpu.memory_space<hbm>>
        %dma_wait3A_206 = tpu.memref_squeeze %dma_wait3A_205 : memref<1x8x512xf32, #tpu.memory_space<hbm>> -> memref<8x512xf32, #tpu.memory_space<hbm>>
        %dma_wait3A_207 = arith.constant 0 : i32
        %dma_wait3A_208 = arith.constant 0 : i32
        %dma_wait3A_209 = tpu.memref_slice %arg9[%dma_wait3A_207, %dma_wait3A_208] : memref<64x512xf32, #tpu.memory_space<vmem>> -> memref<8x512xf32, #tpu.memory_space<vmem>>
        %dma_wait3A_210 = arith.constant 0 : i32
        %dma_wait3A_211 = arith.constant 0 : i32
        %dma_wait3A_212 = tpu.memref_slice %arg2[%dma_wait3A_199, %dma_wait3A_210, %dma_wait3A_211] : memref<8x8x1000001xf32, #tpu.memory_space<hbm>> -> memref<1x8x512xf32, #tpu.memory_space<hbm>>
        %dma_wait3A_213 = tpu.memref_squeeze %dma_wait3A_212 : memref<1x8x512xf32, #tpu.memory_space<hbm>> -> memref<8x512xf32, #tpu.memory_space<hbm>>
        tpu.wait_dma2 semaphore(%arg15 : memref<!tpu.dma_semaphore, #tpu.memory_space<semaphore_mem>>) src(%dma_wait3A_213 : memref<8x512xf32, #tpu.memory_space<hbm>>) dst(%dma_wait3A_209 : memref<8x512xf32, #tpu.memory_space<vmem>>)
        %dma_wait3A_214 = arith.constant 0 : i32
        %dma_wait3A_215 = arith.constant 8 : i32
        %dma_wait3A_216 = arith.constant 0 : i32
        %dma_wait3A_217 = tpu.memref_slice %arg9[%dma_wait3A_215, %dma_wait3A_216] : memref<64x512xf32, #tpu.memory_space<vmem>> -> memref<8x512xf32, #tpu.memory_space<vmem>>
        %dma_wait3A_218 = arith.constant 0 : i32
        %dma_wait3A_219 = arith.constant 0 : i32
        %dma_wait3A_220 = tpu.memref_slice %arg2[%dma_wait3A_214, %dma_wait3A_218, %dma_wait3A_219] : memref<8x8x1000001xf32, #tpu.memory_space<hbm>> -> memref<1x8x512xf32, #tpu.memory_space<hbm>>
        %dma_wait3A_221 = tpu.memref_squeeze %dma_wait3A_220 : memref<1x8x512xf32, #tpu.memory_space<hbm>> -> memref<8x512xf32, #tpu.memory_space<hbm>>
        %dma_wait3A_222 = arith.constant 8 : i32
        %dma_wait3A_223 = arith.constant 0 : i32
        %dma_wait3A_224 = tpu.memref_slice %arg9[%dma_wait3A_222, %dma_wait3A_223] : memref<64x512xf32, #tpu.memory_space<vmem>> -> memref<8x512xf32, #tpu.memory_space<vmem>>
        %dma_wait3A_225 = arith.constant 0 : i32
        %dma_wait3A_226 = arith.constant 0 : i32
        %dma_wait3A_227 = tpu.memref_slice %arg2[%dma_wait3A_214, %dma_wait3A_225, %dma_wait3A_226] : memref<8x8x1000001xf32, #tpu.memory_space<hbm>> -> memref<1x8x512xf32, #tpu.memory_space<hbm>>
        %dma_wait3A_228 = tpu.memref_squeeze %dma_wait3A_227 : memref<1x8x512xf32, #tpu.memory_space<hbm>> -> memref<8x512xf32, #tpu.memory_space<hbm>>
        tpu.wait_dma2 semaphore(%arg15 : memref<!tpu.dma_semaphore, #tpu.memory_space<semaphore_mem>>) src(%dma_wait3A_228 : memref<8x512xf32, #tpu.memory_space<hbm>>) dst(%dma_wait3A_224 : memref<8x512xf32, #tpu.memory_space<vmem>>)
        %dma_wait3A_229 = arith.constant 0 : i32
        %dma_wait3A_230 = arith.constant 16 : i32
        %dma_wait3A_231 = arith.constant 0 : i32
        %dma_wait3A_232 = tpu.memref_slice %arg9[%dma_wait3A_230, %dma_wait3A_231] : memref<64x512xf32, #tpu.memory_space<vmem>> -> memref<8x512xf32, #tpu.memory_space<vmem>>
        %dma_wait3A_233 = arith.constant 0 : i32
        %dma_wait3A_234 = arith.constant 0 : i32
        %dma_wait3A_235 = tpu.memref_slice %arg2[%dma_wait3A_229, %dma_wait3A_233, %dma_wait3A_234] : memref<8x8x1000001xf32, #tpu.memory_space<hbm>> -> memref<1x8x512xf32, #tpu.memory_space<hbm>>
        %dma_wait3A_236 = tpu.memref_squeeze %dma_wait3A_235 : memref<1x8x512xf32, #tpu.memory_space<hbm>> -> memref<8x512xf32, #tpu.memory_space<hbm>>
        %dma_wait3A_237 = arith.constant 16 : i32
        %dma_wait3A_238 = arith.constant 0 : i32
        %dma_wait3A_239 = tpu.memref_slice %arg9[%dma_wait3A_237, %dma_wait3A_238] : memref<64x512xf32, #tpu.memory_space<vmem>> -> memref<8x512xf32, #tpu.memory_space<vmem>>
        %dma_wait3A_240 = arith.constant 0 : i32
        %dma_wait3A_241 = arith.constant 0 : i32
        %dma_wait3A_242 = tpu.memref_slice %arg2[%dma_wait3A_229, %dma_wait3A_240, %dma_wait3A_241] : memref<8x8x1000001xf32, #tpu.memory_space<hbm>> -> memref<1x8x512xf32, #tpu.memory_space<hbm>>
        %dma_wait3A_243 = tpu.memref_squeeze %dma_wait3A_242 : memref<1x8x512xf32, #tpu.memory_space<hbm>> -> memref<8x512xf32, #tpu.memory_space<hbm>>
        tpu.wait_dma2 semaphore(%arg15 : memref<!tpu.dma_semaphore, #tpu.memory_space<semaphore_mem>>) src(%dma_wait3A_243 : memref<8x512xf32, #tpu.memory_space<hbm>>) dst(%dma_wait3A_239 : memref<8x512xf32, #tpu.memory_space<vmem>>)
        %dma_wait3A_244 = arith.constant 0 : i32
        %dma_wait3A_245 = arith.constant 24 : i32
        %dma_wait3A_246 = arith.constant 0 : i32
        %dma_wait3A_247 = tpu.memref_slice %arg9[%dma_wait3A_245, %dma_wait3A_246] : memref<64x512xf32, #tpu.memory_space<vmem>> -> memref<8x512xf32, #tpu.memory_space<vmem>>
        %dma_wait3A_248 = arith.constant 0 : i32
        %dma_wait3A_249 = arith.constant 0 : i32
        %dma_wait3A_250 = tpu.memref_slice %arg2[%dma_wait3A_244, %dma_wait3A_248, %dma_wait3A_249] : memref<8x8x1000001xf32, #tpu.memory_space<hbm>> -> memref<1x8x512xf32, #tpu.memory_space<hbm>>
        %dma_wait3A_251 = tpu.memref_squeeze %dma_wait3A_250 : memref<1x8x512xf32, #tpu.memory_space<hbm>> -> memref<8x512xf32, #tpu.memory_space<hbm>>
        %dma_wait3A_252 = arith.constant 24 : i32
        %dma_wait3A_253 = arith.constant 0 : i32
        %dma_wait3A_254 = tpu.memref_slice %arg9[%dma_wait3A_252, %dma_wait3A_253] : memref<64x512xf32, #tpu.memory_space<vmem>> -> memref<8x512xf32, #tpu.memory_space<vmem>>
        %dma_wait3A_255 = arith.constant 0 : i32
        %dma_wait3A_256 = arith.constant 0 : i32
        %dma_wait3A_257 = tpu.memref_slice %arg2[%dma_wait3A_244, %dma_wait3A_255, %dma_wait3A_256] : memref<8x8x1000001xf32, #tpu.memory_space<hbm>> -> memref<1x8x512xf32, #tpu.memory_space<hbm>>
        %dma_wait3A_258 = tpu.memref_squeeze %dma_wait3A_257 : memref<1x8x512xf32, #tpu.memory_space<hbm>> -> memref<8x512xf32, #tpu.memory_space<hbm>>
        tpu.wait_dma2 semaphore(%arg15 : memref<!tpu.dma_semaphore, #tpu.memory_space<semaphore_mem>>) src(%dma_wait3A_258 : memref<8x512xf32, #tpu.memory_space<hbm>>) dst(%dma_wait3A_254 : memref<8x512xf32, #tpu.memory_space<vmem>>)
        %dma_wait3A_259 = arith.constant 0 : i32
        %dma_wait3A_260 = arith.constant 32 : i32
        %dma_wait3A_261 = arith.constant 0 : i32
        %dma_wait3A_262 = tpu.memref_slice %arg9[%dma_wait3A_260, %dma_wait3A_261] : memref<64x512xf32, #tpu.memory_space<vmem>> -> memref<8x512xf32, #tpu.memory_space<vmem>>
        %dma_wait3A_263 = arith.constant 0 : i32
        %dma_wait3A_264 = arith.constant 0 : i32
        %dma_wait3A_265 = tpu.memref_slice %arg2[%dma_wait3A_259, %dma_wait3A_263, %dma_wait3A_264] : memref<8x8x1000001xf32, #tpu.memory_space<hbm>> -> memref<1x8x512xf32, #tpu.memory_space<hbm>>
        %dma_wait3A_266 = tpu.memref_squeeze %dma_wait3A_265 : memref<1x8x512xf32, #tpu.memory_space<hbm>> -> memref<8x512xf32, #tpu.memory_space<hbm>>
        %dma_wait3A_267 = arith.constant 32 : i32
        %dma_wait3A_268 = arith.constant 0 : i32
        %dma_wait3A_269 = tpu.memref_slice %arg9[%dma_wait3A_267, %dma_wait3A_268] : memref<64x512xf32, #tpu.memory_space<vmem>> -> memref<8x512xf32, #tpu.memory_space<vmem>>
        %dma_wait3A_270 = arith.constant 0 : i32
        %dma_wait3A_271 = arith.constant 0 : i32
        %dma_wait3A_272 = tpu.memref_slice %arg2[%dma_wait3A_259, %dma_wait3A_270, %dma_wait3A_271] : memref<8x8x1000001xf32, #tpu.memory_space<hbm>> -> memref<1x8x512xf32, #tpu.memory_space<hbm>>
        %dma_wait3A_273 = tpu.memref_squeeze %dma_wait3A_272 : memref<1x8x512xf32, #tpu.memory_space<hbm>> -> memref<8x512xf32, #tpu.memory_space<hbm>>
        tpu.wait_dma2 semaphore(%arg15 : memref<!tpu.dma_semaphore, #tpu.memory_space<semaphore_mem>>) src(%dma_wait3A_273 : memref<8x512xf32, #tpu.memory_space<hbm>>) dst(%dma_wait3A_269 : memref<8x512xf32, #tpu.memory_space<vmem>>)
        %dma_wait3A_274 = arith.constant 0 : i32
        %dma_wait3A_275 = arith.constant 40 : i32
        %dma_wait3A_276 = arith.constant 0 : i32
        %dma_wait3A_277 = tpu.memref_slice %arg9[%dma_wait3A_275, %dma_wait3A_276] : memref<64x512xf32, #tpu.memory_space<vmem>> -> memref<8x512xf32, #tpu.memory_space<vmem>>
        %dma_wait3A_278 = arith.constant 0 : i32
        %dma_wait3A_279 = arith.constant 0 : i32
        %dma_wait3A_280 = tpu.memref_slice %arg2[%dma_wait3A_274, %dma_wait3A_278, %dma_wait3A_279] : memref<8x8x1000001xf32, #tpu.memory_space<hbm>> -> memref<1x8x512xf32, #tpu.memory_space<hbm>>
        %dma_wait3A_281 = tpu.memref_squeeze %dma_wait3A_280 : memref<1x8x512xf32, #tpu.memory_space<hbm>> -> memref<8x512xf32, #tpu.memory_space<hbm>>
        %dma_wait3A_282 = arith.constant 40 : i32
        %dma_wait3A_283 = arith.constant 0 : i32
        %dma_wait3A_284 = tpu.memref_slice %arg9[%dma_wait3A_282, %dma_wait3A_283] : memref<64x512xf32, #tpu.memory_space<vmem>> -> memref<8x512xf32, #tpu.memory_space<vmem>>
        %dma_wait3A_285 = arith.constant 0 : i32
        %dma_wait3A_286 = arith.constant 0 : i32
        %dma_wait3A_287 = tpu.memref_slice %arg2[%dma_wait3A_274, %dma_wait3A_285, %dma_wait3A_286] : memref<8x8x1000001xf32, #tpu.memory_space<hbm>> -> memref<1x8x512xf32, #tpu.memory_space<hbm>>
        %dma_wait3A_288 = tpu.memref_squeeze %dma_wait3A_287 : memref<1x8x512xf32, #tpu.memory_space<hbm>> -> memref<8x512xf32, #tpu.memory_space<hbm>>
        tpu.wait_dma2 semaphore(%arg15 : memref<!tpu.dma_semaphore, #tpu.memory_space<semaphore_mem>>) src(%dma_wait3A_288 : memref<8x512xf32, #tpu.memory_space<hbm>>) dst(%dma_wait3A_284 : memref<8x512xf32, #tpu.memory_space<vmem>>)
        %dma_wait3A_289 = arith.constant 0 : i32
        %dma_wait3A_290 = arith.constant 48 : i32
        %dma_wait3A_291 = arith.constant 0 : i32
        %dma_wait3A_292 = tpu.memref_slice %arg9[%dma_wait3A_290, %dma_wait3A_291] : memref<64x512xf32, #tpu.memory_space<vmem>> -> memref<8x512xf32, #tpu.memory_space<vmem>>
        %dma_wait3A_293 = arith.constant 0 : i32
        %dma_wait3A_294 = arith.constant 0 : i32
        %dma_wait3A_295 = tpu.memref_slice %arg2[%dma_wait3A_289, %dma_wait3A_293, %dma_wait3A_294] : memref<8x8x1000001xf32, #tpu.memory_space<hbm>> -> memref<1x8x512xf32, #tpu.memory_space<hbm>>
        %dma_wait3A_296 = tpu.memref_squeeze %dma_wait3A_295 : memref<1x8x512xf32, #tpu.memory_space<hbm>> -> memref<8x512xf32, #tpu.memory_space<hbm>>
        %dma_wait3A_297 = arith.constant 48 : i32
        %dma_wait3A_298 = arith.constant 0 : i32
        %dma_wait3A_299 = tpu.memref_slice %arg9[%dma_wait3A_297, %dma_wait3A_298] : memref<64x512xf32, #tpu.memory_space<vmem>> -> memref<8x512xf32, #tpu.memory_space<vmem>>
        %dma_wait3A_300 = arith.constant 0 : i32
        %dma_wait3A_301 = arith.constant 0 : i32
        %dma_wait3A_302 = tpu.memref_slice %arg2[%dma_wait3A_289, %dma_wait3A_300, %dma_wait3A_301] : memref<8x8x1000001xf32, #tpu.memory_space<hbm>> -> memref<1x8x512xf32, #tpu.memory_space<hbm>>
        %dma_wait3A_303 = tpu.memref_squeeze %dma_wait3A_302 : memref<1x8x512xf32, #tpu.memory_space<hbm>> -> memref<8x512xf32, #tpu.memory_space<hbm>>
        tpu.wait_dma2 semaphore(%arg15 : memref<!tpu.dma_semaphore, #tpu.memory_space<semaphore_mem>>) src(%dma_wait3A_303 : memref<8x512xf32, #tpu.memory_space<hbm>>) dst(%dma_wait3A_299 : memref<8x512xf32, #tpu.memory_space<vmem>>)
        %dma_wait3A_304 = arith.constant 0 : i32
        %dma_wait3A_305 = arith.constant 56 : i32
        %dma_wait3A_306 = arith.constant 0 : i32
        %dma_wait3A_307 = tpu.memref_slice %arg9[%dma_wait3A_305, %dma_wait3A_306] : memref<64x512xf32, #tpu.memory_space<vmem>> -> memref<8x512xf32, #tpu.memory_space<vmem>>
        %dma_wait3A_308 = arith.constant 0 : i32
        %dma_wait3A_309 = arith.constant 0 : i32
        %dma_wait3A_310 = tpu.memref_slice %arg2[%dma_wait3A_304, %dma_wait3A_308, %dma_wait3A_309] : memref<8x8x1000001xf32, #tpu.memory_space<hbm>> -> memref<1x8x512xf32, #tpu.memory_space<hbm>>
        %dma_wait3A_311 = tpu.memref_squeeze %dma_wait3A_310 : memref<1x8x512xf32, #tpu.memory_space<hbm>> -> memref<8x512xf32, #tpu.memory_space<hbm>>
        %dma_wait3A_312 = arith.constant 56 : i32
        %dma_wait3A_313 = arith.constant 0 : i32
        %dma_wait3A_314 = tpu.memref_slice %arg9[%dma_wait3A_312, %dma_wait3A_313] : memref<64x512xf32, #tpu.memory_space<vmem>> -> memref<8x512xf32, #tpu.memory_space<vmem>>
        %dma_wait3A_315 = arith.constant 0 : i32
        %dma_wait3A_316 = arith.constant 0 : i32
        %dma_wait3A_317 = tpu.memref_slice %arg2[%dma_wait3A_304, %dma_wait3A_315, %dma_wait3A_316] : memref<8x8x1000001xf32, #tpu.memory_space<hbm>> -> memref<1x8x512xf32, #tpu.memory_space<hbm>>
        %dma_wait3A_318 = tpu.memref_squeeze %dma_wait3A_317 : memref<1x8x512xf32, #tpu.memory_space<hbm>> -> memref<8x512xf32, #tpu.memory_space<hbm>>
        tpu.wait_dma2 semaphore(%arg15 : memref<!tpu.dma_semaphore, #tpu.memory_space<semaphore_mem>>) src(%dma_wait3A_318 : memref<8x512xf32, #tpu.memory_space<hbm>>) dst(%dma_wait3A_314 : memref<8x512xf32, #tpu.memory_space<vmem>>)
      } else {
      }
      %add3A_174 = arith.constant 1 : i32
      %add3A_175 = arith.addi %mul3A_130, %add3A_174 : i32
      %add3A_176 = arith.addi %mul3A_2, %add3A_175 : i32
      %while3A_177 = arith.constant 0 : i32
      %while3A_178 = arith.subi %select_n3A, %while3A_177 : i32
      %while3A_179 = arith.addi %while3A_177, %while3A_178 : i32
      %while3A_180 = arith.constant 1 : i32
      %while3A_181 = arith.divsi %while3A_178, %while3A_180 : i32
      %while3A_182 = arith.muli %while3A_181, %while3A_180 : i32
      %while3A_183 = arith.addi %while3A_177, %while3A_182 : i32
      %while3A_184 = arith.constant 1 : i32
      %while3A_185 = scf.for %while3A_199 = %while3A_177 to %while3A_183 step %while3A_184 iter_args(%while3A_200 = %while3A_151) -> (i32)  : i32 {
        %mul3A_201 = arith.constant 16 : i32
        %mul3A_202 = arith.muli %while3A_199, %mul3A_201 : i32
        %get3A = arith.index_cast %mul3A_202 : i32 to index
        %get3A_203 = tpu.vector_load %arg7[%get3A] {strides = array<i32>} : memref<16416xi32, #tpu.memory_space<vmem>>, vector<16xi32>,
        %and3A_204 = arith.constant 16383 : i32
        %and3A_205 = vector.broadcast %and3A_204 : i32 to vector<16xi32>
        %and3A_206 = arith.andi %get3A_203, %and3A_205 : vector<16xi32>
        %gather3A = arith.constant 0 : i32
        %gather3A_207 = tpu.memref_slice %arg6[%gather3A] : memref<16384xi32, #tpu.memory_space<vmem>> -> memref<16384xi32, #tpu.memory_space<vmem>>
        %gather3A_208 = tpu.vector_load_idx %gather3A_207[%and3A_206] : memref<16384xi32, #tpu.memory_space<vmem>>[vector<16xi32>], vector<16xi32>,
        %mul3A_209 = arith.constant 512 : i32
        %mul3A_210 = arith.muli %add3A_176, %mul3A_209 : i32
        %sub3A_211 = vector.broadcast %mul3A_210 : i32 to vector<16xi32>
        %sub3A_212 = arith.subi %gather3A_208, %sub3A_211 : vector<16xi32>
        %lt3A_213 = arith.constant 512 : i32
        %lt3A_214 = vector.broadcast %lt3A_213 : i32 to vector<16xi32>
        %lt3A_215 = arith.cmpi ult, %sub3A_212, %lt3A_214 : vector<16xi32>
        %lt3A_216 = arith.constant 999936 : i32
        %lt3A_217 = vector.broadcast %lt3A_216 : i32 to vector<16xi32>
        %lt3A_218 = arith.cmpi slt, %gather3A_208, %lt3A_217 : vector<16xi32>
        %and3A_219 = arith.andi %lt3A_215, %lt3A_218 : vector<16xi1>
        %mul3A_220 = arith.constant 16 : i32
        %mul3A_221 = arith.muli %while3A_199, %mul3A_220 : i32
        %add3A_222 = vector.broadcast %mul3A_221 : i32 to vector<16xi32>
        %add3A_223 = arith.addi %add3A_222, %iota3A : vector<16xi32>
        %lt3A_224 = vector.broadcast %scan3A_53 : i32 to vector<16xi32>
        %lt3A_225 = arith.cmpi slt, %add3A_223, %lt3A_224 : vector<16xi32>
        %and3A_226 = arith.andi %and3A_219, %lt3A_225 : vector<16xi1>
        %all_reduce_population_count3A = tpu.all_reduce %and3A_226 {dim = 0 : i64, kind = #tpu.reduction_kind<sum>} : vector<16xi1> -> vector<16xi32>
        %slice3A = vector.extract_strided_slice %all_reduce_population_count3A {offsets = [0], sizes = [1], strides = [1]} : vector<16xi32> to vector<1xi32>
        %squeeze3A = vector.extract %slice3A[0] : i32 from vector<1xi32>
        %gt3A = arith.constant 0 : i32
        %gt3A_227 = arith.cmpi sgt, %squeeze3A, %gt3A : i32
        %convert_element_type3A_228 = arith.extui %gt3A_227 : i1 to i32
        %cond3A_229 = arith.constant 0 : i32
        %cond3A_230 = arith.cmpi ne, %convert_element_type3A_228, %cond3A_229 : i32
        scf.if %cond3A_230 {
          %swap3A_242 = arith.constant 0 : index
          %swap3A_243 = tpu.vector_load %arg12[%swap3A_242] masked %and3A_226 {strides = array<i32>} : memref<16xi32, #tpu.memory_space<vmem>>, vector<16xi32>, vector<16xi1>
          tpu.vector_store %arg12[%swap3A_242], %and3A_206 masked %and3A_226 {strides = array<i32>} : memref<16xi32, #tpu.memory_space<vmem>>, vector<16xi32>, vector<16xi1>
        } else {
        }
        %while3A_231 = arith.constant 0 : i32
        %while3A_232 = arith.subi %squeeze3A, %while3A_231 : i32
        %while3A_233 = arith.addi %while3A_231, %while3A_232 : i32
        %while3A_234 = arith.constant 1 : i32
        %while3A_235 = arith.divsi %while3A_232, %while3A_234 : i32
        %while3A_236 = arith.muli %while3A_235, %while3A_234 : i32
        %while3A_237 = arith.addi %while3A_231, %while3A_236 : i32
        %while3A_238 = arith.constant 1 : i32
        %while3A_239 = scf.for %while3A_242 = %while3A_231 to %while3A_237 step %while3A_238 iter_args(%while3A_243 = %while3A_200) -> (i32)  : i32 {
          %broadcast_in_dim3A_244 = vector.broadcast %while3A_242 : i32 to vector<16xi32>
          %gather3A_245 = arith.constant 0 : i32
          %gather3A_246 = tpu.memref_slice %arg12[%gather3A_245] : memref<16xi32, #tpu.memory_space<vmem>> -> memref<16xi32, #tpu.memory_space<vmem>>
          %gather3A_247 = tpu.vector_load_idx %gather3A_246[%broadcast_in_dim3A_244] : memref<16xi32, #tpu.memory_space<vmem>>[vector<16xi32>], vector<16xi32>,
          %gather3A_248 = arith.constant 0 : i32
          %gather3A_249 = tpu.memref_slice %arg6[%gather3A_248] : memref<16384xi32, #tpu.memory_space<vmem>> -> memref<16384xi32, #tpu.memory_space<vmem>>
          %gather3A_250 = tpu.vector_load_idx %gather3A_249[%gather3A_247] : memref<16384xi32, #tpu.memory_space<vmem>>[vector<16xi32>], vector<16xi32>,
          %and3A_251 = arith.constant 511 : i32
          %and3A_252 = vector.broadcast %and3A_251 : i32 to vector<16xi32>
          %and3A_253 = arith.andi %gather3A_250, %and3A_252 : vector<16xi32>
          %add3A_254 = arith.constant 0 : i32
          %add3A_255 = vector.broadcast %add3A_254 : i32 to vector<16xi32>
          %add3A_256 = arith.addi %add3A_255, %iota3A : vector<16xi32>
          %gather3A_257 = arith.constant 0 : i32
          %gather3A_258 = arith.constant 0 : i32
          %gather3A_259 = tpu.memref_slice %arg9[%gather3A_257, %gather3A_258] : memref<64x512xf32, #tpu.memory_space<vmem>> -> memref<64x512xf32, #tpu.memory_space<vmem>>
          %gather3A_260 = tpu.vector_load_idx %gather3A_259[%add3A_256, %and3A_253] : memref<64x512xf32, #tpu.memory_space<vmem>>[vector<16xi32>, vector<16xi32>], vector<16xf32>,
          %add3A_261 = arith.constant 16 : i32
          %add3A_262 = vector.broadcast %add3A_261 : i32 to vector<16xi32>
          %add3A_263 = arith.addi %add3A_262, %iota3A : vector<16xi32>
          %gather3A_264 = arith.constant 0 : i32
          %gather3A_265 = arith.constant 0 : i32
          %gather3A_266 = tpu.memref_slice %arg9[%gather3A_264, %gather3A_265] : memref<64x512xf32, #tpu.memory_space<vmem>> -> memref<64x512xf32, #tpu.memory_space<vmem>>
          %gather3A_267 = tpu.vector_load_idx %gather3A_266[%add3A_263, %and3A_253] : memref<64x512xf32, #tpu.memory_space<vmem>>[vector<16xi32>, vector<16xi32>], vector<16xf32>,
          %add3A_268 = arith.constant 32 : i32
          %add3A_269 = vector.broadcast %add3A_268 : i32 to vector<16xi32>
          %add3A_270 = arith.addi %add3A_269, %iota3A : vector<16xi32>
          %gather3A_271 = arith.constant 0 : i32
          %gather3A_272 = arith.constant 0 : i32
          %gather3A_273 = tpu.memref_slice %arg9[%gather3A_271, %gather3A_272] : memref<64x512xf32, #tpu.memory_space<vmem>> -> memref<64x512xf32, #tpu.memory_space<vmem>>
          %gather3A_274 = tpu.vector_load_idx %gather3A_273[%add3A_270, %and3A_253] : memref<64x512xf32, #tpu.memory_space<vmem>>[vector<16xi32>, vector<16xi32>], vector<16xf32>,
          %add3A_275 = arith.constant 48 : i32
          %add3A_276 = vector.broadcast %add3A_275 : i32 to vector<16xi32>
          %add3A_277 = arith.addi %add3A_276, %iota3A : vector<16xi32>
          %gather3A_278 = arith.constant 0 : i32
          %gather3A_279 = arith.constant 0 : i32
          %gather3A_280 = tpu.memref_slice %arg9[%gather3A_278, %gather3A_279] : memref<64x512xf32, #tpu.memory_space<vmem>> -> memref<64x512xf32, #tpu.memory_space<vmem>>
          %gather3A_281 = tpu.vector_load_idx %gather3A_280[%add3A_277, %and3A_253] : memref<64x512xf32, #tpu.memory_space<vmem>>[vector<16xi32>, vector<16xi32>], vector<16xf32>,
          %broadcast_in_dim3A_282 = vector.broadcast %while3A_243 : i32 to vector<16xi32>
          %add3A_283 = arith.constant 0 : i32
          %add3A_284 = vector.broadcast %add3A_283 : i32 to vector<16xi32>
          %add3A_285 = arith.addi %add3A_284, %iota3A : vector<16xi32>
          %scatter3A = arith.constant 0 : i32
          %scatter3A_286 = arith.constant 0 : i32
          %scatter3A_287 = tpu.memref_slice %arg10[%scatter3A, %scatter3A_286] : memref<128x128xf32, #tpu.memory_space<vmem>> -> memref<128x128xf32, #tpu.memory_space<vmem>>
          tpu.vector_store_idx %scatter3A_287[%broadcast_in_dim3A_282, %add3A_285], %gather3A_260 : memref<128x128xf32, #tpu.memory_space<vmem>>[vector<16xi32>, vector<16xi32>], vector<16xf32>,
          %add3A_288 = arith.constant 16 : i32
          %add3A_289 = vector.broadcast %add3A_288 : i32 to vector<16xi32>
          %add3A_290 = arith.addi %add3A_289, %iota3A : vector<16xi32>
          %scatter3A_291 = arith.constant 0 : i32
          %scatter3A_292 = arith.constant 0 : i32
          %scatter3A_293 = tpu.memref_slice %arg10[%scatter3A_291, %scatter3A_292] : memref<128x128xf32, #tpu.memory_space<vmem>> -> memref<128x128xf32, #tpu.memory_space<vmem>>
          tpu.vector_store_idx %scatter3A_293[%broadcast_in_dim3A_282, %add3A_290], %gather3A_267 : memref<128x128xf32, #tpu.memory_space<vmem>>[vector<16xi32>, vector<16xi32>], vector<16xf32>,
          %add3A_294 = arith.constant 32 : i32
          %add3A_295 = vector.broadcast %add3A_294 : i32 to vector<16xi32>
          %add3A_296 = arith.addi %add3A_295, %iota3A : vector<16xi32>
          %scatter3A_297 = arith.constant 0 : i32
          %scatter3A_298 = arith.constant 0 : i32
          %scatter3A_299 = tpu.memref_slice %arg10[%scatter3A_297, %scatter3A_298] : memref<128x128xf32, #tpu.memory_space<vmem>> -> memref<128x128xf32, #tpu.memory_space<vmem>>
          tpu.vector_store_idx %scatter3A_299[%broadcast_in_dim3A_282, %add3A_296], %gather3A_274 : memref<128x128xf32, #tpu.memory_space<vmem>>[vector<16xi32>, vector<16xi32>], vector<16xf32>,
          %add3A_300 = arith.constant 48 : i32
          %add3A_301 = vector.broadcast %add3A_300 : i32 to vector<16xi32>
          %add3A_302 = arith.addi %add3A_301, %iota3A : vector<16xi32>
          %scatter3A_303 = arith.constant 0 : i32
          %scatter3A_304 = arith.constant 0 : i32
          %scatter3A_305 = tpu.memref_slice %arg10[%scatter3A_303, %scatter3A_304] : memref<128x128xf32, #tpu.memory_space<vmem>> -> memref<128x128xf32, #tpu.memory_space<vmem>>
          tpu.vector_store_idx %scatter3A_305[%broadcast_in_dim3A_282, %add3A_302], %gather3A_281 : memref<128x128xf32, #tpu.memory_space<vmem>>[vector<16xi32>, vector<16xi32>], vector<16xf32>,
          %lt3A_306 = arith.constant 1 : i32
          %lt3A_307 = vector.broadcast %lt3A_306 : i32 to vector<16xi32>
          %lt3A_308 = arith.cmpi slt, %iota3A, %lt3A_307 : vector<16xi32>
          %scatter3A_309 = arith.constant 0 : i32
          %scatter3A_310 = tpu.memref_slice %arg11[%scatter3A_309] : memref<128xi32, #tpu.memory_space<vmem>> -> memref<128xi32, #tpu.memory_space<vmem>>
          tpu.vector_store_idx %scatter3A_310[%broadcast_in_dim3A_282], %gather3A_247 masked %lt3A_308 : memref<128xi32, #tpu.memory_space<vmem>>[vector<16xi32>], vector<16xi32>, vector<16xi1>
          %add3A_311 = arith.constant 1 : i32
          %add3A_312 = arith.addi %while3A_243, %add3A_311 : i32
          %eq3A = arith.constant 128 : i32
          %eq3A_313 = arith.cmpi eq, %add3A_312, %eq3A : i32
          %convert_element_type3A_314 = arith.extui %eq3A_313 : i1 to i32
          %cond3A_315 = arith.constant 0 : i32
          %cond3A_316 = arith.cmpi ne, %convert_element_type3A_314, %cond3A_315 : i32
          scf.if %cond3A_316 {
            %dma_start3A_321 = arith.constant 0 : i32
            %dma_start3A_322 = arith.constant 0 : i32
            %dma_start3A_323 = tpu.memref_slice %arg5[%dma_start3A_321, %dma_start3A_322] : memref<16392x128xf32, #tpu.memory_space<hbm>> -> memref<16392x128xf32, #tpu.memory_space<hbm>>
            tpu.enqueue_indirect_dma source(%arg10 : memref<128x128xf32, #tpu.memory_space<vmem>>) target(%dma_start3A_323 : memref<16392x128xf32, #tpu.memory_space<hbm>>) offsets(%arg11 : memref<128xi32, #tpu.memory_space<vmem>>) semaphore(%arg16 : memref<!tpu.dma_semaphore, #tpu.memory_space<semaphore_mem>>)
            %dma_wait3A_324 = arith.constant 0 : i32
            %dma_wait3A_325 = arith.constant 0 : i32
            %dma_wait3A_326 = tpu.memref_slice %arg5[%dma_wait3A_324, %dma_wait3A_325] : memref<16392x128xf32, #tpu.memory_space<hbm>> -> memref<16392x128xf32, #tpu.memory_space<hbm>>
            tpu.wait_indirect_dma semaphore(%arg16 : memref<!tpu.dma_semaphore, #tpu.memory_space<semaphore_mem>>) src(%arg10 : memref<128x128xf32, #tpu.memory_space<vmem>>) dst(%dma_wait3A_326 : memref<16392x128xf32, #tpu.memory_space<hbm>>)
            %broadcast_in_dim3A_327 = arith.constant 16384 : i32
            %broadcast_in_dim3A_328 = vector.broadcast %broadcast_in_dim3A_327 : i32 to vector<16xi32>
            %swap3A_329 = arith.constant 0 : index
            %swap3A_330 = tpu.vector_load %arg11[%swap3A_329] {strides = array<i32>} : memref<128xi32, #tpu.memory_space<vmem>>, vector<16xi32>,
            tpu.vector_store %arg11[%swap3A_329], %broadcast_in_dim3A_328 {strides = array<i32>} : memref<128xi32, #tpu.memory_space<vmem>>, vector<16xi32>,
            %broadcast_in_dim3A_331 = arith.constant 16384 : i32
            %broadcast_in_dim3A_332 = vector.broadcast %broadcast_in_dim3A_331 : i32 to vector<16xi32>
            %swap3A_333 = arith.constant 16 : index
            %swap3A_334 = tpu.vector_load %arg11[%swap3A_333] {strides = array<i32>} : memref<128xi32, #tpu.memory_space<vmem>>, vector<16xi32>,
            tpu.vector_store %arg11[%swap3A_333], %broadcast_in_dim3A_332 {strides = array<i32>} : memref<128xi32, #tpu.memory_space<vmem>>, vector<16xi32>,
            %broadcast_in_dim3A_335 = arith.constant 16384 : i32
            %broadcast_in_dim3A_336 = vector.broadcast %broadcast_in_dim3A_335 : i32 to vector<16xi32>
            %swap3A_337 = arith.constant 32 : index
            %swap3A_338 = tpu.vector_load %arg11[%swap3A_337] {strides = array<i32>} : memref<128xi32, #tpu.memory_space<vmem>>, vector<16xi32>,
            tpu.vector_store %arg11[%swap3A_337], %broadcast_in_dim3A_336 {strides = array<i32>} : memref<128xi32, #tpu.memory_space<vmem>>, vector<16xi32>,
            %broadcast_in_dim3A_339 = arith.constant 16384 : i32
            %broadcast_in_dim3A_340 = vector.broadcast %broadcast_in_dim3A_339 : i32 to vector<16xi32>
            %swap3A_341 = arith.constant 48 : index
            %swap3A_342 = tpu.vector_load %arg11[%swap3A_341] {strides = array<i32>} : memref<128xi32, #tpu.memory_space<vmem>>, vector<16xi32>,
            tpu.vector_store %arg11[%swap3A_341], %broadcast_in_dim3A_340 {strides = array<i32>} : memref<128xi32, #tpu.memory_space<vmem>>, vector<16xi32>,
            %broadcast_in_dim3A_343 = arith.constant 16384 : i32
            %broadcast_in_dim3A_344 = vector.broadcast %broadcast_in_dim3A_343 : i32 to vector<16xi32>
            %swap3A_345 = arith.constant 64 : index
            %swap3A_346 = tpu.vector_load %arg11[%swap3A_345] {strides = array<i32>} : memref<128xi32, #tpu.memory_space<vmem>>, vector<16xi32>,
            tpu.vector_store %arg11[%swap3A_345], %broadcast_in_dim3A_344 {strides = array<i32>} : memref<128xi32, #tpu.memory_space<vmem>>, vector<16xi32>,
            %broadcast_in_dim3A_347 = arith.constant 16384 : i32
            %broadcast_in_dim3A_348 = vector.broadcast %broadcast_in_dim3A_347 : i32 to vector<16xi32>
            %swap3A_349 = arith.constant 80 : index
            %swap3A_350 = tpu.vector_load %arg11[%swap3A_349] {strides = array<i32>} : memref<128xi32, #tpu.memory_space<vmem>>, vector<16xi32>,
            tpu.vector_store %arg11[%swap3A_349], %broadcast_in_dim3A_348 {strides = array<i32>} : memref<128xi32, #tpu.memory_space<vmem>>, vector<16xi32>,
            %broadcast_in_dim3A_351 = arith.constant 16384 : i32
            %broadcast_in_dim3A_352 = vector.broadcast %broadcast_in_dim3A_351 : i32 to vector<16xi32>
            %swap3A_353 = arith.constant 96 : index
            %swap3A_354 = tpu.vector_load %arg11[%swap3A_353] {strides = array<i32>} : memref<128xi32, #tpu.memory_space<vmem>>, vector<16xi32>,
            tpu.vector_store %arg11[%swap3A_353], %broadcast_in_dim3A_352 {strides = array<i32>} : memref<128xi32, #tpu.memory_space<vmem>>, vector<16xi32>,
            %broadcast_in_dim3A_355 = arith.constant 16384 : i32
            %broadcast_in_dim3A_356 = vector.broadcast %broadcast_in_dim3A_355 : i32 to vector<16xi32>
            %swap3A_357 = arith.constant 112 : index
            %swap3A_358 = tpu.vector_load %arg11[%swap3A_357] {strides = array<i32>} : memref<128xi32, #tpu.memory_space<vmem>>, vector<16xi32>,
            tpu.vector_store %arg11[%swap3A_357], %broadcast_in_dim3A_356 {strides = array<i32>} : memref<128xi32, #tpu.memory_space<vmem>>, vector<16xi32>,
          } else {
          }
          %eq3A_317 = arith.constant 128 : i32
          %eq3A_318 = arith.cmpi eq, %add3A_312, %eq3A_317 : i32
          %jit3A_319 = arith.constant 0 : i32
          %select_n3A_320 = arith.select %eq3A_318, %jit3A_319, %add3A_312 : i32
          scf.yield %select_n3A_320 : i32
        }
        %while3A_240 = arith.constant 1 : i32
        %while3A_241 = scf.for %while3A_242 = %while3A_237 to %while3A_233 step %while3A_240 iter_args(%while3A_243 = %while3A_239) -> (i32)  : i32 {
          %broadcast_in_dim3A_244 = vector.broadcast %while3A_242 : i32 to vector<16xi32>
          %gather3A_245 = arith.constant 0 : i32
          %gather3A_246 = tpu.memref_slice %arg12[%gather3A_245] : memref<16xi32, #tpu.memory_space<vmem>> -> memref<16xi32, #tpu.memory_space<vmem>>
          %gather3A_247 = tpu.vector_load_idx %gather3A_246[%broadcast_in_dim3A_244] : memref<16xi32, #tpu.memory_space<vmem>>[vector<16xi32>], vector<16xi32>,
          %gather3A_248 = arith.constant 0 : i32
          %gather3A_249 = tpu.memref_slice %arg6[%gather3A_248] : memref<16384xi32, #tpu.memory_space<vmem>> -> memref<16384xi32, #tpu.memory_space<vmem>>
          %gather3A_250 = tpu.vector_load_idx %gather3A_249[%gather3A_247] : memref<16384xi32, #tpu.memory_space<vmem>>[vector<16xi32>], vector<16xi32>,
          %and3A_251 = arith.constant 511 : i32
          %and3A_252 = vector.broadcast %and3A_251 : i32 to vector<16xi32>
          %and3A_253 = arith.andi %gather3A_250, %and3A_252 : vector<16xi32>
          %add3A_254 = arith.constant 0 : i32
          %add3A_255 = vector.broadcast %add3A_254 : i32 to vector<16xi32>
          %add3A_256 = arith.addi %add3A_255, %iota3A : vector<16xi32>
          %gather3A_257 = arith.constant 0 : i32
          %gather3A_258 = arith.constant 0 : i32
          %gather3A_259 = tpu.memref_slice %arg9[%gather3A_257, %gather3A_258] : memref<64x512xf32, #tpu.memory_space<vmem>> -> memref<64x512xf32, #tpu.memory_space<vmem>>
          %gather3A_260 = tpu.vector_load_idx %gather3A_259[%add3A_256, %and3A_253] : memref<64x512xf32, #tpu.memory_space<vmem>>[vector<16xi32>, vector<16xi32>], vector<16xf32>,
          %add3A_261 = arith.constant 16 : i32
          %add3A_262 = vector.broadcast %add3A_261 : i32 to vector<16xi32>
          %add3A_263 = arith.addi %add3A_262, %iota3A : vector<16xi32>
          %gather3A_264 = arith.constant 0 : i32
          %gather3A_265 = arith.constant 0 : i32
          %gather3A_266 = tpu.memref_slice %arg9[%gather3A_264, %gather3A_265] : memref<64x512xf32, #tpu.memory_space<vmem>> -> memref<64x512xf32, #tpu.memory_space<vmem>>
          %gather3A_267 = tpu.vector_load_idx %gather3A_266[%add3A_263, %and3A_253] : memref<64x512xf32, #tpu.memory_space<vmem>>[vector<16xi32>, vector<16xi32>], vector<16xf32>,
          %add3A_268 = arith.constant 32 : i32
          %add3A_269 = vector.broadcast %add3A_268 : i32 to vector<16xi32>
          %add3A_270 = arith.addi %add3A_269, %iota3A : vector<16xi32>
          %gather3A_271 = arith.constant 0 : i32
          %gather3A_272 = arith.constant 0 : i32
          %gather3A_273 = tpu.memref_slice %arg9[%gather3A_271, %gather3A_272] : memref<64x512xf32, #tpu.memory_space<vmem>> -> memref<64x512xf32, #tpu.memory_space<vmem>>
          %gather3A_274 = tpu.vector_load_idx %gather3A_273[%add3A_270, %and3A_253] : memref<64x512xf32, #tpu.memory_space<vmem>>[vector<16xi32>, vector<16xi32>], vector<16xf32>,
          %add3A_275 = arith.constant 48 : i32
          %add3A_276 = vector.broadcast %add3A_275 : i32 to vector<16xi32>
          %add3A_277 = arith.addi %add3A_276, %iota3A : vector<16xi32>
          %gather3A_278 = arith.constant 0 : i32
          %gather3A_279 = arith.constant 0 : i32
          %gather3A_280 = tpu.memref_slice %arg9[%gather3A_278, %gather3A_279] : memref<64x512xf32, #tpu.memory_space<vmem>> -> memref<64x512xf32, #tpu.memory_space<vmem>>
          %gather3A_281 = tpu.vector_load_idx %gather3A_280[%add3A_277, %and3A_253] : memref<64x512xf32, #tpu.memory_space<vmem>>[vector<16xi32>, vector<16xi32>], vector<16xf32>,
          %broadcast_in_dim3A_282 = vector.broadcast %while3A_243 : i32 to vector<16xi32>
          %add3A_283 = arith.constant 0 : i32
          %add3A_284 = vector.broadcast %add3A_283 : i32 to vector<16xi32>
          %add3A_285 = arith.addi %add3A_284, %iota3A : vector<16xi32>
          %scatter3A = arith.constant 0 : i32
          %scatter3A_286 = arith.constant 0 : i32
          %scatter3A_287 = tpu.memref_slice %arg10[%scatter3A, %scatter3A_286] : memref<128x128xf32, #tpu.memory_space<vmem>> -> memref<128x128xf32, #tpu.memory_space<vmem>>
          tpu.vector_store_idx %scatter3A_287[%broadcast_in_dim3A_282, %add3A_285], %gather3A_260 : memref<128x128xf32, #tpu.memory_space<vmem>>[vector<16xi32>, vector<16xi32>], vector<16xf32>,
          %add3A_288 = arith.constant 16 : i32
          %add3A_289 = vector.broadcast %add3A_288 : i32 to vector<16xi32>
          %add3A_290 = arith.addi %add3A_289, %iota3A : vector<16xi32>
          %scatter3A_291 = arith.constant 0 : i32
          %scatter3A_292 = arith.constant 0 : i32
          %scatter3A_293 = tpu.memref_slice %arg10[%scatter3A_291, %scatter3A_292] : memref<128x128xf32, #tpu.memory_space<vmem>> -> memref<128x128xf32, #tpu.memory_space<vmem>>
          tpu.vector_store_idx %scatter3A_293[%broadcast_in_dim3A_282, %add3A_290], %gather3A_267 : memref<128x128xf32, #tpu.memory_space<vmem>>[vector<16xi32>, vector<16xi32>], vector<16xf32>,
          %add3A_294 = arith.constant 32 : i32
          %add3A_295 = vector.broadcast %add3A_294 : i32 to vector<16xi32>
          %add3A_296 = arith.addi %add3A_295, %iota3A : vector<16xi32>
          %scatter3A_297 = arith.constant 0 : i32
          %scatter3A_298 = arith.constant 0 : i32
          %scatter3A_299 = tpu.memref_slice %arg10[%scatter3A_297, %scatter3A_298] : memref<128x128xf32, #tpu.memory_space<vmem>> -> memref<128x128xf32, #tpu.memory_space<vmem>>
          tpu.vector_store_idx %scatter3A_299[%broadcast_in_dim3A_282, %add3A_296], %gather3A_274 : memref<128x128xf32, #tpu.memory_space<vmem>>[vector<16xi32>, vector<16xi32>], vector<16xf32>,
          %add3A_300 = arith.constant 48 : i32
          %add3A_301 = vector.broadcast %add3A_300 : i32 to vector<16xi32>
          %add3A_302 = arith.addi %add3A_301, %iota3A : vector<16xi32>
          %scatter3A_303 = arith.constant 0 : i32
          %scatter3A_304 = arith.constant 0 : i32
          %scatter3A_305 = tpu.memref_slice %arg10[%scatter3A_303, %scatter3A_304] : memref<128x128xf32, #tpu.memory_space<vmem>> -> memref<128x128xf32, #tpu.memory_space<vmem>>
          tpu.vector_store_idx %scatter3A_305[%broadcast_in_dim3A_282, %add3A_302], %gather3A_281 : memref<128x128xf32, #tpu.memory_space<vmem>>[vector<16xi32>, vector<16xi32>], vector<16xf32>,
          %lt3A_306 = arith.constant 1 : i32
          %lt3A_307 = vector.broadcast %lt3A_306 : i32 to vector<16xi32>
          %lt3A_308 = arith.cmpi slt, %iota3A, %lt3A_307 : vector<16xi32>
          %scatter3A_309 = arith.constant 0 : i32
          %scatter3A_310 = tpu.memref_slice %arg11[%scatter3A_309] : memref<128xi32, #tpu.memory_space<vmem>> -> memref<128xi32, #tpu.memory_space<vmem>>
          tpu.vector_store_idx %scatter3A_310[%broadcast_in_dim3A_282], %gather3A_247 masked %lt3A_308 : memref<128xi32, #tpu.memory_space<vmem>>[vector<16xi32>], vector<16xi32>, vector<16xi1>
          %add3A_311 = arith.constant 1 : i32
          %add3A_312 = arith.addi %while3A_243, %add3A_311 : i32
          %eq3A = arith.constant 128 : i32
          %eq3A_313 = arith.cmpi eq, %add3A_312, %eq3A : i32
          %convert_element_type3A_314 = arith.extui %eq3A_313 : i1 to i32
          %cond3A_315 = arith.constant 0 : i32
          %cond3A_316 = arith.cmpi ne, %convert_element_type3A_314, %cond3A_315 : i32
          scf.if %cond3A_316 {
            %dma_start3A_321 = arith.constant 0 : i32
            %dma_start3A_322 = arith.constant 0 : i32
            %dma_start3A_323 = tpu.memref_slice %arg5[%dma_start3A_321, %dma_start3A_322] : memref<16392x128xf32, #tpu.memory_space<hbm>> -> memref<16392x128xf32, #tpu.memory_space<hbm>>
            tpu.enqueue_indirect_dma source(%arg10 : memref<128x128xf32, #tpu.memory_space<vmem>>) target(%dma_start3A_323 : memref<16392x128xf32, #tpu.memory_space<hbm>>) offsets(%arg11 : memref<128xi32, #tpu.memory_space<vmem>>) semaphore(%arg16 : memref<!tpu.dma_semaphore, #tpu.memory_space<semaphore_mem>>)
            %dma_wait3A_324 = arith.constant 0 : i32
            %dma_wait3A_325 = arith.constant 0 : i32
            %dma_wait3A_326 = tpu.memref_slice %arg5[%dma_wait3A_324, %dma_wait3A_325] : memref<16392x128xf32, #tpu.memory_space<hbm>> -> memref<16392x128xf32, #tpu.memory_space<hbm>>
            tpu.wait_indirect_dma semaphore(%arg16 : memref<!tpu.dma_semaphore, #tpu.memory_space<semaphore_mem>>) src(%arg10 : memref<128x128xf32, #tpu.memory_space<vmem>>) dst(%dma_wait3A_326 : memref<16392x128xf32, #tpu.memory_space<hbm>>)
            %broadcast_in_dim3A_327 = arith.constant 16384 : i32
            %broadcast_in_dim3A_328 = vector.broadcast %broadcast_in_dim3A_327 : i32 to vector<16xi32>
            %swap3A_329 = arith.constant 0 : index
            %swap3A_330 = tpu.vector_load %arg11[%swap3A_329] {strides = array<i32>} : memref<128xi32, #tpu.memory_space<vmem>>, vector<16xi32>,
            tpu.vector_store %arg11[%swap3A_329], %broadcast_in_dim3A_328 {strides = array<i32>} : memref<128xi32, #tpu.memory_space<vmem>>, vector<16xi32>,
            %broadcast_in_dim3A_331 = arith.constant 16384 : i32
            %broadcast_in_dim3A_332 = vector.broadcast %broadcast_in_dim3A_331 : i32 to vector<16xi32>
            %swap3A_333 = arith.constant 16 : index
            %swap3A_334 = tpu.vector_load %arg11[%swap3A_333] {strides = array<i32>} : memref<128xi32, #tpu.memory_space<vmem>>, vector<16xi32>,
            tpu.vector_store %arg11[%swap3A_333], %broadcast_in_dim3A_332 {strides = array<i32>} : memref<128xi32, #tpu.memory_space<vmem>>, vector<16xi32>,
            %broadcast_in_dim3A_335 = arith.constant 16384 : i32
            %broadcast_in_dim3A_336 = vector.broadcast %broadcast_in_dim3A_335 : i32 to vector<16xi32>
            %swap3A_337 = arith.constant 32 : index
            %swap3A_338 = tpu.vector_load %arg11[%swap3A_337] {strides = array<i32>} : memref<128xi32, #tpu.memory_space<vmem>>, vector<16xi32>,
            tpu.vector_store %arg11[%swap3A_337], %broadcast_in_dim3A_336 {strides = array<i32>} : memref<128xi32, #tpu.memory_space<vmem>>, vector<16xi32>,
            %broadcast_in_dim3A_339 = arith.constant 16384 : i32
            %broadcast_in_dim3A_340 = vector.broadcast %broadcast_in_dim3A_339 : i32 to vector<16xi32>
            %swap3A_341 = arith.constant 48 : index
            %swap3A_342 = tpu.vector_load %arg11[%swap3A_341] {strides = array<i32>} : memref<128xi32, #tpu.memory_space<vmem>>, vector<16xi32>,
            tpu.vector_store %arg11[%swap3A_341], %broadcast_in_dim3A_340 {strides = array<i32>} : memref<128xi32, #tpu.memory_space<vmem>>, vector<16xi32>,
            %broadcast_in_dim3A_343 = arith.constant 16384 : i32
            %broadcast_in_dim3A_344 = vector.broadcast %broadcast_in_dim3A_343 : i32 to vector<16xi32>
            %swap3A_345 = arith.constant 64 : index
            %swap3A_346 = tpu.vector_load %arg11[%swap3A_345] {strides = array<i32>} : memref<128xi32, #tpu.memory_space<vmem>>, vector<16xi32>,
            tpu.vector_store %arg11[%swap3A_345], %broadcast_in_dim3A_344 {strides = array<i32>} : memref<128xi32, #tpu.memory_space<vmem>>, vector<16xi32>,
            %broadcast_in_dim3A_347 = arith.constant 16384 : i32
            %broadcast_in_dim3A_348 = vector.broadcast %broadcast_in_dim3A_347 : i32 to vector<16xi32>
            %swap3A_349 = arith.constant 80 : index
            %swap3A_350 = tpu.vector_load %arg11[%swap3A_349] {strides = array<i32>} : memref<128xi32, #tpu.memory_space<vmem>>, vector<16xi32>,
            tpu.vector_store %arg11[%swap3A_349], %broadcast_in_dim3A_348 {strides = array<i32>} : memref<128xi32, #tpu.memory_space<vmem>>, vector<16xi32>,
            %broadcast_in_dim3A_351 = arith.constant 16384 : i32
            %broadcast_in_dim3A_352 = vector.broadcast %broadcast_in_dim3A_351 : i32 to vector<16xi32>
            %swap3A_353 = arith.constant 96 : index
            %swap3A_354 = tpu.vector_load %arg11[%swap3A_353] {strides = array<i32>} : memref<128xi32, #tpu.memory_space<vmem>>, vector<16xi32>,
            tpu.vector_store %arg11[%swap3A_353], %broadcast_in_dim3A_352 {strides = array<i32>} : memref<128xi32, #tpu.memory_space<vmem>>, vector<16xi32>,
            %broadcast_in_dim3A_355 = arith.constant 16384 : i32
            %broadcast_in_dim3A_356 = vector.broadcast %broadcast_in_dim3A_355 : i32 to vector<16xi32>
            %swap3A_357 = arith.constant 112 : index
            %swap3A_358 = tpu.vector_load %arg11[%swap3A_357] {strides = array<i32>} : memref<128xi32, #tpu.memory_space<vmem>>, vector<16xi32>,
            tpu.vector_store %arg11[%swap3A_357], %broadcast_in_dim3A_356 {strides = array<i32>} : memref<128xi32, #tpu.memory_space<vmem>>, vector<16xi32>,
          } else {
          }
          %eq3A_317 = arith.constant 128 : i32
          %eq3A_318 = arith.cmpi eq, %add3A_312, %eq3A_317 : i32
          %jit3A_319 = arith.constant 0 : i32
          %select_n3A_320 = arith.select %eq3A_318, %jit3A_319, %add3A_312 : i32
          scf.yield %select_n3A_320 : i32
        }
        scf.yield %while3A_241 : i32
      }
      %while3A_186 = arith.constant 1 : i32
      %while3A_187 = scf.for %while3A_199 = %while3A_183 to %while3A_179 step %while3A_186 iter_args(%while3A_200 = %while3A_185) -> (i32)  : i32 {
        %mul3A_201 = arith.constant 16 : i32
        %mul3A_202 = arith.muli %while3A_199, %mul3A_201 : i32
        %get3A = arith.index_cast %mul3A_202 : i32 to index
        %get3A_203 = tpu.vector_load %arg7[%get3A] {strides = array<i32>} : memref<16416xi32, #tpu.memory_space<vmem>>, vector<16xi32>,
        %and3A_204 = arith.constant 16383 : i32
        %and3A_205 = vector.broadcast %and3A_204 : i32 to vector<16xi32>
        %and3A_206 = arith.andi %get3A_203, %and3A_205 : vector<16xi32>
        %gather3A = arith.constant 0 : i32
        %gather3A_207 = tpu.memref_slice %arg6[%gather3A] : memref<16384xi32, #tpu.memory_space<vmem>> -> memref<16384xi32, #tpu.memory_space<vmem>>
        %gather3A_208 = tpu.vector_load_idx %gather3A_207[%and3A_206] : memref<16384xi32, #tpu.memory_space<vmem>>[vector<16xi32>], vector<16xi32>,
        %mul3A_209 = arith.constant 512 : i32
        %mul3A_210 = arith.muli %add3A_176, %mul3A_209 : i32
        %sub3A_211 = vector.broadcast %mul3A_210 : i32 to vector<16xi32>
        %sub3A_212 = arith.subi %gather3A_208, %sub3A_211 : vector<16xi32>
        %lt3A_213 = arith.constant 512 : i32
        %lt3A_214 = vector.broadcast %lt3A_213 : i32 to vector<16xi32>
        %lt3A_215 = arith.cmpi ult, %sub3A_212, %lt3A_214 : vector<16xi32>
        %lt3A_216 = arith.constant 999936 : i32
        %lt3A_217 = vector.broadcast %lt3A_216 : i32 to vector<16xi32>
        %lt3A_218 = arith.cmpi slt, %gather3A_208, %lt3A_217 : vector<16xi32>
        %and3A_219 = arith.andi %lt3A_215, %lt3A_218 : vector<16xi1>
        %mul3A_220 = arith.constant 16 : i32
        %mul3A_221 = arith.muli %while3A_199, %mul3A_220 : i32
        %add3A_222 = vector.broadcast %mul3A_221 : i32 to vector<16xi32>
        %add3A_223 = arith.addi %add3A_222, %iota3A : vector<16xi32>
        %lt3A_224 = vector.broadcast %scan3A_53 : i32 to vector<16xi32>
        %lt3A_225 = arith.cmpi slt, %add3A_223, %lt3A_224 : vector<16xi32>
        %and3A_226 = arith.andi %and3A_219, %lt3A_225 : vector<16xi1>
        %all_reduce_population_count3A = tpu.all_reduce %and3A_226 {dim = 0 : i64, kind = #tpu.reduction_kind<sum>} : vector<16xi1> -> vector<16xi32>
        %slice3A = vector.extract_strided_slice %all_reduce_population_count3A {offsets = [0], sizes = [1], strides = [1]} : vector<16xi32> to vector<1xi32>
        %squeeze3A = vector.extract %slice3A[0] : i32 from vector<1xi32>
        %gt3A = arith.constant 0 : i32
        %gt3A_227 = arith.cmpi sgt, %squeeze3A, %gt3A : i32
        %convert_element_type3A_228 = arith.extui %gt3A_227 : i1 to i32
        %cond3A_229 = arith.constant 0 : i32
        %cond3A_230 = arith.cmpi ne, %convert_element_type3A_228, %cond3A_229 : i32
        scf.if %cond3A_230 {
          %swap3A_242 = arith.constant 0 : index
          %swap3A_243 = tpu.vector_load %arg12[%swap3A_242] masked %and3A_226 {strides = array<i32>} : memref<16xi32, #tpu.memory_space<vmem>>, vector<16xi32>, vector<16xi1>
          tpu.vector_store %arg12[%swap3A_242], %and3A_206 masked %and3A_226 {strides = array<i32>} : memref<16xi32, #tpu.memory_space<vmem>>, vector<16xi32>, vector<16xi1>
        } else {
        }
        %while3A_231 = arith.constant 0 : i32
        %while3A_232 = arith.subi %squeeze3A, %while3A_231 : i32
        %while3A_233 = arith.addi %while3A_231, %while3A_232 : i32
        %while3A_234 = arith.constant 1 : i32
        %while3A_235 = arith.divsi %while3A_232, %while3A_234 : i32
        %while3A_236 = arith.muli %while3A_235, %while3A_234 : i32
        %while3A_237 = arith.addi %while3A_231, %while3A_236 : i32
        %while3A_238 = arith.constant 1 : i32
        %while3A_239 = scf.for %while3A_242 = %while3A_231 to %while3A_237 step %while3A_238 iter_args(%while3A_243 = %while3A_200) -> (i32)  : i32 {
          %broadcast_in_dim3A_244 = vector.broadcast %while3A_242 : i32 to vector<16xi32>
          %gather3A_245 = arith.constant 0 : i32
          %gather3A_246 = tpu.memref_slice %arg12[%gather3A_245] : memref<16xi32, #tpu.memory_space<vmem>> -> memref<16xi32, #tpu.memory_space<vmem>>
          %gather3A_247 = tpu.vector_load_idx %gather3A_246[%broadcast_in_dim3A_244] : memref<16xi32, #tpu.memory_space<vmem>>[vector<16xi32>], vector<16xi32>,
          %gather3A_248 = arith.constant 0 : i32
          %gather3A_249 = tpu.memref_slice %arg6[%gather3A_248] : memref<16384xi32, #tpu.memory_space<vmem>> -> memref<16384xi32, #tpu.memory_space<vmem>>
          %gather3A_250 = tpu.vector_load_idx %gather3A_249[%gather3A_247] : memref<16384xi32, #tpu.memory_space<vmem>>[vector<16xi32>], vector<16xi32>,
          %and3A_251 = arith.constant 511 : i32
          %and3A_252 = vector.broadcast %and3A_251 : i32 to vector<16xi32>
          %and3A_253 = arith.andi %gather3A_250, %and3A_252 : vector<16xi32>
          %add3A_254 = arith.constant 0 : i32
          %add3A_255 = vector.broadcast %add3A_254 : i32 to vector<16xi32>
          %add3A_256 = arith.addi %add3A_255, %iota3A : vector<16xi32>
          %gather3A_257 = arith.constant 0 : i32
          %gather3A_258 = arith.constant 0 : i32
          %gather3A_259 = tpu.memref_slice %arg9[%gather3A_257, %gather3A_258] : memref<64x512xf32, #tpu.memory_space<vmem>> -> memref<64x512xf32, #tpu.memory_space<vmem>>
          %gather3A_260 = tpu.vector_load_idx %gather3A_259[%add3A_256, %and3A_253] : memref<64x512xf32, #tpu.memory_space<vmem>>[vector<16xi32>, vector<16xi32>], vector<16xf32>,
          %add3A_261 = arith.constant 16 : i32
          %add3A_262 = vector.broadcast %add3A_261 : i32 to vector<16xi32>
          %add3A_263 = arith.addi %add3A_262, %iota3A : vector<16xi32>
          %gather3A_264 = arith.constant 0 : i32
          %gather3A_265 = arith.constant 0 : i32
          %gather3A_266 = tpu.memref_slice %arg9[%gather3A_264, %gather3A_265] : memref<64x512xf32, #tpu.memory_space<vmem>> -> memref<64x512xf32, #tpu.memory_space<vmem>>
          %gather3A_267 = tpu.vector_load_idx %gather3A_266[%add3A_263, %and3A_253] : memref<64x512xf32, #tpu.memory_space<vmem>>[vector<16xi32>, vector<16xi32>], vector<16xf32>,
          %add3A_268 = arith.constant 32 : i32
          %add3A_269 = vector.broadcast %add3A_268 : i32 to vector<16xi32>
          %add3A_270 = arith.addi %add3A_269, %iota3A : vector<16xi32>
          %gather3A_271 = arith.constant 0 : i32
          %gather3A_272 = arith.constant 0 : i32
          %gather3A_273 = tpu.memref_slice %arg9[%gather3A_271, %gather3A_272] : memref<64x512xf32, #tpu.memory_space<vmem>> -> memref<64x512xf32, #tpu.memory_space<vmem>>
          %gather3A_274 = tpu.vector_load_idx %gather3A_273[%add3A_270, %and3A_253] : memref<64x512xf32, #tpu.memory_space<vmem>>[vector<16xi32>, vector<16xi32>], vector<16xf32>,
          %add3A_275 = arith.constant 48 : i32
          %add3A_276 = vector.broadcast %add3A_275 : i32 to vector<16xi32>
          %add3A_277 = arith.addi %add3A_276, %iota3A : vector<16xi32>
          %gather3A_278 = arith.constant 0 : i32
          %gather3A_279 = arith.constant 0 : i32
          %gather3A_280 = tpu.memref_slice %arg9[%gather3A_278, %gather3A_279] : memref<64x512xf32, #tpu.memory_space<vmem>> -> memref<64x512xf32, #tpu.memory_space<vmem>>
          %gather3A_281 = tpu.vector_load_idx %gather3A_280[%add3A_277, %and3A_253] : memref<64x512xf32, #tpu.memory_space<vmem>>[vector<16xi32>, vector<16xi32>], vector<16xf32>,
          %broadcast_in_dim3A_282 = vector.broadcast %while3A_243 : i32 to vector<16xi32>
          %add3A_283 = arith.constant 0 : i32
          %add3A_284 = vector.broadcast %add3A_283 : i32 to vector<16xi32>
          %add3A_285 = arith.addi %add3A_284, %iota3A : vector<16xi32>
          %scatter3A = arith.constant 0 : i32
          %scatter3A_286 = arith.constant 0 : i32
          %scatter3A_287 = tpu.memref_slice %arg10[%scatter3A, %scatter3A_286] : memref<128x128xf32, #tpu.memory_space<vmem>> -> memref<128x128xf32, #tpu.memory_space<vmem>>
          tpu.vector_store_idx %scatter3A_287[%broadcast_in_dim3A_282, %add3A_285], %gather3A_260 : memref<128x128xf32, #tpu.memory_space<vmem>>[vector<16xi32>, vector<16xi32>], vector<16xf32>,
          %add3A_288 = arith.constant 16 : i32
          %add3A_289 = vector.broadcast %add3A_288 : i32 to vector<16xi32>
          %add3A_290 = arith.addi %add3A_289, %iota3A : vector<16xi32>
          %scatter3A_291 = arith.constant 0 : i32
          %scatter3A_292 = arith.constant 0 : i32
          %scatter3A_293 = tpu.memref_slice %arg10[%scatter3A_291, %scatter3A_292] : memref<128x128xf32, #tpu.memory_space<vmem>> -> memref<128x128xf32, #tpu.memory_space<vmem>>
          tpu.vector_store_idx %scatter3A_293[%broadcast_in_dim3A_282, %add3A_290], %gather3A_267 : memref<128x128xf32, #tpu.memory_space<vmem>>[vector<16xi32>, vector<16xi32>], vector<16xf32>,
          %add3A_294 = arith.constant 32 : i32
          %add3A_295 = vector.broadcast %add3A_294 : i32 to vector<16xi32>
          %add3A_296 = arith.addi %add3A_295, %iota3A : vector<16xi32>
          %scatter3A_297 = arith.constant 0 : i32
          %scatter3A_298 = arith.constant 0 : i32
          %scatter3A_299 = tpu.memref_slice %arg10[%scatter3A_297, %scatter3A_298] : memref<128x128xf32, #tpu.memory_space<vmem>> -> memref<128x128xf32, #tpu.memory_space<vmem>>
          tpu.vector_store_idx %scatter3A_299[%broadcast_in_dim3A_282, %add3A_296], %gather3A_274 : memref<128x128xf32, #tpu.memory_space<vmem>>[vector<16xi32>, vector<16xi32>], vector<16xf32>,
          %add3A_300 = arith.constant 48 : i32
          %add3A_301 = vector.broadcast %add3A_300 : i32 to vector<16xi32>
          %add3A_302 = arith.addi %add3A_301, %iota3A : vector<16xi32>
          %scatter3A_303 = arith.constant 0 : i32
          %scatter3A_304 = arith.constant 0 : i32
          %scatter3A_305 = tpu.memref_slice %arg10[%scatter3A_303, %scatter3A_304] : memref<128x128xf32, #tpu.memory_space<vmem>> -> memref<128x128xf32, #tpu.memory_space<vmem>>
          tpu.vector_store_idx %scatter3A_305[%broadcast_in_dim3A_282, %add3A_302], %gather3A_281 : memref<128x128xf32, #tpu.memory_space<vmem>>[vector<16xi32>, vector<16xi32>], vector<16xf32>,
          %lt3A_306 = arith.constant 1 : i32
          %lt3A_307 = vector.broadcast %lt3A_306 : i32 to vector<16xi32>
          %lt3A_308 = arith.cmpi slt, %iota3A, %lt3A_307 : vector<16xi32>
          %scatter3A_309 = arith.constant 0 : i32
          %scatter3A_310 = tpu.memref_slice %arg11[%scatter3A_309] : memref<128xi32, #tpu.memory_space<vmem>> -> memref<128xi32, #tpu.memory_space<vmem>>
          tpu.vector_store_idx %scatter3A_310[%broadcast_in_dim3A_282], %gather3A_247 masked %lt3A_308 : memref<128xi32, #tpu.memory_space<vmem>>[vector<16xi32>], vector<16xi32>, vector<16xi1>
          %add3A_311 = arith.constant 1 : i32
          %add3A_312 = arith.addi %while3A_243, %add3A_311 : i32
          %eq3A = arith.constant 128 : i32
          %eq3A_313 = arith.cmpi eq, %add3A_312, %eq3A : i32
          %convert_element_type3A_314 = arith.extui %eq3A_313 : i1 to i32
          %cond3A_315 = arith.constant 0 : i32
          %cond3A_316 = arith.cmpi ne, %convert_element_type3A_314, %cond3A_315 : i32
          scf.if %cond3A_316 {
            %dma_start3A_321 = arith.constant 0 : i32
            %dma_start3A_322 = arith.constant 0 : i32
            %dma_start3A_323 = tpu.memref_slice %arg5[%dma_start3A_321, %dma_start3A_322] : memref<16392x128xf32, #tpu.memory_space<hbm>> -> memref<16392x128xf32, #tpu.memory_space<hbm>>
            tpu.enqueue_indirect_dma source(%arg10 : memref<128x128xf32, #tpu.memory_space<vmem>>) target(%dma_start3A_323 : memref<16392x128xf32, #tpu.memory_space<hbm>>) offsets(%arg11 : memref<128xi32, #tpu.memory_space<vmem>>) semaphore(%arg16 : memref<!tpu.dma_semaphore, #tpu.memory_space<semaphore_mem>>)
            %dma_wait3A_324 = arith.constant 0 : i32
            %dma_wait3A_325 = arith.constant 0 : i32
            %dma_wait3A_326 = tpu.memref_slice %arg5[%dma_wait3A_324, %dma_wait3A_325] : memref<16392x128xf32, #tpu.memory_space<hbm>> -> memref<16392x128xf32, #tpu.memory_space<hbm>>
            tpu.wait_indirect_dma semaphore(%arg16 : memref<!tpu.dma_semaphore, #tpu.memory_space<semaphore_mem>>) src(%arg10 : memref<128x128xf32, #tpu.memory_space<vmem>>) dst(%dma_wait3A_326 : memref<16392x128xf32, #tpu.memory_space<hbm>>)
            %broadcast_in_dim3A_327 = arith.constant 16384 : i32
            %broadcast_in_dim3A_328 = vector.broadcast %broadcast_in_dim3A_327 : i32 to vector<16xi32>
            %swap3A_329 = arith.constant 0 : index
            %swap3A_330 = tpu.vector_load %arg11[%swap3A_329] {strides = array<i32>} : memref<128xi32, #tpu.memory_space<vmem>>, vector<16xi32>,
            tpu.vector_store %arg11[%swap3A_329], %broadcast_in_dim3A_328 {strides = array<i32>} : memref<128xi32, #tpu.memory_space<vmem>>, vector<16xi32>,
            %broadcast_in_dim3A_331 = arith.constant 16384 : i32
            %broadcast_in_dim3A_332 = vector.broadcast %broadcast_in_dim3A_331 : i32 to vector<16xi32>
            %swap3A_333 = arith.constant 16 : index
            %swap3A_334 = tpu.vector_load %arg11[%swap3A_333] {strides = array<i32>} : memref<128xi32, #tpu.memory_space<vmem>>, vector<16xi32>,
            tpu.vector_store %arg11[%swap3A_333], %broadcast_in_dim3A_332 {strides = array<i32>} : memref<128xi32, #tpu.memory_space<vmem>>, vector<16xi32>,
            %broadcast_in_dim3A_335 = arith.constant 16384 : i32
            %broadcast_in_dim3A_336 = vector.broadcast %broadcast_in_dim3A_335 : i32 to vector<16xi32>
            %swap3A_337 = arith.constant 32 : index
            %swap3A_338 = tpu.vector_load %arg11[%swap3A_337] {strides = array<i32>} : memref<128xi32, #tpu.memory_space<vmem>>, vector<16xi32>,
            tpu.vector_store %arg11[%swap3A_337], %broadcast_in_dim3A_336 {strides = array<i32>} : memref<128xi32, #tpu.memory_space<vmem>>, vector<16xi32>,
            %broadcast_in_dim3A_339 = arith.constant 16384 : i32
            %broadcast_in_dim3A_340 = vector.broadcast %broadcast_in_dim3A_339 : i32 to vector<16xi32>
            %swap3A_341 = arith.constant 48 : index
            %swap3A_342 = tpu.vector_load %arg11[%swap3A_341] {strides = array<i32>} : memref<128xi32, #tpu.memory_space<vmem>>, vector<16xi32>,
            tpu.vector_store %arg11[%swap3A_341], %broadcast_in_dim3A_340 {strides = array<i32>} : memref<128xi32, #tpu.memory_space<vmem>>, vector<16xi32>,
            %broadcast_in_dim3A_343 = arith.constant 16384 : i32
            %broadcast_in_dim3A_344 = vector.broadcast %broadcast_in_dim3A_343 : i32 to vector<16xi32>
            %swap3A_345 = arith.constant 64 : index
            %swap3A_346 = tpu.vector_load %arg11[%swap3A_345] {strides = array<i32>} : memref<128xi32, #tpu.memory_space<vmem>>, vector<16xi32>,
            tpu.vector_store %arg11[%swap3A_345], %broadcast_in_dim3A_344 {strides = array<i32>} : memref<128xi32, #tpu.memory_space<vmem>>, vector<16xi32>,
            %broadcast_in_dim3A_347 = arith.constant 16384 : i32
            %broadcast_in_dim3A_348 = vector.broadcast %broadcast_in_dim3A_347 : i32 to vector<16xi32>
            %swap3A_349 = arith.constant 80 : index
            %swap3A_350 = tpu.vector_load %arg11[%swap3A_349] {strides = array<i32>} : memref<128xi32, #tpu.memory_space<vmem>>, vector<16xi32>,
            tpu.vector_store %arg11[%swap3A_349], %broadcast_in_dim3A_348 {strides = array<i32>} : memref<128xi32, #tpu.memory_space<vmem>>, vector<16xi32>,
            %broadcast_in_dim3A_351 = arith.constant 16384 : i32
            %broadcast_in_dim3A_352 = vector.broadcast %broadcast_in_dim3A_351 : i32 to vector<16xi32>
            %swap3A_353 = arith.constant 96 : index
            %swap3A_354 = tpu.vector_load %arg11[%swap3A_353] {strides = array<i32>} : memref<128xi32, #tpu.memory_space<vmem>>, vector<16xi32>,
            tpu.vector_store %arg11[%swap3A_353], %broadcast_in_dim3A_352 {strides = array<i32>} : memref<128xi32, #tpu.memory_space<vmem>>, vector<16xi32>,
            %broadcast_in_dim3A_355 = arith.constant 16384 : i32
            %broadcast_in_dim3A_356 = vector.broadcast %broadcast_in_dim3A_355 : i32 to vector<16xi32>
            %swap3A_357 = arith.constant 112 : index
            %swap3A_358 = tpu.vector_load %arg11[%swap3A_357] {strides = array<i32>} : memref<128xi32, #tpu.memory_space<vmem>>, vector<16xi32>,
            tpu.vector_store %arg11[%swap3A_357], %broadcast_in_dim3A_356 {strides = array<i32>} : memref<128xi32, #tpu.memory_space<vmem>>, vector<16xi32>,
          } else {
          }
          %eq3A_317 = arith.constant 128 : i32
          %eq3A_318 = arith.cmpi eq, %add3A_312, %eq3A_317 : i32
          %jit3A_319 = arith.constant 0 : i32
          %select_n3A_320 = arith.select %eq3A_318, %jit3A_319, %add3A_312 : i32
          scf.yield %select_n3A_320 : i32
        }
        %while3A_240 = arith.constant 1 : i32
        %while3A_241 = scf.for %while3A_242 = %while3A_237 to %while3A_233 step %while3A_240 iter_args(%while3A_243 = %while3A_239) -> (i32)  : i32 {
          %broadcast_in_dim3A_244 = vector.broadcast %while3A_242 : i32 to vector<16xi32>
          %gather3A_245 = arith.constant 0 : i32
          %gather3A_246 = tpu.memref_slice %arg12[%gather3A_245] : memref<16xi32, #tpu.memory_space<vmem>> -> memref<16xi32, #tpu.memory_space<vmem>>
          %gather3A_247 = tpu.vector_load_idx %gather3A_246[%broadcast_in_dim3A_244] : memref<16xi32, #tpu.memory_space<vmem>>[vector<16xi32>], vector<16xi32>,
          %gather3A_248 = arith.constant 0 : i32
          %gather3A_249 = tpu.memref_slice %arg6[%gather3A_248] : memref<16384xi32, #tpu.memory_space<vmem>> -> memref<16384xi32, #tpu.memory_space<vmem>>
          %gather3A_250 = tpu.vector_load_idx %gather3A_249[%gather3A_247] : memref<16384xi32, #tpu.memory_space<vmem>>[vector<16xi32>], vector<16xi32>,
          %and3A_251 = arith.constant 511 : i32
          %and3A_252 = vector.broadcast %and3A_251 : i32 to vector<16xi32>
          %and3A_253 = arith.andi %gather3A_250, %and3A_252 : vector<16xi32>
          %add3A_254 = arith.constant 0 : i32
          %add3A_255 = vector.broadcast %add3A_254 : i32 to vector<16xi32>
          %add3A_256 = arith.addi %add3A_255, %iota3A : vector<16xi32>
          %gather3A_257 = arith.constant 0 : i32
          %gather3A_258 = arith.constant 0 : i32
          %gather3A_259 = tpu.memref_slice %arg9[%gather3A_257, %gather3A_258] : memref<64x512xf32, #tpu.memory_space<vmem>> -> memref<64x512xf32, #tpu.memory_space<vmem>>
          %gather3A_260 = tpu.vector_load_idx %gather3A_259[%add3A_256, %and3A_253] : memref<64x512xf32, #tpu.memory_space<vmem>>[vector<16xi32>, vector<16xi32>], vector<16xf32>,
          %add3A_261 = arith.constant 16 : i32
          %add3A_262 = vector.broadcast %add3A_261 : i32 to vector<16xi32>
          %add3A_263 = arith.addi %add3A_262, %iota3A : vector<16xi32>
          %gather3A_264 = arith.constant 0 : i32
          %gather3A_265 = arith.constant 0 : i32
          %gather3A_266 = tpu.memref_slice %arg9[%gather3A_264, %gather3A_265] : memref<64x512xf32, #tpu.memory_space<vmem>> -> memref<64x512xf32, #tpu.memory_space<vmem>>
          %gather3A_267 = tpu.vector_load_idx %gather3A_266[%add3A_263, %and3A_253] : memref<64x512xf32, #tpu.memory_space<vmem>>[vector<16xi32>, vector<16xi32>], vector<16xf32>,
          %add3A_268 = arith.constant 32 : i32
          %add3A_269 = vector.broadcast %add3A_268 : i32 to vector<16xi32>
          %add3A_270 = arith.addi %add3A_269, %iota3A : vector<16xi32>
          %gather3A_271 = arith.constant 0 : i32
          %gather3A_272 = arith.constant 0 : i32
          %gather3A_273 = tpu.memref_slice %arg9[%gather3A_271, %gather3A_272] : memref<64x512xf32, #tpu.memory_space<vmem>> -> memref<64x512xf32, #tpu.memory_space<vmem>>
          %gather3A_274 = tpu.vector_load_idx %gather3A_273[%add3A_270, %and3A_253] : memref<64x512xf32, #tpu.memory_space<vmem>>[vector<16xi32>, vector<16xi32>], vector<16xf32>,
          %add3A_275 = arith.constant 48 : i32
          %add3A_276 = vector.broadcast %add3A_275 : i32 to vector<16xi32>
          %add3A_277 = arith.addi %add3A_276, %iota3A : vector<16xi32>
          %gather3A_278 = arith.constant 0 : i32
          %gather3A_279 = arith.constant 0 : i32
          %gather3A_280 = tpu.memref_slice %arg9[%gather3A_278, %gather3A_279] : memref<64x512xf32, #tpu.memory_space<vmem>> -> memref<64x512xf32, #tpu.memory_space<vmem>>
          %gather3A_281 = tpu.vector_load_idx %gather3A_280[%add3A_277, %and3A_253] : memref<64x512xf32, #tpu.memory_space<vmem>>[vector<16xi32>, vector<16xi32>], vector<16xf32>,
          %broadcast_in_dim3A_282 = vector.broadcast %while3A_243 : i32 to vector<16xi32>
          %add3A_283 = arith.constant 0 : i32
          %add3A_284 = vector.broadcast %add3A_283 : i32 to vector<16xi32>
          %add3A_285 = arith.addi %add3A_284, %iota3A : vector<16xi32>
          %scatter3A = arith.constant 0 : i32
          %scatter3A_286 = arith.constant 0 : i32
          %scatter3A_287 = tpu.memref_slice %arg10[%scatter3A, %scatter3A_286] : memref<128x128xf32, #tpu.memory_space<vmem>> -> memref<128x128xf32, #tpu.memory_space<vmem>>
          tpu.vector_store_idx %scatter3A_287[%broadcast_in_dim3A_282, %add3A_285], %gather3A_260 : memref<128x128xf32, #tpu.memory_space<vmem>>[vector<16xi32>, vector<16xi32>], vector<16xf32>,
          %add3A_288 = arith.constant 16 : i32
          %add3A_289 = vector.broadcast %add3A_288 : i32 to vector<16xi32>
          %add3A_290 = arith.addi %add3A_289, %iota3A : vector<16xi32>
          %scatter3A_291 = arith.constant 0 : i32
          %scatter3A_292 = arith.constant 0 : i32
          %scatter3A_293 = tpu.memref_slice %arg10[%scatter3A_291, %scatter3A_292] : memref<128x128xf32, #tpu.memory_space<vmem>> -> memref<128x128xf32, #tpu.memory_space<vmem>>
          tpu.vector_store_idx %scatter3A_293[%broadcast_in_dim3A_282, %add3A_290], %gather3A_267 : memref<128x128xf32, #tpu.memory_space<vmem>>[vector<16xi32>, vector<16xi32>], vector<16xf32>,
          %add3A_294 = arith.constant 32 : i32
          %add3A_295 = vector.broadcast %add3A_294 : i32 to vector<16xi32>
          %add3A_296 = arith.addi %add3A_295, %iota3A : vector<16xi32>
          %scatter3A_297 = arith.constant 0 : i32
          %scatter3A_298 = arith.constant 0 : i32
          %scatter3A_299 = tpu.memref_slice %arg10[%scatter3A_297, %scatter3A_298] : memref<128x128xf32, #tpu.memory_space<vmem>> -> memref<128x128xf32, #tpu.memory_space<vmem>>
          tpu.vector_store_idx %scatter3A_299[%broadcast_in_dim3A_282, %add3A_296], %gather3A_274 : memref<128x128xf32, #tpu.memory_space<vmem>>[vector<16xi32>, vector<16xi32>], vector<16xf32>,
          %add3A_300 = arith.constant 48 : i32
          %add3A_301 = vector.broadcast %add3A_300 : i32 to vector<16xi32>
          %add3A_302 = arith.addi %add3A_301, %iota3A : vector<16xi32>
          %scatter3A_303 = arith.constant 0 : i32
          %scatter3A_304 = arith.constant 0 : i32
          %scatter3A_305 = tpu.memref_slice %arg10[%scatter3A_303, %scatter3A_304] : memref<128x128xf32, #tpu.memory_space<vmem>> -> memref<128x128xf32, #tpu.memory_space<vmem>>
          tpu.vector_store_idx %scatter3A_305[%broadcast_in_dim3A_282, %add3A_302], %gather3A_281 : memref<128x128xf32, #tpu.memory_space<vmem>>[vector<16xi32>, vector<16xi32>], vector<16xf32>,
          %lt3A_306 = arith.constant 1 : i32
          %lt3A_307 = vector.broadcast %lt3A_306 : i32 to vector<16xi32>
          %lt3A_308 = arith.cmpi slt, %iota3A, %lt3A_307 : vector<16xi32>
          %scatter3A_309 = arith.constant 0 : i32
          %scatter3A_310 = tpu.memref_slice %arg11[%scatter3A_309] : memref<128xi32, #tpu.memory_space<vmem>> -> memref<128xi32, #tpu.memory_space<vmem>>
          tpu.vector_store_idx %scatter3A_310[%broadcast_in_dim3A_282], %gather3A_247 masked %lt3A_308 : memref<128xi32, #tpu.memory_space<vmem>>[vector<16xi32>], vector<16xi32>, vector<16xi1>
          %add3A_311 = arith.constant 1 : i32
          %add3A_312 = arith.addi %while3A_243, %add3A_311 : i32
          %eq3A = arith.constant 128 : i32
          %eq3A_313 = arith.cmpi eq, %add3A_312, %eq3A : i32
          %convert_element_type3A_314 = arith.extui %eq3A_313 : i1 to i32
          %cond3A_315 = arith.constant 0 : i32
          %cond3A_316 = arith.cmpi ne, %convert_element_type3A_314, %cond3A_315 : i32
          scf.if %cond3A_316 {
            %dma_start3A_321 = arith.constant 0 : i32
            %dma_start3A_322 = arith.constant 0 : i32
            %dma_start3A_323 = tpu.memref_slice %arg5[%dma_start3A_321, %dma_start3A_322] : memref<16392x128xf32, #tpu.memory_space<hbm>> -> memref<16392x128xf32, #tpu.memory_space<hbm>>
            tpu.enqueue_indirect_dma source(%arg10 : memref<128x128xf32, #tpu.memory_space<vmem>>) target(%dma_start3A_323 : memref<16392x128xf32, #tpu.memory_space<hbm>>) offsets(%arg11 : memref<128xi32, #tpu.memory_space<vmem>>) semaphore(%arg16 : memref<!tpu.dma_semaphore, #tpu.memory_space<semaphore_mem>>)
            %dma_wait3A_324 = arith.constant 0 : i32
            %dma_wait3A_325 = arith.constant 0 : i32
            %dma_wait3A_326 = tpu.memref_slice %arg5[%dma_wait3A_324, %dma_wait3A_325] : memref<16392x128xf32, #tpu.memory_space<hbm>> -> memref<16392x128xf32, #tpu.memory_space<hbm>>
            tpu.wait_indirect_dma semaphore(%arg16 : memref<!tpu.dma_semaphore, #tpu.memory_space<semaphore_mem>>) src(%arg10 : memref<128x128xf32, #tpu.memory_space<vmem>>) dst(%dma_wait3A_326 : memref<16392x128xf32, #tpu.memory_space<hbm>>)
            %broadcast_in_dim3A_327 = arith.constant 16384 : i32
            %broadcast_in_dim3A_328 = vector.broadcast %broadcast_in_dim3A_327 : i32 to vector<16xi32>
            %swap3A_329 = arith.constant 0 : index
            %swap3A_330 = tpu.vector_load %arg11[%swap3A_329] {strides = array<i32>} : memref<128xi32, #tpu.memory_space<vmem>>, vector<16xi32>,
            tpu.vector_store %arg11[%swap3A_329], %broadcast_in_dim3A_328 {strides = array<i32>} : memref<128xi32, #tpu.memory_space<vmem>>, vector<16xi32>,
            %broadcast_in_dim3A_331 = arith.constant 16384 : i32
            %broadcast_in_dim3A_332 = vector.broadcast %broadcast_in_dim3A_331 : i32 to vector<16xi32>
            %swap3A_333 = arith.constant 16 : index
            %swap3A_334 = tpu.vector_load %arg11[%swap3A_333] {strides = array<i32>} : memref<128xi32, #tpu.memory_space<vmem>>, vector<16xi32>,
            tpu.vector_store %arg11[%swap3A_333], %broadcast_in_dim3A_332 {strides = array<i32>} : memref<128xi32, #tpu.memory_space<vmem>>, vector<16xi32>,
            %broadcast_in_dim3A_335 = arith.constant 16384 : i32
            %broadcast_in_dim3A_336 = vector.broadcast %broadcast_in_dim3A_335 : i32 to vector<16xi32>
            %swap3A_337 = arith.constant 32 : index
            %swap3A_338 = tpu.vector_load %arg11[%swap3A_337] {strides = array<i32>} : memref<128xi32, #tpu.memory_space<vmem>>, vector<16xi32>,
            tpu.vector_store %arg11[%swap3A_337], %broadcast_in_dim3A_336 {strides = array<i32>} : memref<128xi32, #tpu.memory_space<vmem>>, vector<16xi32>,
            %broadcast_in_dim3A_339 = arith.constant 16384 : i32
            %broadcast_in_dim3A_340 = vector.broadcast %broadcast_in_dim3A_339 : i32 to vector<16xi32>
            %swap3A_341 = arith.constant 48 : index
            %swap3A_342 = tpu.vector_load %arg11[%swap3A_341] {strides = array<i32>} : memref<128xi32, #tpu.memory_space<vmem>>, vector<16xi32>,
            tpu.vector_store %arg11[%swap3A_341], %broadcast_in_dim3A_340 {strides = array<i32>} : memref<128xi32, #tpu.memory_space<vmem>>, vector<16xi32>,
            %broadcast_in_dim3A_343 = arith.constant 16384 : i32
            %broadcast_in_dim3A_344 = vector.broadcast %broadcast_in_dim3A_343 : i32 to vector<16xi32>
            %swap3A_345 = arith.constant 64 : index
            %swap3A_346 = tpu.vector_load %arg11[%swap3A_345] {strides = array<i32>} : memref<128xi32, #tpu.memory_space<vmem>>, vector<16xi32>,
            tpu.vector_store %arg11[%swap3A_345], %broadcast_in_dim3A_344 {strides = array<i32>} : memref<128xi32, #tpu.memory_space<vmem>>, vector<16xi32>,
            %broadcast_in_dim3A_347 = arith.constant 16384 : i32
            %broadcast_in_dim3A_348 = vector.broadcast %broadcast_in_dim3A_347 : i32 to vector<16xi32>
            %swap3A_349 = arith.constant 80 : index
            %swap3A_350 = tpu.vector_load %arg11[%swap3A_349] {strides = array<i32>} : memref<128xi32, #tpu.memory_space<vmem>>, vector<16xi32>,
            tpu.vector_store %arg11[%swap3A_349], %broadcast_in_dim3A_348 {strides = array<i32>} : memref<128xi32, #tpu.memory_space<vmem>>, vector<16xi32>,
            %broadcast_in_dim3A_351 = arith.constant 16384 : i32
            %broadcast_in_dim3A_352 = vector.broadcast %broadcast_in_dim3A_351 : i32 to vector<16xi32>
            %swap3A_353 = arith.constant 96 : index
            %swap3A_354 = tpu.vector_load %arg11[%swap3A_353] {strides = array<i32>} : memref<128xi32, #tpu.memory_space<vmem>>, vector<16xi32>,
            tpu.vector_store %arg11[%swap3A_353], %broadcast_in_dim3A_352 {strides = array<i32>} : memref<128xi32, #tpu.memory_space<vmem>>, vector<16xi32>,
            %broadcast_in_dim3A_355 = arith.constant 16384 : i32
            %broadcast_in_dim3A_356 = vector.broadcast %broadcast_in_dim3A_355 : i32 to vector<16xi32>
            %swap3A_357 = arith.constant 112 : index
            %swap3A_358 = tpu.vector_load %arg11[%swap3A_357] {strides = array<i32>} : memref<128xi32, #tpu.memory_space<vmem>>, vector<16xi32>,
            tpu.vector_store %arg11[%swap3A_357], %broadcast_in_dim3A_356 {strides = array<i32>} : memref<128xi32, #tpu.memory_space<vmem>>, vector<16xi32>,
          } else {
          }
          %eq3A_317 = arith.constant 128 : i32
          %eq3A_318 = arith.cmpi eq, %add3A_312, %eq3A_317 : i32
          %jit3A_319 = arith.constant 0 : i32
          %select_n3A_320 = arith.select %eq3A_318, %jit3A_319, %add3A_312 : i32
          scf.yield %select_n3A_320 : i32
        }
        scf.yield %while3A_241 : i32
      }
      %add3A_188 = arith.constant 3 : i32
      %add3A_189 = arith.addi %mul3A_130, %add3A_188 : i32
      %add3A_190 = arith.addi %mul3A_2, %add3A_189 : i32
      %lt3A_191 = arith.constant 62 : i32
      %lt3A_192 = arith.cmpi slt, %add3A_189, %lt3A_191 : i32
      %lt3A_193 = arith.constant 1953 : i32
      %lt3A_194 = arith.cmpi slt, %add3A_190, %lt3A_193 : i32
      %and3A_195 = arith.andi %lt3A_192, %lt3A_194 : i1
      %convert_element_type3A_196 = arith.extui %and3A_195 : i1 to i32
      %cond3A_197 = arith.constant 0 : i32
      %cond3A_198 = arith.cmpi ne, %convert_element_type3A_196, %cond3A_197 : i32
      scf.if %cond3A_198 {
        %mul3A_199 = arith.constant 512 : i32
        %mul3A_200 = arith.muli %add3A_190, %mul3A_199 : i32
        %dma_start3A_201 = arith.constant 0 : i32
        %dma_start3A_202 = arith.constant 0 : i32
        %dma_start3A_203 = arith.constant 0 : i32
        %dma_start3A_204 = tpu.memref_slice %arg9[%dma_start3A_202, %dma_start3A_203] : memref<64x512xf32, #tpu.memory_space<vmem>> -> memref<8x512xf32, #tpu.memory_space<vmem>>
        %dma_start3A_205 = arith.constant 0 : i32
        %dma_start3A_206 = tpu.memref_slice %arg2[%dma_start3A_201, %dma_start3A_205, %mul3A_200] : memref<8x8x1000001xf32, #tpu.memory_space<hbm>> -> memref<1x8x512xf32, #tpu.memory_space<hbm>>
        %dma_start3A_207 = tpu.memref_squeeze %dma_start3A_206 : memref<1x8x512xf32, #tpu.memory_space<hbm>> -> memref<8x512xf32, #tpu.memory_space<hbm>>
        %dma_start3A_208 = arith.constant 0 : i32
        %dma_start3A_209 = arith.constant 0 : i32
        %dma_start3A_210 = tpu.memref_slice %arg9[%dma_start3A_208, %dma_start3A_209] : memref<64x512xf32, #tpu.memory_space<vmem>> -> memref<8x512xf32, #tpu.memory_space<vmem>>
        %dma_start3A_211 = arith.constant 0 : i32
        %dma_start3A_212 = tpu.memref_slice %arg2[%dma_start3A_201, %dma_start3A_211, %mul3A_200] : memref<8x8x1000001xf32, #tpu.memory_space<hbm>> -> memref<1x8x512xf32, #tpu.memory_space<hbm>>
        %dma_start3A_213 = tpu.memref_squeeze %dma_start3A_212 : memref<1x8x512xf32, #tpu.memory_space<hbm>> -> memref<8x512xf32, #tpu.memory_space<hbm>>
        tpu.enqueue_dma source(%dma_start3A_213 : memref<8x512xf32, #tpu.memory_space<hbm>>) target(%dma_start3A_210 : memref<8x512xf32, #tpu.memory_space<vmem>>) target_semaphore(%arg15 : memref<!tpu.dma_semaphore, #tpu.memory_space<semaphore_mem>>)
        %mul3A_214 = arith.constant 512 : i32
        %mul3A_215 = arith.muli %add3A_190, %mul3A_214 : i32
        %dma_start3A_216 = arith.constant 1 : i32
        %dma_start3A_217 = arith.constant 8 : i32
        %dma_start3A_218 = arith.constant 0 : i32
        %dma_start3A_219 = tpu.memref_slice %arg9[%dma_start3A_217, %dma_start3A_218] : memref<64x512xf32, #tpu.memory_space<vmem>> -> memref<8x512xf32, #tpu.memory_space<vmem>>
        %dma_start3A_220 = arith.constant 0 : i32
        %dma_start3A_221 = tpu.memref_slice %arg2[%dma_start3A_216, %dma_start3A_220, %mul3A_215] : memref<8x8x1000001xf32, #tpu.memory_space<hbm>> -> memref<1x8x512xf32, #tpu.memory_space<hbm>>
        %dma_start3A_222 = tpu.memref_squeeze %dma_start3A_221 : memref<1x8x512xf32, #tpu.memory_space<hbm>> -> memref<8x512xf32, #tpu.memory_space<hbm>>
        %dma_start3A_223 = arith.constant 8 : i32
        %dma_start3A_224 = arith.constant 0 : i32
        %dma_start3A_225 = tpu.memref_slice %arg9[%dma_start3A_223, %dma_start3A_224] : memref<64x512xf32, #tpu.memory_space<vmem>> -> memref<8x512xf32, #tpu.memory_space<vmem>>
        %dma_start3A_226 = arith.constant 0 : i32
        %dma_start3A_227 = tpu.memref_slice %arg2[%dma_start3A_216, %dma_start3A_226, %mul3A_215] : memref<8x8x1000001xf32, #tpu.memory_space<hbm>> -> memref<1x8x512xf32, #tpu.memory_space<hbm>>
        %dma_start3A_228 = tpu.memref_squeeze %dma_start3A_227 : memref<1x8x512xf32, #tpu.memory_space<hbm>> -> memref<8x512xf32, #tpu.memory_space<hbm>>
        tpu.enqueue_dma source(%dma_start3A_228 : memref<8x512xf32, #tpu.memory_space<hbm>>) target(%dma_start3A_225 : memref<8x512xf32, #tpu.memory_space<vmem>>) target_semaphore(%arg15 : memref<!tpu.dma_semaphore, #tpu.memory_space<semaphore_mem>>)
        %mul3A_229 = arith.constant 512 : i32
        %mul3A_230 = arith.muli %add3A_190, %mul3A_229 : i32
        %dma_start3A_231 = arith.constant 2 : i32
        %dma_start3A_232 = arith.constant 16 : i32
        %dma_start3A_233 = arith.constant 0 : i32
        %dma_start3A_234 = tpu.memref_slice %arg9[%dma_start3A_232, %dma_start3A_233] : memref<64x512xf32, #tpu.memory_space<vmem>> -> memref<8x512xf32, #tpu.memory_space<vmem>>
        %dma_start3A_235 = arith.constant 0 : i32
        %dma_start3A_236 = tpu.memref_slice %arg2[%dma_start3A_231, %dma_start3A_235, %mul3A_230] : memref<8x8x1000001xf32, #tpu.memory_space<hbm>> -> memref<1x8x512xf32, #tpu.memory_space<hbm>>
        %dma_start3A_237 = tpu.memref_squeeze %dma_start3A_236 : memref<1x8x512xf32, #tpu.memory_space<hbm>> -> memref<8x512xf32, #tpu.memory_space<hbm>>
        %dma_start3A_238 = arith.constant 16 : i32
        %dma_start3A_239 = arith.constant 0 : i32
        %dma_start3A_240 = tpu.memref_slice %arg9[%dma_start3A_238, %dma_start3A_239] : memref<64x512xf32, #tpu.memory_space<vmem>> -> memref<8x512xf32, #tpu.memory_space<vmem>>
        %dma_start3A_241 = arith.constant 0 : i32
        %dma_start3A_242 = tpu.memref_slice %arg2[%dma_start3A_231, %dma_start3A_241, %mul3A_230] : memref<8x8x1000001xf32, #tpu.memory_space<hbm>> -> memref<1x8x512xf32, #tpu.memory_space<hbm>>
        %dma_start3A_243 = tpu.memref_squeeze %dma_start3A_242 : memref<1x8x512xf32, #tpu.memory_space<hbm>> -> memref<8x512xf32, #tpu.memory_space<hbm>>
        tpu.enqueue_dma source(%dma_start3A_243 : memref<8x512xf32, #tpu.memory_space<hbm>>) target(%dma_start3A_240 : memref<8x512xf32, #tpu.memory_space<vmem>>) target_semaphore(%arg15 : memref<!tpu.dma_semaphore, #tpu.memory_space<semaphore_mem>>)
        %mul3A_244 = arith.constant 512 : i32
        %mul3A_245 = arith.muli %add3A_190, %mul3A_244 : i32
        %dma_start3A_246 = arith.constant 3 : i32
        %dma_start3A_247 = arith.constant 24 : i32
        %dma_start3A_248 = arith.constant 0 : i32
        %dma_start3A_249 = tpu.memref_slice %arg9[%dma_start3A_247, %dma_start3A_248] : memref<64x512xf32, #tpu.memory_space<vmem>> -> memref<8x512xf32, #tpu.memory_space<vmem>>
        %dma_start3A_250 = arith.constant 0 : i32
        %dma_start3A_251 = tpu.memref_slice %arg2[%dma_start3A_246, %dma_start3A_250, %mul3A_245] : memref<8x8x1000001xf32, #tpu.memory_space<hbm>> -> memref<1x8x512xf32, #tpu.memory_space<hbm>>
        %dma_start3A_252 = tpu.memref_squeeze %dma_start3A_251 : memref<1x8x512xf32, #tpu.memory_space<hbm>> -> memref<8x512xf32, #tpu.memory_space<hbm>>
        %dma_start3A_253 = arith.constant 24 : i32
        %dma_start3A_254 = arith.constant 0 : i32
        %dma_start3A_255 = tpu.memref_slice %arg9[%dma_start3A_253, %dma_start3A_254] : memref<64x512xf32, #tpu.memory_space<vmem>> -> memref<8x512xf32, #tpu.memory_space<vmem>>
        %dma_start3A_256 = arith.constant 0 : i32
        %dma_start3A_257 = tpu.memref_slice %arg2[%dma_start3A_246, %dma_start3A_256, %mul3A_245] : memref<8x8x1000001xf32, #tpu.memory_space<hbm>> -> memref<1x8x512xf32, #tpu.memory_space<hbm>>
        %dma_start3A_258 = tpu.memref_squeeze %dma_start3A_257 : memref<1x8x512xf32, #tpu.memory_space<hbm>> -> memref<8x512xf32, #tpu.memory_space<hbm>>
        tpu.enqueue_dma source(%dma_start3A_258 : memref<8x512xf32, #tpu.memory_space<hbm>>) target(%dma_start3A_255 : memref<8x512xf32, #tpu.memory_space<vmem>>) target_semaphore(%arg15 : memref<!tpu.dma_semaphore, #tpu.memory_space<semaphore_mem>>)
        %mul3A_259 = arith.constant 512 : i32
        %mul3A_260 = arith.muli %add3A_190, %mul3A_259 : i32
        %dma_start3A_261 = arith.constant 4 : i32
        %dma_start3A_262 = arith.constant 32 : i32
        %dma_start3A_263 = arith.constant 0 : i32
        %dma_start3A_264 = tpu.memref_slice %arg9[%dma_start3A_262, %dma_start3A_263] : memref<64x512xf32, #tpu.memory_space<vmem>> -> memref<8x512xf32, #tpu.memory_space<vmem>>
        %dma_start3A_265 = arith.constant 0 : i32
        %dma_start3A_266 = tpu.memref_slice %arg2[%dma_start3A_261, %dma_start3A_265, %mul3A_260] : memref<8x8x1000001xf32, #tpu.memory_space<hbm>> -> memref<1x8x512xf32, #tpu.memory_space<hbm>>
        %dma_start3A_267 = tpu.memref_squeeze %dma_start3A_266 : memref<1x8x512xf32, #tpu.memory_space<hbm>> -> memref<8x512xf32, #tpu.memory_space<hbm>>
        %dma_start3A_268 = arith.constant 32 : i32
        %dma_start3A_269 = arith.constant 0 : i32
        %dma_start3A_270 = tpu.memref_slice %arg9[%dma_start3A_268, %dma_start3A_269] : memref<64x512xf32, #tpu.memory_space<vmem>> -> memref<8x512xf32, #tpu.memory_space<vmem>>
        %dma_start3A_271 = arith.constant 0 : i32
        %dma_start3A_272 = tpu.memref_slice %arg2[%dma_start3A_261, %dma_start3A_271, %mul3A_260] : memref<8x8x1000001xf32, #tpu.memory_space<hbm>> -> memref<1x8x512xf32, #tpu.memory_space<hbm>>
        %dma_start3A_273 = tpu.memref_squeeze %dma_start3A_272 : memref<1x8x512xf32, #tpu.memory_space<hbm>> -> memref<8x512xf32, #tpu.memory_space<hbm>>
        tpu.enqueue_dma source(%dma_start3A_273 : memref<8x512xf32, #tpu.memory_space<hbm>>) target(%dma_start3A_270 : memref<8x512xf32, #tpu.memory_space<vmem>>) target_semaphore(%arg15 : memref<!tpu.dma_semaphore, #tpu.memory_space<semaphore_mem>>)
        %mul3A_274 = arith.constant 512 : i32
        %mul3A_275 = arith.muli %add3A_190, %mul3A_274 : i32
        %dma_start3A_276 = arith.constant 5 : i32
        %dma_start3A_277 = arith.constant 40 : i32
        %dma_start3A_278 = arith.constant 0 : i32
        %dma_start3A_279 = tpu.memref_slice %arg9[%dma_start3A_277, %dma_start3A_278] : memref<64x512xf32, #tpu.memory_space<vmem>> -> memref<8x512xf32, #tpu.memory_space<vmem>>
        %dma_start3A_280 = arith.constant 0 : i32
        %dma_start3A_281 = tpu.memref_slice %arg2[%dma_start3A_276, %dma_start3A_280, %mul3A_275] : memref<8x8x1000001xf32, #tpu.memory_space<hbm>> -> memref<1x8x512xf32, #tpu.memory_space<hbm>>
        %dma_start3A_282 = tpu.memref_squeeze %dma_start3A_281 : memref<1x8x512xf32, #tpu.memory_space<hbm>> -> memref<8x512xf32, #tpu.memory_space<hbm>>
        %dma_start3A_283 = arith.constant 40 : i32
        %dma_start3A_284 = arith.constant 0 : i32
        %dma_start3A_285 = tpu.memref_slice %arg9[%dma_start3A_283, %dma_start3A_284] : memref<64x512xf32, #tpu.memory_space<vmem>> -> memref<8x512xf32, #tpu.memory_space<vmem>>
        %dma_start3A_286 = arith.constant 0 : i32
        %dma_start3A_287 = tpu.memref_slice %arg2[%dma_start3A_276, %dma_start3A_286, %mul3A_275] : memref<8x8x1000001xf32, #tpu.memory_space<hbm>> -> memref<1x8x512xf32, #tpu.memory_space<hbm>>
        %dma_start3A_288 = tpu.memref_squeeze %dma_start3A_287 : memref<1x8x512xf32, #tpu.memory_space<hbm>> -> memref<8x512xf32, #tpu.memory_space<hbm>>
        tpu.enqueue_dma source(%dma_start3A_288 : memref<8x512xf32, #tpu.memory_space<hbm>>) target(%dma_start3A_285 : memref<8x512xf32, #tpu.memory_space<vmem>>) target_semaphore(%arg15 : memref<!tpu.dma_semaphore, #tpu.memory_space<semaphore_mem>>)
        %mul3A_289 = arith.constant 512 : i32
        %mul3A_290 = arith.muli %add3A_190, %mul3A_289 : i32
        %dma_start3A_291 = arith.constant 6 : i32
        %dma_start3A_292 = arith.constant 48 : i32
        %dma_start3A_293 = arith.constant 0 : i32
        %dma_start3A_294 = tpu.memref_slice %arg9[%dma_start3A_292, %dma_start3A_293] : memref<64x512xf32, #tpu.memory_space<vmem>> -> memref<8x512xf32, #tpu.memory_space<vmem>>
        %dma_start3A_295 = arith.constant 0 : i32
        %dma_start3A_296 = tpu.memref_slice %arg2[%dma_start3A_291, %dma_start3A_295, %mul3A_290] : memref<8x8x1000001xf32, #tpu.memory_space<hbm>> -> memref<1x8x512xf32, #tpu.memory_space<hbm>>
        %dma_start3A_297 = tpu.memref_squeeze %dma_start3A_296 : memref<1x8x512xf32, #tpu.memory_space<hbm>> -> memref<8x512xf32, #tpu.memory_space<hbm>>
        %dma_start3A_298 = arith.constant 48 : i32
        %dma_start3A_299 = arith.constant 0 : i32
        %dma_start3A_300 = tpu.memref_slice %arg9[%dma_start3A_298, %dma_start3A_299] : memref<64x512xf32, #tpu.memory_space<vmem>> -> memref<8x512xf32, #tpu.memory_space<vmem>>
        %dma_start3A_301 = arith.constant 0 : i32
        %dma_start3A_302 = tpu.memref_slice %arg2[%dma_start3A_291, %dma_start3A_301, %mul3A_290] : memref<8x8x1000001xf32, #tpu.memory_space<hbm>> -> memref<1x8x512xf32, #tpu.memory_space<hbm>>
        %dma_start3A_303 = tpu.memref_squeeze %dma_start3A_302 : memref<1x8x512xf32, #tpu.memory_space<hbm>> -> memref<8x512xf32, #tpu.memory_space<hbm>>
        tpu.enqueue_dma source(%dma_start3A_303 : memref<8x512xf32, #tpu.memory_space<hbm>>) target(%dma_start3A_300 : memref<8x512xf32, #tpu.memory_space<vmem>>) target_semaphore(%arg15 : memref<!tpu.dma_semaphore, #tpu.memory_space<semaphore_mem>>)
        %mul3A_304 = arith.constant 512 : i32
        %mul3A_305 = arith.muli %add3A_190, %mul3A_304 : i32
        %dma_start3A_306 = arith.constant 7 : i32
        %dma_start3A_307 = arith.constant 56 : i32
        %dma_start3A_308 = arith.constant 0 : i32
        %dma_start3A_309 = tpu.memref_slice %arg9[%dma_start3A_307, %dma_start3A_308] : memref<64x512xf32, #tpu.memory_space<vmem>> -> memref<8x512xf32, #tpu.memory_space<vmem>>
        %dma_start3A_310 = arith.constant 0 : i32
        %dma_start3A_311 = tpu.memref_slice %arg2[%dma_start3A_306, %dma_start3A_310, %mul3A_305] : memref<8x8x1000001xf32, #tpu.memory_space<hbm>> -> memref<1x8x512xf32, #tpu.memory_space<hbm>>
        %dma_start3A_312 = tpu.memref_squeeze %dma_start3A_311 : memref<1x8x512xf32, #tpu.memory_space<hbm>> -> memref<8x512xf32, #tpu.memory_space<hbm>>
        %dma_start3A_313 = arith.constant 56 : i32
        %dma_start3A_314 = arith.constant 0 : i32
        %dma_start3A_315 = tpu.memref_slice %arg9[%dma_start3A_313, %dma_start3A_314] : memref<64x512xf32, #tpu.memory_space<vmem>> -> memref<8x512xf32, #tpu.memory_space<vmem>>
        %dma_start3A_316 = arith.constant 0 : i32
        %dma_start3A_317 = tpu.memref_slice %arg2[%dma_start3A_306, %dma_start3A_316, %mul3A_305] : memref<8x8x1000001xf32, #tpu.memory_space<hbm>> -> memref<1x8x512xf32, #tpu.memory_space<hbm>>
        %dma_start3A_318 = tpu.memref_squeeze %dma_start3A_317 : memref<1x8x512xf32, #tpu.memory_space<hbm>> -> memref<8x512xf32, #tpu.memory_space<hbm>>
        tpu.enqueue_dma source(%dma_start3A_318 : memref<8x512xf32, #tpu.memory_space<hbm>>) target(%dma_start3A_315 : memref<8x512xf32, #tpu.memory_space<vmem>>) target_semaphore(%arg15 : memref<!tpu.dma_semaphore, #tpu.memory_space<semaphore_mem>>)
      } else {
      }
      scf.yield %while3A_187 : i32
    }
    %scan3A_80 = arith.constant 31 : i32
    %while3A = arith.constant 0 : i32
    %while3A_81 = arith.subi %select_n3A, %while3A : i32
    %while3A_82 = arith.addi %while3A, %while3A_81 : i32
    %while3A_83 = arith.constant 1 : i32
    %while3A_84 = arith.divsi %while3A_81, %while3A_83 : i32
    %while3A_85 = arith.muli %while3A_84, %while3A_83 : i32
    %while3A_86 = arith.addi %while3A, %while3A_85 : i32
    %while3A_87 = arith.constant 1 : i32
    %while3A_88 = scf.for %while3A_127 = %while3A to %while3A_86 step %while3A_87 iter_args(%while3A_128 = %scan3A_79) -> (i32)  : i32 {
      %mul3A_129 = arith.constant 16 : i32
      %mul3A_130 = arith.muli %while3A_127, %mul3A_129 : i32
      %get3A = arith.index_cast %mul3A_130 : i32 to index
      %get3A_131 = tpu.vector_load %arg7[%get3A] {strides = array<i32>} : memref<16416xi32, #tpu.memory_space<vmem>>, vector<16xi32>,
      %and3A_132 = arith.constant 16383 : i32
      %and3A_133 = vector.broadcast %and3A_132 : i32 to vector<16xi32>
      %and3A_134 = arith.andi %get3A_131, %and3A_133 : vector<16xi32>
      %gather3A = arith.constant 0 : i32
      %gather3A_135 = tpu.memref_slice %arg6[%gather3A] : memref<16384xi32, #tpu.memory_space<vmem>> -> memref<16384xi32, #tpu.memory_space<vmem>>
      %gather3A_136 = tpu.vector_load_idx %gather3A_135[%and3A_134] : memref<16384xi32, #tpu.memory_space<vmem>>[vector<16xi32>], vector<16xi32>,
      %ge3A = arith.constant 999936 : i32
      %ge3A_137 = vector.broadcast %ge3A : i32 to vector<16xi32>
      %ge3A_138 = arith.cmpi sge, %gather3A_136, %ge3A_137 : vector<16xi32>
      %mul3A_139 = arith.constant 16 : i32
      %mul3A_140 = arith.muli %while3A_127, %mul3A_139 : i32
      %add3A_141 = vector.broadcast %mul3A_140 : i32 to vector<16xi32>
      %add3A_142 = arith.addi %add3A_141, %iota3A : vector<16xi32>
      %lt3A_143 = vector.broadcast %scan3A_53 : i32 to vector<16xi32>
      %lt3A_144 = arith.cmpi slt, %add3A_142, %lt3A_143 : vector<16xi32>
      %and3A_145 = arith.andi %ge3A_138, %lt3A_144 : vector<16xi1>
      %all_reduce_population_count3A = tpu.all_reduce %and3A_145 {dim = 0 : i64, kind = #tpu.reduction_kind<sum>} : vector<16xi1> -> vector<16xi32>
      %slice3A = vector.extract_strided_slice %all_reduce_population_count3A {offsets = [0], sizes = [1], strides = [1]} : vector<16xi32> to vector<1xi32>
      %squeeze3A = vector.extract %slice3A[0] : i32 from vector<1xi32>
      %gt3A = arith.constant 0 : i32
      %gt3A_146 = arith.cmpi sgt, %squeeze3A, %gt3A : i32
      %convert_element_type3A_147 = arith.extui %gt3A_146 : i1 to i32
      %cond3A_148 = arith.constant 0 : i32
      %cond3A_149 = arith.cmpi ne, %convert_element_type3A_147, %cond3A_148 : i32
      scf.if %cond3A_149 {
        %swap3A_161 = arith.constant 0 : index
        %swap3A_162 = tpu.vector_load %arg12[%swap3A_161] masked %and3A_145 {strides = array<i32>} : memref<16xi32, #tpu.memory_space<vmem>>, vector<16xi32>, vector<16xi1>
        tpu.vector_store %arg12[%swap3A_161], %and3A_134 masked %and3A_145 {strides = array<i32>} : memref<16xi32, #tpu.memory_space<vmem>>, vector<16xi32>, vector<16xi1>
      } else {
      }
      %while3A_150 = arith.constant 0 : i32
      %while3A_151 = arith.subi %squeeze3A, %while3A_150 : i32
      %while3A_152 = arith.addi %while3A_150, %while3A_151 : i32
      %while3A_153 = arith.constant 1 : i32
      %while3A_154 = arith.divsi %while3A_151, %while3A_153 : i32
      %while3A_155 = arith.muli %while3A_154, %while3A_153 : i32
      %while3A_156 = arith.addi %while3A_150, %while3A_155 : i32
      %while3A_157 = arith.constant 1 : i32
      %while3A_158 = scf.for %while3A_161 = %while3A_150 to %while3A_156 step %while3A_157 iter_args(%while3A_162 = %while3A_128) -> (i32)  : i32 {
        %broadcast_in_dim3A_163 = vector.broadcast %while3A_161 : i32 to vector<16xi32>
        %gather3A_164 = arith.constant 0 : i32
        %gather3A_165 = tpu.memref_slice %arg12[%gather3A_164] : memref<16xi32, #tpu.memory_space<vmem>> -> memref<16xi32, #tpu.memory_space<vmem>>
        %gather3A_166 = tpu.vector_load_idx %gather3A_165[%broadcast_in_dim3A_163] : memref<16xi32, #tpu.memory_space<vmem>>[vector<16xi32>], vector<16xi32>,
        %gather3A_167 = arith.constant 0 : i32
        %gather3A_168 = tpu.memref_slice %arg6[%gather3A_167] : memref<16384xi32, #tpu.memory_space<vmem>> -> memref<16384xi32, #tpu.memory_space<vmem>>
        %gather3A_169 = tpu.vector_load_idx %gather3A_168[%gather3A_166] : memref<16384xi32, #tpu.memory_space<vmem>>[vector<16xi32>], vector<16xi32>,
        %sub3A_170 = arith.constant 999936 : i32
        %sub3A_171 = vector.broadcast %sub3A_170 : i32 to vector<16xi32>
        %sub3A_172 = arith.subi %gather3A_169, %sub3A_171 : vector<16xi32>
        %add3A_173 = arith.constant 0 : i32
        %add3A_174 = vector.broadcast %add3A_173 : i32 to vector<16xi32>
        %add3A_175 = arith.addi %add3A_174, %iota3A : vector<16xi32>
        %gather3A_176 = arith.constant 0 : i32
        %gather3A_177 = arith.constant 0 : i32
        %gather3A_178 = tpu.memref_slice %arg13[%gather3A_176, %gather3A_177] : memref<65x64xf32, #tpu.memory_space<vmem>> -> memref<65x64xf32, #tpu.memory_space<vmem>>
        %gather3A_179 = tpu.vector_load_idx %gather3A_178[%sub3A_172, %add3A_175] : memref<65x64xf32, #tpu.memory_space<vmem>>[vector<16xi32>, vector<16xi32>], vector<16xf32>,
        %add3A_180 = arith.constant 16 : i32
        %add3A_181 = vector.broadcast %add3A_180 : i32 to vector<16xi32>
        %add3A_182 = arith.addi %add3A_181, %iota3A : vector<16xi32>
        %gather3A_183 = arith.constant 0 : i32
        %gather3A_184 = arith.constant 0 : i32
        %gather3A_185 = tpu.memref_slice %arg13[%gather3A_183, %gather3A_184] : memref<65x64xf32, #tpu.memory_space<vmem>> -> memref<65x64xf32, #tpu.memory_space<vmem>>
        %gather3A_186 = tpu.vector_load_idx %gather3A_185[%sub3A_172, %add3A_182] : memref<65x64xf32, #tpu.memory_space<vmem>>[vector<16xi32>, vector<16xi32>], vector<16xf32>,
        %add3A_187 = arith.constant 32 : i32
        %add3A_188 = vector.broadcast %add3A_187 : i32 to vector<16xi32>
        %add3A_189 = arith.addi %add3A_188, %iota3A : vector<16xi32>
        %gather3A_190 = arith.constant 0 : i32
        %gather3A_191 = arith.constant 0 : i32
        %gather3A_192 = tpu.memref_slice %arg13[%gather3A_190, %gather3A_191] : memref<65x64xf32, #tpu.memory_space<vmem>> -> memref<65x64xf32, #tpu.memory_space<vmem>>
        %gather3A_193 = tpu.vector_load_idx %gather3A_192[%sub3A_172, %add3A_189] : memref<65x64xf32, #tpu.memory_space<vmem>>[vector<16xi32>, vector<16xi32>], vector<16xf32>,
        %add3A_194 = arith.constant 48 : i32
        %add3A_195 = vector.broadcast %add3A_194 : i32 to vector<16xi32>
        %add3A_196 = arith.addi %add3A_195, %iota3A : vector<16xi32>
        %gather3A_197 = arith.constant 0 : i32
        %gather3A_198 = arith.constant 0 : i32
        %gather3A_199 = tpu.memref_slice %arg13[%gather3A_197, %gather3A_198] : memref<65x64xf32, #tpu.memory_space<vmem>> -> memref<65x64xf32, #tpu.memory_space<vmem>>
        %gather3A_200 = tpu.vector_load_idx %gather3A_199[%sub3A_172, %add3A_196] : memref<65x64xf32, #tpu.memory_space<vmem>>[vector<16xi32>, vector<16xi32>], vector<16xf32>,
        %broadcast_in_dim3A_201 = vector.broadcast %while3A_162 : i32 to vector<16xi32>
        %add3A_202 = arith.constant 0 : i32
        %add3A_203 = vector.broadcast %add3A_202 : i32 to vector<16xi32>
        %add3A_204 = arith.addi %add3A_203, %iota3A : vector<16xi32>
        %scatter3A = arith.constant 0 : i32
        %scatter3A_205 = arith.constant 0 : i32
        %scatter3A_206 = tpu.memref_slice %arg10[%scatter3A, %scatter3A_205] : memref<128x128xf32, #tpu.memory_space<vmem>> -> memref<128x128xf32, #tpu.memory_space<vmem>>
        tpu.vector_store_idx %scatter3A_206[%broadcast_in_dim3A_201, %add3A_204], %gather3A_179 : memref<128x128xf32, #tpu.memory_space<vmem>>[vector<16xi32>, vector<16xi32>], vector<16xf32>,
        %add3A_207 = arith.constant 16 : i32
        %add3A_208 = vector.broadcast %add3A_207 : i32 to vector<16xi32>
        %add3A_209 = arith.addi %add3A_208, %iota3A : vector<16xi32>
        %scatter3A_210 = arith.constant 0 : i32
        %scatter3A_211 = arith.constant 0 : i32
        %scatter3A_212 = tpu.memref_slice %arg10[%scatter3A_210, %scatter3A_211] : memref<128x128xf32, #tpu.memory_space<vmem>> -> memref<128x128xf32, #tpu.memory_space<vmem>>
        tpu.vector_store_idx %scatter3A_212[%broadcast_in_dim3A_201, %add3A_209], %gather3A_186 : memref<128x128xf32, #tpu.memory_space<vmem>>[vector<16xi32>, vector<16xi32>], vector<16xf32>,
        %add3A_213 = arith.constant 32 : i32
        %add3A_214 = vector.broadcast %add3A_213 : i32 to vector<16xi32>
        %add3A_215 = arith.addi %add3A_214, %iota3A : vector<16xi32>
        %scatter3A_216 = arith.constant 0 : i32
        %scatter3A_217 = arith.constant 0 : i32
        %scatter3A_218 = tpu.memref_slice %arg10[%scatter3A_216, %scatter3A_217] : memref<128x128xf32, #tpu.memory_space<vmem>> -> memref<128x128xf32, #tpu.memory_space<vmem>>
        tpu.vector_store_idx %scatter3A_218[%broadcast_in_dim3A_201, %add3A_215], %gather3A_193 : memref<128x128xf32, #tpu.memory_space<vmem>>[vector<16xi32>, vector<16xi32>], vector<16xf32>,
        %add3A_219 = arith.constant 48 : i32
        %add3A_220 = vector.broadcast %add3A_219 : i32 to vector<16xi32>
        %add3A_221 = arith.addi %add3A_220, %iota3A : vector<16xi32>
        %scatter3A_222 = arith.constant 0 : i32
        %scatter3A_223 = arith.constant 0 : i32
        %scatter3A_224 = tpu.memref_slice %arg10[%scatter3A_222, %scatter3A_223] : memref<128x128xf32, #tpu.memory_space<vmem>> -> memref<128x128xf32, #tpu.memory_space<vmem>>
        tpu.vector_store_idx %scatter3A_224[%broadcast_in_dim3A_201, %add3A_221], %gather3A_200 : memref<128x128xf32, #tpu.memory_space<vmem>>[vector<16xi32>, vector<16xi32>], vector<16xf32>,
        %lt3A_225 = arith.constant 1 : i32
        %lt3A_226 = vector.broadcast %lt3A_225 : i32 to vector<16xi32>
        %lt3A_227 = arith.cmpi slt, %iota3A, %lt3A_226 : vector<16xi32>
        %scatter3A_228 = arith.constant 0 : i32
        %scatter3A_229 = tpu.memref_slice %arg11[%scatter3A_228] : memref<128xi32, #tpu.memory_space<vmem>> -> memref<128xi32, #tpu.memory_space<vmem>>
        tpu.vector_store_idx %scatter3A_229[%broadcast_in_dim3A_201], %gather3A_166 masked %lt3A_227 : memref<128xi32, #tpu.memory_space<vmem>>[vector<16xi32>], vector<16xi32>, vector<16xi1>
        %add3A_230 = arith.constant 1 : i32
        %add3A_231 = arith.addi %while3A_162, %add3A_230 : i32
        %eq3A = arith.constant 128 : i32
        %eq3A_232 = arith.cmpi eq, %add3A_231, %eq3A : i32
        %convert_element_type3A_233 = arith.extui %eq3A_232 : i1 to i32
        %cond3A_234 = arith.constant 0 : i32
        %cond3A_235 = arith.cmpi ne, %convert_element_type3A_233, %cond3A_234 : i32
        scf.if %cond3A_235 {
          %dma_start3A_240 = arith.constant 0 : i32
          %dma_start3A_241 = arith.constant 0 : i32
          %dma_start3A_242 = tpu.memref_slice %arg5[%dma_start3A_240, %dma_start3A_241] : memref<16392x128xf32, #tpu.memory_space<hbm>> -> memref<16392x128xf32, #tpu.memory_space<hbm>>
          tpu.enqueue_indirect_dma source(%arg10 : memref<128x128xf32, #tpu.memory_space<vmem>>) target(%dma_start3A_242 : memref<16392x128xf32, #tpu.memory_space<hbm>>) offsets(%arg11 : memref<128xi32, #tpu.memory_space<vmem>>) semaphore(%arg16 : memref<!tpu.dma_semaphore, #tpu.memory_space<semaphore_mem>>)
          %dma_wait3A_243 = arith.constant 0 : i32
          %dma_wait3A_244 = arith.constant 0 : i32
          %dma_wait3A_245 = tpu.memref_slice %arg5[%dma_wait3A_243, %dma_wait3A_244] : memref<16392x128xf32, #tpu.memory_space<hbm>> -> memref<16392x128xf32, #tpu.memory_space<hbm>>
          tpu.wait_indirect_dma semaphore(%arg16 : memref<!tpu.dma_semaphore, #tpu.memory_space<semaphore_mem>>) src(%arg10 : memref<128x128xf32, #tpu.memory_space<vmem>>) dst(%dma_wait3A_245 : memref<16392x128xf32, #tpu.memory_space<hbm>>)
          %broadcast_in_dim3A_246 = arith.constant 16384 : i32
          %broadcast_in_dim3A_247 = vector.broadcast %broadcast_in_dim3A_246 : i32 to vector<16xi32>
          %swap3A_248 = arith.constant 0 : index
          %swap3A_249 = tpu.vector_load %arg11[%swap3A_248] {strides = array<i32>} : memref<128xi32, #tpu.memory_space<vmem>>, vector<16xi32>,
          tpu.vector_store %arg11[%swap3A_248], %broadcast_in_dim3A_247 {strides = array<i32>} : memref<128xi32, #tpu.memory_space<vmem>>, vector<16xi32>,
          %broadcast_in_dim3A_250 = arith.constant 16384 : i32
          %broadcast_in_dim3A_251 = vector.broadcast %broadcast_in_dim3A_250 : i32 to vector<16xi32>
          %swap3A_252 = arith.constant 16 : index
          %swap3A_253 = tpu.vector_load %arg11[%swap3A_252] {strides = array<i32>} : memref<128xi32, #tpu.memory_space<vmem>>, vector<16xi32>,
          tpu.vector_store %arg11[%swap3A_252], %broadcast_in_dim3A_251 {strides = array<i32>} : memref<128xi32, #tpu.memory_space<vmem>>, vector<16xi32>,
          %broadcast_in_dim3A_254 = arith.constant 16384 : i32
          %broadcast_in_dim3A_255 = vector.broadcast %broadcast_in_dim3A_254 : i32 to vector<16xi32>
          %swap3A_256 = arith.constant 32 : index
          %swap3A_257 = tpu.vector_load %arg11[%swap3A_256] {strides = array<i32>} : memref<128xi32, #tpu.memory_space<vmem>>, vector<16xi32>,
          tpu.vector_store %arg11[%swap3A_256], %broadcast_in_dim3A_255 {strides = array<i32>} : memref<128xi32, #tpu.memory_space<vmem>>, vector<16xi32>,
          %broadcast_in_dim3A_258 = arith.constant 16384 : i32
          %broadcast_in_dim3A_259 = vector.broadcast %broadcast_in_dim3A_258 : i32 to vector<16xi32>
          %swap3A_260 = arith.constant 48 : index
          %swap3A_261 = tpu.vector_load %arg11[%swap3A_260] {strides = array<i32>} : memref<128xi32, #tpu.memory_space<vmem>>, vector<16xi32>,
          tpu.vector_store %arg11[%swap3A_260], %broadcast_in_dim3A_259 {strides = array<i32>} : memref<128xi32, #tpu.memory_space<vmem>>, vector<16xi32>,
          %broadcast_in_dim3A_262 = arith.constant 16384 : i32
          %broadcast_in_dim3A_263 = vector.broadcast %broadcast_in_dim3A_262 : i32 to vector<16xi32>
          %swap3A_264 = arith.constant 64 : index
          %swap3A_265 = tpu.vector_load %arg11[%swap3A_264] {strides = array<i32>} : memref<128xi32, #tpu.memory_space<vmem>>, vector<16xi32>,
          tpu.vector_store %arg11[%swap3A_264], %broadcast_in_dim3A_263 {strides = array<i32>} : memref<128xi32, #tpu.memory_space<vmem>>, vector<16xi32>,
          %broadcast_in_dim3A_266 = arith.constant 16384 : i32
          %broadcast_in_dim3A_267 = vector.broadcast %broadcast_in_dim3A_266 : i32 to vector<16xi32>
          %swap3A_268 = arith.constant 80 : index
          %swap3A_269 = tpu.vector_load %arg11[%swap3A_268] {strides = array<i32>} : memref<128xi32, #tpu.memory_space<vmem>>, vector<16xi32>,
          tpu.vector_store %arg11[%swap3A_268], %broadcast_in_dim3A_267 {strides = array<i32>} : memref<128xi32, #tpu.memory_space<vmem>>, vector<16xi32>,
          %broadcast_in_dim3A_270 = arith.constant 16384 : i32
          %broadcast_in_dim3A_271 = vector.broadcast %broadcast_in_dim3A_270 : i32 to vector<16xi32>
          %swap3A_272 = arith.constant 96 : index
          %swap3A_273 = tpu.vector_load %arg11[%swap3A_272] {strides = array<i32>} : memref<128xi32, #tpu.memory_space<vmem>>, vector<16xi32>,
          tpu.vector_store %arg11[%swap3A_272], %broadcast_in_dim3A_271 {strides = array<i32>} : memref<128xi32, #tpu.memory_space<vmem>>, vector<16xi32>,
          %broadcast_in_dim3A_274 = arith.constant 16384 : i32
          %broadcast_in_dim3A_275 = vector.broadcast %broadcast_in_dim3A_274 : i32 to vector<16xi32>
          %swap3A_276 = arith.constant 112 : index
          %swap3A_277 = tpu.vector_load %arg11[%swap3A_276] {strides = array<i32>} : memref<128xi32, #tpu.memory_space<vmem>>, vector<16xi32>,
          tpu.vector_store %arg11[%swap3A_276], %broadcast_in_dim3A_275 {strides = array<i32>} : memref<128xi32, #tpu.memory_space<vmem>>, vector<16xi32>,
        } else {
        }
        %eq3A_236 = arith.constant 128 : i32
        %eq3A_237 = arith.cmpi eq, %add3A_231, %eq3A_236 : i32
        %jit3A_238 = arith.constant 0 : i32
        %select_n3A_239 = arith.select %eq3A_237, %jit3A_238, %add3A_231 : i32
        scf.yield %select_n3A_239 : i32
      }
      %while3A_159 = arith.constant 1 : i32
      %while3A_160 = scf.for %while3A_161 = %while3A_156 to %while3A_152 step %while3A_159 iter_args(%while3A_162 = %while3A_158) -> (i32)  : i32 {
        %broadcast_in_dim3A_163 = vector.broadcast %while3A_161 : i32 to vector<16xi32>
        %gather3A_164 = arith.constant 0 : i32
        %gather3A_165 = tpu.memref_slice %arg12[%gather3A_164] : memref<16xi32, #tpu.memory_space<vmem>> -> memref<16xi32, #tpu.memory_space<vmem>>
        %gather3A_166 = tpu.vector_load_idx %gather3A_165[%broadcast_in_dim3A_163] : memref<16xi32, #tpu.memory_space<vmem>>[vector<16xi32>], vector<16xi32>,
        %gather3A_167 = arith.constant 0 : i32
        %gather3A_168 = tpu.memref_slice %arg6[%gather3A_167] : memref<16384xi32, #tpu.memory_space<vmem>> -> memref<16384xi32, #tpu.memory_space<vmem>>
        %gather3A_169 = tpu.vector_load_idx %gather3A_168[%gather3A_166] : memref<16384xi32, #tpu.memory_space<vmem>>[vector<16xi32>], vector<16xi32>,
        %sub3A_170 = arith.constant 999936 : i32
        %sub3A_171 = vector.broadcast %sub3A_170 : i32 to vector<16xi32>
        %sub3A_172 = arith.subi %gather3A_169, %sub3A_171 : vector<16xi32>
        %add3A_173 = arith.constant 0 : i32
        %add3A_174 = vector.broadcast %add3A_173 : i32 to vector<16xi32>
        %add3A_175 = arith.addi %add3A_174, %iota3A : vector<16xi32>
        %gather3A_176 = arith.constant 0 : i32
        %gather3A_177 = arith.constant 0 : i32
        %gather3A_178 = tpu.memref_slice %arg13[%gather3A_176, %gather3A_177] : memref<65x64xf32, #tpu.memory_space<vmem>> -> memref<65x64xf32, #tpu.memory_space<vmem>>
        %gather3A_179 = tpu.vector_load_idx %gather3A_178[%sub3A_172, %add3A_175] : memref<65x64xf32, #tpu.memory_space<vmem>>[vector<16xi32>, vector<16xi32>], vector<16xf32>,
        %add3A_180 = arith.constant 16 : i32
        %add3A_181 = vector.broadcast %add3A_180 : i32 to vector<16xi32>
        %add3A_182 = arith.addi %add3A_181, %iota3A : vector<16xi32>
        %gather3A_183 = arith.constant 0 : i32
        %gather3A_184 = arith.constant 0 : i32
        %gather3A_185 = tpu.memref_slice %arg13[%gather3A_183, %gather3A_184] : memref<65x64xf32, #tpu.memory_space<vmem>> -> memref<65x64xf32, #tpu.memory_space<vmem>>
        %gather3A_186 = tpu.vector_load_idx %gather3A_185[%sub3A_172, %add3A_182] : memref<65x64xf32, #tpu.memory_space<vmem>>[vector<16xi32>, vector<16xi32>], vector<16xf32>,
        %add3A_187 = arith.constant 32 : i32
        %add3A_188 = vector.broadcast %add3A_187 : i32 to vector<16xi32>
        %add3A_189 = arith.addi %add3A_188, %iota3A : vector<16xi32>
        %gather3A_190 = arith.constant 0 : i32
        %gather3A_191 = arith.constant 0 : i32
        %gather3A_192 = tpu.memref_slice %arg13[%gather3A_190, %gather3A_191] : memref<65x64xf32, #tpu.memory_space<vmem>> -> memref<65x64xf32, #tpu.memory_space<vmem>>
        %gather3A_193 = tpu.vector_load_idx %gather3A_192[%sub3A_172, %add3A_189] : memref<65x64xf32, #tpu.memory_space<vmem>>[vector<16xi32>, vector<16xi32>], vector<16xf32>,
        %add3A_194 = arith.constant 48 : i32
        %add3A_195 = vector.broadcast %add3A_194 : i32 to vector<16xi32>
        %add3A_196 = arith.addi %add3A_195, %iota3A : vector<16xi32>
        %gather3A_197 = arith.constant 0 : i32
        %gather3A_198 = arith.constant 0 : i32
        %gather3A_199 = tpu.memref_slice %arg13[%gather3A_197, %gather3A_198] : memref<65x64xf32, #tpu.memory_space<vmem>> -> memref<65x64xf32, #tpu.memory_space<vmem>>
        %gather3A_200 = tpu.vector_load_idx %gather3A_199[%sub3A_172, %add3A_196] : memref<65x64xf32, #tpu.memory_space<vmem>>[vector<16xi32>, vector<16xi32>], vector<16xf32>,
        %broadcast_in_dim3A_201 = vector.broadcast %while3A_162 : i32 to vector<16xi32>
        %add3A_202 = arith.constant 0 : i32
        %add3A_203 = vector.broadcast %add3A_202 : i32 to vector<16xi32>
        %add3A_204 = arith.addi %add3A_203, %iota3A : vector<16xi32>
        %scatter3A = arith.constant 0 : i32
        %scatter3A_205 = arith.constant 0 : i32
        %scatter3A_206 = tpu.memref_slice %arg10[%scatter3A, %scatter3A_205] : memref<128x128xf32, #tpu.memory_space<vmem>> -> memref<128x128xf32, #tpu.memory_space<vmem>>
        tpu.vector_store_idx %scatter3A_206[%broadcast_in_dim3A_201, %add3A_204], %gather3A_179 : memref<128x128xf32, #tpu.memory_space<vmem>>[vector<16xi32>, vector<16xi32>], vector<16xf32>,
        %add3A_207 = arith.constant 16 : i32
        %add3A_208 = vector.broadcast %add3A_207 : i32 to vector<16xi32>
        %add3A_209 = arith.addi %add3A_208, %iota3A : vector<16xi32>
        %scatter3A_210 = arith.constant 0 : i32
        %scatter3A_211 = arith.constant 0 : i32
        %scatter3A_212 = tpu.memref_slice %arg10[%scatter3A_210, %scatter3A_211] : memref<128x128xf32, #tpu.memory_space<vmem>> -> memref<128x128xf32, #tpu.memory_space<vmem>>
        tpu.vector_store_idx %scatter3A_212[%broadcast_in_dim3A_201, %add3A_209], %gather3A_186 : memref<128x128xf32, #tpu.memory_space<vmem>>[vector<16xi32>, vector<16xi32>], vector<16xf32>,
        %add3A_213 = arith.constant 32 : i32
        %add3A_214 = vector.broadcast %add3A_213 : i32 to vector<16xi32>
        %add3A_215 = arith.addi %add3A_214, %iota3A : vector<16xi32>
        %scatter3A_216 = arith.constant 0 : i32
        %scatter3A_217 = arith.constant 0 : i32
        %scatter3A_218 = tpu.memref_slice %arg10[%scatter3A_216, %scatter3A_217] : memref<128x128xf32, #tpu.memory_space<vmem>> -> memref<128x128xf32, #tpu.memory_space<vmem>>
        tpu.vector_store_idx %scatter3A_218[%broadcast_in_dim3A_201, %add3A_215], %gather3A_193 : memref<128x128xf32, #tpu.memory_space<vmem>>[vector<16xi32>, vector<16xi32>], vector<16xf32>,
        %add3A_219 = arith.constant 48 : i32
        %add3A_220 = vector.broadcast %add3A_219 : i32 to vector<16xi32>
        %add3A_221 = arith.addi %add3A_220, %iota3A : vector<16xi32>
        %scatter3A_222 = arith.constant 0 : i32
        %scatter3A_223 = arith.constant 0 : i32
        %scatter3A_224 = tpu.memref_slice %arg10[%scatter3A_222, %scatter3A_223] : memref<128x128xf32, #tpu.memory_space<vmem>> -> memref<128x128xf32, #tpu.memory_space<vmem>>
        tpu.vector_store_idx %scatter3A_224[%broadcast_in_dim3A_201, %add3A_221], %gather3A_200 : memref<128x128xf32, #tpu.memory_space<vmem>>[vector<16xi32>, vector<16xi32>], vector<16xf32>,
        %lt3A_225 = arith.constant 1 : i32
        %lt3A_226 = vector.broadcast %lt3A_225 : i32 to vector<16xi32>
        %lt3A_227 = arith.cmpi slt, %iota3A, %lt3A_226 : vector<16xi32>
        %scatter3A_228 = arith.constant 0 : i32
        %scatter3A_229 = tpu.memref_slice %arg11[%scatter3A_228] : memref<128xi32, #tpu.memory_space<vmem>> -> memref<128xi32, #tpu.memory_space<vmem>>
        tpu.vector_store_idx %scatter3A_229[%broadcast_in_dim3A_201], %gather3A_166 masked %lt3A_227 : memref<128xi32, #tpu.memory_space<vmem>>[vector<16xi32>], vector<16xi32>, vector<16xi1>
        %add3A_230 = arith.constant 1 : i32
        %add3A_231 = arith.addi %while3A_162, %add3A_230 : i32
        %eq3A = arith.constant 128 : i32
        %eq3A_232 = arith.cmpi eq, %add3A_231, %eq3A : i32
        %convert_element_type3A_233 = arith.extui %eq3A_232 : i1 to i32
        %cond3A_234 = arith.constant 0 : i32
        %cond3A_235 = arith.cmpi ne, %convert_element_type3A_233, %cond3A_234 : i32
        scf.if %cond3A_235 {
          %dma_start3A_240 = arith.constant 0 : i32
          %dma_start3A_241 = arith.constant 0 : i32
          %dma_start3A_242 = tpu.memref_slice %arg5[%dma_start3A_240, %dma_start3A_241] : memref<16392x128xf32, #tpu.memory_space<hbm>> -> memref<16392x128xf32, #tpu.memory_space<hbm>>
          tpu.enqueue_indirect_dma source(%arg10 : memref<128x128xf32, #tpu.memory_space<vmem>>) target(%dma_start3A_242 : memref<16392x128xf32, #tpu.memory_space<hbm>>) offsets(%arg11 : memref<128xi32, #tpu.memory_space<vmem>>) semaphore(%arg16 : memref<!tpu.dma_semaphore, #tpu.memory_space<semaphore_mem>>)
          %dma_wait3A_243 = arith.constant 0 : i32
          %dma_wait3A_244 = arith.constant 0 : i32
          %dma_wait3A_245 = tpu.memref_slice %arg5[%dma_wait3A_243, %dma_wait3A_244] : memref<16392x128xf32, #tpu.memory_space<hbm>> -> memref<16392x128xf32, #tpu.memory_space<hbm>>
          tpu.wait_indirect_dma semaphore(%arg16 : memref<!tpu.dma_semaphore, #tpu.memory_space<semaphore_mem>>) src(%arg10 : memref<128x128xf32, #tpu.memory_space<vmem>>) dst(%dma_wait3A_245 : memref<16392x128xf32, #tpu.memory_space<hbm>>)
          %broadcast_in_dim3A_246 = arith.constant 16384 : i32
          %broadcast_in_dim3A_247 = vector.broadcast %broadcast_in_dim3A_246 : i32 to vector<16xi32>
          %swap3A_248 = arith.constant 0 : index
          %swap3A_249 = tpu.vector_load %arg11[%swap3A_248] {strides = array<i32>} : memref<128xi32, #tpu.memory_space<vmem>>, vector<16xi32>,
          tpu.vector_store %arg11[%swap3A_248], %broadcast_in_dim3A_247 {strides = array<i32>} : memref<128xi32, #tpu.memory_space<vmem>>, vector<16xi32>,
          %broadcast_in_dim3A_250 = arith.constant 16384 : i32
          %broadcast_in_dim3A_251 = vector.broadcast %broadcast_in_dim3A_250 : i32 to vector<16xi32>
          %swap3A_252 = arith.constant 16 : index
          %swap3A_253 = tpu.vector_load %arg11[%swap3A_252] {strides = array<i32>} : memref<128xi32, #tpu.memory_space<vmem>>, vector<16xi32>,
          tpu.vector_store %arg11[%swap3A_252], %broadcast_in_dim3A_251 {strides = array<i32>} : memref<128xi32, #tpu.memory_space<vmem>>, vector<16xi32>,
          %broadcast_in_dim3A_254 = arith.constant 16384 : i32
          %broadcast_in_dim3A_255 = vector.broadcast %broadcast_in_dim3A_254 : i32 to vector<16xi32>
          %swap3A_256 = arith.constant 32 : index
          %swap3A_257 = tpu.vector_load %arg11[%swap3A_256] {strides = array<i32>} : memref<128xi32, #tpu.memory_space<vmem>>, vector<16xi32>,
          tpu.vector_store %arg11[%swap3A_256], %broadcast_in_dim3A_255 {strides = array<i32>} : memref<128xi32, #tpu.memory_space<vmem>>, vector<16xi32>,
          %broadcast_in_dim3A_258 = arith.constant 16384 : i32
          %broadcast_in_dim3A_259 = vector.broadcast %broadcast_in_dim3A_258 : i32 to vector<16xi32>
          %swap3A_260 = arith.constant 48 : index
          %swap3A_261 = tpu.vector_load %arg11[%swap3A_260] {strides = array<i32>} : memref<128xi32, #tpu.memory_space<vmem>>, vector<16xi32>,
          tpu.vector_store %arg11[%swap3A_260], %broadcast_in_dim3A_259 {strides = array<i32>} : memref<128xi32, #tpu.memory_space<vmem>>, vector<16xi32>,
          %broadcast_in_dim3A_262 = arith.constant 16384 : i32
          %broadcast_in_dim3A_263 = vector.broadcast %broadcast_in_dim3A_262 : i32 to vector<16xi32>
          %swap3A_264 = arith.constant 64 : index
          %swap3A_265 = tpu.vector_load %arg11[%swap3A_264] {strides = array<i32>} : memref<128xi32, #tpu.memory_space<vmem>>, vector<16xi32>,
          tpu.vector_store %arg11[%swap3A_264], %broadcast_in_dim3A_263 {strides = array<i32>} : memref<128xi32, #tpu.memory_space<vmem>>, vector<16xi32>,
          %broadcast_in_dim3A_266 = arith.constant 16384 : i32
          %broadcast_in_dim3A_267 = vector.broadcast %broadcast_in_dim3A_266 : i32 to vector<16xi32>
          %swap3A_268 = arith.constant 80 : index
          %swap3A_269 = tpu.vector_load %arg11[%swap3A_268] {strides = array<i32>} : memref<128xi32, #tpu.memory_space<vmem>>, vector<16xi32>,
          tpu.vector_store %arg11[%swap3A_268], %broadcast_in_dim3A_267 {strides = array<i32>} : memref<128xi32, #tpu.memory_space<vmem>>, vector<16xi32>,
          %broadcast_in_dim3A_270 = arith.constant 16384 : i32
          %broadcast_in_dim3A_271 = vector.broadcast %broadcast_in_dim3A_270 : i32 to vector<16xi32>
          %swap3A_272 = arith.constant 96 : index
          %swap3A_273 = tpu.vector_load %arg11[%swap3A_272] {strides = array<i32>} : memref<128xi32, #tpu.memory_space<vmem>>, vector<16xi32>,
          tpu.vector_store %arg11[%swap3A_272], %broadcast_in_dim3A_271 {strides = array<i32>} : memref<128xi32, #tpu.memory_space<vmem>>, vector<16xi32>,
          %broadcast_in_dim3A_274 = arith.constant 16384 : i32
          %broadcast_in_dim3A_275 = vector.broadcast %broadcast_in_dim3A_274 : i32 to vector<16xi32>
          %swap3A_276 = arith.constant 112 : index
          %swap3A_277 = tpu.vector_load %arg11[%swap3A_276] {strides = array<i32>} : memref<128xi32, #tpu.memory_space<vmem>>, vector<16xi32>,
          tpu.vector_store %arg11[%swap3A_276], %broadcast_in_dim3A_275 {strides = array<i32>} : memref<128xi32, #tpu.memory_space<vmem>>, vector<16xi32>,
        } else {
        }
        %eq3A_236 = arith.constant 128 : i32
        %eq3A_237 = arith.cmpi eq, %add3A_231, %eq3A_236 : i32
        %jit3A_238 = arith.constant 0 : i32
        %select_n3A_239 = arith.select %eq3A_237, %jit3A_238, %add3A_231 : i32
        scf.yield %select_n3A_239 : i32
      }
      scf.yield %while3A_160 : i32
    }
    %while3A_89 = arith.constant 1 : i32
    %while3A_90 = scf.for %while3A_127 = %while3A_86 to %while3A_82 step %while3A_89 iter_args(%while3A_128 = %while3A_88) -> (i32)  : i32 {
      %mul3A_129 = arith.constant 16 : i32
      %mul3A_130 = arith.muli %while3A_127, %mul3A_129 : i32
      %get3A = arith.index_cast %mul3A_130 : i32 to index
      %get3A_131 = tpu.vector_load %arg7[%get3A] {strides = array<i32>} : memref<16416xi32, #tpu.memory_space<vmem>>, vector<16xi32>,
      %and3A_132 = arith.constant 16383 : i32
      %and3A_133 = vector.broadcast %and3A_132 : i32 to vector<16xi32>
      %and3A_134 = arith.andi %get3A_131, %and3A_133 : vector<16xi32>
      %gather3A = arith.constant 0 : i32
      %gather3A_135 = tpu.memref_slice %arg6[%gather3A] : memref<16384xi32, #tpu.memory_space<vmem>> -> memref<16384xi32, #tpu.memory_space<vmem>>
      %gather3A_136 = tpu.vector_load_idx %gather3A_135[%and3A_134] : memref<16384xi32, #tpu.memory_space<vmem>>[vector<16xi32>], vector<16xi32>,
      %ge3A = arith.constant 999936 : i32
      %ge3A_137 = vector.broadcast %ge3A : i32 to vector<16xi32>
      %ge3A_138 = arith.cmpi sge, %gather3A_136, %ge3A_137 : vector<16xi32>
      %mul3A_139 = arith.constant 16 : i32
      %mul3A_140 = arith.muli %while3A_127, %mul3A_139 : i32
      %add3A_141 = vector.broadcast %mul3A_140 : i32 to vector<16xi32>
      %add3A_142 = arith.addi %add3A_141, %iota3A : vector<16xi32>
      %lt3A_143 = vector.broadcast %scan3A_53 : i32 to vector<16xi32>
      %lt3A_144 = arith.cmpi slt, %add3A_142, %lt3A_143 : vector<16xi32>
      %and3A_145 = arith.andi %ge3A_138, %lt3A_144 : vector<16xi1>
      %all_reduce_population_count3A = tpu.all_reduce %and3A_145 {dim = 0 : i64, kind = #tpu.reduction_kind<sum>} : vector<16xi1> -> vector<16xi32>
      %slice3A = vector.extract_strided_slice %all_reduce_population_count3A {offsets = [0], sizes = [1], strides = [1]} : vector<16xi32> to vector<1xi32>
      %squeeze3A = vector.extract %slice3A[0] : i32 from vector<1xi32>
      %gt3A = arith.constant 0 : i32
      %gt3A_146 = arith.cmpi sgt, %squeeze3A, %gt3A : i32
      %convert_element_type3A_147 = arith.extui %gt3A_146 : i1 to i32
      %cond3A_148 = arith.constant 0 : i32
      %cond3A_149 = arith.cmpi ne, %convert_element_type3A_147, %cond3A_148 : i32
      scf.if %cond3A_149 {
        %swap3A_161 = arith.constant 0 : index
        %swap3A_162 = tpu.vector_load %arg12[%swap3A_161] masked %and3A_145 {strides = array<i32>} : memref<16xi32, #tpu.memory_space<vmem>>, vector<16xi32>, vector<16xi1>
        tpu.vector_store %arg12[%swap3A_161], %and3A_134 masked %and3A_145 {strides = array<i32>} : memref<16xi32, #tpu.memory_space<vmem>>, vector<16xi32>, vector<16xi1>
      } else {
      }
      %while3A_150 = arith.constant 0 : i32
      %while3A_151 = arith.subi %squeeze3A, %while3A_150 : i32
      %while3A_152 = arith.addi %while3A_150, %while3A_151 : i32
      %while3A_153 = arith.constant 1 : i32
      %while3A_154 = arith.divsi %while3A_151, %while3A_153 : i32
      %while3A_155 = arith.muli %while3A_154, %while3A_153 : i32
      %while3A_156 = arith.addi %while3A_150, %while3A_155 : i32
      %while3A_157 = arith.constant 1 : i32
      %while3A_158 = scf.for %while3A_161 = %while3A_150 to %while3A_156 step %while3A_157 iter_args(%while3A_162 = %while3A_128) -> (i32)  : i32 {
        %broadcast_in_dim3A_163 = vector.broadcast %while3A_161 : i32 to vector<16xi32>
        %gather3A_164 = arith.constant 0 : i32
        %gather3A_165 = tpu.memref_slice %arg12[%gather3A_164] : memref<16xi32, #tpu.memory_space<vmem>> -> memref<16xi32, #tpu.memory_space<vmem>>
        %gather3A_166 = tpu.vector_load_idx %gather3A_165[%broadcast_in_dim3A_163] : memref<16xi32, #tpu.memory_space<vmem>>[vector<16xi32>], vector<16xi32>,
        %gather3A_167 = arith.constant 0 : i32
        %gather3A_168 = tpu.memref_slice %arg6[%gather3A_167] : memref<16384xi32, #tpu.memory_space<vmem>> -> memref<16384xi32, #tpu.memory_space<vmem>>
        %gather3A_169 = tpu.vector_load_idx %gather3A_168[%gather3A_166] : memref<16384xi32, #tpu.memory_space<vmem>>[vector<16xi32>], vector<16xi32>,
        %sub3A_170 = arith.constant 999936 : i32
        %sub3A_171 = vector.broadcast %sub3A_170 : i32 to vector<16xi32>
        %sub3A_172 = arith.subi %gather3A_169, %sub3A_171 : vector<16xi32>
        %add3A_173 = arith.constant 0 : i32
        %add3A_174 = vector.broadcast %add3A_173 : i32 to vector<16xi32>
        %add3A_175 = arith.addi %add3A_174, %iota3A : vector<16xi32>
        %gather3A_176 = arith.constant 0 : i32
        %gather3A_177 = arith.constant 0 : i32
        %gather3A_178 = tpu.memref_slice %arg13[%gather3A_176, %gather3A_177] : memref<65x64xf32, #tpu.memory_space<vmem>> -> memref<65x64xf32, #tpu.memory_space<vmem>>
        %gather3A_179 = tpu.vector_load_idx %gather3A_178[%sub3A_172, %add3A_175] : memref<65x64xf32, #tpu.memory_space<vmem>>[vector<16xi32>, vector<16xi32>], vector<16xf32>,
        %add3A_180 = arith.constant 16 : i32
        %add3A_181 = vector.broadcast %add3A_180 : i32 to vector<16xi32>
        %add3A_182 = arith.addi %add3A_181, %iota3A : vector<16xi32>
        %gather3A_183 = arith.constant 0 : i32
        %gather3A_184 = arith.constant 0 : i32
        %gather3A_185 = tpu.memref_slice %arg13[%gather3A_183, %gather3A_184] : memref<65x64xf32, #tpu.memory_space<vmem>> -> memref<65x64xf32, #tpu.memory_space<vmem>>
        %gather3A_186 = tpu.vector_load_idx %gather3A_185[%sub3A_172, %add3A_182] : memref<65x64xf32, #tpu.memory_space<vmem>>[vector<16xi32>, vector<16xi32>], vector<16xf32>,
        %add3A_187 = arith.constant 32 : i32
        %add3A_188 = vector.broadcast %add3A_187 : i32 to vector<16xi32>
        %add3A_189 = arith.addi %add3A_188, %iota3A : vector<16xi32>
        %gather3A_190 = arith.constant 0 : i32
        %gather3A_191 = arith.constant 0 : i32
        %gather3A_192 = tpu.memref_slice %arg13[%gather3A_190, %gather3A_191] : memref<65x64xf32, #tpu.memory_space<vmem>> -> memref<65x64xf32, #tpu.memory_space<vmem>>
        %gather3A_193 = tpu.vector_load_idx %gather3A_192[%sub3A_172, %add3A_189] : memref<65x64xf32, #tpu.memory_space<vmem>>[vector<16xi32>, vector<16xi32>], vector<16xf32>,
        %add3A_194 = arith.constant 48 : i32
        %add3A_195 = vector.broadcast %add3A_194 : i32 to vector<16xi32>
        %add3A_196 = arith.addi %add3A_195, %iota3A : vector<16xi32>
        %gather3A_197 = arith.constant 0 : i32
        %gather3A_198 = arith.constant 0 : i32
        %gather3A_199 = tpu.memref_slice %arg13[%gather3A_197, %gather3A_198] : memref<65x64xf32, #tpu.memory_space<vmem>> -> memref<65x64xf32, #tpu.memory_space<vmem>>
        %gather3A_200 = tpu.vector_load_idx %gather3A_199[%sub3A_172, %add3A_196] : memref<65x64xf32, #tpu.memory_space<vmem>>[vector<16xi32>, vector<16xi32>], vector<16xf32>,
        %broadcast_in_dim3A_201 = vector.broadcast %while3A_162 : i32 to vector<16xi32>
        %add3A_202 = arith.constant 0 : i32
        %add3A_203 = vector.broadcast %add3A_202 : i32 to vector<16xi32>
        %add3A_204 = arith.addi %add3A_203, %iota3A : vector<16xi32>
        %scatter3A = arith.constant 0 : i32
        %scatter3A_205 = arith.constant 0 : i32
        %scatter3A_206 = tpu.memref_slice %arg10[%scatter3A, %scatter3A_205] : memref<128x128xf32, #tpu.memory_space<vmem>> -> memref<128x128xf32, #tpu.memory_space<vmem>>
        tpu.vector_store_idx %scatter3A_206[%broadcast_in_dim3A_201, %add3A_204], %gather3A_179 : memref<128x128xf32, #tpu.memory_space<vmem>>[vector<16xi32>, vector<16xi32>], vector<16xf32>,
        %add3A_207 = arith.constant 16 : i32
        %add3A_208 = vector.broadcast %add3A_207 : i32 to vector<16xi32>
        %add3A_209 = arith.addi %add3A_208, %iota3A : vector<16xi32>
        %scatter3A_210 = arith.constant 0 : i32
        %scatter3A_211 = arith.constant 0 : i32
        %scatter3A_212 = tpu.memref_slice %arg10[%scatter3A_210, %scatter3A_211] : memref<128x128xf32, #tpu.memory_space<vmem>> -> memref<128x128xf32, #tpu.memory_space<vmem>>
        tpu.vector_store_idx %scatter3A_212[%broadcast_in_dim3A_201, %add3A_209], %gather3A_186 : memref<128x128xf32, #tpu.memory_space<vmem>>[vector<16xi32>, vector<16xi32>], vector<16xf32>,
        %add3A_213 = arith.constant 32 : i32
        %add3A_214 = vector.broadcast %add3A_213 : i32 to vector<16xi32>
        %add3A_215 = arith.addi %add3A_214, %iota3A : vector<16xi32>
        %scatter3A_216 = arith.constant 0 : i32
        %scatter3A_217 = arith.constant 0 : i32
        %scatter3A_218 = tpu.memref_slice %arg10[%scatter3A_216, %scatter3A_217] : memref<128x128xf32, #tpu.memory_space<vmem>> -> memref<128x128xf32, #tpu.memory_space<vmem>>
        tpu.vector_store_idx %scatter3A_218[%broadcast_in_dim3A_201, %add3A_215], %gather3A_193 : memref<128x128xf32, #tpu.memory_space<vmem>>[vector<16xi32>, vector<16xi32>], vector<16xf32>,
        %add3A_219 = arith.constant 48 : i32
        %add3A_220 = vector.broadcast %add3A_219 : i32 to vector<16xi32>
        %add3A_221 = arith.addi %add3A_220, %iota3A : vector<16xi32>
        %scatter3A_222 = arith.constant 0 : i32
        %scatter3A_223 = arith.constant 0 : i32
        %scatter3A_224 = tpu.memref_slice %arg10[%scatter3A_222, %scatter3A_223] : memref<128x128xf32, #tpu.memory_space<vmem>> -> memref<128x128xf32, #tpu.memory_space<vmem>>
        tpu.vector_store_idx %scatter3A_224[%broadcast_in_dim3A_201, %add3A_221], %gather3A_200 : memref<128x128xf32, #tpu.memory_space<vmem>>[vector<16xi32>, vector<16xi32>], vector<16xf32>,
        %lt3A_225 = arith.constant 1 : i32
        %lt3A_226 = vector.broadcast %lt3A_225 : i32 to vector<16xi32>
        %lt3A_227 = arith.cmpi slt, %iota3A, %lt3A_226 : vector<16xi32>
        %scatter3A_228 = arith.constant 0 : i32
        %scatter3A_229 = tpu.memref_slice %arg11[%scatter3A_228] : memref<128xi32, #tpu.memory_space<vmem>> -> memref<128xi32, #tpu.memory_space<vmem>>
        tpu.vector_store_idx %scatter3A_229[%broadcast_in_dim3A_201], %gather3A_166 masked %lt3A_227 : memref<128xi32, #tpu.memory_space<vmem>>[vector<16xi32>], vector<16xi32>, vector<16xi1>
        %add3A_230 = arith.constant 1 : i32
        %add3A_231 = arith.addi %while3A_162, %add3A_230 : i32
        %eq3A = arith.constant 128 : i32
        %eq3A_232 = arith.cmpi eq, %add3A_231, %eq3A : i32
        %convert_element_type3A_233 = arith.extui %eq3A_232 : i1 to i32
        %cond3A_234 = arith.constant 0 : i32
        %cond3A_235 = arith.cmpi ne, %convert_element_type3A_233, %cond3A_234 : i32
        scf.if %cond3A_235 {
          %dma_start3A_240 = arith.constant 0 : i32
          %dma_start3A_241 = arith.constant 0 : i32
          %dma_start3A_242 = tpu.memref_slice %arg5[%dma_start3A_240, %dma_start3A_241] : memref<16392x128xf32, #tpu.memory_space<hbm>> -> memref<16392x128xf32, #tpu.memory_space<hbm>>
          tpu.enqueue_indirect_dma source(%arg10 : memref<128x128xf32, #tpu.memory_space<vmem>>) target(%dma_start3A_242 : memref<16392x128xf32, #tpu.memory_space<hbm>>) offsets(%arg11 : memref<128xi32, #tpu.memory_space<vmem>>) semaphore(%arg16 : memref<!tpu.dma_semaphore, #tpu.memory_space<semaphore_mem>>)
          %dma_wait3A_243 = arith.constant 0 : i32
          %dma_wait3A_244 = arith.constant 0 : i32
          %dma_wait3A_245 = tpu.memref_slice %arg5[%dma_wait3A_243, %dma_wait3A_244] : memref<16392x128xf32, #tpu.memory_space<hbm>> -> memref<16392x128xf32, #tpu.memory_space<hbm>>
          tpu.wait_indirect_dma semaphore(%arg16 : memref<!tpu.dma_semaphore, #tpu.memory_space<semaphore_mem>>) src(%arg10 : memref<128x128xf32, #tpu.memory_space<vmem>>) dst(%dma_wait3A_245 : memref<16392x128xf32, #tpu.memory_space<hbm>>)
          %broadcast_in_dim3A_246 = arith.constant 16384 : i32
          %broadcast_in_dim3A_247 = vector.broadcast %broadcast_in_dim3A_246 : i32 to vector<16xi32>
          %swap3A_248 = arith.constant 0 : index
          %swap3A_249 = tpu.vector_load %arg11[%swap3A_248] {strides = array<i32>} : memref<128xi32, #tpu.memory_space<vmem>>, vector<16xi32>,
          tpu.vector_store %arg11[%swap3A_248], %broadcast_in_dim3A_247 {strides = array<i32>} : memref<128xi32, #tpu.memory_space<vmem>>, vector<16xi32>,
          %broadcast_in_dim3A_250 = arith.constant 16384 : i32
          %broadcast_in_dim3A_251 = vector.broadcast %broadcast_in_dim3A_250 : i32 to vector<16xi32>
          %swap3A_252 = arith.constant 16 : index
          %swap3A_253 = tpu.vector_load %arg11[%swap3A_252] {strides = array<i32>} : memref<128xi32, #tpu.memory_space<vmem>>, vector<16xi32>,
          tpu.vector_store %arg11[%swap3A_252], %broadcast_in_dim3A_251 {strides = array<i32>} : memref<128xi32, #tpu.memory_space<vmem>>, vector<16xi32>,
          %broadcast_in_dim3A_254 = arith.constant 16384 : i32
          %broadcast_in_dim3A_255 = vector.broadcast %broadcast_in_dim3A_254 : i32 to vector<16xi32>
          %swap3A_256 = arith.constant 32 : index
          %swap3A_257 = tpu.vector_load %arg11[%swap3A_256] {strides = array<i32>} : memref<128xi32, #tpu.memory_space<vmem>>, vector<16xi32>,
          tpu.vector_store %arg11[%swap3A_256], %broadcast_in_dim3A_255 {strides = array<i32>} : memref<128xi32, #tpu.memory_space<vmem>>, vector<16xi32>,
          %broadcast_in_dim3A_258 = arith.constant 16384 : i32
          %broadcast_in_dim3A_259 = vector.broadcast %broadcast_in_dim3A_258 : i32 to vector<16xi32>
          %swap3A_260 = arith.constant 48 : index
          %swap3A_261 = tpu.vector_load %arg11[%swap3A_260] {strides = array<i32>} : memref<128xi32, #tpu.memory_space<vmem>>, vector<16xi32>,
          tpu.vector_store %arg11[%swap3A_260], %broadcast_in_dim3A_259 {strides = array<i32>} : memref<128xi32, #tpu.memory_space<vmem>>, vector<16xi32>,
          %broadcast_in_dim3A_262 = arith.constant 16384 : i32
          %broadcast_in_dim3A_263 = vector.broadcast %broadcast_in_dim3A_262 : i32 to vector<16xi32>
          %swap3A_264 = arith.constant 64 : index
          %swap3A_265 = tpu.vector_load %arg11[%swap3A_264] {strides = array<i32>} : memref<128xi32, #tpu.memory_space<vmem>>, vector<16xi32>,
          tpu.vector_store %arg11[%swap3A_264], %broadcast_in_dim3A_263 {strides = array<i32>} : memref<128xi32, #tpu.memory_space<vmem>>, vector<16xi32>,
          %broadcast_in_dim3A_266 = arith.constant 16384 : i32
          %broadcast_in_dim3A_267 = vector.broadcast %broadcast_in_dim3A_266 : i32 to vector<16xi32>
          %swap3A_268 = arith.constant 80 : index
          %swap3A_269 = tpu.vector_load %arg11[%swap3A_268] {strides = array<i32>} : memref<128xi32, #tpu.memory_space<vmem>>, vector<16xi32>,
          tpu.vector_store %arg11[%swap3A_268], %broadcast_in_dim3A_267 {strides = array<i32>} : memref<128xi32, #tpu.memory_space<vmem>>, vector<16xi32>,
          %broadcast_in_dim3A_270 = arith.constant 16384 : i32
          %broadcast_in_dim3A_271 = vector.broadcast %broadcast_in_dim3A_270 : i32 to vector<16xi32>
          %swap3A_272 = arith.constant 96 : index
          %swap3A_273 = tpu.vector_load %arg11[%swap3A_272] {strides = array<i32>} : memref<128xi32, #tpu.memory_space<vmem>>, vector<16xi32>,
          tpu.vector_store %arg11[%swap3A_272], %broadcast_in_dim3A_271 {strides = array<i32>} : memref<128xi32, #tpu.memory_space<vmem>>, vector<16xi32>,
          %broadcast_in_dim3A_274 = arith.constant 16384 : i32
          %broadcast_in_dim3A_275 = vector.broadcast %broadcast_in_dim3A_274 : i32 to vector<16xi32>
          %swap3A_276 = arith.constant 112 : index
          %swap3A_277 = tpu.vector_load %arg11[%swap3A_276] {strides = array<i32>} : memref<128xi32, #tpu.memory_space<vmem>>, vector<16xi32>,
          tpu.vector_store %arg11[%swap3A_276], %broadcast_in_dim3A_275 {strides = array<i32>} : memref<128xi32, #tpu.memory_space<vmem>>, vector<16xi32>,
        } else {
        }
        %eq3A_236 = arith.constant 128 : i32
        %eq3A_237 = arith.cmpi eq, %add3A_231, %eq3A_236 : i32
        %jit3A_238 = arith.constant 0 : i32
        %select_n3A_239 = arith.select %eq3A_237, %jit3A_238, %add3A_231 : i32
        scf.yield %select_n3A_239 : i32
      }
      %while3A_159 = arith.constant 1 : i32
      %while3A_160 = scf.for %while3A_161 = %while3A_156 to %while3A_152 step %while3A_159 iter_args(%while3A_162 = %while3A_158) -> (i32)  : i32 {
        %broadcast_in_dim3A_163 = vector.broadcast %while3A_161 : i32 to vector<16xi32>
        %gather3A_164 = arith.constant 0 : i32
        %gather3A_165 = tpu.memref_slice %arg12[%gather3A_164] : memref<16xi32, #tpu.memory_space<vmem>> -> memref<16xi32, #tpu.memory_space<vmem>>
        %gather3A_166 = tpu.vector_load_idx %gather3A_165[%broadcast_in_dim3A_163] : memref<16xi32, #tpu.memory_space<vmem>>[vector<16xi32>], vector<16xi32>,
        %gather3A_167 = arith.constant 0 : i32
        %gather3A_168 = tpu.memref_slice %arg6[%gather3A_167] : memref<16384xi32, #tpu.memory_space<vmem>> -> memref<16384xi32, #tpu.memory_space<vmem>>
        %gather3A_169 = tpu.vector_load_idx %gather3A_168[%gather3A_166] : memref<16384xi32, #tpu.memory_space<vmem>>[vector<16xi32>], vector<16xi32>,
        %sub3A_170 = arith.constant 999936 : i32
        %sub3A_171 = vector.broadcast %sub3A_170 : i32 to vector<16xi32>
        %sub3A_172 = arith.subi %gather3A_169, %sub3A_171 : vector<16xi32>
        %add3A_173 = arith.constant 0 : i32
        %add3A_174 = vector.broadcast %add3A_173 : i32 to vector<16xi32>
        %add3A_175 = arith.addi %add3A_174, %iota3A : vector<16xi32>
        %gather3A_176 = arith.constant 0 : i32
        %gather3A_177 = arith.constant 0 : i32
        %gather3A_178 = tpu.memref_slice %arg13[%gather3A_176, %gather3A_177] : memref<65x64xf32, #tpu.memory_space<vmem>> -> memref<65x64xf32, #tpu.memory_space<vmem>>
        %gather3A_179 = tpu.vector_load_idx %gather3A_178[%sub3A_172, %add3A_175] : memref<65x64xf32, #tpu.memory_space<vmem>>[vector<16xi32>, vector<16xi32>], vector<16xf32>,
        %add3A_180 = arith.constant 16 : i32
        %add3A_181 = vector.broadcast %add3A_180 : i32 to vector<16xi32>
        %add3A_182 = arith.addi %add3A_181, %iota3A : vector<16xi32>
        %gather3A_183 = arith.constant 0 : i32
        %gather3A_184 = arith.constant 0 : i32
        %gather3A_185 = tpu.memref_slice %arg13[%gather3A_183, %gather3A_184] : memref<65x64xf32, #tpu.memory_space<vmem>> -> memref<65x64xf32, #tpu.memory_space<vmem>>
        %gather3A_186 = tpu.vector_load_idx %gather3A_185[%sub3A_172, %add3A_182] : memref<65x64xf32, #tpu.memory_space<vmem>>[vector<16xi32>, vector<16xi32>], vector<16xf32>,
        %add3A_187 = arith.constant 32 : i32
        %add3A_188 = vector.broadcast %add3A_187 : i32 to vector<16xi32>
        %add3A_189 = arith.addi %add3A_188, %iota3A : vector<16xi32>
        %gather3A_190 = arith.constant 0 : i32
        %gather3A_191 = arith.constant 0 : i32
        %gather3A_192 = tpu.memref_slice %arg13[%gather3A_190, %gather3A_191] : memref<65x64xf32, #tpu.memory_space<vmem>> -> memref<65x64xf32, #tpu.memory_space<vmem>>
        %gather3A_193 = tpu.vector_load_idx %gather3A_192[%sub3A_172, %add3A_189] : memref<65x64xf32, #tpu.memory_space<vmem>>[vector<16xi32>, vector<16xi32>], vector<16xf32>,
        %add3A_194 = arith.constant 48 : i32
        %add3A_195 = vector.broadcast %add3A_194 : i32 to vector<16xi32>
        %add3A_196 = arith.addi %add3A_195, %iota3A : vector<16xi32>
        %gather3A_197 = arith.constant 0 : i32
        %gather3A_198 = arith.constant 0 : i32
        %gather3A_199 = tpu.memref_slice %arg13[%gather3A_197, %gather3A_198] : memref<65x64xf32, #tpu.memory_space<vmem>> -> memref<65x64xf32, #tpu.memory_space<vmem>>
        %gather3A_200 = tpu.vector_load_idx %gather3A_199[%sub3A_172, %add3A_196] : memref<65x64xf32, #tpu.memory_space<vmem>>[vector<16xi32>, vector<16xi32>], vector<16xf32>,
        %broadcast_in_dim3A_201 = vector.broadcast %while3A_162 : i32 to vector<16xi32>
        %add3A_202 = arith.constant 0 : i32
        %add3A_203 = vector.broadcast %add3A_202 : i32 to vector<16xi32>
        %add3A_204 = arith.addi %add3A_203, %iota3A : vector<16xi32>
        %scatter3A = arith.constant 0 : i32
        %scatter3A_205 = arith.constant 0 : i32
        %scatter3A_206 = tpu.memref_slice %arg10[%scatter3A, %scatter3A_205] : memref<128x128xf32, #tpu.memory_space<vmem>> -> memref<128x128xf32, #tpu.memory_space<vmem>>
        tpu.vector_store_idx %scatter3A_206[%broadcast_in_dim3A_201, %add3A_204], %gather3A_179 : memref<128x128xf32, #tpu.memory_space<vmem>>[vector<16xi32>, vector<16xi32>], vector<16xf32>,
        %add3A_207 = arith.constant 16 : i32
        %add3A_208 = vector.broadcast %add3A_207 : i32 to vector<16xi32>
        %add3A_209 = arith.addi %add3A_208, %iota3A : vector<16xi32>
        %scatter3A_210 = arith.constant 0 : i32
        %scatter3A_211 = arith.constant 0 : i32
        %scatter3A_212 = tpu.memref_slice %arg10[%scatter3A_210, %scatter3A_211] : memref<128x128xf32, #tpu.memory_space<vmem>> -> memref<128x128xf32, #tpu.memory_space<vmem>>
        tpu.vector_store_idx %scatter3A_212[%broadcast_in_dim3A_201, %add3A_209], %gather3A_186 : memref<128x128xf32, #tpu.memory_space<vmem>>[vector<16xi32>, vector<16xi32>], vector<16xf32>,
        %add3A_213 = arith.constant 32 : i32
        %add3A_214 = vector.broadcast %add3A_213 : i32 to vector<16xi32>
        %add3A_215 = arith.addi %add3A_214, %iota3A : vector<16xi32>
        %scatter3A_216 = arith.constant 0 : i32
        %scatter3A_217 = arith.constant 0 : i32
        %scatter3A_218 = tpu.memref_slice %arg10[%scatter3A_216, %scatter3A_217] : memref<128x128xf32, #tpu.memory_space<vmem>> -> memref<128x128xf32, #tpu.memory_space<vmem>>
        tpu.vector_store_idx %scatter3A_218[%broadcast_in_dim3A_201, %add3A_215], %gather3A_193 : memref<128x128xf32, #tpu.memory_space<vmem>>[vector<16xi32>, vector<16xi32>], vector<16xf32>,
        %add3A_219 = arith.constant 48 : i32
        %add3A_220 = vector.broadcast %add3A_219 : i32 to vector<16xi32>
        %add3A_221 = arith.addi %add3A_220, %iota3A : vector<16xi32>
        %scatter3A_222 = arith.constant 0 : i32
        %scatter3A_223 = arith.constant 0 : i32
        %scatter3A_224 = tpu.memref_slice %arg10[%scatter3A_222, %scatter3A_223] : memref<128x128xf32, #tpu.memory_space<vmem>> -> memref<128x128xf32, #tpu.memory_space<vmem>>
        tpu.vector_store_idx %scatter3A_224[%broadcast_in_dim3A_201, %add3A_221], %gather3A_200 : memref<128x128xf32, #tpu.memory_space<vmem>>[vector<16xi32>, vector<16xi32>], vector<16xf32>,
        %lt3A_225 = arith.constant 1 : i32
        %lt3A_226 = vector.broadcast %lt3A_225 : i32 to vector<16xi32>
        %lt3A_227 = arith.cmpi slt, %iota3A, %lt3A_226 : vector<16xi32>
        %scatter3A_228 = arith.constant 0 : i32
        %scatter3A_229 = tpu.memref_slice %arg11[%scatter3A_228] : memref<128xi32, #tpu.memory_space<vmem>> -> memref<128xi32, #tpu.memory_space<vmem>>
        tpu.vector_store_idx %scatter3A_229[%broadcast_in_dim3A_201], %gather3A_166 masked %lt3A_227 : memref<128xi32, #tpu.memory_space<vmem>>[vector<16xi32>], vector<16xi32>, vector<16xi1>
        %add3A_230 = arith.constant 1 : i32
        %add3A_231 = arith.addi %while3A_162, %add3A_230 : i32
        %eq3A = arith.constant 128 : i32
        %eq3A_232 = arith.cmpi eq, %add3A_231, %eq3A : i32
        %convert_element_type3A_233 = arith.extui %eq3A_232 : i1 to i32
        %cond3A_234 = arith.constant 0 : i32
        %cond3A_235 = arith.cmpi ne, %convert_element_type3A_233, %cond3A_234 : i32
        scf.if %cond3A_235 {
          %dma_start3A_240 = arith.constant 0 : i32
          %dma_start3A_241 = arith.constant 0 : i32
          %dma_start3A_242 = tpu.memref_slice %arg5[%dma_start3A_240, %dma_start3A_241] : memref<16392x128xf32, #tpu.memory_space<hbm>> -> memref<16392x128xf32, #tpu.memory_space<hbm>>
          tpu.enqueue_indirect_dma source(%arg10 : memref<128x128xf32, #tpu.memory_space<vmem>>) target(%dma_start3A_242 : memref<16392x128xf32, #tpu.memory_space<hbm>>) offsets(%arg11 : memref<128xi32, #tpu.memory_space<vmem>>) semaphore(%arg16 : memref<!tpu.dma_semaphore, #tpu.memory_space<semaphore_mem>>)
          %dma_wait3A_243 = arith.constant 0 : i32
          %dma_wait3A_244 = arith.constant 0 : i32
          %dma_wait3A_245 = tpu.memref_slice %arg5[%dma_wait3A_243, %dma_wait3A_244] : memref<16392x128xf32, #tpu.memory_space<hbm>> -> memref<16392x128xf32, #tpu.memory_space<hbm>>
          tpu.wait_indirect_dma semaphore(%arg16 : memref<!tpu.dma_semaphore, #tpu.memory_space<semaphore_mem>>) src(%arg10 : memref<128x128xf32, #tpu.memory_space<vmem>>) dst(%dma_wait3A_245 : memref<16392x128xf32, #tpu.memory_space<hbm>>)
          %broadcast_in_dim3A_246 = arith.constant 16384 : i32
          %broadcast_in_dim3A_247 = vector.broadcast %broadcast_in_dim3A_246 : i32 to vector<16xi32>
          %swap3A_248 = arith.constant 0 : index
          %swap3A_249 = tpu.vector_load %arg11[%swap3A_248] {strides = array<i32>} : memref<128xi32, #tpu.memory_space<vmem>>, vector<16xi32>,
          tpu.vector_store %arg11[%swap3A_248], %broadcast_in_dim3A_247 {strides = array<i32>} : memref<128xi32, #tpu.memory_space<vmem>>, vector<16xi32>,
          %broadcast_in_dim3A_250 = arith.constant 16384 : i32
          %broadcast_in_dim3A_251 = vector.broadcast %broadcast_in_dim3A_250 : i32 to vector<16xi32>
          %swap3A_252 = arith.constant 16 : index
          %swap3A_253 = tpu.vector_load %arg11[%swap3A_252] {strides = array<i32>} : memref<128xi32, #tpu.memory_space<vmem>>, vector<16xi32>,
          tpu.vector_store %arg11[%swap3A_252], %broadcast_in_dim3A_251 {strides = array<i32>} : memref<128xi32, #tpu.memory_space<vmem>>, vector<16xi32>,
          %broadcast_in_dim3A_254 = arith.constant 16384 : i32
          %broadcast_in_dim3A_255 = vector.broadcast %broadcast_in_dim3A_254 : i32 to vector<16xi32>
          %swap3A_256 = arith.constant 32 : index
          %swap3A_257 = tpu.vector_load %arg11[%swap3A_256] {strides = array<i32>} : memref<128xi32, #tpu.memory_space<vmem>>, vector<16xi32>,
          tpu.vector_store %arg11[%swap3A_256], %broadcast_in_dim3A_255 {strides = array<i32>} : memref<128xi32, #tpu.memory_space<vmem>>, vector<16xi32>,
          %broadcast_in_dim3A_258 = arith.constant 16384 : i32
          %broadcast_in_dim3A_259 = vector.broadcast %broadcast_in_dim3A_258 : i32 to vector<16xi32>
          %swap3A_260 = arith.constant 48 : index
          %swap3A_261 = tpu.vector_load %arg11[%swap3A_260] {strides = array<i32>} : memref<128xi32, #tpu.memory_space<vmem>>, vector<16xi32>,
          tpu.vector_store %arg11[%swap3A_260], %broadcast_in_dim3A_259 {strides = array<i32>} : memref<128xi32, #tpu.memory_space<vmem>>, vector<16xi32>,
          %broadcast_in_dim3A_262 = arith.constant 16384 : i32
          %broadcast_in_dim3A_263 = vector.broadcast %broadcast_in_dim3A_262 : i32 to vector<16xi32>
          %swap3A_264 = arith.constant 64 : index
          %swap3A_265 = tpu.vector_load %arg11[%swap3A_264] {strides = array<i32>} : memref<128xi32, #tpu.memory_space<vmem>>, vector<16xi32>,
          tpu.vector_store %arg11[%swap3A_264], %broadcast_in_dim3A_263 {strides = array<i32>} : memref<128xi32, #tpu.memory_space<vmem>>, vector<16xi32>,
          %broadcast_in_dim3A_266 = arith.constant 16384 : i32
          %broadcast_in_dim3A_267 = vector.broadcast %broadcast_in_dim3A_266 : i32 to vector<16xi32>
          %swap3A_268 = arith.constant 80 : index
          %swap3A_269 = tpu.vector_load %arg11[%swap3A_268] {strides = array<i32>} : memref<128xi32, #tpu.memory_space<vmem>>, vector<16xi32>,
          tpu.vector_store %arg11[%swap3A_268], %broadcast_in_dim3A_267 {strides = array<i32>} : memref<128xi32, #tpu.memory_space<vmem>>, vector<16xi32>,
          %broadcast_in_dim3A_270 = arith.constant 16384 : i32
          %broadcast_in_dim3A_271 = vector.broadcast %broadcast_in_dim3A_270 : i32 to vector<16xi32>
          %swap3A_272 = arith.constant 96 : index
          %swap3A_273 = tpu.vector_load %arg11[%swap3A_272] {strides = array<i32>} : memref<128xi32, #tpu.memory_space<vmem>>, vector<16xi32>,
          tpu.vector_store %arg11[%swap3A_272], %broadcast_in_dim3A_271 {strides = array<i32>} : memref<128xi32, #tpu.memory_space<vmem>>, vector<16xi32>,
          %broadcast_in_dim3A_274 = arith.constant 16384 : i32
          %broadcast_in_dim3A_275 = vector.broadcast %broadcast_in_dim3A_274 : i32 to vector<16xi32>
          %swap3A_276 = arith.constant 112 : index
          %swap3A_277 = tpu.vector_load %arg11[%swap3A_276] {strides = array<i32>} : memref<128xi32, #tpu.memory_space<vmem>>, vector<16xi32>,
          tpu.vector_store %arg11[%swap3A_276], %broadcast_in_dim3A_275 {strides = array<i32>} : memref<128xi32, #tpu.memory_space<vmem>>, vector<16xi32>,
        } else {
        }
        %eq3A_236 = arith.constant 128 : i32
        %eq3A_237 = arith.cmpi eq, %add3A_231, %eq3A_236 : i32
        %jit3A_238 = arith.constant 0 : i32
        %select_n3A_239 = arith.select %eq3A_237, %jit3A_238, %add3A_231 : i32
        scf.yield %select_n3A_239 : i32
      }
      scf.yield %while3A_160 : i32
    }
    %dma_start3A = arith.constant 0 : i32
    %dma_start3A_91 = arith.constant 0 : i32
    %dma_start3A_92 = tpu.memref_slice %arg5[%dma_start3A, %dma_start3A_91] : memref<16392x128xf32, #tpu.memory_space<hbm>> -> memref<16392x128xf32, #tpu.memory_space<hbm>>
    tpu.enqueue_indirect_dma source(%arg10 : memref<128x128xf32, #tpu.memory_space<vmem>>) target(%dma_start3A_92 : memref<16392x128xf32, #tpu.memory_space<hbm>>) offsets(%arg11 : memref<128xi32, #tpu.memory_space<vmem>>) semaphore(%arg16 : memref<!tpu.dma_semaphore, #tpu.memory_space<semaphore_mem>>)
    %dma_wait3A = arith.constant 0 : i32
    %dma_wait3A_93 = arith.constant 0 : i32
    %dma_wait3A_94 = tpu.memref_slice %arg5[%dma_wait3A, %dma_wait3A_93] : memref<16392x128xf32, #tpu.memory_space<hbm>> -> memref<16392x128xf32, #tpu.memory_space<hbm>>
    tpu.wait_indirect_dma semaphore(%arg16 : memref<!tpu.dma_semaphore, #tpu.memory_space<semaphore_mem>>) src(%arg10 : memref<128x128xf32, #tpu.memory_space<vmem>>) dst(%dma_wait3A_94 : memref<16392x128xf32, #tpu.memory_space<hbm>>)
    %broadcast_in_dim3A_95 = arith.constant 16384 : i32
    %broadcast_in_dim3A_96 = vector.broadcast %broadcast_in_dim3A_95 : i32 to vector<16xi32>
    %swap3A_97 = arith.constant 0 : index
    %swap3A_98 = tpu.vector_load %arg11[%swap3A_97] {strides = array<i32>} : memref<128xi32, #tpu.memory_space<vmem>>, vector<16xi32>,
    tpu.vector_store %arg11[%swap3A_97], %broadcast_in_dim3A_96 {strides = array<i32>} : memref<128xi32, #tpu.memory_space<vmem>>, vector<16xi32>,
    %broadcast_in_dim3A_99 = arith.constant 16384 : i32
    %broadcast_in_dim3A_100 = vector.broadcast %broadcast_in_dim3A_99 : i32 to vector<16xi32>
    %swap3A_101 = arith.constant 16 : index
    %swap3A_102 = tpu.vector_load %arg11[%swap3A_101] {strides = array<i32>} : memref<128xi32, #tpu.memory_space<vmem>>, vector<16xi32>,
    tpu.vector_store %arg11[%swap3A_101], %broadcast_in_dim3A_100 {strides = array<i32>} : memref<128xi32, #tpu.memory_space<vmem>>, vector<16xi32>,
    %broadcast_in_dim3A_103 = arith.constant 16384 : i32
    %broadcast_in_dim3A_104 = vector.broadcast %broadcast_in_dim3A_103 : i32 to vector<16xi32>
    %swap3A_105 = arith.constant 32 : index
    %swap3A_106 = tpu.vector_load %arg11[%swap3A_105] {strides = array<i32>} : memref<128xi32, #tpu.memory_space<vmem>>, vector<16xi32>,
    tpu.vector_store %arg11[%swap3A_105], %broadcast_in_dim3A_104 {strides = array<i32>} : memref<128xi32, #tpu.memory_space<vmem>>, vector<16xi32>,
    %broadcast_in_dim3A_107 = arith.constant 16384 : i32
    %broadcast_in_dim3A_108 = vector.broadcast %broadcast_in_dim3A_107 : i32 to vector<16xi32>
    %swap3A_109 = arith.constant 48 : index
    %swap3A_110 = tpu.vector_load %arg11[%swap3A_109] {strides = array<i32>} : memref<128xi32, #tpu.memory_space<vmem>>, vector<16xi32>,
    tpu.vector_store %arg11[%swap3A_109], %broadcast_in_dim3A_108 {strides = array<i32>} : memref<128xi32, #tpu.memory_space<vmem>>, vector<16xi32>,
    %broadcast_in_dim3A_111 = arith.constant 16384 : i32
    %broadcast_in_dim3A_112 = vector.broadcast %broadcast_in_dim3A_111 : i32 to vector<16xi32>
    %swap3A_113 = arith.constant 64 : index
    %swap3A_114 = tpu.vector_load %arg11[%swap3A_113] {strides = array<i32>} : memref<128xi32, #tpu.memory_space<vmem>>, vector<16xi32>,
    tpu.vector_store %arg11[%swap3A_113], %broadcast_in_dim3A_112 {strides = array<i32>} : memref<128xi32, #tpu.memory_space<vmem>>, vector<16xi32>,
    %broadcast_in_dim3A_115 = arith.constant 16384 : i32
    %broadcast_in_dim3A_116 = vector.broadcast %broadcast_in_dim3A_115 : i32 to vector<16xi32>
    %swap3A_117 = arith.constant 80 : index
    %swap3A_118 = tpu.vector_load %arg11[%swap3A_117] {strides = array<i32>} : memref<128xi32, #tpu.memory_space<vmem>>, vector<16xi32>,
    tpu.vector_store %arg11[%swap3A_117], %broadcast_in_dim3A_116 {strides = array<i32>} : memref<128xi32, #tpu.memory_space<vmem>>, vector<16xi32>,
    %broadcast_in_dim3A_119 = arith.constant 16384 : i32
    %broadcast_in_dim3A_120 = vector.broadcast %broadcast_in_dim3A_119 : i32 to vector<16xi32>
    %swap3A_121 = arith.constant 96 : index
    %swap3A_122 = tpu.vector_load %arg11[%swap3A_121] {strides = array<i32>} : memref<128xi32, #tpu.memory_space<vmem>>, vector<16xi32>,
    tpu.vector_store %arg11[%swap3A_121], %broadcast_in_dim3A_120 {strides = array<i32>} : memref<128xi32, #tpu.memory_space<vmem>>, vector<16xi32>,
    %broadcast_in_dim3A_123 = arith.constant 16384 : i32
    %broadcast_in_dim3A_124 = vector.broadcast %broadcast_in_dim3A_123 : i32 to vector<16xi32>
    %swap3A_125 = arith.constant 112 : index
    %swap3A_126 = tpu.vector_load %arg11[%swap3A_125] {strides = array<i32>} : memref<128xi32, #tpu.memory_space<vmem>>, vector<16xi32>,
    tpu.vector_store %arg11[%swap3A_125], %broadcast_in_dim3A_124 {strides = array<i32>} : memref<128xi32, #tpu.memory_space<vmem>>, vector<16xi32>,
    return
  }
}

module attributes {stable_mosaic.version = 14 : i64} {
  func.func @body(%arg0: i32, %arg1: memref<2048x128xf32, #tpu.memory_space<vmem>>, %arg2: memref<19x2048xf32, #tpu.memory_space<vmem>>, %arg3: memref<19x64xf32, #tpu.memory_space<vmem>>, %arg4: memref<2048xf32, #tpu.memory_space<vmem>>) attributes {dimension_semantics = [#tpu.dimension_semantics<arbitrary>], iteration_bounds = array<i64: 8>, scalar_prefetch = 0 : i64, scratch_operands = 0 : i64, tpu.core_type = #tpu.core_type<tc>, window_params = [{transform_indices = @transform_0, window_bounds = array<i64: 2048, 128>}, {transform_indices = @transform_1, window_bounds = array<i64: 19, 2048>}, {pipeline_mode = #tpu.pipeline_mode<synchronous>, transform_indices = @transform_2, window_bounds = array<i64: 19, 64>}, {transform_indices = @transform_3, window_bounds = array<i64: 2048>}]} {
    %get3A = arith.constant 0 : index
    %get3A_0 = arith.constant 0 : index
    %get3A_1 = vector.load %arg3[%get3A, %get3A_0] : memref<19x64xf32, #tpu.memory_space<vmem>>, vector<19x64xf32>
    %get3A_2 = arith.constant 0 : index
    %get3A_3 = arith.constant 0 : index
    %get3A_4 = vector.load %arg1[%get3A_2, %get3A_3] : memref<2048x128xf32, #tpu.memory_space<vmem>>, vector<2048x64xf32>
    %dot_general3A = arith.constant dense<0.000000e+00> : vector<19x2048xf32>
    %dot_general3A_5 = tpu.matmul %get3A_1, %get3A_4, %dot_general3A {dimension_numbers = #tpu.dot_dimension_numbers<[1], [1], [0], [0], [0, 0, 1, 0], [], []>, transpose_lhs_hint = false} : vector<19x64xf32>, vector<2048x64xf32>, vector<19x2048xf32> -> vector<19x2048xf32>
    %get3A_6 = arith.constant 0 : index
    %get3A_7 = arith.constant 0 : index
    %get3A_8 = vector.load %arg2[%get3A_6, %get3A_7] : memref<19x2048xf32, #tpu.memory_space<vmem>>, vector<19x2048xf32>
    %mul3A = arith.mulf %dot_general3A_5, %get3A_8 : vector<19x2048xf32>
    %reduce_sum3A = arith.constant dense<0.000000e+00> : vector<2048xf32>
    %reduce_sum3A_9 = vector.multi_reduction <add>, %mul3A, %reduce_sum3A [0] : vector<19x2048xf32> to vector<2048xf32>
    %sub3A = arith.constant 1.000000e+00 : f32
    %sub3A_10 = vector.broadcast %sub3A : f32 to vector<2048xf32>
    %sub3A_11 = arith.subf %reduce_sum3A_9, %sub3A_10 : vector<2048xf32>
    %div3A = arith.constant 4.000000e+00 : f32
    %div3A_12 = vector.broadcast %div3A : f32 to vector<2048xf32>
    %div3A_13 = arith.divf %sub3A_11, %div3A_12 : vector<2048xf32>
    %mul3A_14 = arith.constant -4.000000e+00 : f32
    %mul3A_15 = vector.broadcast %mul3A_14 : f32 to vector<2048xf32>
    %mul3A_16 = arith.mulf %mul3A_15, %div3A_13 : vector<2048xf32>
    %add3A = arith.constant 1.000000e+00 : f32
    %add3A_17 = vector.broadcast %add3A : f32 to vector<2048xf32>
    %add3A_18 = arith.addf %add3A_17, %mul3A_16 : vector<2048xf32>
    %swap3A = arith.constant 0 : index
    %swap3A_19 = vector.load %arg4[%swap3A] : memref<2048xf32, #tpu.memory_space<vmem>>, vector<2048xf32>
    tpu.vector_store %arg4[%swap3A], %add3A_18 {strides = array<i32>} : memref<2048xf32, #tpu.memory_space<vmem>>, vector<2048xf32>,
    return
  }
  func.func @transform_0(%arg0: i32) -> (i32, i32) {
    %c0_i32 = arith.constant 0 : i32
    %c0_i32_0 = arith.constant 0 : i32
    return %arg0, %c0_i32 : i32, i32
  }
  func.func @transform_1(%arg0: i32) -> (i32, i32) {
    %c0_i32 = arith.constant 0 : i32
    %c0_i32_0 = arith.constant 0 : i32
    return %c0_i32, %arg0 : i32, i32
  }
  func.func @transform_2(%arg0: i32) -> (i32, i32) {
    %c0_i32 = arith.constant 0 : i32
    %c0_i32_0 = arith.constant 0 : i32
    %c0_i32_1 = arith.constant 0 : i32
    return %c0_i32, %c0_i32_0 : i32, i32
  }
  func.func @transform_3(%arg0: i32) -> i32 {
    %c0_i32 = arith.constant 0 : i32
    return %arg0 : i32
  }
}

</mosaic_0001>

<sc_bundles>
// kernel: kernel.4.cloned.1.call-start
scs
__scs_entry_jumppad:
0x0: {  	(pc) =	sbr.rel $0x88, $3  }
0x1: {  	(tag) =	ssettag $0x0;
	lr =	simm.s32 $0x1  }
0x2: {  	[smem:$0x3F9D] =	sst lr;
	_ =	strace $0xD0000000  }
0x3: {  	_ = 	snop  }
0x4: {  	_ = 	snop  }
0x5: {  	_ = 	snop  }
0x6: {  	_ = 	snop  }
0x7: {  	_ = 	snop  }
__scs_overlays_trampoline_lowered:
0x8: {  	[smem:$0x3FAC] =	sst s0  }
0x9: {  	[smem:$0x3FAD] =	sst s1  }
0xa: {  	[smem:$0x3FAE] =	sst s2  }
0xb: {  	[smem:$0x3FAF] =	sst s3  }
0xc: {  	[smem:$0x3FB0] =	sst s4  }
0xd: {  	[smem:$0x3FB1] =	sst s5  }
0xe: {  	[smem:$0x3FB2] =	sst s6  }
0xf: {  	[smem:$0x3FB3] =	sst s7  }
0x10: {  	[smem:$0x3FB4] =	sst s8  }
0x11: {  	[smem:$0x3FB5] =	sst s9;
	s0 =	simm.s32 @!p0 $0x0  }
0x12: {  	s1 =	sld [smem:$0x3F9B];
	s0 =	simm.s32 @p0 $0x1  }
0x13: {  	[smem:$0x3FB6] =	sst s0;
	s0 =	simm.s32 @!p1 $0x0  }
0x14: {  	s2 =	sld [smem:$0x3F9A];
	s0 =	simm.s32 @p1 $0x1  }
0x15: {  	[smem:$0x3FB7] =	sst s0;
	s0 =	simm.s32 @!p2 $0x0  }
0x16: {  	s3 =	sld [smem:$0x3FDB];
	s0 =	simm.s32 @p2 $0x1  }
0x17: {  	s4 =	simm.s32 $0x1BF5;
	[smem:$0x3FB9] =	sst s0  }
0x18: {  	s0 =	sld [smem:$0x3F9C];
	_ =	swait.ge [sflag:s4], $0x0  }
0x19: {  	s7 =	sld [smem:$0x3F9D]  }
0x1a: {  	s8 =	sadd.s32 $0xFFFFE003, lr  }
0x1b: {  	s9 =	sadd.s32 $0xFFFFFEF7, lr;
	s5 =	simm.s32 $0xFFFFFFFF;
	p2 =	slt.u32 s8, $0xFFFFF086  }
0x1c: {  	p1 =	slt.u32 s9, $0xF7A;
	s5 =	simm.s32 @!p2 $0x0  }
0x1d: {  	s5 =	simm.s32 @p1 $0x1;
	p0 =	seq.s32 s7, s2  }
0x1e: {  	s7 =	smul.u32 @!p0 $0xF7A, s2;
	p2 =	seq.s32 @!p0 s5, $0x0  }
0x1f: {  	s9 =	smul.u32 $0xF7A, s1;
	s8 =	simm.s32 @!p0 $0x1BF5;
	p2 =	por !p2, p0  }
0x20: {  	[sflag:s8] =	ssyncset.s32 @!p0 $0xFFFFF086;
	s6 =	sadd.s32 @!p0 s3, s7;
	s7 =	simm.s32 @!p0 $0x108  }
0x21: {  	s3 =	sadd.s32 s3, s9;
	s6 =	sadd.s32 @!p0 $0x88, s6;
	s7 =	simm.s32 @p2 $0x1082  }
0x22: {  	[simem:s7], [sflag:s8] =	dma.local @!p0 [hbm:s6], $0xF7A  }
0x23: {  	s9 =	sor.u32 $0xD0000000, s2;
	s6 =	simm.s32 $0x108;
	_ =	swait.ge @!p0 [sflag:s8], $0x0  }
0x24: {  	s3 =	sadd.s32 $0x88, s3;
	s6 =	simm.s32 @!p1 $0x1082;
	[sflag:s4] =	ssyncset.s32 $0xFFFFF086  }
0x25: {  	[simem:s6], [sflag:s4] =	dma.local [hbm:s3], $0xF7A  }
0x26: {  	[smem:$0x3F9D] =	sst s1;
	(tag) =	ssettag s2;
	_ =	strace s9  }
0x27: {  	s1 =	sld [smem:$0x3FAD]  }
0x28: {  	s2 =	sld [smem:$0x3FAE]  }
0x29: {  	s4 =	sld [smem:$0x3FB0]  }
0x2a: {  	p0 =	seq.s32 s5, $0x0;
	s5 =	sld [smem:$0x3FB1]  }
0x2b: {  	s6 =	sld [smem:$0x3FB2]  }
0x2c: {  	s7 =	sld [smem:$0x3FB3]  }
0x2d: {  	s3 =	simm.s32 $0x108;
	s8 =	sld [smem:$0x3FB4]  }
0x2e: {  	s3 =	simm.s32 @!p0 $0x1082;
	s9 =	sld [smem:$0x3FB5]  }
0x2f: {  	lr =	sadd.s32 s0, s3;
	s0 =	sld [smem:$0x3FAC]  }
0x30: {  	s3 =	sld [smem:$0x3FAF]  }
0x31: {  	[smem:$0x3FB8] =	sst s10  }
0x32: {  	s10 =	sld [smem:$0x3FB6];
	_ =	sdelay $0x3  }
0x33: {  	p0 =	seq.s32 s10, $0x1;
	s10 =	sld [smem:$0x3FB8];
	_ =	sdelay $0x3  }
0x34: {  	[smem:$0x3FB8] =	sst s10  }
0x35: {  	s10 =	sld [smem:$0x3FB7];
	_ =	sdelay $0x3  }
0x36: {  	p1 =	seq.s32 s10, $0x1;
	s10 =	sld [smem:$0x3FB8];
	_ =	sdelay $0x3  }
0x37: {  	[smem:$0x3FB8] =	sst s10  }
0x38: {  	s10 =	sld [smem:$0x3FB9]  }
0x39: {  	_ = 	snop;
	(pc) =	sbr.ind lr, $3  }
0x3a: {  	_ = 	snop  }
0x3b: {  	_ = 	snop  }
0x3c: {  	p2 =	seq.s32 s10, $0x1;
	s10 =	sld [smem:$0x3FB8]  }
0x3d: {  	_ =	shalt  }
0x3e: {  	_ =	shalt  }
0x3f: {  	_ =	shalt  }
0x40: {  	_ =	shalt  }
0x41: {  	_ =	shalt  }
0x42: {  	_ =	shalt  }
0x43: {  	_ =	shalt  }
0x44: {  	_ =	shalt  }
0x45: {  	_ =	shalt  }
0x46: {  	_ =	shalt  }
0x47: {  	_ =	shalt  }
0x48: {  	_ =	shalt  }
0x49: {  	_ =	shalt  }
0x4a: {  	_ =	shalt  }
0x4b: {  	_ =	shalt  }
0x4c: {  	_ =	shalt  }
0x4d: {  	_ =	shalt  }
0x4e: {  	_ =	shalt  }
0x4f: {  	_ =	shalt  }
0x50: {  	_ =	shalt  }
0x51: {  	_ =	shalt  }
0x52: {  	_ =	shalt  }
0x53: {  	_ =	shalt  }
0x54: {  	_ =	shalt  }
0x55: {  	_ =	shalt  }
0x56: {  	_ =	shalt  }
0x57: {  	_ =	shalt  }
0x58: {  	_ =	shalt  }
0x59: {  	_ =	shalt  }
0x5a: {  	_ =	shalt  }
0x5b: {  	_ =	shalt  }
0x5c: {  	_ =	shalt  }
0x5d: {  	_ =	shalt  }
0x5e: {  	_ =	shalt  }
0x5f: {  	_ =	shalt  }
0x60: {  	_ =	shalt  }
0x61: {  	_ =	shalt  }
0x62: {  	_ =	shalt  }
0x63: {  	_ =	shalt  }
0x64: {  	_ =	shalt  }
0x65: {  	_ =	shalt  }
0x66: {  	_ =	shalt  }
0x67: {  	_ =	shalt  }
0x68: {  	_ =	shalt  }
0x69: {  	_ =	shalt  }
0x6a: {  	_ =	shalt  }
0x6b: {  	_ =	shalt  }
0x6c: {  	_ =	shalt  }
0x6d: {  	_ =	shalt  }
0x6e: {  	_ =	shalt  }
0x6f: {  	_ =	shalt  }
0x70: {  	_ =	shalt  }
0x71: {  	_ =	shalt  }
0x72: {  	_ =	shalt  }
0x73: {  	_ =	shalt  }
0x74: {  	_ =	shalt  }
0x75: {  	_ =	shalt  }
0x76: {  	_ =	shalt  }
0x77: {  	_ =	shalt  }
0x78: {  	_ =	shalt  }
0x79: {  	_ =	shalt  }
0x7a: {  	_ =	shalt  }
0x7b: {  	_ =	shalt  }
0x7c: {  	_ =	shalt  }
0x7d: {  	_ =	shalt  }
0x7e: {  	_ =	shalt  }
0x7f: {  	_ =	shalt  }
0x80: {  	_ =	shalt  }
0x81: {  	_ =	shalt  }
0x82: {  	_ =	shalt  }
0x83: {  	_ =	shalt  }
0x84: {  	_ =	shalt  }
0x85: {  	_ =	shalt  }
0x86: {  	_ =	shalt  }
0x87: {  	_ =	shalt  }
.Lfunc_end0:
.L_simem_size_0:
called_computation_lowered:
.L_overlay_start_0:
0x88: {  	s2 =	sld [smem:$0x3FD9]  }
0x89: {  	s3 =	sld [smem:$0x3FFE];
	_ =	sdelay $0x1  }
0x8a: {  	s1 =	srdreg.scid  }
0x8b: {  	s0 =	sand.u32 $0x1, s1  }
0x8c: {  	s17 =	sshll.u32 s0, $0xA;
	s2 =	sadd.s32 s3, s2  }
0x8d: {  	s2 =	sadd.s32 s2, s17  }
0x8e: {  	[smem:$0x3FC4] =	sst s2  }
0x8f: {  	_ = 	snop  }
0x90: {  	s2 =	sld [smem:$0x3FC9]  }
0x91: {  	s18 =	sld [smem:$0x3FC7]  }
0x92: {  	s4 =	sld [smem:$0x3FD0];
	(tm) =	ssettm $0x1  }
0x93: {  	s5 =	sld [smem:$0x3FFB];
	_ =	sdelay $0x3  }
0x94: {  	_ =	strace s5  }
0x95: {  	s5 =	sld [smem:$0x3FFC];
	_ =	sdelay $0x3  }
0x96: {  	_ =	strace s5  }
0x97: {  	s5 =	sld [smem:$0x3FFD];
	_ =	sdelay $0x3  }
0x98: {  	_ =	strace s5  }
0x99: {  	_ =	strace $0x8FFFFFFF  }
0x9a: {  	s19 =	sld [smem:$0x3FDB];
	_ =	sdelay $0x1  }
0x9b: {  	s6 =	simm.s32 $_scs_section_size  }
0x9c: {  	s7 =	simm.s32 $_size__tile_overlayer_lowered;
	s8 =	simm.s32 $_tile_overlayer_lowered  }
0x9d: {  	s22 =	simm.s32 $0x1BFF;
	s21 =	sshll.u32 s8, $0x1;
	s5 =	sadd.s32 s6, s19  }
0x9e: {  	s9 =	simm.s32 $0x0;
	s20 =	sshll.u32 s7, $0x1;
	s7 =	sadd.s32 s21, s5  }
0x9f: {  	[timem:s9], [sflag:s22] =	dma.local [hbm:s7], s20  }
0xa0: {  	_ =	swait.ge [sflag:s22], s20  }
0xa1: {  	s6 =	ssub.s32 $0x0, s20;
	[sflag:s22] =	ssyncset.done $0x0  }
0xa2: {  	[sflag:s22] =	ssyncadd.s32 s6;
	_ =	sdelay $0x1  }
0xa3: {  	s23 =	simm.s32 $0x1B8B  }
0xa4: {  	_ =	swait.ge [sflag:s23], $0x1  }
0xa5: {  	[sflag:s23] =	ssyncset.done $0x0  }
0xa6: {  	s25 =	simm.s32 $0x1B8E;
	s24 =	sld [smem:$0x3FFE];
	[sflag:s23] =	ssyncadd.s32 $0xFFFFFFFF  }
0xa7: {  	s26 =	simm.s32 $execute0_lowered;
	[smem:$0x3FD2] =	sst s25  }
0xa8: {  	s7 =	sshll.u32 s26, $0x1;
	_ =	strace $0x80000046;
	[dreg:$0x1] =	wrdreg $0xFFFFFFFF  }
0xa9: {  	s28 =	simm.s32 $_size_execute0_lowered;
	s5 =	sadd.s32 s5, s7;
	[dreg:$0x0] =	wrdreg $0x0  }
0xaa: {  	s7 =	sshll.u32 s28, $0x1;
	[dreg:$0x2] =	wrdreg s5  }
0xab: {  	[dreg:$0x3] =	wrdreg s7  }
0xac: {  	[dreg:$0x4] =	wrdreg $0xC0  }
0xad: {  	_ =	task [dreg:s9], $0x5FFFF  }
0xae: {  	[dreg:$0x1] =	wrdreg $0xFFFFFFFF  }
0xaf: {  	[dreg:$0x0] =	wrdreg $0x60  }
0xb0: {  	[dreg:$0x2] =	wrdreg s18  }
0xb1: {  	[dreg:$0x3] =	wrdreg s2  }
0xb2: {  	[dreg:$0x4] =	wrdreg s4  }
0xb3: {  	[dreg:$0x5] =	wrdreg s24  }
0xb4: {  	[dreg:$0x6] =	wrdreg $0x9  }
0xb5: {  	_ =	task.clear_ibuf [dreg:s9], $0x7FFFF;
	_ =	strace $0x90000046  }
0xb6: {  	s29 =	simm.s32 $0x9;
	_ =	strace $0x80000048  }
0xb7: {  	_ =	swait.ge [sflag:s29], $0x1  }
0xb8: {  	[sflag:s29] =	ssyncadd.s32 $0xFFFFFFFF  }
0xb9: {  	_ =	strace $0x90000048  }
0xba: {  	_ =	sfence  }
0xbb: {  	s30 =	sld [smem:$0x0];
	_ =	sdelay $0x2  }
0xbc: {  	s31 =	sshll.u32 s1, $0xD;
	s1 =	sshrl.u32 s1, $0x2  }
0xbd: {  	s3 =	sand.u32 $0x4000, s31;
	s1 =	sadd.s32 s1, s30  }
0xbe: {  	s0 =	sor.u32 s3, s0;
	s1 =	sshll.u32 s1, $0x11  }
0xbf: {  	s0 =	sor.u32 s1, s0  }
0xc0: {  	s0 =	sadd.s32 $0x8F2B, s0  }
0xc1: {  	[sflag:s0] =	ssyncadd.remote.s32 $0x1  }
0xc2: {  	_ =	sfence.sel $0xFFFF  }
0xc3: {  	[dreg:$0x0] =	wrdreg $0xFFFFFFFF;
	(pc) =	sbr.abs _section_cstart, $3  }
0xc4: {  	[dreg:$0x1] =	wrdreg $0xFFFFFFFF  }
0xc5: {  	_ =	task.clear_ibuf [dreg:s9], $0x2FFFF;
	_ =	strace $0x9FFFFFFF  }
0xc6: {  	(tm) =	ssettm $0x7FFFFFFF  }
0xc7: {  	_ =	shalt  }
tec
execute0_lowered:
.L_overlay_start_1:
0x0: {  	(tag) =	ssettag $0x1  }
0x1: {  	v0 =	vimm.s32 $0x1380;
	vm14 =	vcmask $0x300;
	vm13 =	vcmask $0x704  }
0x2: {  	vm12 =	vcmask $0xB08;
	vm11 =	vcmask $0xF0C;
	vm10 =	vcmask $0x1310  }
0x3: {  	vm9 =	vcmask $0x1714;
	vm8 =	vcmask $0x1B18;
	vm7 =	vcmask $0x1F1C  }
0x4: {  	vm5 =	vcmask $0x2320;
	vm6 =	vcmask $0x2724;
	vm4 =	vcmask $0x2B28  }
0x5: {  	vm2 =	vcmask $0x2F2C;
	vm3 =	vcmask $0x3330;
	vm1 =	vcmask $0x3734  }
0x6: {  	vm0 =	vcmask $0x3B38;
	v5 =	vimm.s32 $0x3380;
	v6 =	vimm.s32 $0x5380  }
0x7: {  	s0 =	srdreg.scid;
	s2 =	stileid.u32;
	v7 =	vimm.s32 $0x7380;
	v0 =	vsel vm14, $0x0, v0;
	v5 =	vsel vm14, $0x2000, v5  }
0x8: {  	s0 =	sand.u32 $0x1, s0;
	s2 =	sshll.u32 s2, $0x1;
	v6 =	vsel vm14, $0x4000, v6;
	v7 =	vsel vm14, $0x6000, v7;
	v0 =	vsel vm13, $0x80, v0  }
0x9: {  	s2 =	sor.u32 s0, s2;
	v5 =	vsel vm13, $0x2080, v5;
	v6 =	vsel vm13, $0x4080, v6;
	v7 =	vsel vm13, $0x6080, v7  }
0xa: {  	v0 =	vsel vm12, $0x100, v0;
	s4 =	smul.u32 $0x3E, s2;
	v5 =	vsel vm12, $0x2100, v5;
	v6 =	vsel vm12, $0x4100, v6  }
0xb: {  	s2 =	smul.u32 $0x3E000, s2;
	v7 =	vsel vm12, $0x6100, v7;
	v0 =	vsel vm11, $0x180, v0;
	v5 =	vsel vm11, $0x2180, v5  }
0xc: {  	s1 =	rddreg [dreg:$0x0];
	s6 =	simm.s32 $0x0;
	v6 =	vsel vm11, $0x4180, v6;
	v7 =	vsel vm11, $0x6180, v7;
	v0 =	vsel vm10, $0x200, v0  }
0xd: {  	[smem:$0x7FF] =	sst s6;
	s2 =	sshrl.u32 s2, $0x3;
	v5 =	vsel vm10, $0x2200, v5;
	v6 =	vsel vm10, $0x4200, v6;
	v7 =	vsel vm10, $0x6200, v7  }
0xe: {  	s3 =	rddreg [dreg:$0x3];
	_ =	strace $0x80000047;
	v0 =	vsel vm9, $0x280, v0;
	s7 =	sadd.s32 s1, s2;
	v5 =	vsel vm9, $0x2280, v5;
	v6 =	vsel vm9, $0x4280, v6  }
0xf: {  	v7 =	vsel vm9, $0x6280, v7;
	v0 =	vsel vm8, $0x300, v0;
	s2 =	sadd.s32 $0x1E8500, s7;
	v5 =	vsel vm8, $0x2300, v5  }
0x10: {  	s28 =	simm.s32 $0x4;
	s14 =	sadd.s32 $0x2DC780, s7;
	v6 =	vsel vm8, $0x4300, v6;
	v7 =	vsel vm8, $0x6300, v7;
	v0 =	vsel vm7, $0x380, v0;
	[dreg:$0x5] =	wrdreg s2  }
0x11: {  	s29 =	simm.s32 $0x1C180;
	s15 =	sadd.s32 $0x3D0A00, s7;
	[dreg:$0x6] =	wrdreg s14;
	v5 =	vsel vm7, $0x2380, v5;
	v6 =	vsel vm7, $0x4380, v6;
	v7 =	vsel vm7, $0x6380, v7  }
0x12: {  	s30 =	simm.s32 $0x8080;
	s16 =	sadd.s32 $0x4C4C80, s7;
	[dreg:$0x7] =	wrdreg s15;
	v0 =	vsel vm5, $0x1000, v0;
	v5 =	vsel vm5, $0x3000, v5;
	v6 =	vsel vm5, $0x5000, v6  }
0x13: {  	s31 =	simm.s32 $0x3;
	s17 =	sadd.s32 $0x5B8F00, s7;
	[dreg:$0x8] =	wrdreg s16;
	v7 =	vsel vm5, $0x7000, v7;
	v0 =	vsel vm6, $0x1080, v0;
	v5 =	vsel vm6, $0x3080, v5  }
0x14: {  	s8 =	simm.s32 $0x0;
	s18 =	sadd.s32 $0x6AD180, s7;
	[dreg:$0x9] =	wrdreg s17;
	v6 =	vsel vm6, $0x5080, v6;
	v7 =	vsel vm6, $0x7080, v7;
	v1 =	vsel vm4, $0x1100, v0  }
0x15: {  	s5 =	sadd.s32 $0x3E, s4;
	s19 =	sadd.s32 $0x1E8700, s7;
	[dreg:$0xa] =	wrdreg s18;
	v0 =	vmov s4;
	v5 =	vsel vm4, $0x3100, v5;
	v6 =	vsel vm4, $0x5100, v6  }
0x16: {  	s0 =	ssub.s32 $0x2, s0;
	s20 =	sadd.s32 $0x2DC980, s7;
	[dreg:$0xb] =	wrdreg s19;
	v7 =	vsel vm4, $0x7100, v7;
	v2 =	vsel vm2, $0x1180, v1;
	v1 =	vmov s5  }
0x17: {  	s24 =	sshrl.u32 s0, $0x1;
	s21 =	sadd.s32 $0x3D0C00, s7;
	[dreg:$0xc] =	wrdreg s20;
	v5 =	vsel vm2, $0x3180, v5;
	v6 =	vsel vm2, $0x5180, v6;
	v7 =	vsel vm2, $0x7180, v7  }
0x18: {  	s0 =	ssub.s32 s0, s24;
	s22 =	sadd.s32 $0xF4280, s7;
	[dreg:$0xd] =	wrdreg s21;
	v3 =	vsel vm3, $0x1200, v2;
	v2 =	vimm.s32 $0x4000;
	v5 =	vsel vm3, $0x3200, v5  }
0x19: {  	s23 =	sadd.s32 $0x4C4E80, s7;
	s25 =	sadd.s32 $0x200, s7;
	[dreg:$0xe] =	wrdreg s22;
	v6 =	vsel vm3, $0x5200, v6;
	v7 =	vsel vm3, $0x7200, v7;
	v4 =	vsel vm1, $0x1280, v3  }
.Ltmp0:
0x1a: {  	s26 =	sadd.s32 $0x5B9100, s7;
	[dreg:$0xf] =	wrdreg s23;
	v3 =	vlaneseq.u32;
	v5 =	vsel vm1, $0x3280, v5;
	v6 =	vsel vm1, $0x5280, v6;
	(pc) =	sbr.rel .LBB2_1-.Ltmp0, $4  }
0x1b: {  	s16 =	sadd.s32 $0xA00, s3;
	[dreg:$0x10] =	wrdreg s25;
	s22 =	sadd.s32 $0xF4480, s7;
	v7 =	vsel vm1, $0x7280, v7;
	v4 =	vsel vm0, $0x1300, v4;
	v5 =	vsel vm0, $0x3300, v5  }
0x1c: {  	s23 =	sadd.s32 $0x6AD380, s7;
	s25 =	smax.u32 s0, $0x1;
	s0 =	simm.s32 $0x10080;
	v6 =	vsel vm0, $0x5300, v6;
	v7 =	vsel vm0, $0x7300, v7;
	v8 =	vor.u32 $0x10, v3  }
0x1d: {  	s2 =	simm.s32 $0x18080;
	s3 =	simm.s32 $0x1C080;
	s5 =	simm.s32 $0x1C100;
	v9 =	vor.u32 $0x20, v3;
	v10 =	vor.u32 $0x30, v3;
	v11 =	vor.u32 $0xF85F0000, v3  }
0x1e: {  	s24 =	sadd.s32 $0x2, s4;
	[dreg:$0x11] =	wrdreg s26;
	s26 =	sadd.s32 $0x3, s4;
	v12 =	vor.u32 $0xF85F0010, v3;
	v13 =	vor.u32 $0xF85F0020, v3;
	v14 =	vor.u32 $0xF85F0030, v3  }
.LBB2_25:
0x1f: {  	s9 =	simm.s32 $0x80  }
0x20: {  	[hbm4b:s16+s9] =	stream.indirect.scatter [tilespmem:s2], [sflag:$0x3], $0x80, s3, s9, $0xb8;
	[tilespmem:$0x1E580] =	vst v63  }
0x21: {  	_ =	swait.ge [sflag:s31], $0x4000  }
0x22: {  	[sflag:s31] =	ssyncset.done $0x0  }
0x23: {  	[sflag:s31] =	ssyncadd.s32 $0xFFFFC000  }
0x24: {  	[tilespmem:$0x1C080] =	vst v2  }
0x25: {  	s8 =	sadd.s32 $0x1, s8;
	[tilespmem:$0x1C090] =	vst v2  }
0x26: {  	p0 =	sne.s32 s8, s25;
	[tilespmem:$0x1C0A0] =	vst v2  }
.Ltmp1:
0x27: {  	[tilespmem:$0x1C0B0] =	vst v2;
	(pc) =	sbr.rel @!p0 .LBB2_26-.Ltmp1, $4  }
0x28: {  	[tilespmem:$0x1C0C0] =	vst v2  }
0x29: {  	[tilespmem:$0x1C0D0] =	vst v2  }
0x2a: {  	[tilespmem:$0x1C0E0] =	vst v2  }
0x2b: {  	[tilespmem:$0x1C0F0] =	vst v2  }
.LBB2_1:
0x2c: {  	s9 =	rddreg [dreg:$0x1]  }
0x2d: {  	[tilespmem:s6], [sflag:$0x4] =	stream.linear.gather [hbm4b:s9+s6], $0x4000, $0x38;
	[tilespmem:$0x1E580] =	vst v63  }
0x2e: {  	_ =	swait.ge [sflag:s28], $0x4000  }
0x2f: {  	[sflag:s28] =	ssyncset.done $0x0  }
0x30: {  	[sflag:s28] =	ssyncadd.s32 $0xFFFFC000  }
0x31: {  	s15 =	rddreg [dreg:$0x2]  }
0x32: {  	[tilespmem:s29], [sflag:$0x4] =	stream.linear.gather [hbm4b:s15+s6], $0x2080, $0x38;
	[tilespmem:$0x1E580] =	vst v63  }
0x33: {  	_ =	swait.ge [sflag:s28], $0x2080  }
0x34: {  	[sflag:s28] =	ssyncset.done $0x0  }
0x35: {  	[sflag:s28] =	ssyncadd.s32 $0xFFFFDF80  }
0x36: {  	[tilespmem:$0x1C080] =	vst v2  }
0x37: {  	[tilespmem:$0x1C090] =	vst v2  }
0x38: {  	[tilespmem:$0x1C0A0] =	vst v2  }
0x39: {  	[tilespmem:$0x1C0B0] =	vst v2  }
0x3a: {  	[tilespmem:$0x1C0C0] =	vst v2  }
0x3b: {  	[tilespmem:$0x1C0D0] =	vst v2  }
0x3c: {  	[tilespmem:$0x1C0E0] =	vst v2  }
0x3d: {  	[tilespmem:$0x1C0F0] =	vst v2  }
0x3e: {  	[tilespmem:s30], [sflag:$0x1] =	stream.linear.gather [hbm4b:s7+s6], $0x1000, $0x38;
	[tilespmem:$0x1E580] =	vst v63  }
0x3f: {  	s10 =	simm.s32 $0x9080;
	s17 =	rddreg [dreg:$0xe]  }
0x40: {  	[tilespmem:s10], [sflag:$0x1] =	stream.linear.gather [hbm4b:s17+s6], $0x1000, $0x38;
	[tilespmem:$0x1E580] =	vst v63  }
0x41: {  	s19 =	simm.s32 $0xA080;
	s18 =	rddreg [dreg:$0x5]  }
0x42: {  	[tilespmem:s19], [sflag:$0x1] =	stream.linear.gather [hbm4b:s18+s6], $0x1000, $0x38;
	[tilespmem:$0x1E580] =	vst v63  }
0x43: {  	s21 =	simm.s32 $0xB080;
	s20 =	rddreg [dreg:$0x6]  }
0x44: {  	[tilespmem:s21], [sflag:$0x1] =	stream.linear.gather [hbm4b:s20+s6], $0x1000, $0x38;
	[tilespmem:$0x1E580] =	vst v63  }
0x45: {  	s12 =	simm.s32 $0xC080;
	s11 =	rddreg [dreg:$0x7]  }
0x46: {  	[tilespmem:s12], [sflag:$0x1] =	stream.linear.gather [hbm4b:s11+s6], $0x1000, $0x38;
	[tilespmem:$0x1E580] =	vst v63  }
0x47: {  	s14 =	simm.s32 $0xD080;
	s13 =	rddreg [dreg:$0x8]  }
0x48: {  	[tilespmem:s14], [sflag:$0x1] =	stream.linear.gather [hbm4b:s13+s6], $0x1000, $0x38;
	[tilespmem:$0x1E580] =	vst v63  }
0x49: {  	s15 =	rddreg [dreg:$0x9];
	s17 =	simm.s32 $0xE080  }
0x4a: {  	[tilespmem:s17], [sflag:$0x1] =	stream.linear.gather [hbm4b:s15+s6], $0x1000, $0x38;
	[tilespmem:$0x1E580] =	vst v63  }
0x4b: {  	s18 =	rddreg [dreg:$0xa];
	s19 =	simm.s32 $0xF080  }
0x4c: {  	[tilespmem:s19], [sflag:$0x1] =	stream.linear.gather [hbm4b:s18+s6], $0x1000, $0x38;
	[tilespmem:$0x1E580] =	vst v63  }
0x4d: {  	s20 =	rddreg [dreg:$0x10]  }
0x4e: {  	[tilespmem:s0], [sflag:$0x2] =	stream.linear.gather [hbm4b:s20+s6], $0x1000, $0x38;
	[tilespmem:$0x1E580] =	vst v63  }
0x4f: {  	s21 =	simm.s32 $0x11080  }
0x50: {  	[tilespmem:s21], [sflag:$0x2] =	stream.linear.gather [hbm4b:s22+s6], $0x1000, $0x38;
	[tilespmem:$0x1E580] =	vst v63  }
0x51: {  	s10 =	rddreg [dreg:$0xb];
	s11 =	simm.s32 $0x12080  }
0x52: {  	[tilespmem:s11], [sflag:$0x2] =	stream.linear.gather [hbm4b:s10+s6], $0x1000, $0x38;
	[tilespmem:$0x1E580] =	vst v63  }
0x53: {  	s12 =	rddreg [dreg:$0xc];
	s13 =	simm.s32 $0x13080  }
0x54: {  	[tilespmem:s13], [sflag:$0x2] =	stream.linear.gather [hbm4b:s12+s6], $0x1000, $0x38;
	[tilespmem:$0x1E580] =	vst v63  }
0x55: {  	s14 =	rddreg [dreg:$0xd];
	s15 =	simm.s32 $0x14080  }
0x56: {  	[tilespmem:s15], [sflag:$0x2] =	stream.linear.gather [hbm4b:s14+s6], $0x1000, $0x38;
	[tilespmem:$0x1E580] =	vst v63  }
0x57: {  	s17 =	rddreg [dreg:$0xf];
	s18 =	simm.s32 $0x15080  }
0x58: {  	[tilespmem:s18], [sflag:$0x2] =	stream.linear.gather [hbm4b:s17+s6], $0x1000, $0x38;
	[tilespmem:$0x1E580] =	vst v63  }
0x59: {  	s19 =	rddreg [dreg:$0x11];
	s20 =	simm.s32 $0x16080  }
0x5a: {  	[tilespmem:s20], [sflag:$0x2] =	stream.linear.gather [hbm4b:s19+s6], $0x1000, $0x38;
	[tilespmem:$0x1E580] =	vst v63  }
0x5b: {  	s21 =	simm.s32 $0x17080  }
0x5c: {  	[tilespmem:s21], [sflag:$0x2] =	stream.linear.gather [hbm4b:s23+s6], $0x1000, $0x38;
	[tilespmem:$0x1E580] =	vst v63  }
0x5d: {  	v15 =	vld [tilespmem:s6+$0x0];
	_ =	sdelay $0x4  }
0x5e: {  	v15 =	vshra.s32 v15, $0x9  }
0x5f: {  	vm0 =	vge.s32 v15, v0;
	vm1 =	vlt.s32 v15, v1  }
0x60: {  	vm0 =	vmand vm0, vm1  }
0x61: {  	v15 =	vmpcnt.ones.xlane vm0;
	_ =	sdelay $0x1  }
0x62: {  	(v2sf) =	vpush v15, $0x0;
	_ =	sdelay $0x3  }
0x63: {  	v16 =	vor.u32 s6, v3  }
0x64: {  	s9 =	simm.s32 $0x10;
	[tilespmem:s6+$0x4000] =	vst.msk vm0, v16  }
0x65: {  	s11 =	simm.s32 $0x20;
	s10 =	simm.s32 $0x0;
	s12 =	simm.s32 $0x10;
	v15 =	vld [tilespmem:s9+$0x0]  }
.LBB2_2:
0x66: {  	p0 =	sne.s32 s11, $0x3FF0;
	_ =	sdelay $0x3  }
0x67: {  	v15 =	vshra.s32 v15, $0x9  }
0x68: {  	vm0 =	vge.s32 v15, v0;
	vm1 =	vlt.s32 v15, v1  }
0x69: {  	vm0 =	vmand vm0, vm1  }
0x6a: {  	v15 =	vmpcnt.ones.xlane vm0  }
0x6b: {  	s13 =	spop (v2sf)  }
0x6c: {  	v16 =	vor.u32 s9, v3;
	s9 =	smov.u32 s11;
	(v2sf) =	vpush v15, $0x0;
	s10 =	sadd.s32 s10, s13  }
0x6d: {  	[tilespmem:s10+$0x4000] =	vst.msk vm0, v16  }
.Ltmp2:
0x6e: {  	(pc) =	sbr.rel @p0 .LBB2_2-.Ltmp2, $3  }
0x6f: {  	_ =	sdelay $0x1  }
0x70: {  	s12 =	sadd.s32 $0x10, s12  }
0x71: {  	s11 =	sadd.s32 $0x10, s11;
	v15 =	vld [tilespmem:s12+$0x0]  }
0x72: {  	_ =	sdelay $0x3  }
0x73: {  	v15 =	vshra.s32 v15, $0x9  }
0x74: {  	vm0 =	vge.s32 v15, v0;
	vm1 =	vlt.s32 v15, v1  }
0x75: {  	vm0 =	vmand vm0, vm1  }
0x76: {  	v15 =	vmpcnt.ones.xlane vm0;
	_ =	sdelay $0x1  }
0x77: {  	(v2sf) =	vpush v15, $0x0;
	_ =	sdelay $0xd  }
0x78: {  	s11 =	spop (v2sf)  }
0x79: {  	s10 =	sadd.s32 s10, s11;
	s20 =	spop (v2sf)  }
0x7a: {  	s11 =	sadd.s32 s10, s20  }
0x7b: {  	s12 =	sadd.s32 $0xF, s11  }
0x7c: {  	s13 =	sand.u32 $0xF, s12  }
0x7d: {  	s21 =	sshra.s32 s12, $0x1F;
	p1 =	slt.s32 s12, $0x1;
	p0 =	sne.s32 s13, $0x0  }
.Ltmp3:
0x7e: {  	s13 =	sshrl.u32 s21, $0x1C;
	p0 =	por !p1, !p0;
	(pc) =	sbr.rel .LBB2_4-.Ltmp3, $4  }
0x7f: {  	s12 =	sadd.s32 s13, s12;
	s13 =	simm.s32 $0x1;
	p0 =	por !p0, !p0  }
0x80: {  	s12 =	sshra.s32 s12, $0x4;
	s13 =	simm.s32 @!p0 $0x0  }
0x81: {  	v15 =	vor.u32 s9, v3;
	s9 =	ssub.s32 s12, s13  }
0x82: {  	[tilespmem:s10+$0x4000] =	vst.msk vm0, v15;
	s10 =	simm.s32 $0x0;
	v15 =	vmov s11;
	s11 =	simm.s32 $0x0;
	p0 =	slt.s32 s9, $0x1  }
.LBB2_18:
0x83: {  	s12 =	sadd.s32 s12, s26  }
0x84: {  	p2 =	sgt.u32 @!p1 s12, $0x7A0  }
0x85: {  	p1 =	por p2, p1  }
0x86: {  	s12 =	sshll.u32 @!p1 s12, $0x9;
	s14 =	simm.s32 @!p1 $0x0  }
0x87: {  	s15 =	simm.s32 @!p1 $0x10080;
	s13 =	sadd.s32 @!p1 s1, s12;
	s12 =	sand.u32 @!p1 $0x1FFFFE00, s12  }
0x88: {  	[tilespmem:s15], [sflag:$0x2] =	stream.linear.gather @!p1 [hbm4b:s13+s14], $0x1000, $0x38;
	[tilespmem:$0x1E580] =	vst v63  }
0x89: {  	s12 =	sadd.s32 @!p1 s1, s12  }
0x8a: {  	s15 =	simm.s32 @!p1 $0x11080;
	s13 =	sadd.s32 @!p1 $0xF4280, s12  }
0x8b: {  	[tilespmem:s15], [sflag:$0x2] =	stream.linear.gather @!p1 [hbm4b:s13+s14], $0x1000, $0x38;
	[tilespmem:$0x1E580] =	vst v63  }
0x8c: {  	s13 =	sadd.s32 @!p1 $0x1E8500, s12;
	s15 =	simm.s32 @!p1 $0x12080  }
0x8d: {  	[tilespmem:s15], [sflag:$0x2] =	stream.linear.gather @!p1 [hbm4b:s13+s14], $0x1000, $0x38;
	[tilespmem:$0x1E580] =	vst v63  }
0x8e: {  	s13 =	sadd.s32 @!p1 $0x2DC780, s12;
	s15 =	simm.s32 @!p1 $0x13080  }
0x8f: {  	[tilespmem:s15], [sflag:$0x2] =	stream.linear.gather @!p1 [hbm4b:s13+s14], $0x1000, $0x38;
	[tilespmem:$0x1E580] =	vst v63  }
0x90: {  	s13 =	sadd.s32 @!p1 $0x3D0A00, s12;
	s15 =	simm.s32 @!p1 $0x14080  }
0x91: {  	[tilespmem:s15], [sflag:$0x2] =	stream.linear.gather @!p1 [hbm4b:s13+s14], $0x1000, $0x38;
	[tilespmem:$0x1E580] =	vst v63  }
0x92: {  	s13 =	sadd.s32 @!p1 $0x4C4C80, s12;
	s15 =	simm.s32 @!p1 $0x15080  }
0x93: {  	[tilespmem:s15], [sflag:$0x2] =	stream.linear.gather @!p1 [hbm4b:s13+s14], $0x1000, $0x38;
	[tilespmem:$0x1E580] =	vst v63  }
0x94: {  	s13 =	sadd.s32 @!p1 $0x5B8F00, s12;
	s15 =	simm.s32 @!p1 $0x16080  }
0x95: {  	[tilespmem:s15], [sflag:$0x2] =	stream.linear.gather @!p1 [hbm4b:s13+s14], $0x1000, $0x38;
	[tilespmem:$0x1E580] =	vst v63  }
0x96: {  	s11 =	sadd.s32 $0x1, s11;
	s12 =	sadd.s32 @!p1 $0x6AD180, s12;
	s13 =	simm.s32 @!p1 $0x17080  }
0x97: {  	[tilespmem:s13], [sflag:$0x2] =	stream.linear.gather @!p1 [hbm4b:s12+s14], $0x1000, $0x38;
	[tilespmem:$0x1E580] =	vst v63  }
0x98: {  	p1 =	seq.s32 s11, $0x1F  }
.Ltmp4:
0x99: {  	_ = 	snop;
	(pc) =	sbr.rel @p1 .LBB2_19-.Ltmp4, $1  }
0x9a: {  	_ =	sdelay $0x3  }
.LBB2_4:
0x9b: {  	s12 =	sshll.u32 s11, $0x1  }
0x9c: {  	s13 =	sadd.s32 s4, s12  }
0x9d: {  	p1 =	sgt.u32 s13, $0x7A0  }
0x9e: {  	s14 =	simm.s32 @!p1 $0x1  }
0x9f: {  	_ =	swait.ge @!p1 [sflag:s14], $0x1000  }
0xa0: {  	[sflag:s14] =	ssyncset.done @!p1 $0x0  }
0xa1: {  	[sflag:s14] =	ssyncadd.s32 @!p1 $0xFFFFF000  }
0xa2: {  	_ =	swait.ge @!p1 [sflag:s14], $0x1000  }
0xa3: {  	[sflag:s14] =	ssyncset.done @!p1 $0x0  }
0xa4: {  	[sflag:s14] =	ssyncadd.s32 @!p1 $0xFFFFF000  }
0xa5: {  	_ =	swait.ge @!p1 [sflag:s14], $0x1000  }
0xa6: {  	[sflag:s14] =	ssyncset.done @!p1 $0x0  }
0xa7: {  	[sflag:s14] =	ssyncadd.s32 @!p1 $0xFFFFF000  }
0xa8: {  	_ =	swait.ge @!p1 [sflag:s14], $0x1000  }
0xa9: {  	[sflag:s14] =	ssyncset.done @!p1 $0x0  }
0xaa: {  	[sflag:s14] =	ssyncadd.s32 @!p1 $0xFFFFF000  }
0xab: {  	_ =	swait.ge @!p1 [sflag:s14], $0x1000  }
0xac: {  	[sflag:s14] =	ssyncset.done @!p1 $0x0  }
0xad: {  	[sflag:s14] =	ssyncadd.s32 @!p1 $0xFFFFF000  }
0xae: {  	_ =	swait.ge @!p1 [sflag:s14], $0x1000  }
0xaf: {  	[sflag:s14] =	ssyncset.done @!p1 $0x0  }
0xb0: {  	[sflag:s14] =	ssyncadd.s32 @!p1 $0xFFFFF000  }
0xb1: {  	_ =	swait.ge @!p1 [sflag:s14], $0x1000  }
.Ltmp5:
0xb2: {  	[sflag:s14] =	ssyncset.done @!p1 $0x0;
	(pc) =	sbr.rel @p0 .LBB2_11-.Ltmp5, $4  }
0xb3: {  	[sflag:s14] =	ssyncadd.s32 @!p1 $0xFFFFF000  }
0xb4: {  	_ =	swait.ge @!p1 [sflag:s14], $0x1000  }
0xb5: {  	[sflag:s14] =	ssyncset.done @!p1 $0x0  }
0xb6: {  	[sflag:s14] =	ssyncadd.s32 @!p1 $0xFFFFF000  }
.Ltmp6:
0xb7: {  	(pc) =	sbr.rel .LBB2_6-.Ltmp6, $3  }
0xb8: {  	_ =	sdelay $0x1  }
0xb9: {  	s13 =	sshll.u32 s13, $0x9  }
0xba: {  	v16 =	vmov s13;
	s13 =	simm.s32 $0x0  }
.LBB2_9:
0xbb: {  	_ =	sdelay $0x3  }
0xbc: {  	[tilespmem:v19+s2+$0x0] =	vst.idx.msk $0xffff, v23  }
0xbd: {  	[tilespmem:v20+s2+$0x0] =	vst.idx.msk $0xffff, v24  }
0xbe: {  	[tilespmem:v21+s2+$0x0] =	vst.idx.msk $0xffff, v25  }
0xbf: {  	[tilespmem:v22+s2+$0x0] =	vst.idx.msk $0xffff, v26  }
0xc0: {  	[tilespmem:v18+s3+$0x0] =	vst.idx.msk $0x1, v17  }
0xc1: {  	[hbm4b:s16+s17] =	stream.indirect.scatter @!p1 [tilespmem:s20], [sflag:$0x3], $0x80, s18, s17, $0xb8;
	[tilespmem:$0x1E580] =	vst v63  }
0xc2: {  	_ =	swait.ge @!p1 [sflag:s19], $0x4000  }
0xc3: {  	[sflag:s19] =	ssyncset.done @!p1 $0x0  }
0xc4: {  	v17 =	vimm.s32 @!p1 $0x4000;
	[sflag:s19] =	ssyncadd.s32 @!p1 $0xFFFFC000  }
0xc5: {  	[tilespmem:$0x1C080] =	vst @!p1 v17  }
0xc6: {  	[tilespmem:$0x1C0F0] =	vst @!p1 v17  }
0xc7: {  	[tilespmem:$0x1C0E0] =	vst @!p1 v17  }
0xc8: {  	[tilespmem:$0x1C0D0] =	vst @!p1 v17  }
0xc9: {  	[tilespmem:$0x1C0C0] =	vst @!p1 v17  }
0xca: {  	[tilespmem:$0x1C0B0] =	vst @!p1 v17  }
0xcb: {  	[tilespmem:$0x1C0A0] =	vst @!p1 v17  }
0xcc: {  	[tilespmem:$0x1C090] =	vst @!p1 v17  }
.LBB2_10:
0xcd: {  	s13 =	sadd.s32 $0x1, s13  }
0xce: {  	p1 =	sne.s32 s13, s9  }
.Ltmp7:
0xcf: {  	_ = 	snop;
	(pc) =	sbr.rel @!p1 .LBB2_11-.Ltmp7, $1  }
0xd0: {  	_ =	sdelay $0x3  }
.LBB2_6:
0xd1: {  	s14 =	sshll.u32 s13, $0x4  }
0xd2: {  	v17 =	vld [tilespmem:s14+$0x4000];
	_ =	sdelay $0x4  }
0xd3: {  	v17 =	vand.u32 $0x3FFF, v17;
	_ =	sdelay $0x4  }
0xd4: {  	v18 =	vld.idx.msk [tilespmem:v17+s6+$0x0], $0xffff;
	_ =	sdelay $0x3  }
0xd5: {  	v19 =	vor.u32 s14, v3  }
0xd6: {  	vm1 =	vlt.s32 v19, v15;
	v20 =	vsub.s32 v18, v16;
	vm0 =	vlt.s32 v18, $0xF4200  }
0xd7: {  	vm2 =	vlt.u32 v20, $0x200;
	vm0 =	vmand vm0, vm1  }
0xd8: {  	vm0 =	vmand vm0, vm2  }
0xd9: {  	v18 =	vmpcnt.ones.xlane vm0;
	_ =	sdelay $0x1  }
0xda: {  	(v2sf) =	vpush v18, $0x0;
	_ =	sdelay $0xe  }
0xdb: {  	s14 =	spop (v2sf)  }
0xdc: {  	p1 =	slt.s32 s14, $0x1  }
.Ltmp8:
0xdd: {  	_ = 	snop;
	(pc) =	sbr.rel @p1 .LBB2_10-.Ltmp8, $1  }
0xde: {  	_ =	sdelay $0x3  }
0xdf: {  	s15 =	simm.s32 $0x0  }
0xe0: {  	v18 =	vmov s15;
	_ =	sdelay $0x3  }
0xe1: {  	[tilespmem:s5+$0x0] =	vst.msk vm0, v17  }
0xe2: {  	v17 =	vld.idx.msk [tilespmem:v18+s5+$0x0], $0xffff;
	_ =	sdelay $0x7  }
0xe3: {  	v18 =	vld.idx.msk [tilespmem:v17+s6+$0x0], $0xffff;
	_ =	sdelay $0x4  }
0xe4: {  	v19 =	vshll.u32 v18, $0x3  }
0xe5: {  	v18 =	vand.u32 $0x7F, v18;
	v19 =	vand.u32 $0xC00, v19  }
0xe6: {  	v18 =	vor.u32 v18, v19  }
0xe7: {  	v19 =	vor.u32 v4, v18  }
0xe8: {  	v20 =	vor.u32 v5, v18  }
0xe9: {  	v21 =	vor.u32 v6, v18  }
0xea: {  	p2 =	sne.s32 s14, $0x1;
	v26 =	vor.u32 v7, v18;
	v18 =	vmov s10  }
.Ltmp9:
0xeb: {  	v22 =	vshll.u32 v18, $0x7;
	(pc) =	sbr.rel @!p2 .LBB2_9-.Ltmp9, $4  }
0xec: {  	s10 =	sadd.s32 $0x1, s10;
	v23 =	vld.idx.msk [tilespmem:v19+s30+$0x0], $0xffff;
	v19 =	vor.u32 v3, v22  }
0xed: {  	p1 =	sne.s32 s10, $0x80;
	v24 =	vld.idx.msk [tilespmem:v20+s30+$0x0], $0xffff;
	v20 =	vor.u32 v8, v22  }
0xee: {  	s15 =	simm.s32 $0x1;
	s17 =	simm.s32 @!p1 $0x80;
	s18 =	simm.s32 @!p1 $0x1C080;
	v25 =	vld.idx.msk [tilespmem:v21+s30+$0x0], $0xffff;
	v21 =	vor.u32 v9, v22  }
0xef: {  	s20 =	simm.s32 @!p1 $0x18080;
	s10 =	simm.s32 @!p1 $0x0;
	s19 =	simm.s32 @!p1 $0x3;
	v22 =	vor.u32 v10, v22;
	v26 =	vld.idx.msk [tilespmem:v26+s30+$0x0], $0xffff  }
.LBB2_8:
0xf0: {  	s21 =	smov.u32 s15;
	s15 =	sadd.s32 $0x1, s15  }
0xf1: {  	p2 =	sne.s32 s14, s15;
	[tilespmem:v19+s2+$0x0] =	vst.idx.msk $0xffff, v23  }
0xf2: {  	[tilespmem:v20+s2+$0x0] =	vst.idx.msk $0xffff, v24  }
0xf3: {  	v19 =	vmov s21;
	[tilespmem:v21+s2+$0x0] =	vst.idx.msk $0xffff, v25  }
0xf4: {  	[tilespmem:v22+s2+$0x0] =	vst.idx.msk $0xffff, v26  }
0xf5: {  	[tilespmem:v18+s3+$0x0] =	vst.idx.msk $0x1, v17  }
0xf6: {  	[hbm4b:s16+s17] =	stream.indirect.scatter @!p1 [tilespmem:s20], [sflag:$0x3], $0x80, s18, s17, $0xb8;
	[tilespmem:$0x1E580] =	vst v63  }
0xf7: {  	_ =	swait.ge @!p1 [sflag:s19], $0x4000  }
0xf8: {  	[sflag:s19] =	ssyncset.done @!p1 $0x0  }
0xf9: {  	v17 =	vimm.s32 @!p1 $0x4000;
	[sflag:s19] =	ssyncadd.s32 @!p1 $0xFFFFC000  }
0xfa: {  	[tilespmem:$0x1C080] =	vst @!p1 v17  }
0xfb: {  	[tilespmem:$0x1C0F0] =	vst @!p1 v17  }
0xfc: {  	[tilespmem:$0x1C0E0] =	vst @!p1 v17  }
0xfd: {  	[tilespmem:$0x1C0D0] =	vst @!p1 v17  }
0xfe: {  	[tilespmem:$0x1C0C0] =	vst @!p1 v17  }
0xff: {  	[tilespmem:$0x1C0B0] =	vst @!p1 v17  }
0x100: {  	[tilespmem:$0x1C0A0] =	vst @!p1 v17  }
0x101: {  	[tilespmem:$0x1C090] =	vst @!p1 v17  }
0x102: {  	v17 =	vld.idx.msk [tilespmem:v19+s5+$0x0], $0xffff;
	_ =	sdelay $0x7  }
0x103: {  	v21 =	vld.idx.msk [tilespmem:v17+s6+$0x0], $0xffff;
	_ =	sdelay $0x2  }
0x104: {  	v18 =	vmov s10  }
0x105: {  	v22 =	vshll.u32 v18, $0x7  }
0x106: {  	v19 =	vor.u32 v3, v22  }
0x107: {  	v20 =	vor.u32 v8, v22;
	v23 =	vshll.u32 v21, $0x3  }
0x108: {  	v24 =	vand.u32 $0x7F, v21;
	v21 =	vor.u32 v9, v22;
	v23 =	vand.u32 $0xC00, v23  }
0x109: {  	v22 =	vor.u32 v10, v22;
	v23 =	vor.u32 v24, v23  }
0x10a: {  	v24 =	vor.u32 v4, v23;
	v25 =	vor.u32 v5, v23;
	v26 =	vor.u32 v6, v23  }
0x10b: {  	v27 =	vor.u32 v7, v23;
	_ =	sdelay $0x1  }
0x10c: {  	s10 =	sadd.s32 $0x1, s10  }
.Ltmp10:
0x10d: {  	p1 =	sne.s32 s10, $0x80;
	(pc) =	sbr.rel @p2 .LBB2_8-.Ltmp10, $4  }
0x10e: {  	s17 =	simm.s32 @!p1 $0x80;
	s18 =	simm.s32 @!p1 $0x1C080;
	s20 =	simm.s32 @!p1 $0x18080;
	v23 =	vld.idx.msk [tilespmem:v24+s30+$0x0], $0xffff  }
0x10f: {  	s10 =	simm.s32 @!p1 $0x0;
	v24 =	vld.idx.msk [tilespmem:v25+s30+$0x0], $0xffff  }
0x110: {  	s19 =	simm.s32 @!p1 $0x3;
	v25 =	vld.idx.msk [tilespmem:v26+s30+$0x0], $0xffff  }
0x111: {  	v26 =	vld.idx.msk [tilespmem:v27+s30+$0x0], $0xffff  }
.Ltmp11:
0x112: {  	_ = 	snop;
	(pc) =	sbr.rel .LBB2_9-.Ltmp11, $1  }
0x113: {  	_ =	sdelay $0x3  }
.LBB2_11:
0x114: {  	s13 =	sadd.s32 s12, s24;
	p1 =	seq.s32 s11, $0x1E  }
0x115: {  	p2 =	sgt.u32 @!p1 s13, $0x7A0  }
0x116: {  	p2 =	por p2, p1  }
0x117: {  	s13 =	sshll.u32 @!p2 s13, $0x9;
	s15 =	simm.s32 @!p2 $0x0  }
0x118: {  	s17 =	simm.s32 @!p2 $0x8080;
	s14 =	sadd.s32 @!p2 s1, s13;
	s13 =	sand.u32 @!p2 $0x1FFFFE00, s13  }
0x119: {  	[tilespmem:s17], [sflag:$0x1] =	stream.linear.gather @!p2 [hbm4b:s14+s15], $0x1000, $0x38;
	[tilespmem:$0x1E580] =	vst v63  }
0x11a: {  	s13 =	sadd.s32 @!p2 s1, s13  }
0x11b: {  	s17 =	simm.s32 @!p2 $0x9080;
	s14 =	sadd.s32 @!p2 $0xF4280, s13  }
0x11c: {  	[tilespmem:s17], [sflag:$0x1] =	stream.linear.gather @!p2 [hbm4b:s14+s15], $0x1000, $0x38;
	[tilespmem:$0x1E580] =	vst v63  }
0x11d: {  	s14 =	sadd.s32 @!p2 $0x1E8500, s13;
	s17 =	simm.s32 @!p2 $0xA080  }
0x11e: {  	[tilespmem:s17], [sflag:$0x1] =	stream.linear.gather @!p2 [hbm4b:s14+s15], $0x1000, $0x38;
	[tilespmem:$0x1E580] =	vst v63  }
0x11f: {  	s14 =	sadd.s32 @!p2 $0x2DC780, s13;
	s17 =	simm.s32 @!p2 $0xB080  }
0x120: {  	[tilespmem:s17], [sflag:$0x1] =	stream.linear.gather @!p2 [hbm4b:s14+s15], $0x1000, $0x38;
	[tilespmem:$0x1E580] =	vst v63  }
0x121: {  	s14 =	sadd.s32 @!p2 $0x3D0A00, s13;
	s17 =	simm.s32 @!p2 $0xC080  }
0x122: {  	[tilespmem:s17], [sflag:$0x1] =	stream.linear.gather @!p2 [hbm4b:s14+s15], $0x1000, $0x38;
	[tilespmem:$0x1E580] =	vst v63  }
0x123: {  	s14 =	sadd.s32 @!p2 $0x4C4C80, s13;
	s17 =	simm.s32 @!p2 $0xD080  }
0x124: {  	[tilespmem:s17], [sflag:$0x1] =	stream.linear.gather @!p2 [hbm4b:s14+s15], $0x1000, $0x38;
	[tilespmem:$0x1E580] =	vst v63  }
0x125: {  	s14 =	sadd.s32 @!p2 $0x5B8F00, s13;
	s17 =	simm.s32 @!p2 $0xE080  }
0x126: {  	[tilespmem:s17], [sflag:$0x1] =	stream.linear.gather @!p2 [hbm4b:s14+s15], $0x1000, $0x38;
	[tilespmem:$0x1E580] =	vst v63  }
0x127: {  	s21 =	sadd.s32 s12, s4;
	s13 =	sadd.s32 @!p2 $0x6AD180, s13;
	s14 =	simm.s32 @!p2 $0xF080  }
0x128: {  	[tilespmem:s14], [sflag:$0x1] =	stream.linear.gather @!p2 [hbm4b:s13+s15], $0x1000, $0x38;
	[tilespmem:$0x1E580] =	vst v63  }
0x129: {  	s13 =	sadd.s32 $0x1, s21  }
0x12a: {  	p2 =	sgt.u32 s13, $0x7A0  }
0x12b: {  	s14 =	simm.s32 @!p2 $0x2  }
0x12c: {  	_ =	swait.ge @!p2 [sflag:s14], $0x1000  }
0x12d: {  	[sflag:s14] =	ssyncset.done @!p2 $0x0  }
0x12e: {  	[sflag:s14] =	ssyncadd.s32 @!p2 $0xFFFFF000  }
0x12f: {  	_ =	swait.ge @!p2 [sflag:s14], $0x1000  }
0x130: {  	[sflag:s14] =	ssyncset.done @!p2 $0x0  }
0x131: {  	[sflag:s14] =	ssyncadd.s32 @!p2 $0xFFFFF000  }
0x132: {  	_ =	swait.ge @!p2 [sflag:s14], $0x1000  }
0x133: {  	[sflag:s14] =	ssyncset.done @!p2 $0x0  }
0x134: {  	[sflag:s14] =	ssyncadd.s32 @!p2 $0xFFFFF000  }
0x135: {  	_ =	swait.ge @!p2 [sflag:s14], $0x1000  }
0x136: {  	[sflag:s14] =	ssyncset.done @!p2 $0x0  }
0x137: {  	[sflag:s14] =	ssyncadd.s32 @!p2 $0xFFFFF000  }
0x138: {  	_ =	swait.ge @!p2 [sflag:s14], $0x1000  }
0x139: {  	[sflag:s14] =	ssyncset.done @!p2 $0x0  }
0x13a: {  	[sflag:s14] =	ssyncadd.s32 @!p2 $0xFFFFF000  }
0x13b: {  	_ =	swait.ge @!p2 [sflag:s14], $0x1000  }
0x13c: {  	[sflag:s14] =	ssyncset.done @!p2 $0x0  }
0x13d: {  	[sflag:s14] =	ssyncadd.s32 @!p2 $0xFFFFF000  }
0x13e: {  	_ =	swait.ge @!p2 [sflag:s14], $0x1000  }
.Ltmp12:
0x13f: {  	[sflag:s14] =	ssyncset.done @!p2 $0x0;
	(pc) =	sbr.rel @p0 .LBB2_18-.Ltmp12, $4  }
0x140: {  	[sflag:s14] =	ssyncadd.s32 @!p2 $0xFFFFF000  }
0x141: {  	_ =	swait.ge @!p2 [sflag:s14], $0x1000  }
0x142: {  	[sflag:s14] =	ssyncset.done @!p2 $0x0  }
0x143: {  	[sflag:s14] =	ssyncadd.s32 @!p2 $0xFFFFF000  }
.Ltmp13:
0x144: {  	(pc) =	sbr.rel .LBB2_13-.Ltmp13, $3  }
0x145: {  	_ =	sdelay $0x1  }
0x146: {  	s13 =	sshll.u32 s13, $0x9  }
0x147: {  	v16 =	vmov s13;
	s13 =	simm.s32 $0x0  }
.LBB2_16:
0x148: {  	_ =	sdelay $0x3  }
0x149: {  	[tilespmem:v19+s2+$0x0] =	vst.idx.msk $0xffff, v23  }
0x14a: {  	[tilespmem:v20+s2+$0x0] =	vst.idx.msk $0xffff, v24  }
0x14b: {  	[tilespmem:v21+s2+$0x0] =	vst.idx.msk $0xffff, v25  }
0x14c: {  	[tilespmem:v22+s2+$0x0] =	vst.idx.msk $0xffff, v26  }
0x14d: {  	[tilespmem:v18+s3+$0x0] =	vst.idx.msk $0x1, v17  }
0x14e: {  	[hbm4b:s16+s17] =	stream.indirect.scatter @!p2 [tilespmem:s20], [sflag:$0x3], $0x80, s18, s17, $0xb8;
	[tilespmem:$0x1E580] =	vst v63  }
0x14f: {  	_ =	swait.ge @!p2 [sflag:s19], $0x4000  }
0x150: {  	[sflag:s19] =	ssyncset.done @!p2 $0x0  }
0x151: {  	v17 =	vimm.s32 @!p2 $0x4000;
	[sflag:s19] =	ssyncadd.s32 @!p2 $0xFFFFC000  }
0x152: {  	[tilespmem:$0x1C080] =	vst @!p2 v17  }
0x153: {  	[tilespmem:$0x1C0F0] =	vst @!p2 v17  }
0x154: {  	[tilespmem:$0x1C0E0] =	vst @!p2 v17  }
0x155: {  	[tilespmem:$0x1C0D0] =	vst @!p2 v17  }
0x156: {  	[tilespmem:$0x1C0C0] =	vst @!p2 v17  }
0x157: {  	[tilespmem:$0x1C0B0] =	vst @!p2 v17  }
0x158: {  	[tilespmem:$0x1C0A0] =	vst @!p2 v17  }
0x159: {  	[tilespmem:$0x1C090] =	vst @!p2 v17  }
.LBB2_17:
0x15a: {  	s13 =	sadd.s32 $0x1, s13  }
0x15b: {  	p2 =	sne.s32 s13, s9  }
.Ltmp14:
0x15c: {  	_ = 	snop;
	(pc) =	sbr.rel @!p2 .LBB2_18-.Ltmp14, $1  }
0x15d: {  	_ =	sdelay $0x3  }
.LBB2_13:
0x15e: {  	s14 =	sshll.u32 s13, $0x4  }
0x15f: {  	v17 =	vld [tilespmem:s14+$0x4000];
	_ =	sdelay $0x4  }
0x160: {  	v17 =	vand.u32 $0x3FFF, v17;
	_ =	sdelay $0x4  }
0x161: {  	v18 =	vld.idx.msk [tilespmem:v17+s6+$0x0], $0xffff;
	_ =	sdelay $0x3  }
0x162: {  	v19 =	vor.u32 s14, v3  }
0x163: {  	vm1 =	vlt.s32 v19, v15;
	v20 =	vsub.s32 v18, v16;
	vm0 =	vlt.s32 v18, $0xF4200  }
0x164: {  	vm2 =	vlt.u32 v20, $0x200;
	vm0 =	vmand vm0, vm1  }
0x165: {  	vm0 =	vmand vm0, vm2  }
0x166: {  	v18 =	vmpcnt.ones.xlane vm0;
	_ =	sdelay $0x1  }
0x167: {  	(v2sf) =	vpush v18, $0x0;
	_ =	sdelay $0xe  }
0x168: {  	s14 =	spop (v2sf)  }
0x169: {  	p2 =	slt.s32 s14, $0x1  }
.Ltmp15:
0x16a: {  	_ = 	snop;
	(pc) =	sbr.rel @p2 .LBB2_17-.Ltmp15, $1  }
0x16b: {  	_ =	sdelay $0x3  }
0x16c: {  	s15 =	simm.s32 $0x0  }
0x16d: {  	v18 =	vmov s15;
	_ =	sdelay $0x3  }
0x16e: {  	[tilespmem:s5+$0x0] =	vst.msk vm0, v17  }
0x16f: {  	v17 =	vld.idx.msk [tilespmem:v18+s5+$0x0], $0xffff;
	_ =	sdelay $0x7  }
0x170: {  	v18 =	vld.idx.msk [tilespmem:v17+s6+$0x0], $0xffff;
	_ =	sdelay $0x4  }
0x171: {  	v19 =	vshll.u32 v18, $0x3  }
0x172: {  	v18 =	vand.u32 $0x7F, v18;
	v19 =	vand.u32 $0xC00, v19  }
0x173: {  	v18 =	vor.u32 v18, v19  }
0x174: {  	v19 =	vor.u32 v4, v18  }
0x175: {  	v20 =	vor.u32 v5, v18  }
0x176: {  	v21 =	vor.u32 v6, v18  }
0x177: {  	p3 =	sne.s32 s14, $0x1;
	v26 =	vor.u32 v7, v18;
	v18 =	vmov s10  }
.Ltmp16:
0x178: {  	v22 =	vshll.u32 v18, $0x7;
	(pc) =	sbr.rel @!p3 .LBB2_16-.Ltmp16, $4  }
0x179: {  	s10 =	sadd.s32 $0x1, s10;
	v23 =	vld.idx.msk [tilespmem:v19+s0+$0x0], $0xffff;
	v19 =	vor.u32 v3, v22  }
0x17a: {  	p2 =	sne.s32 s10, $0x80;
	v24 =	vld.idx.msk [tilespmem:v20+s0+$0x0], $0xffff;
	v20 =	vor.u32 v8, v22  }
0x17b: {  	s15 =	simm.s32 $0x1;
	s17 =	simm.s32 @!p2 $0x80;
	s18 =	simm.s32 @!p2 $0x1C080;
	v25 =	vld.idx.msk [tilespmem:v21+s0+$0x0], $0xffff;
	v21 =	vor.u32 v9, v22  }
0x17c: {  	s20 =	simm.s32 @!p2 $0x18080;
	s10 =	simm.s32 @!p2 $0x0;
	s19 =	simm.s32 @!p2 $0x3;
	v22 =	vor.u32 v10, v22;
	v26 =	vld.idx.msk [tilespmem:v26+s0+$0x0], $0xffff  }
.LBB2_15:
0x17d: {  	s21 =	smov.u32 s15;
	s15 =	sadd.s32 $0x1, s15  }
0x17e: {  	p3 =	sne.s32 s14, s15;
	[tilespmem:v19+s2+$0x0] =	vst.idx.msk $0xffff, v23  }
0x17f: {  	[tilespmem:v20+s2+$0x0] =	vst.idx.msk $0xffff, v24  }
0x180: {  	v19 =	vmov s21;
	[tilespmem:v21+s2+$0x0] =	vst.idx.msk $0xffff, v25  }
0x181: {  	[tilespmem:v22+s2+$0x0] =	vst.idx.msk $0xffff, v26  }
0x182: {  	[tilespmem:v18+s3+$0x0] =	vst.idx.msk $0x1, v17  }
0x183: {  	[hbm4b:s16+s17] =	stream.indirect.scatter @!p2 [tilespmem:s20], [sflag:$0x3], $0x80, s18, s17, $0xb8;
	[tilespmem:$0x1E580] =	vst v63  }
0x184: {  	_ =	swait.ge @!p2 [sflag:s19], $0x4000  }
0x185: {  	[sflag:s19] =	ssyncset.done @!p2 $0x0  }
0x186: {  	v17 =	vimm.s32 @!p2 $0x4000;
	[sflag:s19] =	ssyncadd.s32 @!p2 $0xFFFFC000  }
0x187: {  	[tilespmem:$0x1C080] =	vst @!p2 v17  }
0x188: {  	[tilespmem:$0x1C0F0] =	vst @!p2 v17  }
0x189: {  	[tilespmem:$0x1C0E0] =	vst @!p2 v17  }
0x18a: {  	[tilespmem:$0x1C0D0] =	vst @!p2 v17  }
0x18b: {  	[tilespmem:$0x1C0C0] =	vst @!p2 v17  }
0x18c: {  	[tilespmem:$0x1C0B0] =	vst @!p2 v17  }
0x18d: {  	[tilespmem:$0x1C0A0] =	vst @!p2 v17  }
0x18e: {  	[tilespmem:$0x1C090] =	vst @!p2 v17  }
0x18f: {  	v17 =	vld.idx.msk [tilespmem:v19+s5+$0x0], $0xffff;
	_ =	sdelay $0x7  }
0x190: {  	v21 =	vld.idx.msk [tilespmem:v17+s6+$0x0], $0xffff;
	_ =	sdelay $0x2  }
0x191: {  	v18 =	vmov s10  }
0x192: {  	v22 =	vshll.u32 v18, $0x7  }
0x193: {  	v19 =	vor.u32 v3, v22  }
0x194: {  	v20 =	vor.u32 v8, v22;
	v23 =	vshll.u32 v21, $0x3  }
0x195: {  	v24 =	vand.u32 $0x7F, v21;
	v21 =	vor.u32 v9, v22;
	v23 =	vand.u32 $0xC00, v23  }
0x196: {  	v22 =	vor.u32 v10, v22;
	v23 =	vor.u32 v24, v23  }
0x197: {  	v24 =	vor.u32 v4, v23;
	v25 =	vor.u32 v5, v23;
	v26 =	vor.u32 v6, v23  }
0x198: {  	v27 =	vor.u32 v7, v23;
	_ =	sdelay $0x1  }
0x199: {  	s10 =	sadd.s32 $0x1, s10  }
.Ltmp17:
0x19a: {  	p2 =	sne.s32 s10, $0x80;
	(pc) =	sbr.rel @p3 .LBB2_15-.Ltmp17, $4  }
0x19b: {  	s17 =	simm.s32 @!p2 $0x80;
	s18 =	simm.s32 @!p2 $0x1C080;
	s20 =	simm.s32 @!p2 $0x18080;
	v23 =	vld.idx.msk [tilespmem:v24+s0+$0x0], $0xffff  }
0x19c: {  	s10 =	simm.s32 @!p2 $0x0;
	v24 =	vld.idx.msk [tilespmem:v25+s0+$0x0], $0xffff  }
0x19d: {  	s19 =	simm.s32 @!p2 $0x3;
	v25 =	vld.idx.msk [tilespmem:v26+s0+$0x0], $0xffff  }
0x19e: {  	v26 =	vld.idx.msk [tilespmem:v27+s0+$0x0], $0xffff  }
.Ltmp18:
0x19f: {  	_ = 	snop;
	(pc) =	sbr.rel .LBB2_16-.Ltmp18, $1  }
0x1a0: {  	_ =	sdelay $0x3  }
.LBB2_19:
0x1a1: {  	p0 =	sgt.s32 s9, $0x0  }
.Ltmp19:
0x1a2: {  	_ = 	snop;
	(pc) =	sbr.rel @p0 .LBB2_20-.Ltmp19, $4  }
.Ltmp20:
0x1a3: {  	_ = 	snop;
	(pc) =	sbr.rel @!p0 .LBB2_25-.Ltmp20, $4  }
0x1a4: {  	_ = 	snop  }
0x1a5: {  	_ = 	snop  }
0x1a6: {  	s11 =	simm.s32 $0x0  }
0x1a7: {  	_ = 	snop  }
.LBB2_23:
0x1a8: {  	_ =	sdelay $0x3  }
0x1a9: {  	[tilespmem:v18+s2+$0x0] =	vst.idx.msk $0xffff, v22  }
0x1aa: {  	[tilespmem:v20+s2+$0x0] =	vst.idx.msk $0xffff, v23  }
0x1ab: {  	[tilespmem:v19+s2+$0x0] =	vst.idx.msk $0xffff, v24  }
0x1ac: {  	[tilespmem:v21+s2+$0x0] =	vst.idx.msk $0xffff, v25  }
0x1ad: {  	[tilespmem:v17+s3+$0x0] =	vst.idx.msk $0x1, v16  }
0x1ae: {  	[hbm4b:s16+s14] =	stream.indirect.scatter @!p0 [tilespmem:s18], [sflag:$0x3], $0x80, s15, s14, $0xb8;
	[tilespmem:$0x1E580] =	vst v63  }
0x1af: {  	_ =	swait.ge @!p0 [sflag:s17], $0x4000  }
0x1b0: {  	[sflag:s17] =	ssyncset.done @!p0 $0x0  }
0x1b1: {  	v16 =	vimm.s32 @!p0 $0x4000;
	[sflag:s17] =	ssyncadd.s32 @!p0 $0xFFFFC000  }
0x1b2: {  	[tilespmem:$0x1C080] =	vst @!p0 v16  }
0x1b3: {  	[tilespmem:$0x1C0F0] =	vst @!p0 v16  }
0x1b4: {  	[tilespmem:$0x1C0E0] =	vst @!p0 v16  }
0x1b5: {  	[tilespmem:$0x1C0D0] =	vst @!p0 v16  }
0x1b6: {  	[tilespmem:$0x1C0C0] =	vst @!p0 v16  }
0x1b7: {  	[tilespmem:$0x1C0B0] =	vst @!p0 v16  }
0x1b8: {  	[tilespmem:$0x1C0A0] =	vst @!p0 v16  }
0x1b9: {  	[tilespmem:$0x1C090] =	vst @!p0 v16  }
.LBB2_24:
0x1ba: {  	s11 =	sadd.s32 $0x1, s11  }
0x1bb: {  	p0 =	sne.s32 s11, s9  }
.Ltmp21:
0x1bc: {  	_ = 	snop;
	(pc) =	sbr.rel @!p0 .LBB2_25-.Ltmp21, $1  }
0x1bd: {  	_ =	sdelay $0x3  }
.LBB2_20:
0x1be: {  	s12 =	sshll.u32 s11, $0x4  }
0x1bf: {  	v16 =	vld [tilespmem:s12+$0x4000];
	_ =	sdelay $0x4  }
0x1c0: {  	v16 =	vand.u32 $0x3FFF, v16;
	_ =	sdelay $0x4  }
0x1c1: {  	v17 =	vld.idx.msk [tilespmem:v16+s6+$0x0], $0xffff;
	_ =	sdelay $0x3  }
0x1c2: {  	v18 =	vor.u32 s12, v3  }
0x1c3: {  	vm1 =	vlt.s32 v18, v15;
	vm0 =	vgt.s32 v17, $0xF41FF  }
0x1c4: {  	vm0 =	vmand vm1, vm0  }
0x1c5: {  	v17 =	vmpcnt.ones.xlane vm0;
	_ =	sdelay $0x1  }
0x1c6: {  	(v2sf) =	vpush v17, $0x0;
	_ =	sdelay $0xe  }
0x1c7: {  	s12 =	spop (v2sf)  }
0x1c8: {  	p0 =	slt.s32 s12, $0x1  }
.Ltmp22:
0x1c9: {  	_ = 	snop;
	(pc) =	sbr.rel @p0 .LBB2_24-.Ltmp22, $1  }
0x1ca: {  	_ =	sdelay $0x3  }
0x1cb: {  	s13 =	simm.s32 $0x0  }
0x1cc: {  	v17 =	vmov s13;
	_ =	sdelay $0x3  }
0x1cd: {  	[tilespmem:s5+$0x0] =	vst.msk vm0, v16  }
0x1ce: {  	v16 =	vld.idx.msk [tilespmem:v17+s5+$0x0], $0xffff;
	_ =	sdelay $0x7  }
0x1cf: {  	v17 =	vld.idx.msk [tilespmem:v16+s6+$0x0], $0xffff;
	_ =	sdelay $0x4  }
0x1d0: {  	v17 =	vshll.u32 v17, $0x7  }
0x1d1: {  	v18 =	vadd.s32 v11, v17  }
0x1d2: {  	v19 =	vadd.s32 v12, v17  }
0x1d3: {  	v20 =	vadd.s32 v13, v17;
	_ =	sdelay $0x1  }
0x1d4: {  	p1 =	sne.s32 s12, $0x1;
	v25 =	vadd.s32 v14, v17;
	v17 =	vmov s10  }
.Ltmp23:
0x1d5: {  	v21 =	vshll.u32 v17, $0x7;
	v22 =	vld.idx.msk [tilespmem:v18+s29+$0x0], $0xffff;
	(pc) =	sbr.rel @!p1 .LBB2_23-.Ltmp23, $4  }
0x1d6: {  	s10 =	sadd.s32 $0x1, s10;
	v23 =	vld.idx.msk [tilespmem:v19+s29+$0x0], $0xffff;
	v18 =	vor.u32 v3, v21  }
0x1d7: {  	p0 =	sne.s32 s10, $0x80;
	v24 =	vld.idx.msk [tilespmem:v20+s29+$0x0], $0xffff;
	v20 =	vor.u32 v8, v21  }
0x1d8: {  	s13 =	simm.s32 $0x1;
	s14 =	simm.s32 @!p0 $0x80;
	s15 =	simm.s32 @!p0 $0x1C080;
	v19 =	vor.u32 v9, v21  }
0x1d9: {  	s18 =	simm.s32 @!p0 $0x18080;
	s10 =	simm.s32 @!p0 $0x0;
	s17 =	simm.s32 @!p0 $0x3;
	v21 =	vor.u32 v10, v21;
	v25 =	vld.idx.msk [tilespmem:v25+s29+$0x0], $0xffff  }
.LBB2_22:
0x1da: {  	s19 =	smov.u32 s13;
	s13 =	sadd.s32 $0x1, s13  }
0x1db: {  	p1 =	sne.s32 s12, s13;
	[tilespmem:v18+s2+$0x0] =	vst.idx.msk $0xffff, v22  }
0x1dc: {  	[tilespmem:v20+s2+$0x0] =	vst.idx.msk $0xffff, v23  }
0x1dd: {  	v18 =	vmov s19;
	[tilespmem:v19+s2+$0x0] =	vst.idx.msk $0xffff, v24  }
0x1de: {  	[tilespmem:v21+s2+$0x0] =	vst.idx.msk $0xffff, v25  }
0x1df: {  	[tilespmem:v17+s3+$0x0] =	vst.idx.msk $0x1, v16  }
0x1e0: {  	[hbm4b:s16+s14] =	stream.indirect.scatter @!p0 [tilespmem:s18], [sflag:$0x3], $0x80, s15, s14, $0xb8;
	[tilespmem:$0x1E580] =	vst v63  }
0x1e1: {  	_ =	swait.ge @!p0 [sflag:s17], $0x4000  }
0x1e2: {  	[sflag:s17] =	ssyncset.done @!p0 $0x0  }
0x1e3: {  	v16 =	vimm.s32 @!p0 $0x4000;
	[sflag:s17] =	ssyncadd.s32 @!p0 $0xFFFFC000  }
0x1e4: {  	[tilespmem:$0x1C080] =	vst @!p0 v16  }
0x1e5: {  	[tilespmem:$0x1C0F0] =	vst @!p0 v16  }
0x1e6: {  	[tilespmem:$0x1C0E0] =	vst @!p0 v16  }
0x1e7: {  	[tilespmem:$0x1C0D0] =	vst @!p0 v16  }
0x1e8: {  	[tilespmem:$0x1C0C0] =	vst @!p0 v16  }
0x1e9: {  	[tilespmem:$0x1C0B0] =	vst @!p0 v16  }
0x1ea: {  	[tilespmem:$0x1C0A0] =	vst @!p0 v16  }
0x1eb: {  	[tilespmem:$0x1C090] =	vst @!p0 v16  }
0x1ec: {  	v16 =	vld.idx.msk [tilespmem:v18+s5+$0x0], $0xffff;
	_ =	sdelay $0x7  }
0x1ed: {  	v21 =	vld.idx.msk [tilespmem:v16+s6+$0x0], $0xffff  }
0x1ee: {  	v17 =	vmov s10  }
0x1ef: {  	v22 =	vshll.u32 v17, $0x7  }
0x1f0: {  	v18 =	vor.u32 v3, v22  }
0x1f1: {  	v20 =	vor.u32 v8, v22  }
0x1f2: {  	v19 =	vor.u32 v9, v22  }
0x1f3: {  	v23 =	vshll.u32 v21, $0x7;
	v21 =	vor.u32 v10, v22  }
0x1f4: {  	v22 =	vadd.s32 v11, v23;
	v24 =	vadd.s32 v12, v23;
	v25 =	vadd.s32 v13, v23  }
0x1f5: {  	v26 =	vadd.s32 v14, v23;
	_ =	sdelay $0x1  }
0x1f6: {  	s10 =	sadd.s32 $0x1, s10  }
.Ltmp24:
0x1f7: {  	p0 =	sne.s32 s10, $0x80;
	(pc) =	sbr.rel @p1 .LBB2_22-.Ltmp24, $4  }
0x1f8: {  	s14 =	simm.s32 @!p0 $0x80;
	s15 =	simm.s32 @!p0 $0x1C080;
	s18 =	simm.s32 @!p0 $0x18080;
	v22 =	vld.idx.msk [tilespmem:v22+s29+$0x0], $0xffff  }
0x1f9: {  	s10 =	simm.s32 @!p0 $0x0;
	v23 =	vld.idx.msk [tilespmem:v24+s29+$0x0], $0xffff  }
0x1fa: {  	s17 =	simm.s32 @!p0 $0x3;
	v24 =	vld.idx.msk [tilespmem:v25+s29+$0x0], $0xffff  }
0x1fb: {  	v25 =	vld.idx.msk [tilespmem:v26+s29+$0x0], $0xffff  }
.Ltmp25:
0x1fc: {  	_ = 	snop;
	(pc) =	sbr.rel .LBB2_23-.Ltmp25, $1  }
0x1fd: {  	_ =	sdelay $0x3  }
.LBB2_26:
0x1fe: {  	_ =	sfence.sel $0x180000  }
0x1ff: {  	[bflag:$0x0] =	sbarrier.arrive $0xFFFF  }
0x200: {  	_ =	strace $0x90000047  }
0x201: {  	s0 =	stileid.u32;
	[bflag:$0x2] =	sbarrier.arrive $0xFFFF  }
0x202: {  	p0 =	sne.s32 s0, $0x0;
	s0 =	rddreg [dreg:$0x4]  }
0x203: {  	s0 =	sadd.s32 @!p0 $0x100000, s0  }
0x204: {  	[sflag:s0] =	ssyncadd.tile.s32 @!p0 $0x1;
	_ =	shalt  }
.Lfunc_end2:
_tile_overlayer_lowered:
.L_overlay_start_2:
0x205: {  	(tag) =	ssettag $0x2  }
0x206: {  	s0 =	rddreg [dreg:$0x0];
	s2 =	stileid.u32  }
0x207: {  	s1 =	rddreg [dreg:$0x1];
	p0 =	sne.s32 s2, $0x0  }
0x208: {  	s3 =	rddreg [dreg:$0x2];
	[bflag:$0x3] =	sbarrier.arrive $0xFFFF;
	s2 =	simm.s32 @!p0 $0x1C04  }
0x209: {  	[timem:s3], [sflag:s2] =	dma.local @!p0 [hbm:s0], s1  }
0x20a: {  	s0 =	simm.s32 @!p0 $0x4  }
0x20b: {  	_ =	swait.ge @!p0 [sflag:s0], s1  }
0x20c: {  	s1 =	ssub.s32 @!p0 $0x0, s1;
	[sflag:s0] =	ssyncset.done @!p0 $0x0  }
0x20d: {  	[sflag:s0] =	ssyncadd.s32 @!p0 s1  }
0x20e: {  	[bflag:$0x3] =	sbarrier.arrive $0xFFFF  }
0x20f: {  	_ =	shalt  }

</sc_bundles>
